<compile_context>
chip_gen: v7x
topology: tpu7x:2x2x1
jax: 0.10.2.dev20260603
libtpu: 0.0.44.dev20260713+nightly
codegen_flags: <defaults>
</compile_context>

<pallas_src>
import functools

import jax
import jax.numpy as jnp
from jax import lax
from jax.experimental import pallas as pl
from jax.experimental.pallas import tpu as pltpu
from jax.experimental.pallas import tpu_sc as plsc

_L = 16


def _sc_freq_interp(y2, fidx_p, fw_p, nb, na):
    R, P = y2.shape
    K, S_PAD = fidx_p.shape
    n_chunks = S_PAD // _L
    n_workers = 32
    rows_per_w = R // n_workers
    b_per_w = rows_per_w // (na * K)
    mesh = plsc.VectorSubcoreMesh(core_axis_name="c", subcore_axis_name="s",
                                  num_cores=2, num_subcores=16)

    @functools.partial(
        pl.kernel,
        out_type=jax.ShapeDtypeStruct((K, nb, na, S_PAD), jnp.float32),
        mesh=mesh,
        compiler_params=pltpu.CompilerParams(needs_layout_passes=False),
        scratch_types=[
            pltpu.VMEM((rows_per_w * P,), jnp.float32),
            pltpu.VMEM((K, S_PAD), jnp.int32),
            pltpu.VMEM((K, S_PAD), jnp.float32),
            pltpu.VMEM((K, b_per_w, na, S_PAD), jnp.float32),
            pltpu.SemaphoreType.DMA,
        ],
    )
    def sc_k(y_hbm, fidx_hbm, fw_hbm, out_hbm, y_v, idx_v, w_v, out_v, sem):
        wid = lax.axis_index("s") * 2 + lax.axis_index("c")
        base = wid * rows_per_w
        pltpu.sync_copy(y_hbm.at[pl.ds(base * P, rows_per_w * P)], y_v)
        pltpu.sync_copy(fidx_hbm, idx_v)
        pltpu.sync_copy(fw_hbm, w_v)

        half = n_chunks // 2
        s_half = half * _L

        def make_body(lo):
            def body(j):
                col = j * _L
                iv = [idx_v[k, pl.ds(col, _L)] for k in range(K)]
                wv = [w_v[k, pl.ds(col, _L)] for k in range(K)]
                for r in range(rows_per_w):
                    t = r % 3
                    bl = (r // 3) // na
                    a = (r // 3) % na
                    acc = plsc.load_gather(y_v, [iv[0] + r * P]) * wv[0]
                    for k in range(1, K):
                        acc = acc + plsc.load_gather(y_v, [iv[k] + r * P]) * wv[k]
                    out_v[t, bl, a, pl.ds(col, _L)] = acc
            return body

        plsc.parallel_loop(0, half)(make_body(0))
        cps = [pltpu.async_copy(out_v.at[t, bl, :, pl.ds(0, s_half)],
                                out_hbm.at[t, wid * b_per_w + bl, :,
                                           pl.ds(0, s_half)], sem)
               for t in range(K) for bl in range(b_per_w)]
        plsc.parallel_loop(half, n_chunks)(make_body(0))
        cps += [pltpu.async_copy(out_v.at[t, bl, :, pl.ds(s_half, S_PAD - s_half)],
                                 out_hbm.at[t, wid * b_per_w + bl, :,
                                            pl.ds(s_half, S_PAD - s_half)], sem)
                for t in range(K) for bl in range(b_per_w)]
        for cp in cps:
            cp.wait()

    return sc_k(y2.reshape(R * P), fidx_p, fw_p)


def _tc_time_combine(hf4, time_idx, time_w, bb, nsc):
    T, NB, NA, S_PAD = hf4.shape
    K, O = time_idx.shape

    def tc_body(tidx_ref, tw_ref, hf_ref, out_ref):
        h = [hf_ref[t, :, :, :nsc] for t in range(T)]
        for o in range(O):
            c = []
            for t in range(T):
                ct = jnp.float32(0.0)
                for k in range(K):
                    ct = ct + jnp.where(tidx_ref[k, o] == t,
                                        tw_ref[k, o], jnp.float32(0.0))
                c.append(ct)
            acc = h[0] * c[0]
            for t in range(1, T):
                acc = acc + h[t] * c[t]
            out_ref[:, o, :, :] = acc

    return pl.pallas_call(
        tc_body,
        grid=(NB // bb,),
        in_specs=[
            pl.BlockSpec(memory_space=pltpu.SMEM),
            pl.BlockSpec(memory_space=pltpu.SMEM),
            pl.BlockSpec((T, bb, NA, S_PAD), lambda i: (0, i, 0, 0)),
        ],
        out_specs=pl.BlockSpec((bb, O, NA, nsc), lambda i: (i, 0, 0, 0)),
        out_shape=jax.ShapeDtypeStruct((NB, O, NA, nsc), jnp.float32),
    )(time_idx, time_w, hf4)


def kernel(y_pilots, freq_idx, freq_w, time_idx, time_w):
    B, A, T, P = y_pilots.shape
    K, NSC = freq_idx.shape
    O = time_idx.shape[1]
    S_PAD = ((NSC + 127) // 128) * 128
    R = B * A * T

    fidx_p = jnp.zeros((K, S_PAD), jnp.int32).at[:, :NSC].set(freq_idx)
    fw_p = jnp.zeros((K, S_PAD), jnp.float32).at[:, :NSC].set(freq_w)

    hf4 = _sc_freq_interp(y_pilots.reshape(R, P), fidx_p, fw_p, B, A)
    out4 = _tc_time_combine(hf4, time_idx, time_w, bb=16, nsc=NSC)
    return jnp.transpose(out4, (0, 2, 1, 3))

# --- scband reference (transcript-rebuilt; emitter-appended) ---
"""Pipeline reference for scband-second-order-interpolator-39960375722139 (READ-ONLY COPY).

The authoritative reference and input builder live on the scoring server;
editing this copy changes nothing except your own understanding.
"""

import jax, jax.numpy as jnp
import numpy as np

NB_OFDM = 14
NSC = 3276
PILOT_SYMBS = np.array([2, 7, 11], dtype=np.int64)
PILOT_SC = np.arange(0, NSC, 4, dtype=np.int64)
B, A = 64, 4


def _quad_w(alpha):
    # second-order (Lagrange) interpolation weights, identical formulas to the
    # original module: [a(a-1)/2, -(a-1)(a+1), a(a+1)/2]
    return np.stack([alpha * (alpha - 1.0) * 0.5,
                     -1.0 * (alpha - 1.0) * (alpha + 1.0),
                     alpha * (alpha + 1.0) * 0.5], axis=0).astype(np.float32)


def _build_interp(pos, n_out):
    # Faithful port of _generate_interpolation_index_ (same edge handling):
    # for every output position, 3 neighbor pilot indices + quadratic weights.
    pos = np.asarray(pos, dtype=np.int64)
    M = pos.size
    idx = np.zeros((3, n_out), dtype=np.int32)
    w = np.zeros((3, n_out), dtype=np.float32)
    if M == 1:
        idx[:, :] = 0
        w[1, :] = 1.0
        return idx, w
    if pos[0] != 0:
        idx[:, :pos[0]] = 0
        w[1, :pos[0]] = 1.0
    d = pos[1] - pos[0]
    alpha = np.arange(d) / d
    idx[0, pos[0]:pos[1]] = 0
    idx[1, pos[0]:pos[1]] = 0
    idx[2, pos[0]:pos[1]] = 1
    w[:, pos[0]:pos[1]] = _quad_w(alpha)
    for i in range(1, M - 1):
        d = pos[i + 1] - pos[i]
        alpha = np.arange(d) / d
        idx[0, pos[i]:pos[i + 1]] = i - 1
        idx[1, pos[i]:pos[i + 1]] = i
        idx[2, pos[i]:pos[i + 1]] = i + 1
        w[:, pos[i]:pos[i + 1]] = _quad_w(alpha)
    if pos[-1] != n_out - 1:
        d = pos[-1] - pos[-2]
        rem = n_out - pos[-1]
        alpha = np.arange(rem) / d
        idx[0, pos[-1]:] = M - 2
        idx[1, pos[-1]:] = M - 1
        idx[2, pos[-1]:] = M - 1
        w[:, pos[-1]:] = _quad_w(alpha)
    else:
        idx[:, n_out - 1] = M - 1
        w[:, n_out - 1] = np.array([0.0, 1.0, 0.0], dtype=np.float32)
    return idx, w


def setup_inputs(seed: int = 0) -> dict:
    key = jax.random.key(seed)
    T = int(PILOT_SYMBS.size)
    P = int(PILOT_SC.size)
    # LS channel estimates at pilot resource elements (real-valued proxy for complex)
    y_pilots = jax.random.normal(key, (B, A, T, P), dtype=jnp.float32)
    fidx, fw = _build_interp(PILOT_SC, NSC)
    tidx, tw = _build_interp(PILOT_SYMBS, NB_OFDM)
    return {"y_pilots": y_pilots,
            "freq_idx": jnp.asarray(fidx), "freq_w": jnp.asarray(fw),
            "time_idx": jnp.asarray(tidx), "time_w": jnp.asarray(tw)}


def reference(y_pilots, freq_idx, freq_w, time_idx, time_w):
    # 1) second-order interpolation across subcarriers on each pilot OFDM symbol
    g = jnp.take(y_pilots, freq_idx, axis=-1)                       # [B,A,T,3,NSC]
    h_freq = jnp.sum(g * freq_w[None, None, None, :, :], axis=-2)   # [B,A,T,NSC]
    # 2) second-order interpolation across OFDM symbols
    gt = jnp.take(h_freq, time_idx, axis=2)                         # [B,A,3,NB_OFDM,NSC]
    h = jnp.sum(gt * time_w[None, None, :, :, None], axis=2)        # [B,A,NB_OFDM,NSC]
    return h

if __name__ == "__main__":
    import jax
    _d = setup_inputs()
    print(jax.jit(kernel)(*tuple(_d.values())))

</pallas_src>

<mosaic_0001>
#map = affine_map<(d0, d1) -> (0)>
#map1 = affine_map<(d0, d1) -> (0, 0)>
#map2 = affine_map<(d0, d1) -> (0, 0, 0, 0)>
module attributes {stable_mosaic.version = 14 : i64} {
  func.func @sc_k(%arg0: i32, %arg1: i32, %arg2: memref<628992xf32, #tpu.memory_space<hbm>>, %arg3: memref<3x3328xi32, #tpu.memory_space<hbm>>, %arg4: memref<3x3328xf32, #tpu.memory_space<hbm>>, %arg5: memref<3x64x4x3328xf32, #tpu.memory_space<hbm>>, %arg6: memref<19656xf32, #tpu.memory_space<vmem>>, %arg7: memref<3x3328xi32, #tpu.memory_space<vmem>>, %arg8: memref<3x3328xf32, #tpu.memory_space<vmem>>, %arg9: memref<3x2x4x3328xf32, #tpu.memory_space<vmem>>, %arg10: memref<!tpu.dma_semaphore, #tpu.memory_space<semaphore_mem>>) attributes {dimension_semantics = [#tpu.dimension_semantics<core_parallel>, #tpu.dimension_semantics<subcore_parallel>], iteration_bounds = array<i64: 2, 16>, scalar_prefetch = 0 : i64, scratch_operands = 5 : i64, tpu.core_type = #tpu.core_type<sc_vector_subcore>, window_params = [{transform_indices = #map}, {transform_indices = #map1}, {transform_indices = #map1}, {transform_indices = #map2}]} {
    %mul3A = arith.constant 2 : i32
    %mul3A_0 = arith.muli %arg1, %mul3A : i32
    %add3A = arith.addi %mul3A_0, %arg0 : i32
    %mul3A_1 = arith.constant 24 : i32
    %mul3A_2 = arith.muli %add3A, %mul3A_1 : i32
    %mul3A_3 = arith.constant 819 : i32
    %mul3A_4 = arith.muli %mul3A_2, %mul3A_3 : i32
    "tpu.region"() ({
      %run_scoped3A = tpu.sem_alloc : memref<!tpu.dma_semaphore, #tpu.memory_space<semaphore_mem>>
      %dma_start3A_512 = tpu.memref_slice %arg2[%mul3A_4] : memref<628992xf32, #tpu.memory_space<hbm>> -> memref<19656xf32, #tpu.memory_space<hbm>>
      %dma_start3A_513 = tpu.memref_slice %arg2[%mul3A_4] : memref<628992xf32, #tpu.memory_space<hbm>> -> memref<19656xf32, #tpu.memory_space<hbm>>
      tpu.enqueue_dma source(%dma_start3A_513 : memref<19656xf32, #tpu.memory_space<hbm>>) target(%arg6 : memref<19656xf32, #tpu.memory_space<vmem>>) target_semaphore(%run_scoped3A : memref<!tpu.dma_semaphore, #tpu.memory_space<semaphore_mem>>)
      %dma_wait3A_514 = tpu.memref_slice %arg2[%mul3A_4] : memref<628992xf32, #tpu.memory_space<hbm>> -> memref<19656xf32, #tpu.memory_space<hbm>>
      %dma_wait3A_515 = tpu.memref_slice %arg2[%mul3A_4] : memref<628992xf32, #tpu.memory_space<hbm>> -> memref<19656xf32, #tpu.memory_space<hbm>>
      tpu.wait_dma2 semaphore(%run_scoped3A : memref<!tpu.dma_semaphore, #tpu.memory_space<semaphore_mem>>) src(%dma_wait3A_515 : memref<19656xf32, #tpu.memory_space<hbm>>) dst(%arg6 : memref<19656xf32, #tpu.memory_space<vmem>>)
      tpu.yield
    }) : () -> ()
    "tpu.region"() ({
      %run_scoped3A = tpu.sem_alloc : memref<!tpu.dma_semaphore, #tpu.memory_space<semaphore_mem>>
      tpu.enqueue_dma source(%arg3 : memref<3x3328xi32, #tpu.memory_space<hbm>>) target(%arg7 : memref<3x3328xi32, #tpu.memory_space<vmem>>) target_semaphore(%run_scoped3A : memref<!tpu.dma_semaphore, #tpu.memory_space<semaphore_mem>>)
      tpu.wait_dma2 semaphore(%run_scoped3A : memref<!tpu.dma_semaphore, #tpu.memory_space<semaphore_mem>>) src(%arg3 : memref<3x3328xi32, #tpu.memory_space<hbm>>) dst(%arg7 : memref<3x3328xi32, #tpu.memory_space<vmem>>)
      tpu.yield
    }) : () -> ()
    "tpu.region"() ({
      %run_scoped3A = tpu.sem_alloc : memref<!tpu.dma_semaphore, #tpu.memory_space<semaphore_mem>>
      tpu.enqueue_dma source(%arg4 : memref<3x3328xf32, #tpu.memory_space<hbm>>) target(%arg8 : memref<3x3328xf32, #tpu.memory_space<vmem>>) target_semaphore(%run_scoped3A : memref<!tpu.dma_semaphore, #tpu.memory_space<semaphore_mem>>)
      tpu.wait_dma2 semaphore(%run_scoped3A : memref<!tpu.dma_semaphore, #tpu.memory_space<semaphore_mem>>) src(%arg4 : memref<3x3328xf32, #tpu.memory_space<hbm>>) dst(%arg8 : memref<3x3328xf32, #tpu.memory_space<vmem>>)
      tpu.yield
    }) : () -> ()
    %parallel_loop3A = arith.constant 0 : i32
    %parallel_loop3A_5 = arith.constant 104 : i32
    %parallel_loop3A_6 = arith.constant 1 : i32
    scf.for %parallel_loop3A_512 = %parallel_loop3A to %parallel_loop3A_5 step %parallel_loop3A_6  : i32 {
      %parallel_loop3A_513 = arith.constant 16 : i32
      %parallel_loop3A_514 = arith.muli %parallel_loop3A_512, %parallel_loop3A_513 : i32
      %parallel_loop3A_515 = arith.constant 0 : i32
      %parallel_loop3A_516 = arith.index_cast %parallel_loop3A_515 : i32 to index
      %parallel_loop3A_517 = arith.index_cast %parallel_loop3A_514 : i32 to index
      %parallel_loop3A_518 = tpu.vector_load %arg7[%parallel_loop3A_516, %parallel_loop3A_517] {strides = array<i32>} : memref<3x3328xi32, #tpu.memory_space<vmem>>, vector<16xi32>,
      %parallel_loop3A_519 = arith.constant 1 : i32
      %parallel_loop3A_520 = arith.index_cast %parallel_loop3A_519 : i32 to index
      %parallel_loop3A_521 = arith.index_cast %parallel_loop3A_514 : i32 to index
      %parallel_loop3A_522 = tpu.vector_load %arg7[%parallel_loop3A_520, %parallel_loop3A_521] {strides = array<i32>} : memref<3x3328xi32, #tpu.memory_space<vmem>>, vector<16xi32>,
      %parallel_loop3A_523 = arith.constant 2 : i32
      %parallel_loop3A_524 = arith.index_cast %parallel_loop3A_523 : i32 to index
      %parallel_loop3A_525 = arith.index_cast %parallel_loop3A_514 : i32 to index
      %parallel_loop3A_526 = tpu.vector_load %arg7[%parallel_loop3A_524, %parallel_loop3A_525] {strides = array<i32>} : memref<3x3328xi32, #tpu.memory_space<vmem>>, vector<16xi32>,
      %parallel_loop3A_527 = arith.constant 0 : i32
      %parallel_loop3A_528 = arith.index_cast %parallel_loop3A_527 : i32 to index
      %parallel_loop3A_529 = arith.index_cast %parallel_loop3A_514 : i32 to index
      %parallel_loop3A_530 = tpu.vector_load %arg8[%parallel_loop3A_528, %parallel_loop3A_529] {strides = array<i32>} : memref<3x3328xf32, #tpu.memory_space<vmem>>, vector<16xf32>,
      %parallel_loop3A_531 = arith.constant 1 : i32
      %parallel_loop3A_532 = arith.index_cast %parallel_loop3A_531 : i32 to index
      %parallel_loop3A_533 = arith.index_cast %parallel_loop3A_514 : i32 to index
      %parallel_loop3A_534 = tpu.vector_load %arg8[%parallel_loop3A_532, %parallel_loop3A_533] {strides = array<i32>} : memref<3x3328xf32, #tpu.memory_space<vmem>>, vector<16xf32>,
      %parallel_loop3A_535 = arith.constant 2 : i32
      %parallel_loop3A_536 = arith.index_cast %parallel_loop3A_535 : i32 to index
      %parallel_loop3A_537 = arith.index_cast %parallel_loop3A_514 : i32 to index
      %parallel_loop3A_538 = tpu.vector_load %arg8[%parallel_loop3A_536, %parallel_loop3A_537] {strides = array<i32>} : memref<3x3328xf32, #tpu.memory_space<vmem>>, vector<16xf32>,
      %parallel_loop3A_539 = arith.constant 0 : i32
      %parallel_loop3A_540 = vector.broadcast %parallel_loop3A_539 : i32 to vector<16xi32>
      %parallel_loop3A_541 = arith.addi %parallel_loop3A_518, %parallel_loop3A_540 : vector<16xi32>
      %parallel_loop3A_542 = tpu.vector_load_idx %arg6[%parallel_loop3A_541] : memref<19656xf32, #tpu.memory_space<vmem>>[vector<16xi32>], vector<16xf32>,
      %parallel_loop3A_543 = arith.mulf %parallel_loop3A_542, %parallel_loop3A_530 : vector<16xf32>
      %parallel_loop3A_544 = arith.constant 0 : i32
      %parallel_loop3A_545 = vector.broadcast %parallel_loop3A_544 : i32 to vector<16xi32>
      %parallel_loop3A_546 = arith.addi %parallel_loop3A_522, %parallel_loop3A_545 : vector<16xi32>
      %parallel_loop3A_547 = tpu.vector_load_idx %arg6[%parallel_loop3A_546] : memref<19656xf32, #tpu.memory_space<vmem>>[vector<16xi32>], vector<16xf32>,
      %parallel_loop3A_548 = arith.mulf %parallel_loop3A_547, %parallel_loop3A_534 : vector<16xf32>
      %parallel_loop3A_549 = arith.addf %parallel_loop3A_543, %parallel_loop3A_548 : vector<16xf32>
      %parallel_loop3A_550 = arith.constant 0 : i32
      %parallel_loop3A_551 = vector.broadcast %parallel_loop3A_550 : i32 to vector<16xi32>
      %parallel_loop3A_552 = arith.addi %parallel_loop3A_526, %parallel_loop3A_551 : vector<16xi32>
      %parallel_loop3A_553 = tpu.vector_load_idx %arg6[%parallel_loop3A_552] : memref<19656xf32, #tpu.memory_space<vmem>>[vector<16xi32>], vector<16xf32>,
      %parallel_loop3A_554 = arith.mulf %parallel_loop3A_553, %parallel_loop3A_538 : vector<16xf32>
      %parallel_loop3A_555 = arith.addf %parallel_loop3A_549, %parallel_loop3A_554 : vector<16xf32>
      %parallel_loop3A_556 = arith.constant 0 : i32
      %parallel_loop3A_557 = arith.constant 0 : i32
      %parallel_loop3A_558 = arith.constant 0 : i32
      %parallel_loop3A_559 = arith.index_cast %parallel_loop3A_556 : i32 to index
      %parallel_loop3A_560 = arith.index_cast %parallel_loop3A_557 : i32 to index
      %parallel_loop3A_561 = arith.index_cast %parallel_loop3A_558 : i32 to index
      %parallel_loop3A_562 = arith.index_cast %parallel_loop3A_514 : i32 to index
      %parallel_loop3A_563 = tpu.vector_load %arg9[%parallel_loop3A_559, %parallel_loop3A_560, %parallel_loop3A_561, %parallel_loop3A_562] {strides = array<i32>} : memref<3x2x4x3328xf32, #tpu.memory_space<vmem>>, vector<16xf32>,
      tpu.vector_store %arg9[%parallel_loop3A_559, %parallel_loop3A_560, %parallel_loop3A_561, %parallel_loop3A_562], %parallel_loop3A_555 {strides = array<i32>} : memref<3x2x4x3328xf32, #tpu.memory_space<vmem>>, vector<16xf32>,
      %parallel_loop3A_564 = arith.constant 819 : i32
      %parallel_loop3A_565 = vector.broadcast %parallel_loop3A_564 : i32 to vector<16xi32>
      %parallel_loop3A_566 = arith.addi %parallel_loop3A_518, %parallel_loop3A_565 : vector<16xi32>
      %parallel_loop3A_567 = tpu.vector_load_idx %arg6[%parallel_loop3A_566] : memref<19656xf32, #tpu.memory_space<vmem>>[vector<16xi32>], vector<16xf32>,
      %parallel_loop3A_568 = arith.mulf %parallel_loop3A_567, %parallel_loop3A_530 : vector<16xf32>
      %parallel_loop3A_569 = arith.constant 819 : i32
      %parallel_loop3A_570 = vector.broadcast %parallel_loop3A_569 : i32 to vector<16xi32>
      %parallel_loop3A_571 = arith.addi %parallel_loop3A_522, %parallel_loop3A_570 : vector<16xi32>
      %parallel_loop3A_572 = tpu.vector_load_idx %arg6[%parallel_loop3A_571] : memref<19656xf32, #tpu.memory_space<vmem>>[vector<16xi32>], vector<16xf32>,
      %parallel_loop3A_573 = arith.mulf %parallel_loop3A_572, %parallel_loop3A_534 : vector<16xf32>
      %parallel_loop3A_574 = arith.addf %parallel_loop3A_568, %parallel_loop3A_573 : vector<16xf32>
      %parallel_loop3A_575 = arith.constant 819 : i32
      %parallel_loop3A_576 = vector.broadcast %parallel_loop3A_575 : i32 to vector<16xi32>
      %parallel_loop3A_577 = arith.addi %parallel_loop3A_526, %parallel_loop3A_576 : vector<16xi32>
      %parallel_loop3A_578 = tpu.vector_load_idx %arg6[%parallel_loop3A_577] : memref<19656xf32, #tpu.memory_space<vmem>>[vector<16xi32>], vector<16xf32>,
      %parallel_loop3A_579 = arith.mulf %parallel_loop3A_578, %parallel_loop3A_538 : vector<16xf32>
      %parallel_loop3A_580 = arith.addf %parallel_loop3A_574, %parallel_loop3A_579 : vector<16xf32>
      %parallel_loop3A_581 = arith.constant 1 : i32
      %parallel_loop3A_582 = arith.constant 0 : i32
      %parallel_loop3A_583 = arith.constant 0 : i32
      %parallel_loop3A_584 = arith.index_cast %parallel_loop3A_581 : i32 to index
      %parallel_loop3A_585 = arith.index_cast %parallel_loop3A_582 : i32 to index
      %parallel_loop3A_586 = arith.index_cast %parallel_loop3A_583 : i32 to index
      %parallel_loop3A_587 = arith.index_cast %parallel_loop3A_514 : i32 to index
      %parallel_loop3A_588 = tpu.vector_load %arg9[%parallel_loop3A_584, %parallel_loop3A_585, %parallel_loop3A_586, %parallel_loop3A_587] {strides = array<i32>} : memref<3x2x4x3328xf32, #tpu.memory_space<vmem>>, vector<16xf32>,
      tpu.vector_store %arg9[%parallel_loop3A_584, %parallel_loop3A_585, %parallel_loop3A_586, %parallel_loop3A_587], %parallel_loop3A_580 {strides = array<i32>} : memref<3x2x4x3328xf32, #tpu.memory_space<vmem>>, vector<16xf32>,
      %parallel_loop3A_589 = arith.constant 1638 : i32
      %parallel_loop3A_590 = vector.broadcast %parallel_loop3A_589 : i32 to vector<16xi32>
      %parallel_loop3A_591 = arith.addi %parallel_loop3A_518, %parallel_loop3A_590 : vector<16xi32>
      %parallel_loop3A_592 = tpu.vector_load_idx %arg6[%parallel_loop3A_591] : memref<19656xf32, #tpu.memory_space<vmem>>[vector<16xi32>], vector<16xf32>,
      %parallel_loop3A_593 = arith.mulf %parallel_loop3A_592, %parallel_loop3A_530 : vector<16xf32>
      %parallel_loop3A_594 = arith.constant 1638 : i32
      %parallel_loop3A_595 = vector.broadcast %parallel_loop3A_594 : i32 to vector<16xi32>
      %parallel_loop3A_596 = arith.addi %parallel_loop3A_522, %parallel_loop3A_595 : vector<16xi32>
      %parallel_loop3A_597 = tpu.vector_load_idx %arg6[%parallel_loop3A_596] : memref<19656xf32, #tpu.memory_space<vmem>>[vector<16xi32>], vector<16xf32>,
      %parallel_loop3A_598 = arith.mulf %parallel_loop3A_597, %parallel_loop3A_534 : vector<16xf32>
      %parallel_loop3A_599 = arith.addf %parallel_loop3A_593, %parallel_loop3A_598 : vector<16xf32>
      %parallel_loop3A_600 = arith.constant 1638 : i32
      %parallel_loop3A_601 = vector.broadcast %parallel_loop3A_600 : i32 to vector<16xi32>
      %parallel_loop3A_602 = arith.addi %parallel_loop3A_526, %parallel_loop3A_601 : vector<16xi32>
      %parallel_loop3A_603 = tpu.vector_load_idx %arg6[%parallel_loop3A_602] : memref<19656xf32, #tpu.memory_space<vmem>>[vector<16xi32>], vector<16xf32>,
      %parallel_loop3A_604 = arith.mulf %parallel_loop3A_603, %parallel_loop3A_538 : vector<16xf32>
      %parallel_loop3A_605 = arith.addf %parallel_loop3A_599, %parallel_loop3A_604 : vector<16xf32>
      %parallel_loop3A_606 = arith.constant 2 : i32
      %parallel_loop3A_607 = arith.constant 0 : i32
      %parallel_loop3A_608 = arith.constant 0 : i32
      %parallel_loop3A_609 = arith.index_cast %parallel_loop3A_606 : i32 to index
      %parallel_loop3A_610 = arith.index_cast %parallel_loop3A_607 : i32 to index
      %parallel_loop3A_611 = arith.index_cast %parallel_loop3A_608 : i32 to index
      %parallel_loop3A_612 = arith.index_cast %parallel_loop3A_514 : i32 to index
      %parallel_loop3A_613 = tpu.vector_load %arg9[%parallel_loop3A_609, %parallel_loop3A_610, %parallel_loop3A_611, %parallel_loop3A_612] {strides = array<i32>} : memref<3x2x4x3328xf32, #tpu.memory_space<vmem>>, vector<16xf32>,
      tpu.vector_store %arg9[%parallel_loop3A_609, %parallel_loop3A_610, %parallel_loop3A_611, %parallel_loop3A_612], %parallel_loop3A_605 {strides = array<i32>} : memref<3x2x4x3328xf32, #tpu.memory_space<vmem>>, vector<16xf32>,
      %parallel_loop3A_614 = arith.constant 2457 : i32
      %parallel_loop3A_615 = vector.broadcast %parallel_loop3A_614 : i32 to vector<16xi32>
      %parallel_loop3A_616 = arith.addi %parallel_loop3A_518, %parallel_loop3A_615 : vector<16xi32>
      %parallel_loop3A_617 = tpu.vector_load_idx %arg6[%parallel_loop3A_616] : memref<19656xf32, #tpu.memory_space<vmem>>[vector<16xi32>], vector<16xf32>,
      %parallel_loop3A_618 = arith.mulf %parallel_loop3A_617, %parallel_loop3A_530 : vector<16xf32>
      %parallel_loop3A_619 = arith.constant 2457 : i32
      %parallel_loop3A_620 = vector.broadcast %parallel_loop3A_619 : i32 to vector<16xi32>
      %parallel_loop3A_621 = arith.addi %parallel_loop3A_522, %parallel_loop3A_620 : vector<16xi32>
      %parallel_loop3A_622 = tpu.vector_load_idx %arg6[%parallel_loop3A_621] : memref<19656xf32, #tpu.memory_space<vmem>>[vector<16xi32>], vector<16xf32>,
      %parallel_loop3A_623 = arith.mulf %parallel_loop3A_622, %parallel_loop3A_534 : vector<16xf32>
      %parallel_loop3A_624 = arith.addf %parallel_loop3A_618, %parallel_loop3A_623 : vector<16xf32>
      %parallel_loop3A_625 = arith.constant 2457 : i32
      %parallel_loop3A_626 = vector.broadcast %parallel_loop3A_625 : i32 to vector<16xi32>
      %parallel_loop3A_627 = arith.addi %parallel_loop3A_526, %parallel_loop3A_626 : vector<16xi32>
      %parallel_loop3A_628 = tpu.vector_load_idx %arg6[%parallel_loop3A_627] : memref<19656xf32, #tpu.memory_space<vmem>>[vector<16xi32>], vector<16xf32>,
      %parallel_loop3A_629 = arith.mulf %parallel_loop3A_628, %parallel_loop3A_538 : vector<16xf32>
      %parallel_loop3A_630 = arith.addf %parallel_loop3A_624, %parallel_loop3A_629 : vector<16xf32>
      %parallel_loop3A_631 = arith.constant 0 : i32
      %parallel_loop3A_632 = arith.constant 0 : i32
      %parallel_loop3A_633 = arith.constant 1 : i32
      %parallel_loop3A_634 = arith.index_cast %parallel_loop3A_631 : i32 to index
      %parallel_loop3A_635 = arith.index_cast %parallel_loop3A_632 : i32 to index
      %parallel_loop3A_636 = arith.index_cast %parallel_loop3A_633 : i32 to index
      %parallel_loop3A_637 = arith.index_cast %parallel_loop3A_514 : i32 to index
      %parallel_loop3A_638 = tpu.vector_load %arg9[%parallel_loop3A_634, %parallel_loop3A_635, %parallel_loop3A_636, %parallel_loop3A_637] {strides = array<i32>} : memref<3x2x4x3328xf32, #tpu.memory_space<vmem>>, vector<16xf32>,
      tpu.vector_store %arg9[%parallel_loop3A_634, %parallel_loop3A_635, %parallel_loop3A_636, %parallel_loop3A_637], %parallel_loop3A_630 {strides = array<i32>} : memref<3x2x4x3328xf32, #tpu.memory_space<vmem>>, vector<16xf32>,
      %parallel_loop3A_639 = arith.constant 3276 : i32
      %parallel_loop3A_640 = vector.broadcast %parallel_loop3A_639 : i32 to vector<16xi32>
      %parallel_loop3A_641 = arith.addi %parallel_loop3A_518, %parallel_loop3A_640 : vector<16xi32>
      %parallel_loop3A_642 = tpu.vector_load_idx %arg6[%parallel_loop3A_641] : memref<19656xf32, #tpu.memory_space<vmem>>[vector<16xi32>], vector<16xf32>,
      %parallel_loop3A_643 = arith.mulf %parallel_loop3A_642, %parallel_loop3A_530 : vector<16xf32>
      %parallel_loop3A_644 = arith.constant 3276 : i32
      %parallel_loop3A_645 = vector.broadcast %parallel_loop3A_644 : i32 to vector<16xi32>
      %parallel_loop3A_646 = arith.addi %parallel_loop3A_522, %parallel_loop3A_645 : vector<16xi32>
      %parallel_loop3A_647 = tpu.vector_load_idx %arg6[%parallel_loop3A_646] : memref<19656xf32, #tpu.memory_space<vmem>>[vector<16xi32>], vector<16xf32>,
      %parallel_loop3A_648 = arith.mulf %parallel_loop3A_647, %parallel_loop3A_534 : vector<16xf32>
      %parallel_loop3A_649 = arith.addf %parallel_loop3A_643, %parallel_loop3A_648 : vector<16xf32>
      %parallel_loop3A_650 = arith.constant 3276 : i32
      %parallel_loop3A_651 = vector.broadcast %parallel_loop3A_650 : i32 to vector<16xi32>
      %parallel_loop3A_652 = arith.addi %parallel_loop3A_526, %parallel_loop3A_651 : vector<16xi32>
      %parallel_loop3A_653 = tpu.vector_load_idx %arg6[%parallel_loop3A_652] : memref<19656xf32, #tpu.memory_space<vmem>>[vector<16xi32>], vector<16xf32>,
      %parallel_loop3A_654 = arith.mulf %parallel_loop3A_653, %parallel_loop3A_538 : vector<16xf32>
      %parallel_loop3A_655 = arith.addf %parallel_loop3A_649, %parallel_loop3A_654 : vector<16xf32>
      %parallel_loop3A_656 = arith.constant 1 : i32
      %parallel_loop3A_657 = arith.constant 0 : i32
      %parallel_loop3A_658 = arith.constant 1 : i32
      %parallel_loop3A_659 = arith.index_cast %parallel_loop3A_656 : i32 to index
      %parallel_loop3A_660 = arith.index_cast %parallel_loop3A_657 : i32 to index
      %parallel_loop3A_661 = arith.index_cast %parallel_loop3A_658 : i32 to index
      %parallel_loop3A_662 = arith.index_cast %parallel_loop3A_514 : i32 to index
      %parallel_loop3A_663 = tpu.vector_load %arg9[%parallel_loop3A_659, %parallel_loop3A_660, %parallel_loop3A_661, %parallel_loop3A_662] {strides = array<i32>} : memref<3x2x4x3328xf32, #tpu.memory_space<vmem>>, vector<16xf32>,
      tpu.vector_store %arg9[%parallel_loop3A_659, %parallel_loop3A_660, %parallel_loop3A_661, %parallel_loop3A_662], %parallel_loop3A_655 {strides = array<i32>} : memref<3x2x4x3328xf32, #tpu.memory_space<vmem>>, vector<16xf32>,
      %parallel_loop3A_664 = arith.constant 4095 : i32
      %parallel_loop3A_665 = vector.broadcast %parallel_loop3A_664 : i32 to vector<16xi32>
      %parallel_loop3A_666 = arith.addi %parallel_loop3A_518, %parallel_loop3A_665 : vector<16xi32>
      %parallel_loop3A_667 = tpu.vector_load_idx %arg6[%parallel_loop3A_666] : memref<19656xf32, #tpu.memory_space<vmem>>[vector<16xi32>], vector<16xf32>,
      %parallel_loop3A_668 = arith.mulf %parallel_loop3A_667, %parallel_loop3A_530 : vector<16xf32>
      %parallel_loop3A_669 = arith.constant 4095 : i32
      %parallel_loop3A_670 = vector.broadcast %parallel_loop3A_669 : i32 to vector<16xi32>
      %parallel_loop3A_671 = arith.addi %parallel_loop3A_522, %parallel_loop3A_670 : vector<16xi32>
      %parallel_loop3A_672 = tpu.vector_load_idx %arg6[%parallel_loop3A_671] : memref<19656xf32, #tpu.memory_space<vmem>>[vector<16xi32>], vector<16xf32>,
      %parallel_loop3A_673 = arith.mulf %parallel_loop3A_672, %parallel_loop3A_534 : vector<16xf32>
      %parallel_loop3A_674 = arith.addf %parallel_loop3A_668, %parallel_loop3A_673 : vector<16xf32>
      %parallel_loop3A_675 = arith.constant 4095 : i32
      %parallel_loop3A_676 = vector.broadcast %parallel_loop3A_675 : i32 to vector<16xi32>
      %parallel_loop3A_677 = arith.addi %parallel_loop3A_526, %parallel_loop3A_676 : vector<16xi32>
      %parallel_loop3A_678 = tpu.vector_load_idx %arg6[%parallel_loop3A_677] : memref<19656xf32, #tpu.memory_space<vmem>>[vector<16xi32>], vector<16xf32>,
      %parallel_loop3A_679 = arith.mulf %parallel_loop3A_678, %parallel_loop3A_538 : vector<16xf32>
      %parallel_loop3A_680 = arith.addf %parallel_loop3A_674, %parallel_loop3A_679 : vector<16xf32>
      %parallel_loop3A_681 = arith.constant 2 : i32
      %parallel_loop3A_682 = arith.constant 0 : i32
      %parallel_loop3A_683 = arith.constant 1 : i32
      %parallel_loop3A_684 = arith.index_cast %parallel_loop3A_681 : i32 to index
      %parallel_loop3A_685 = arith.index_cast %parallel_loop3A_682 : i32 to index
      %parallel_loop3A_686 = arith.index_cast %parallel_loop3A_683 : i32 to index
      %parallel_loop3A_687 = arith.index_cast %parallel_loop3A_514 : i32 to index
      %parallel_loop3A_688 = tpu.vector_load %arg9[%parallel_loop3A_684, %parallel_loop3A_685, %parallel_loop3A_686, %parallel_loop3A_687] {strides = array<i32>} : memref<3x2x4x3328xf32, #tpu.memory_space<vmem>>, vector<16xf32>,
      tpu.vector_store %arg9[%parallel_loop3A_684, %parallel_loop3A_685, %parallel_loop3A_686, %parallel_loop3A_687], %parallel_loop3A_680 {strides = array<i32>} : memref<3x2x4x3328xf32, #tpu.memory_space<vmem>>, vector<16xf32>,
      %parallel_loop3A_689 = arith.constant 4914 : i32
      %parallel_loop3A_690 = vector.broadcast %parallel_loop3A_689 : i32 to vector<16xi32>
      %parallel_loop3A_691 = arith.addi %parallel_loop3A_518, %parallel_loop3A_690 : vector<16xi32>
      %parallel_loop3A_692 = tpu.vector_load_idx %arg6[%parallel_loop3A_691] : memref<19656xf32, #tpu.memory_space<vmem>>[vector<16xi32>], vector<16xf32>,
      %parallel_loop3A_693 = arith.mulf %parallel_loop3A_692, %parallel_loop3A_530 : vector<16xf32>
      %parallel_loop3A_694 = arith.constant 4914 : i32
      %parallel_loop3A_695 = vector.broadcast %parallel_loop3A_694 : i32 to vector<16xi32>
      %parallel_loop3A_696 = arith.addi %parallel_loop3A_522, %parallel_loop3A_695 : vector<16xi32>
      %parallel_loop3A_697 = tpu.vector_load_idx %arg6[%parallel_loop3A_696] : memref<19656xf32, #tpu.memory_space<vmem>>[vector<16xi32>], vector<16xf32>,
      %parallel_loop3A_698 = arith.mulf %parallel_loop3A_697, %parallel_loop3A_534 : vector<16xf32>
      %parallel_loop3A_699 = arith.addf %parallel_loop3A_693, %parallel_loop3A_698 : vector<16xf32>
      %parallel_loop3A_700 = arith.constant 4914 : i32
      %parallel_loop3A_701 = vector.broadcast %parallel_loop3A_700 : i32 to vector<16xi32>
      %parallel_loop3A_702 = arith.addi %parallel_loop3A_526, %parallel_loop3A_701 : vector<16xi32>
      %parallel_loop3A_703 = tpu.vector_load_idx %arg6[%parallel_loop3A_702] : memref<19656xf32, #tpu.memory_space<vmem>>[vector<16xi32>], vector<16xf32>,
      %parallel_loop3A_704 = arith.mulf %parallel_loop3A_703, %parallel_loop3A_538 : vector<16xf32>
      %parallel_loop3A_705 = arith.addf %parallel_loop3A_699, %parallel_loop3A_704 : vector<16xf32>
      %parallel_loop3A_706 = arith.constant 0 : i32
      %parallel_loop3A_707 = arith.constant 0 : i32
      %parallel_loop3A_708 = arith.constant 2 : i32
      %parallel_loop3A_709 = arith.index_cast %parallel_loop3A_706 : i32 to index
      %parallel_loop3A_710 = arith.index_cast %parallel_loop3A_707 : i32 to index
      %parallel_loop3A_711 = arith.index_cast %parallel_loop3A_708 : i32 to index
      %parallel_loop3A_712 = arith.index_cast %parallel_loop3A_514 : i32 to index
      %parallel_loop3A_713 = tpu.vector_load %arg9[%parallel_loop3A_709, %parallel_loop3A_710, %parallel_loop3A_711, %parallel_loop3A_712] {strides = array<i32>} : memref<3x2x4x3328xf32, #tpu.memory_space<vmem>>, vector<16xf32>,
      tpu.vector_store %arg9[%parallel_loop3A_709, %parallel_loop3A_710, %parallel_loop3A_711, %parallel_loop3A_712], %parallel_loop3A_705 {strides = array<i32>} : memref<3x2x4x3328xf32, #tpu.memory_space<vmem>>, vector<16xf32>,
      %parallel_loop3A_714 = arith.constant 5733 : i32
      %parallel_loop3A_715 = vector.broadcast %parallel_loop3A_714 : i32 to vector<16xi32>
      %parallel_loop3A_716 = arith.addi %parallel_loop3A_518, %parallel_loop3A_715 : vector<16xi32>
      %parallel_loop3A_717 = tpu.vector_load_idx %arg6[%parallel_loop3A_716] : memref<19656xf32, #tpu.memory_space<vmem>>[vector<16xi32>], vector<16xf32>,
      %parallel_loop3A_718 = arith.mulf %parallel_loop3A_717, %parallel_loop3A_530 : vector<16xf32>
      %parallel_loop3A_719 = arith.constant 5733 : i32
      %parallel_loop3A_720 = vector.broadcast %parallel_loop3A_719 : i32 to vector<16xi32>
      %parallel_loop3A_721 = arith.addi %parallel_loop3A_522, %parallel_loop3A_720 : vector<16xi32>
      %parallel_loop3A_722 = tpu.vector_load_idx %arg6[%parallel_loop3A_721] : memref<19656xf32, #tpu.memory_space<vmem>>[vector<16xi32>], vector<16xf32>,
      %parallel_loop3A_723 = arith.mulf %parallel_loop3A_722, %parallel_loop3A_534 : vector<16xf32>
      %parallel_loop3A_724 = arith.addf %parallel_loop3A_718, %parallel_loop3A_723 : vector<16xf32>
      %parallel_loop3A_725 = arith.constant 5733 : i32
      %parallel_loop3A_726 = vector.broadcast %parallel_loop3A_725 : i32 to vector<16xi32>
      %parallel_loop3A_727 = arith.addi %parallel_loop3A_526, %parallel_loop3A_726 : vector<16xi32>
      %parallel_loop3A_728 = tpu.vector_load_idx %arg6[%parallel_loop3A_727] : memref<19656xf32, #tpu.memory_space<vmem>>[vector<16xi32>], vector<16xf32>,
      %parallel_loop3A_729 = arith.mulf %parallel_loop3A_728, %parallel_loop3A_538 : vector<16xf32>
      %parallel_loop3A_730 = arith.addf %parallel_loop3A_724, %parallel_loop3A_729 : vector<16xf32>
      %parallel_loop3A_731 = arith.constant 1 : i32
      %parallel_loop3A_732 = arith.constant 0 : i32
      %parallel_loop3A_733 = arith.constant 2 : i32
      %parallel_loop3A_734 = arith.index_cast %parallel_loop3A_731 : i32 to index
      %parallel_loop3A_735 = arith.index_cast %parallel_loop3A_732 : i32 to index
      %parallel_loop3A_736 = arith.index_cast %parallel_loop3A_733 : i32 to index
      %parallel_loop3A_737 = arith.index_cast %parallel_loop3A_514 : i32 to index
      %parallel_loop3A_738 = tpu.vector_load %arg9[%parallel_loop3A_734, %parallel_loop3A_735, %parallel_loop3A_736, %parallel_loop3A_737] {strides = array<i32>} : memref<3x2x4x3328xf32, #tpu.memory_space<vmem>>, vector<16xf32>,
      tpu.vector_store %arg9[%parallel_loop3A_734, %parallel_loop3A_735, %parallel_loop3A_736, %parallel_loop3A_737], %parallel_loop3A_730 {strides = array<i32>} : memref<3x2x4x3328xf32, #tpu.memory_space<vmem>>, vector<16xf32>,
      %parallel_loop3A_739 = arith.constant 6552 : i32
      %parallel_loop3A_740 = vector.broadcast %parallel_loop3A_739 : i32 to vector<16xi32>
      %parallel_loop3A_741 = arith.addi %parallel_loop3A_518, %parallel_loop3A_740 : vector<16xi32>
      %parallel_loop3A_742 = tpu.vector_load_idx %arg6[%parallel_loop3A_741] : memref<19656xf32, #tpu.memory_space<vmem>>[vector<16xi32>], vector<16xf32>,
      %parallel_loop3A_743 = arith.mulf %parallel_loop3A_742, %parallel_loop3A_530 : vector<16xf32>
      %parallel_loop3A_744 = arith.constant 6552 : i32
      %parallel_loop3A_745 = vector.broadcast %parallel_loop3A_744 : i32 to vector<16xi32>
      %parallel_loop3A_746 = arith.addi %parallel_loop3A_522, %parallel_loop3A_745 : vector<16xi32>
      %parallel_loop3A_747 = tpu.vector_load_idx %arg6[%parallel_loop3A_746] : memref<19656xf32, #tpu.memory_space<vmem>>[vector<16xi32>], vector<16xf32>,
      %parallel_loop3A_748 = arith.mulf %parallel_loop3A_747, %parallel_loop3A_534 : vector<16xf32>
      %parallel_loop3A_749 = arith.addf %parallel_loop3A_743, %parallel_loop3A_748 : vector<16xf32>
      %parallel_loop3A_750 = arith.constant 6552 : i32
      %parallel_loop3A_751 = vector.broadcast %parallel_loop3A_750 : i32 to vector<16xi32>
      %parallel_loop3A_752 = arith.addi %parallel_loop3A_526, %parallel_loop3A_751 : vector<16xi32>
      %parallel_loop3A_753 = tpu.vector_load_idx %arg6[%parallel_loop3A_752] : memref<19656xf32, #tpu.memory_space<vmem>>[vector<16xi32>], vector<16xf32>,
      %parallel_loop3A_754 = arith.mulf %parallel_loop3A_753, %parallel_loop3A_538 : vector<16xf32>
      %parallel_loop3A_755 = arith.addf %parallel_loop3A_749, %parallel_loop3A_754 : vector<16xf32>
      %parallel_loop3A_756 = arith.constant 2 : i32
      %parallel_loop3A_757 = arith.constant 0 : i32
      %parallel_loop3A_758 = arith.constant 2 : i32
      %parallel_loop3A_759 = arith.index_cast %parallel_loop3A_756 : i32 to index
      %parallel_loop3A_760 = arith.index_cast %parallel_loop3A_757 : i32 to index
      %parallel_loop3A_761 = arith.index_cast %parallel_loop3A_758 : i32 to index
      %parallel_loop3A_762 = arith.index_cast %parallel_loop3A_514 : i32 to index
      %parallel_loop3A_763 = tpu.vector_load %arg9[%parallel_loop3A_759, %parallel_loop3A_760, %parallel_loop3A_761, %parallel_loop3A_762] {strides = array<i32>} : memref<3x2x4x3328xf32, #tpu.memory_space<vmem>>, vector<16xf32>,
      tpu.vector_store %arg9[%parallel_loop3A_759, %parallel_loop3A_760, %parallel_loop3A_761, %parallel_loop3A_762], %parallel_loop3A_755 {strides = array<i32>} : memref<3x2x4x3328xf32, #tpu.memory_space<vmem>>, vector<16xf32>,
      %parallel_loop3A_764 = arith.constant 7371 : i32
      %parallel_loop3A_765 = vector.broadcast %parallel_loop3A_764 : i32 to vector<16xi32>
      %parallel_loop3A_766 = arith.addi %parallel_loop3A_518, %parallel_loop3A_765 : vector<16xi32>
      %parallel_loop3A_767 = tpu.vector_load_idx %arg6[%parallel_loop3A_766] : memref<19656xf32, #tpu.memory_space<vmem>>[vector<16xi32>], vector<16xf32>,
      %parallel_loop3A_768 = arith.mulf %parallel_loop3A_767, %parallel_loop3A_530 : vector<16xf32>
      %parallel_loop3A_769 = arith.constant 7371 : i32
      %parallel_loop3A_770 = vector.broadcast %parallel_loop3A_769 : i32 to vector<16xi32>
      %parallel_loop3A_771 = arith.addi %parallel_loop3A_522, %parallel_loop3A_770 : vector<16xi32>
      %parallel_loop3A_772 = tpu.vector_load_idx %arg6[%parallel_loop3A_771] : memref<19656xf32, #tpu.memory_space<vmem>>[vector<16xi32>], vector<16xf32>,
      %parallel_loop3A_773 = arith.mulf %parallel_loop3A_772, %parallel_loop3A_534 : vector<16xf32>
      %parallel_loop3A_774 = arith.addf %parallel_loop3A_768, %parallel_loop3A_773 : vector<16xf32>
      %parallel_loop3A_775 = arith.constant 7371 : i32
      %parallel_loop3A_776 = vector.broadcast %parallel_loop3A_775 : i32 to vector<16xi32>
      %parallel_loop3A_777 = arith.addi %parallel_loop3A_526, %parallel_loop3A_776 : vector<16xi32>
      %parallel_loop3A_778 = tpu.vector_load_idx %arg6[%parallel_loop3A_777] : memref<19656xf32, #tpu.memory_space<vmem>>[vector<16xi32>], vector<16xf32>,
      %parallel_loop3A_779 = arith.mulf %parallel_loop3A_778, %parallel_loop3A_538 : vector<16xf32>
      %parallel_loop3A_780 = arith.addf %parallel_loop3A_774, %parallel_loop3A_779 : vector<16xf32>
      %parallel_loop3A_781 = arith.constant 0 : i32
      %parallel_loop3A_782 = arith.constant 0 : i32
      %parallel_loop3A_783 = arith.constant 3 : i32
      %parallel_loop3A_784 = arith.index_cast %parallel_loop3A_781 : i32 to index
      %parallel_loop3A_785 = arith.index_cast %parallel_loop3A_782 : i32 to index
      %parallel_loop3A_786 = arith.index_cast %parallel_loop3A_783 : i32 to index
      %parallel_loop3A_787 = arith.index_cast %parallel_loop3A_514 : i32 to index
      %parallel_loop3A_788 = tpu.vector_load %arg9[%parallel_loop3A_784, %parallel_loop3A_785, %parallel_loop3A_786, %parallel_loop3A_787] {strides = array<i32>} : memref<3x2x4x3328xf32, #tpu.memory_space<vmem>>, vector<16xf32>,
      tpu.vector_store %arg9[%parallel_loop3A_784, %parallel_loop3A_785, %parallel_loop3A_786, %parallel_loop3A_787], %parallel_loop3A_780 {strides = array<i32>} : memref<3x2x4x3328xf32, #tpu.memory_space<vmem>>, vector<16xf32>,
      %parallel_loop3A_789 = arith.constant 8190 : i32
      %parallel_loop3A_790 = vector.broadcast %parallel_loop3A_789 : i32 to vector<16xi32>
      %parallel_loop3A_791 = arith.addi %parallel_loop3A_518, %parallel_loop3A_790 : vector<16xi32>
      %parallel_loop3A_792 = tpu.vector_load_idx %arg6[%parallel_loop3A_791] : memref<19656xf32, #tpu.memory_space<vmem>>[vector<16xi32>], vector<16xf32>,
      %parallel_loop3A_793 = arith.mulf %parallel_loop3A_792, %parallel_loop3A_530 : vector<16xf32>
      %parallel_loop3A_794 = arith.constant 8190 : i32
      %parallel_loop3A_795 = vector.broadcast %parallel_loop3A_794 : i32 to vector<16xi32>
      %parallel_loop3A_796 = arith.addi %parallel_loop3A_522, %parallel_loop3A_795 : vector<16xi32>
      %parallel_loop3A_797 = tpu.vector_load_idx %arg6[%parallel_loop3A_796] : memref<19656xf32, #tpu.memory_space<vmem>>[vector<16xi32>], vector<16xf32>,
      %parallel_loop3A_798 = arith.mulf %parallel_loop3A_797, %parallel_loop3A_534 : vector<16xf32>
      %parallel_loop3A_799 = arith.addf %parallel_loop3A_793, %parallel_loop3A_798 : vector<16xf32>
      %parallel_loop3A_800 = arith.constant 8190 : i32
      %parallel_loop3A_801 = vector.broadcast %parallel_loop3A_800 : i32 to vector<16xi32>
      %parallel_loop3A_802 = arith.addi %parallel_loop3A_526, %parallel_loop3A_801 : vector<16xi32>
      %parallel_loop3A_803 = tpu.vector_load_idx %arg6[%parallel_loop3A_802] : memref<19656xf32, #tpu.memory_space<vmem>>[vector<16xi32>], vector<16xf32>,
      %parallel_loop3A_804 = arith.mulf %parallel_loop3A_803, %parallel_loop3A_538 : vector<16xf32>
      %parallel_loop3A_805 = arith.addf %parallel_loop3A_799, %parallel_loop3A_804 : vector<16xf32>
      %parallel_loop3A_806 = arith.constant 1 : i32
      %parallel_loop3A_807 = arith.constant 0 : i32
      %parallel_loop3A_808 = arith.constant 3 : i32
      %parallel_loop3A_809 = arith.index_cast %parallel_loop3A_806 : i32 to index
      %parallel_loop3A_810 = arith.index_cast %parallel_loop3A_807 : i32 to index
      %parallel_loop3A_811 = arith.index_cast %parallel_loop3A_808 : i32 to index
      %parallel_loop3A_812 = arith.index_cast %parallel_loop3A_514 : i32 to index
      %parallel_loop3A_813 = tpu.vector_load %arg9[%parallel_loop3A_809, %parallel_loop3A_810, %parallel_loop3A_811, %parallel_loop3A_812] {strides = array<i32>} : memref<3x2x4x3328xf32, #tpu.memory_space<vmem>>, vector<16xf32>,
      tpu.vector_store %arg9[%parallel_loop3A_809, %parallel_loop3A_810, %parallel_loop3A_811, %parallel_loop3A_812], %parallel_loop3A_805 {strides = array<i32>} : memref<3x2x4x3328xf32, #tpu.memory_space<vmem>>, vector<16xf32>,
      %parallel_loop3A_814 = arith.constant 9009 : i32
      %parallel_loop3A_815 = vector.broadcast %parallel_loop3A_814 : i32 to vector<16xi32>
      %parallel_loop3A_816 = arith.addi %parallel_loop3A_518, %parallel_loop3A_815 : vector<16xi32>
      %parallel_loop3A_817 = tpu.vector_load_idx %arg6[%parallel_loop3A_816] : memref<19656xf32, #tpu.memory_space<vmem>>[vector<16xi32>], vector<16xf32>,
      %parallel_loop3A_818 = arith.mulf %parallel_loop3A_817, %parallel_loop3A_530 : vector<16xf32>
      %parallel_loop3A_819 = arith.constant 9009 : i32
      %parallel_loop3A_820 = vector.broadcast %parallel_loop3A_819 : i32 to vector<16xi32>
      %parallel_loop3A_821 = arith.addi %parallel_loop3A_522, %parallel_loop3A_820 : vector<16xi32>
      %parallel_loop3A_822 = tpu.vector_load_idx %arg6[%parallel_loop3A_821] : memref<19656xf32, #tpu.memory_space<vmem>>[vector<16xi32>], vector<16xf32>,
      %parallel_loop3A_823 = arith.mulf %parallel_loop3A_822, %parallel_loop3A_534 : vector<16xf32>
      %parallel_loop3A_824 = arith.addf %parallel_loop3A_818, %parallel_loop3A_823 : vector<16xf32>
      %parallel_loop3A_825 = arith.constant 9009 : i32
      %parallel_loop3A_826 = vector.broadcast %parallel_loop3A_825 : i32 to vector<16xi32>
      %parallel_loop3A_827 = arith.addi %parallel_loop3A_526, %parallel_loop3A_826 : vector<16xi32>
      %parallel_loop3A_828 = tpu.vector_load_idx %arg6[%parallel_loop3A_827] : memref<19656xf32, #tpu.memory_space<vmem>>[vector<16xi32>], vector<16xf32>,
      %parallel_loop3A_829 = arith.mulf %parallel_loop3A_828, %parallel_loop3A_538 : vector<16xf32>
      %parallel_loop3A_830 = arith.addf %parallel_loop3A_824, %parallel_loop3A_829 : vector<16xf32>
      %parallel_loop3A_831 = arith.constant 2 : i32
      %parallel_loop3A_832 = arith.constant 0 : i32
      %parallel_loop3A_833 = arith.constant 3 : i32
      %parallel_loop3A_834 = arith.index_cast %parallel_loop3A_831 : i32 to index
      %parallel_loop3A_835 = arith.index_cast %parallel_loop3A_832 : i32 to index
      %parallel_loop3A_836 = arith.index_cast %parallel_loop3A_833 : i32 to index
      %parallel_loop3A_837 = arith.index_cast %parallel_loop3A_514 : i32 to index
      %parallel_loop3A_838 = tpu.vector_load %arg9[%parallel_loop3A_834, %parallel_loop3A_835, %parallel_loop3A_836, %parallel_loop3A_837] {strides = array<i32>} : memref<3x2x4x3328xf32, #tpu.memory_space<vmem>>, vector<16xf32>,
      tpu.vector_store %arg9[%parallel_loop3A_834, %parallel_loop3A_835, %parallel_loop3A_836, %parallel_loop3A_837], %parallel_loop3A_830 {strides = array<i32>} : memref<3x2x4x3328xf32, #tpu.memory_space<vmem>>, vector<16xf32>,
      %parallel_loop3A_839 = arith.constant 9828 : i32
      %parallel_loop3A_840 = vector.broadcast %parallel_loop3A_839 : i32 to vector<16xi32>
      %parallel_loop3A_841 = arith.addi %parallel_loop3A_518, %parallel_loop3A_840 : vector<16xi32>
      %parallel_loop3A_842 = tpu.vector_load_idx %arg6[%parallel_loop3A_841] : memref<19656xf32, #tpu.memory_space<vmem>>[vector<16xi32>], vector<16xf32>,
      %parallel_loop3A_843 = arith.mulf %parallel_loop3A_842, %parallel_loop3A_530 : vector<16xf32>
      %parallel_loop3A_844 = arith.constant 9828 : i32
      %parallel_loop3A_845 = vector.broadcast %parallel_loop3A_844 : i32 to vector<16xi32>
      %parallel_loop3A_846 = arith.addi %parallel_loop3A_522, %parallel_loop3A_845 : vector<16xi32>
      %parallel_loop3A_847 = tpu.vector_load_idx %arg6[%parallel_loop3A_846] : memref<19656xf32, #tpu.memory_space<vmem>>[vector<16xi32>], vector<16xf32>,
      %parallel_loop3A_848 = arith.mulf %parallel_loop3A_847, %parallel_loop3A_534 : vector<16xf32>
      %parallel_loop3A_849 = arith.addf %parallel_loop3A_843, %parallel_loop3A_848 : vector<16xf32>
      %parallel_loop3A_850 = arith.constant 9828 : i32
      %parallel_loop3A_851 = vector.broadcast %parallel_loop3A_850 : i32 to vector<16xi32>
      %parallel_loop3A_852 = arith.addi %parallel_loop3A_526, %parallel_loop3A_851 : vector<16xi32>
      %parallel_loop3A_853 = tpu.vector_load_idx %arg6[%parallel_loop3A_852] : memref<19656xf32, #tpu.memory_space<vmem>>[vector<16xi32>], vector<16xf32>,
      %parallel_loop3A_854 = arith.mulf %parallel_loop3A_853, %parallel_loop3A_538 : vector<16xf32>
      %parallel_loop3A_855 = arith.addf %parallel_loop3A_849, %parallel_loop3A_854 : vector<16xf32>
      %parallel_loop3A_856 = arith.constant 0 : i32
      %parallel_loop3A_857 = arith.constant 1 : i32
      %parallel_loop3A_858 = arith.constant 0 : i32
      %parallel_loop3A_859 = arith.index_cast %parallel_loop3A_856 : i32 to index
      %parallel_loop3A_860 = arith.index_cast %parallel_loop3A_857 : i32 to index
      %parallel_loop3A_861 = arith.index_cast %parallel_loop3A_858 : i32 to index
      %parallel_loop3A_862 = arith.index_cast %parallel_loop3A_514 : i32 to index
      %parallel_loop3A_863 = tpu.vector_load %arg9[%parallel_loop3A_859, %parallel_loop3A_860, %parallel_loop3A_861, %parallel_loop3A_862] {strides = array<i32>} : memref<3x2x4x3328xf32, #tpu.memory_space<vmem>>, vector<16xf32>,
      tpu.vector_store %arg9[%parallel_loop3A_859, %parallel_loop3A_860, %parallel_loop3A_861, %parallel_loop3A_862], %parallel_loop3A_855 {strides = array<i32>} : memref<3x2x4x3328xf32, #tpu.memory_space<vmem>>, vector<16xf32>,
      %parallel_loop3A_864 = arith.constant 10647 : i32
      %parallel_loop3A_865 = vector.broadcast %parallel_loop3A_864 : i32 to vector<16xi32>
      %parallel_loop3A_866 = arith.addi %parallel_loop3A_518, %parallel_loop3A_865 : vector<16xi32>
      %parallel_loop3A_867 = tpu.vector_load_idx %arg6[%parallel_loop3A_866] : memref<19656xf32, #tpu.memory_space<vmem>>[vector<16xi32>], vector<16xf32>,
      %parallel_loop3A_868 = arith.mulf %parallel_loop3A_867, %parallel_loop3A_530 : vector<16xf32>
      %parallel_loop3A_869 = arith.constant 10647 : i32
      %parallel_loop3A_870 = vector.broadcast %parallel_loop3A_869 : i32 to vector<16xi32>
      %parallel_loop3A_871 = arith.addi %parallel_loop3A_522, %parallel_loop3A_870 : vector<16xi32>
      %parallel_loop3A_872 = tpu.vector_load_idx %arg6[%parallel_loop3A_871] : memref<19656xf32, #tpu.memory_space<vmem>>[vector<16xi32>], vector<16xf32>,
      %parallel_loop3A_873 = arith.mulf %parallel_loop3A_872, %parallel_loop3A_534 : vector<16xf32>
      %parallel_loop3A_874 = arith.addf %parallel_loop3A_868, %parallel_loop3A_873 : vector<16xf32>
      %parallel_loop3A_875 = arith.constant 10647 : i32
      %parallel_loop3A_876 = vector.broadcast %parallel_loop3A_875 : i32 to vector<16xi32>
      %parallel_loop3A_877 = arith.addi %parallel_loop3A_526, %parallel_loop3A_876 : vector<16xi32>
      %parallel_loop3A_878 = tpu.vector_load_idx %arg6[%parallel_loop3A_877] : memref<19656xf32, #tpu.memory_space<vmem>>[vector<16xi32>], vector<16xf32>,
      %parallel_loop3A_879 = arith.mulf %parallel_loop3A_878, %parallel_loop3A_538 : vector<16xf32>
      %parallel_loop3A_880 = arith.addf %parallel_loop3A_874, %parallel_loop3A_879 : vector<16xf32>
      %parallel_loop3A_881 = arith.constant 1 : i32
      %parallel_loop3A_882 = arith.constant 1 : i32
      %parallel_loop3A_883 = arith.constant 0 : i32
      %parallel_loop3A_884 = arith.index_cast %parallel_loop3A_881 : i32 to index
      %parallel_loop3A_885 = arith.index_cast %parallel_loop3A_882 : i32 to index
      %parallel_loop3A_886 = arith.index_cast %parallel_loop3A_883 : i32 to index
      %parallel_loop3A_887 = arith.index_cast %parallel_loop3A_514 : i32 to index
      %parallel_loop3A_888 = tpu.vector_load %arg9[%parallel_loop3A_884, %parallel_loop3A_885, %parallel_loop3A_886, %parallel_loop3A_887] {strides = array<i32>} : memref<3x2x4x3328xf32, #tpu.memory_space<vmem>>, vector<16xf32>,
      tpu.vector_store %arg9[%parallel_loop3A_884, %parallel_loop3A_885, %parallel_loop3A_886, %parallel_loop3A_887], %parallel_loop3A_880 {strides = array<i32>} : memref<3x2x4x3328xf32, #tpu.memory_space<vmem>>, vector<16xf32>,
      %parallel_loop3A_889 = arith.constant 11466 : i32
      %parallel_loop3A_890 = vector.broadcast %parallel_loop3A_889 : i32 to vector<16xi32>
      %parallel_loop3A_891 = arith.addi %parallel_loop3A_518, %parallel_loop3A_890 : vector<16xi32>
      %parallel_loop3A_892 = tpu.vector_load_idx %arg6[%parallel_loop3A_891] : memref<19656xf32, #tpu.memory_space<vmem>>[vector<16xi32>], vector<16xf32>,
      %parallel_loop3A_893 = arith.mulf %parallel_loop3A_892, %parallel_loop3A_530 : vector<16xf32>
      %parallel_loop3A_894 = arith.constant 11466 : i32
      %parallel_loop3A_895 = vector.broadcast %parallel_loop3A_894 : i32 to vector<16xi32>
      %parallel_loop3A_896 = arith.addi %parallel_loop3A_522, %parallel_loop3A_895 : vector<16xi32>
      %parallel_loop3A_897 = tpu.vector_load_idx %arg6[%parallel_loop3A_896] : memref<19656xf32, #tpu.memory_space<vmem>>[vector<16xi32>], vector<16xf32>,
      %parallel_loop3A_898 = arith.mulf %parallel_loop3A_897, %parallel_loop3A_534 : vector<16xf32>
      %parallel_loop3A_899 = arith.addf %parallel_loop3A_893, %parallel_loop3A_898 : vector<16xf32>
      %parallel_loop3A_900 = arith.constant 11466 : i32
      %parallel_loop3A_901 = vector.broadcast %parallel_loop3A_900 : i32 to vector<16xi32>
      %parallel_loop3A_902 = arith.addi %parallel_loop3A_526, %parallel_loop3A_901 : vector<16xi32>
      %parallel_loop3A_903 = tpu.vector_load_idx %arg6[%parallel_loop3A_902] : memref<19656xf32, #tpu.memory_space<vmem>>[vector<16xi32>], vector<16xf32>,
      %parallel_loop3A_904 = arith.mulf %parallel_loop3A_903, %parallel_loop3A_538 : vector<16xf32>
      %parallel_loop3A_905 = arith.addf %parallel_loop3A_899, %parallel_loop3A_904 : vector<16xf32>
      %parallel_loop3A_906 = arith.constant 2 : i32
      %parallel_loop3A_907 = arith.constant 1 : i32
      %parallel_loop3A_908 = arith.constant 0 : i32
      %parallel_loop3A_909 = arith.index_cast %parallel_loop3A_906 : i32 to index
      %parallel_loop3A_910 = arith.index_cast %parallel_loop3A_907 : i32 to index
      %parallel_loop3A_911 = arith.index_cast %parallel_loop3A_908 : i32 to index
      %parallel_loop3A_912 = arith.index_cast %parallel_loop3A_514 : i32 to index
      %parallel_loop3A_913 = tpu.vector_load %arg9[%parallel_loop3A_909, %parallel_loop3A_910, %parallel_loop3A_911, %parallel_loop3A_912] {strides = array<i32>} : memref<3x2x4x3328xf32, #tpu.memory_space<vmem>>, vector<16xf32>,
      tpu.vector_store %arg9[%parallel_loop3A_909, %parallel_loop3A_910, %parallel_loop3A_911, %parallel_loop3A_912], %parallel_loop3A_905 {strides = array<i32>} : memref<3x2x4x3328xf32, #tpu.memory_space<vmem>>, vector<16xf32>,
      %parallel_loop3A_914 = arith.constant 12285 : i32
      %parallel_loop3A_915 = vector.broadcast %parallel_loop3A_914 : i32 to vector<16xi32>
      %parallel_loop3A_916 = arith.addi %parallel_loop3A_518, %parallel_loop3A_915 : vector<16xi32>
      %parallel_loop3A_917 = tpu.vector_load_idx %arg6[%parallel_loop3A_916] : memref<19656xf32, #tpu.memory_space<vmem>>[vector<16xi32>], vector<16xf32>,
      %parallel_loop3A_918 = arith.mulf %parallel_loop3A_917, %parallel_loop3A_530 : vector<16xf32>
      %parallel_loop3A_919 = arith.constant 12285 : i32
      %parallel_loop3A_920 = vector.broadcast %parallel_loop3A_919 : i32 to vector<16xi32>
      %parallel_loop3A_921 = arith.addi %parallel_loop3A_522, %parallel_loop3A_920 : vector<16xi32>
      %parallel_loop3A_922 = tpu.vector_load_idx %arg6[%parallel_loop3A_921] : memref<19656xf32, #tpu.memory_space<vmem>>[vector<16xi32>], vector<16xf32>,
      %parallel_loop3A_923 = arith.mulf %parallel_loop3A_922, %parallel_loop3A_534 : vector<16xf32>
      %parallel_loop3A_924 = arith.addf %parallel_loop3A_918, %parallel_loop3A_923 : vector<16xf32>
      %parallel_loop3A_925 = arith.constant 12285 : i32
      %parallel_loop3A_926 = vector.broadcast %parallel_loop3A_925 : i32 to vector<16xi32>
      %parallel_loop3A_927 = arith.addi %parallel_loop3A_526, %parallel_loop3A_926 : vector<16xi32>
      %parallel_loop3A_928 = tpu.vector_load_idx %arg6[%parallel_loop3A_927] : memref<19656xf32, #tpu.memory_space<vmem>>[vector<16xi32>], vector<16xf32>,
      %parallel_loop3A_929 = arith.mulf %parallel_loop3A_928, %parallel_loop3A_538 : vector<16xf32>
      %parallel_loop3A_930 = arith.addf %parallel_loop3A_924, %parallel_loop3A_929 : vector<16xf32>
      %parallel_loop3A_931 = arith.constant 0 : i32
      %parallel_loop3A_932 = arith.constant 1 : i32
      %parallel_loop3A_933 = arith.constant 1 : i32
      %parallel_loop3A_934 = arith.index_cast %parallel_loop3A_931 : i32 to index
      %parallel_loop3A_935 = arith.index_cast %parallel_loop3A_932 : i32 to index
      %parallel_loop3A_936 = arith.index_cast %parallel_loop3A_933 : i32 to index
      %parallel_loop3A_937 = arith.index_cast %parallel_loop3A_514 : i32 to index
      %parallel_loop3A_938 = tpu.vector_load %arg9[%parallel_loop3A_934, %parallel_loop3A_935, %parallel_loop3A_936, %parallel_loop3A_937] {strides = array<i32>} : memref<3x2x4x3328xf32, #tpu.memory_space<vmem>>, vector<16xf32>,
      tpu.vector_store %arg9[%parallel_loop3A_934, %parallel_loop3A_935, %parallel_loop3A_936, %parallel_loop3A_937], %parallel_loop3A_930 {strides = array<i32>} : memref<3x2x4x3328xf32, #tpu.memory_space<vmem>>, vector<16xf32>,
      %parallel_loop3A_939 = arith.constant 13104 : i32
      %parallel_loop3A_940 = vector.broadcast %parallel_loop3A_939 : i32 to vector<16xi32>
      %parallel_loop3A_941 = arith.addi %parallel_loop3A_518, %parallel_loop3A_940 : vector<16xi32>
      %parallel_loop3A_942 = tpu.vector_load_idx %arg6[%parallel_loop3A_941] : memref<19656xf32, #tpu.memory_space<vmem>>[vector<16xi32>], vector<16xf32>,
      %parallel_loop3A_943 = arith.mulf %parallel_loop3A_942, %parallel_loop3A_530 : vector<16xf32>
      %parallel_loop3A_944 = arith.constant 13104 : i32
      %parallel_loop3A_945 = vector.broadcast %parallel_loop3A_944 : i32 to vector<16xi32>
      %parallel_loop3A_946 = arith.addi %parallel_loop3A_522, %parallel_loop3A_945 : vector<16xi32>
      %parallel_loop3A_947 = tpu.vector_load_idx %arg6[%parallel_loop3A_946] : memref<19656xf32, #tpu.memory_space<vmem>>[vector<16xi32>], vector<16xf32>,
      %parallel_loop3A_948 = arith.mulf %parallel_loop3A_947, %parallel_loop3A_534 : vector<16xf32>
      %parallel_loop3A_949 = arith.addf %parallel_loop3A_943, %parallel_loop3A_948 : vector<16xf32>
      %parallel_loop3A_950 = arith.constant 13104 : i32
      %parallel_loop3A_951 = vector.broadcast %parallel_loop3A_950 : i32 to vector<16xi32>
      %parallel_loop3A_952 = arith.addi %parallel_loop3A_526, %parallel_loop3A_951 : vector<16xi32>
      %parallel_loop3A_953 = tpu.vector_load_idx %arg6[%parallel_loop3A_952] : memref<19656xf32, #tpu.memory_space<vmem>>[vector<16xi32>], vector<16xf32>,
      %parallel_loop3A_954 = arith.mulf %parallel_loop3A_953, %parallel_loop3A_538 : vector<16xf32>
      %parallel_loop3A_955 = arith.addf %parallel_loop3A_949, %parallel_loop3A_954 : vector<16xf32>
      %parallel_loop3A_956 = arith.constant 1 : i32
      %parallel_loop3A_957 = arith.constant 1 : i32
      %parallel_loop3A_958 = arith.constant 1 : i32
      %parallel_loop3A_959 = arith.index_cast %parallel_loop3A_956 : i32 to index
      %parallel_loop3A_960 = arith.index_cast %parallel_loop3A_957 : i32 to index
      %parallel_loop3A_961 = arith.index_cast %parallel_loop3A_958 : i32 to index
      %parallel_loop3A_962 = arith.index_cast %parallel_loop3A_514 : i32 to index
      %parallel_loop3A_963 = tpu.vector_load %arg9[%parallel_loop3A_959, %parallel_loop3A_960, %parallel_loop3A_961, %parallel_loop3A_962] {strides = array<i32>} : memref<3x2x4x3328xf32, #tpu.memory_space<vmem>>, vector<16xf32>,
      tpu.vector_store %arg9[%parallel_loop3A_959, %parallel_loop3A_960, %parallel_loop3A_961, %parallel_loop3A_962], %parallel_loop3A_955 {strides = array<i32>} : memref<3x2x4x3328xf32, #tpu.memory_space<vmem>>, vector<16xf32>,
      %parallel_loop3A_964 = arith.constant 13923 : i32
      %parallel_loop3A_965 = vector.broadcast %parallel_loop3A_964 : i32 to vector<16xi32>
      %parallel_loop3A_966 = arith.addi %parallel_loop3A_518, %parallel_loop3A_965 : vector<16xi32>
      %parallel_loop3A_967 = tpu.vector_load_idx %arg6[%parallel_loop3A_966] : memref<19656xf32, #tpu.memory_space<vmem>>[vector<16xi32>], vector<16xf32>,
      %parallel_loop3A_968 = arith.mulf %parallel_loop3A_967, %parallel_loop3A_530 : vector<16xf32>
      %parallel_loop3A_969 = arith.constant 13923 : i32
      %parallel_loop3A_970 = vector.broadcast %parallel_loop3A_969 : i32 to vector<16xi32>
      %parallel_loop3A_971 = arith.addi %parallel_loop3A_522, %parallel_loop3A_970 : vector<16xi32>
      %parallel_loop3A_972 = tpu.vector_load_idx %arg6[%parallel_loop3A_971] : memref<19656xf32, #tpu.memory_space<vmem>>[vector<16xi32>], vector<16xf32>,
      %parallel_loop3A_973 = arith.mulf %parallel_loop3A_972, %parallel_loop3A_534 : vector<16xf32>
      %parallel_loop3A_974 = arith.addf %parallel_loop3A_968, %parallel_loop3A_973 : vector<16xf32>
      %parallel_loop3A_975 = arith.constant 13923 : i32
      %parallel_loop3A_976 = vector.broadcast %parallel_loop3A_975 : i32 to vector<16xi32>
      %parallel_loop3A_977 = arith.addi %parallel_loop3A_526, %parallel_loop3A_976 : vector<16xi32>
      %parallel_loop3A_978 = tpu.vector_load_idx %arg6[%parallel_loop3A_977] : memref<19656xf32, #tpu.memory_space<vmem>>[vector<16xi32>], vector<16xf32>,
      %parallel_loop3A_979 = arith.mulf %parallel_loop3A_978, %parallel_loop3A_538 : vector<16xf32>
      %parallel_loop3A_980 = arith.addf %parallel_loop3A_974, %parallel_loop3A_979 : vector<16xf32>
      %parallel_loop3A_981 = arith.constant 2 : i32
      %parallel_loop3A_982 = arith.constant 1 : i32
      %parallel_loop3A_983 = arith.constant 1 : i32
      %parallel_loop3A_984 = arith.index_cast %parallel_loop3A_981 : i32 to index
      %parallel_loop3A_985 = arith.index_cast %parallel_loop3A_982 : i32 to index
      %parallel_loop3A_986 = arith.index_cast %parallel_loop3A_983 : i32 to index
      %parallel_loop3A_987 = arith.index_cast %parallel_loop3A_514 : i32 to index
      %parallel_loop3A_988 = tpu.vector_load %arg9[%parallel_loop3A_984, %parallel_loop3A_985, %parallel_loop3A_986, %parallel_loop3A_987] {strides = array<i32>} : memref<3x2x4x3328xf32, #tpu.memory_space<vmem>>, vector<16xf32>,
      tpu.vector_store %arg9[%parallel_loop3A_984, %parallel_loop3A_985, %parallel_loop3A_986, %parallel_loop3A_987], %parallel_loop3A_980 {strides = array<i32>} : memref<3x2x4x3328xf32, #tpu.memory_space<vmem>>, vector<16xf32>,
      %parallel_loop3A_989 = arith.constant 14742 : i32
      %parallel_loop3A_990 = vector.broadcast %parallel_loop3A_989 : i32 to vector<16xi32>
      %parallel_loop3A_991 = arith.addi %parallel_loop3A_518, %parallel_loop3A_990 : vector<16xi32>
      %parallel_loop3A_992 = tpu.vector_load_idx %arg6[%parallel_loop3A_991] : memref<19656xf32, #tpu.memory_space<vmem>>[vector<16xi32>], vector<16xf32>,
      %parallel_loop3A_993 = arith.mulf %parallel_loop3A_992, %parallel_loop3A_530 : vector<16xf32>
      %parallel_loop3A_994 = arith.constant 14742 : i32
      %parallel_loop3A_995 = vector.broadcast %parallel_loop3A_994 : i32 to vector<16xi32>
      %parallel_loop3A_996 = arith.addi %parallel_loop3A_522, %parallel_loop3A_995 : vector<16xi32>
      %parallel_loop3A_997 = tpu.vector_load_idx %arg6[%parallel_loop3A_996] : memref<19656xf32, #tpu.memory_space<vmem>>[vector<16xi32>], vector<16xf32>,
      %parallel_loop3A_998 = arith.mulf %parallel_loop3A_997, %parallel_loop3A_534 : vector<16xf32>
      %parallel_loop3A_999 = arith.addf %parallel_loop3A_993, %parallel_loop3A_998 : vector<16xf32>
      %parallel_loop3A_1000 = arith.constant 14742 : i32
      %parallel_loop3A_1001 = vector.broadcast %parallel_loop3A_1000 : i32 to vector<16xi32>
      %parallel_loop3A_1002 = arith.addi %parallel_loop3A_526, %parallel_loop3A_1001 : vector<16xi32>
      %parallel_loop3A_1003 = tpu.vector_load_idx %arg6[%parallel_loop3A_1002] : memref<19656xf32, #tpu.memory_space<vmem>>[vector<16xi32>], vector<16xf32>,
      %parallel_loop3A_1004 = arith.mulf %parallel_loop3A_1003, %parallel_loop3A_538 : vector<16xf32>
      %parallel_loop3A_1005 = arith.addf %parallel_loop3A_999, %parallel_loop3A_1004 : vector<16xf32>
      %parallel_loop3A_1006 = arith.constant 0 : i32
      %parallel_loop3A_1007 = arith.constant 1 : i32
      %parallel_loop3A_1008 = arith.constant 2 : i32
      %parallel_loop3A_1009 = arith.index_cast %parallel_loop3A_1006 : i32 to index
      %parallel_loop3A_1010 = arith.index_cast %parallel_loop3A_1007 : i32 to index
      %parallel_loop3A_1011 = arith.index_cast %parallel_loop3A_1008 : i32 to index
      %parallel_loop3A_1012 = arith.index_cast %parallel_loop3A_514 : i32 to index
      %parallel_loop3A_1013 = tpu.vector_load %arg9[%parallel_loop3A_1009, %parallel_loop3A_1010, %parallel_loop3A_1011, %parallel_loop3A_1012] {strides = array<i32>} : memref<3x2x4x3328xf32, #tpu.memory_space<vmem>>, vector<16xf32>,
      tpu.vector_store %arg9[%parallel_loop3A_1009, %parallel_loop3A_1010, %parallel_loop3A_1011, %parallel_loop3A_1012], %parallel_loop3A_1005 {strides = array<i32>} : memref<3x2x4x3328xf32, #tpu.memory_space<vmem>>, vector<16xf32>,
      %parallel_loop3A_1014 = arith.constant 15561 : i32
      %parallel_loop3A_1015 = vector.broadcast %parallel_loop3A_1014 : i32 to vector<16xi32>
      %parallel_loop3A_1016 = arith.addi %parallel_loop3A_518, %parallel_loop3A_1015 : vector<16xi32>
      %parallel_loop3A_1017 = tpu.vector_load_idx %arg6[%parallel_loop3A_1016] : memref<19656xf32, #tpu.memory_space<vmem>>[vector<16xi32>], vector<16xf32>,
      %parallel_loop3A_1018 = arith.mulf %parallel_loop3A_1017, %parallel_loop3A_530 : vector<16xf32>
      %parallel_loop3A_1019 = arith.constant 15561 : i32
      %parallel_loop3A_1020 = vector.broadcast %parallel_loop3A_1019 : i32 to vector<16xi32>
      %parallel_loop3A_1021 = arith.addi %parallel_loop3A_522, %parallel_loop3A_1020 : vector<16xi32>
      %parallel_loop3A_1022 = tpu.vector_load_idx %arg6[%parallel_loop3A_1021] : memref<19656xf32, #tpu.memory_space<vmem>>[vector<16xi32>], vector<16xf32>,
      %parallel_loop3A_1023 = arith.mulf %parallel_loop3A_1022, %parallel_loop3A_534 : vector<16xf32>
      %parallel_loop3A_1024 = arith.addf %parallel_loop3A_1018, %parallel_loop3A_1023 : vector<16xf32>
      %parallel_loop3A_1025 = arith.constant 15561 : i32
      %parallel_loop3A_1026 = vector.broadcast %parallel_loop3A_1025 : i32 to vector<16xi32>
      %parallel_loop3A_1027 = arith.addi %parallel_loop3A_526, %parallel_loop3A_1026 : vector<16xi32>
      %parallel_loop3A_1028 = tpu.vector_load_idx %arg6[%parallel_loop3A_1027] : memref<19656xf32, #tpu.memory_space<vmem>>[vector<16xi32>], vector<16xf32>,
      %parallel_loop3A_1029 = arith.mulf %parallel_loop3A_1028, %parallel_loop3A_538 : vector<16xf32>
      %parallel_loop3A_1030 = arith.addf %parallel_loop3A_1024, %parallel_loop3A_1029 : vector<16xf32>
      %parallel_loop3A_1031 = arith.constant 1 : i32
      %parallel_loop3A_1032 = arith.constant 1 : i32
      %parallel_loop3A_1033 = arith.constant 2 : i32
      %parallel_loop3A_1034 = arith.index_cast %parallel_loop3A_1031 : i32 to index
      %parallel_loop3A_1035 = arith.index_cast %parallel_loop3A_1032 : i32 to index
      %parallel_loop3A_1036 = arith.index_cast %parallel_loop3A_1033 : i32 to index
      %parallel_loop3A_1037 = arith.index_cast %parallel_loop3A_514 : i32 to index
      %parallel_loop3A_1038 = tpu.vector_load %arg9[%parallel_loop3A_1034, %parallel_loop3A_1035, %parallel_loop3A_1036, %parallel_loop3A_1037] {strides = array<i32>} : memref<3x2x4x3328xf32, #tpu.memory_space<vmem>>, vector<16xf32>,
      tpu.vector_store %arg9[%parallel_loop3A_1034, %parallel_loop3A_1035, %parallel_loop3A_1036, %parallel_loop3A_1037], %parallel_loop3A_1030 {strides = array<i32>} : memref<3x2x4x3328xf32, #tpu.memory_space<vmem>>, vector<16xf32>,
      %parallel_loop3A_1039 = arith.constant 16380 : i32
      %parallel_loop3A_1040 = vector.broadcast %parallel_loop3A_1039 : i32 to vector<16xi32>
      %parallel_loop3A_1041 = arith.addi %parallel_loop3A_518, %parallel_loop3A_1040 : vector<16xi32>
      %parallel_loop3A_1042 = tpu.vector_load_idx %arg6[%parallel_loop3A_1041] : memref<19656xf32, #tpu.memory_space<vmem>>[vector<16xi32>], vector<16xf32>,
      %parallel_loop3A_1043 = arith.mulf %parallel_loop3A_1042, %parallel_loop3A_530 : vector<16xf32>
      %parallel_loop3A_1044 = arith.constant 16380 : i32
      %parallel_loop3A_1045 = vector.broadcast %parallel_loop3A_1044 : i32 to vector<16xi32>
      %parallel_loop3A_1046 = arith.addi %parallel_loop3A_522, %parallel_loop3A_1045 : vector<16xi32>
      %parallel_loop3A_1047 = tpu.vector_load_idx %arg6[%parallel_loop3A_1046] : memref<19656xf32, #tpu.memory_space<vmem>>[vector<16xi32>], vector<16xf32>,
      %parallel_loop3A_1048 = arith.mulf %parallel_loop3A_1047, %parallel_loop3A_534 : vector<16xf32>
      %parallel_loop3A_1049 = arith.addf %parallel_loop3A_1043, %parallel_loop3A_1048 : vector<16xf32>
      %parallel_loop3A_1050 = arith.constant 16380 : i32
      %parallel_loop3A_1051 = vector.broadcast %parallel_loop3A_1050 : i32 to vector<16xi32>
      %parallel_loop3A_1052 = arith.addi %parallel_loop3A_526, %parallel_loop3A_1051 : vector<16xi32>
      %parallel_loop3A_1053 = tpu.vector_load_idx %arg6[%parallel_loop3A_1052] : memref<19656xf32, #tpu.memory_space<vmem>>[vector<16xi32>], vector<16xf32>,
      %parallel_loop3A_1054 = arith.mulf %parallel_loop3A_1053, %parallel_loop3A_538 : vector<16xf32>
      %parallel_loop3A_1055 = arith.addf %parallel_loop3A_1049, %parallel_loop3A_1054 : vector<16xf32>
      %parallel_loop3A_1056 = arith.constant 2 : i32
      %parallel_loop3A_1057 = arith.constant 1 : i32
      %parallel_loop3A_1058 = arith.constant 2 : i32
      %parallel_loop3A_1059 = arith.index_cast %parallel_loop3A_1056 : i32 to index
      %parallel_loop3A_1060 = arith.index_cast %parallel_loop3A_1057 : i32 to index
      %parallel_loop3A_1061 = arith.index_cast %parallel_loop3A_1058 : i32 to index
      %parallel_loop3A_1062 = arith.index_cast %parallel_loop3A_514 : i32 to index
      %parallel_loop3A_1063 = tpu.vector_load %arg9[%parallel_loop3A_1059, %parallel_loop3A_1060, %parallel_loop3A_1061, %parallel_loop3A_1062] {strides = array<i32>} : memref<3x2x4x3328xf32, #tpu.memory_space<vmem>>, vector<16xf32>,
      tpu.vector_store %arg9[%parallel_loop3A_1059, %parallel_loop3A_1060, %parallel_loop3A_1061, %parallel_loop3A_1062], %parallel_loop3A_1055 {strides = array<i32>} : memref<3x2x4x3328xf32, #tpu.memory_space<vmem>>, vector<16xf32>,
      %parallel_loop3A_1064 = arith.constant 17199 : i32
      %parallel_loop3A_1065 = vector.broadcast %parallel_loop3A_1064 : i32 to vector<16xi32>
      %parallel_loop3A_1066 = arith.addi %parallel_loop3A_518, %parallel_loop3A_1065 : vector<16xi32>
      %parallel_loop3A_1067 = tpu.vector_load_idx %arg6[%parallel_loop3A_1066] : memref<19656xf32, #tpu.memory_space<vmem>>[vector<16xi32>], vector<16xf32>,
      %parallel_loop3A_1068 = arith.mulf %parallel_loop3A_1067, %parallel_loop3A_530 : vector<16xf32>
      %parallel_loop3A_1069 = arith.constant 17199 : i32
      %parallel_loop3A_1070 = vector.broadcast %parallel_loop3A_1069 : i32 to vector<16xi32>
      %parallel_loop3A_1071 = arith.addi %parallel_loop3A_522, %parallel_loop3A_1070 : vector<16xi32>
      %parallel_loop3A_1072 = tpu.vector_load_idx %arg6[%parallel_loop3A_1071] : memref<19656xf32, #tpu.memory_space<vmem>>[vector<16xi32>], vector<16xf32>,
      %parallel_loop3A_1073 = arith.mulf %parallel_loop3A_1072, %parallel_loop3A_534 : vector<16xf32>
      %parallel_loop3A_1074 = arith.addf %parallel_loop3A_1068, %parallel_loop3A_1073 : vector<16xf32>
      %parallel_loop3A_1075 = arith.constant 17199 : i32
      %parallel_loop3A_1076 = vector.broadcast %parallel_loop3A_1075 : i32 to vector<16xi32>
      %parallel_loop3A_1077 = arith.addi %parallel_loop3A_526, %parallel_loop3A_1076 : vector<16xi32>
      %parallel_loop3A_1078 = tpu.vector_load_idx %arg6[%parallel_loop3A_1077] : memref<19656xf32, #tpu.memory_space<vmem>>[vector<16xi32>], vector<16xf32>,
      %parallel_loop3A_1079 = arith.mulf %parallel_loop3A_1078, %parallel_loop3A_538 : vector<16xf32>
      %parallel_loop3A_1080 = arith.addf %parallel_loop3A_1074, %parallel_loop3A_1079 : vector<16xf32>
      %parallel_loop3A_1081 = arith.constant 0 : i32
      %parallel_loop3A_1082 = arith.constant 1 : i32
      %parallel_loop3A_1083 = arith.constant 3 : i32
      %parallel_loop3A_1084 = arith.index_cast %parallel_loop3A_1081 : i32 to index
      %parallel_loop3A_1085 = arith.index_cast %parallel_loop3A_1082 : i32 to index
      %parallel_loop3A_1086 = arith.index_cast %parallel_loop3A_1083 : i32 to index
      %parallel_loop3A_1087 = arith.index_cast %parallel_loop3A_514 : i32 to index
      %parallel_loop3A_1088 = tpu.vector_load %arg9[%parallel_loop3A_1084, %parallel_loop3A_1085, %parallel_loop3A_1086, %parallel_loop3A_1087] {strides = array<i32>} : memref<3x2x4x3328xf32, #tpu.memory_space<vmem>>, vector<16xf32>,
      tpu.vector_store %arg9[%parallel_loop3A_1084, %parallel_loop3A_1085, %parallel_loop3A_1086, %parallel_loop3A_1087], %parallel_loop3A_1080 {strides = array<i32>} : memref<3x2x4x3328xf32, #tpu.memory_space<vmem>>, vector<16xf32>,
      %parallel_loop3A_1089 = arith.constant 18018 : i32
      %parallel_loop3A_1090 = vector.broadcast %parallel_loop3A_1089 : i32 to vector<16xi32>
      %parallel_loop3A_1091 = arith.addi %parallel_loop3A_518, %parallel_loop3A_1090 : vector<16xi32>
      %parallel_loop3A_1092 = tpu.vector_load_idx %arg6[%parallel_loop3A_1091] : memref<19656xf32, #tpu.memory_space<vmem>>[vector<16xi32>], vector<16xf32>,
      %parallel_loop3A_1093 = arith.mulf %parallel_loop3A_1092, %parallel_loop3A_530 : vector<16xf32>
      %parallel_loop3A_1094 = arith.constant 18018 : i32
      %parallel_loop3A_1095 = vector.broadcast %parallel_loop3A_1094 : i32 to vector<16xi32>
      %parallel_loop3A_1096 = arith.addi %parallel_loop3A_522, %parallel_loop3A_1095 : vector<16xi32>
      %parallel_loop3A_1097 = tpu.vector_load_idx %arg6[%parallel_loop3A_1096] : memref<19656xf32, #tpu.memory_space<vmem>>[vector<16xi32>], vector<16xf32>,
      %parallel_loop3A_1098 = arith.mulf %parallel_loop3A_1097, %parallel_loop3A_534 : vector<16xf32>
      %parallel_loop3A_1099 = arith.addf %parallel_loop3A_1093, %parallel_loop3A_1098 : vector<16xf32>
      %parallel_loop3A_1100 = arith.constant 18018 : i32
      %parallel_loop3A_1101 = vector.broadcast %parallel_loop3A_1100 : i32 to vector<16xi32>
      %parallel_loop3A_1102 = arith.addi %parallel_loop3A_526, %parallel_loop3A_1101 : vector<16xi32>
      %parallel_loop3A_1103 = tpu.vector_load_idx %arg6[%parallel_loop3A_1102] : memref<19656xf32, #tpu.memory_space<vmem>>[vector<16xi32>], vector<16xf32>,
      %parallel_loop3A_1104 = arith.mulf %parallel_loop3A_1103, %parallel_loop3A_538 : vector<16xf32>
      %parallel_loop3A_1105 = arith.addf %parallel_loop3A_1099, %parallel_loop3A_1104 : vector<16xf32>
      %parallel_loop3A_1106 = arith.constant 1 : i32
      %parallel_loop3A_1107 = arith.constant 1 : i32
      %parallel_loop3A_1108 = arith.constant 3 : i32
      %parallel_loop3A_1109 = arith.index_cast %parallel_loop3A_1106 : i32 to index
      %parallel_loop3A_1110 = arith.index_cast %parallel_loop3A_1107 : i32 to index
      %parallel_loop3A_1111 = arith.index_cast %parallel_loop3A_1108 : i32 to index
      %parallel_loop3A_1112 = arith.index_cast %parallel_loop3A_514 : i32 to index
      %parallel_loop3A_1113 = tpu.vector_load %arg9[%parallel_loop3A_1109, %parallel_loop3A_1110, %parallel_loop3A_1111, %parallel_loop3A_1112] {strides = array<i32>} : memref<3x2x4x3328xf32, #tpu.memory_space<vmem>>, vector<16xf32>,
      tpu.vector_store %arg9[%parallel_loop3A_1109, %parallel_loop3A_1110, %parallel_loop3A_1111, %parallel_loop3A_1112], %parallel_loop3A_1105 {strides = array<i32>} : memref<3x2x4x3328xf32, #tpu.memory_space<vmem>>, vector<16xf32>,
      %parallel_loop3A_1114 = arith.constant 18837 : i32
      %parallel_loop3A_1115 = vector.broadcast %parallel_loop3A_1114 : i32 to vector<16xi32>
      %parallel_loop3A_1116 = arith.addi %parallel_loop3A_518, %parallel_loop3A_1115 : vector<16xi32>
      %parallel_loop3A_1117 = tpu.vector_load_idx %arg6[%parallel_loop3A_1116] : memref<19656xf32, #tpu.memory_space<vmem>>[vector<16xi32>], vector<16xf32>,
      %parallel_loop3A_1118 = arith.mulf %parallel_loop3A_1117, %parallel_loop3A_530 : vector<16xf32>
      %parallel_loop3A_1119 = arith.constant 18837 : i32
      %parallel_loop3A_1120 = vector.broadcast %parallel_loop3A_1119 : i32 to vector<16xi32>
      %parallel_loop3A_1121 = arith.addi %parallel_loop3A_522, %parallel_loop3A_1120 : vector<16xi32>
      %parallel_loop3A_1122 = tpu.vector_load_idx %arg6[%parallel_loop3A_1121] : memref<19656xf32, #tpu.memory_space<vmem>>[vector<16xi32>], vector<16xf32>,
      %parallel_loop3A_1123 = arith.mulf %parallel_loop3A_1122, %parallel_loop3A_534 : vector<16xf32>
      %parallel_loop3A_1124 = arith.addf %parallel_loop3A_1118, %parallel_loop3A_1123 : vector<16xf32>
      %parallel_loop3A_1125 = arith.constant 18837 : i32
      %parallel_loop3A_1126 = vector.broadcast %parallel_loop3A_1125 : i32 to vector<16xi32>
      %parallel_loop3A_1127 = arith.addi %parallel_loop3A_526, %parallel_loop3A_1126 : vector<16xi32>
      %parallel_loop3A_1128 = tpu.vector_load_idx %arg6[%parallel_loop3A_1127] : memref<19656xf32, #tpu.memory_space<vmem>>[vector<16xi32>], vector<16xf32>,
      %parallel_loop3A_1129 = arith.mulf %parallel_loop3A_1128, %parallel_loop3A_538 : vector<16xf32>
      %parallel_loop3A_1130 = arith.addf %parallel_loop3A_1124, %parallel_loop3A_1129 : vector<16xf32>
      %parallel_loop3A_1131 = arith.constant 2 : i32
      %parallel_loop3A_1132 = arith.constant 1 : i32
      %parallel_loop3A_1133 = arith.constant 3 : i32
      %parallel_loop3A_1134 = arith.index_cast %parallel_loop3A_1131 : i32 to index
      %parallel_loop3A_1135 = arith.index_cast %parallel_loop3A_1132 : i32 to index
      %parallel_loop3A_1136 = arith.index_cast %parallel_loop3A_1133 : i32 to index
      %parallel_loop3A_1137 = arith.index_cast %parallel_loop3A_514 : i32 to index
      %parallel_loop3A_1138 = tpu.vector_load %arg9[%parallel_loop3A_1134, %parallel_loop3A_1135, %parallel_loop3A_1136, %parallel_loop3A_1137] {strides = array<i32>} : memref<3x2x4x3328xf32, #tpu.memory_space<vmem>>, vector<16xf32>,
      tpu.vector_store %arg9[%parallel_loop3A_1134, %parallel_loop3A_1135, %parallel_loop3A_1136, %parallel_loop3A_1137], %parallel_loop3A_1130 {strides = array<i32>} : memref<3x2x4x3328xf32, #tpu.memory_space<vmem>>, vector<16xf32>,
    } {sc.loop_unroll_factor = 1 : i64, sc.parallel_access}
    %mul3A_7 = arith.constant 2 : i32
    %mul3A_8 = arith.muli %add3A, %mul3A_7 : i32
    %add3A_9 = arith.constant 0 : i32
    %add3A_10 = arith.addi %mul3A_8, %add3A_9 : i32
    %dma_start3A = arith.constant 0 : i32
    %dma_start3A_11 = arith.constant 0 : i32
    %dma_start3A_12 = arith.constant 0 : i32
    %dma_start3A_13 = arith.constant 0 : i32
    %dma_start3A_14 = arith.constant 0 : i32
    %dma_start3A_15 = tpu.memref_slice %arg9[%dma_start3A, %dma_start3A_11, %dma_start3A_13, %dma_start3A_14] : memref<3x2x4x3328xf32, #tpu.memory_space<vmem>> -> memref<1x1x4x1664xf32, #tpu.memory_space<vmem>>
    %dma_start3A_16 = tpu.memref_squeeze %dma_start3A_15 : memref<1x1x4x1664xf32, #tpu.memory_space<vmem>> -> memref<4x1664xf32, #tpu.memory_space<vmem>>
    %dma_start3A_17 = arith.constant 0 : i32
    %dma_start3A_18 = arith.constant 0 : i32
    %dma_start3A_19 = tpu.memref_slice %arg5[%dma_start3A_12, %add3A_10, %dma_start3A_17, %dma_start3A_18] : memref<3x64x4x3328xf32, #tpu.memory_space<hbm>> -> memref<1x1x4x1664xf32, #tpu.memory_space<hbm>>
    %dma_start3A_20 = tpu.memref_squeeze %dma_start3A_19 : memref<1x1x4x1664xf32, #tpu.memory_space<hbm>> -> memref<4x1664xf32, #tpu.memory_space<hbm>>
    %dma_start3A_21 = arith.constant 0 : i32
    %dma_start3A_22 = arith.constant 0 : i32
    %dma_start3A_23 = tpu.memref_slice %arg5[%dma_start3A_12, %add3A_10, %dma_start3A_21, %dma_start3A_22] : memref<3x64x4x3328xf32, #tpu.memory_space<hbm>> -> memref<1x1x4x1664xf32, #tpu.memory_space<hbm>>
    %dma_start3A_24 = tpu.memref_squeeze %dma_start3A_23 : memref<1x1x4x1664xf32, #tpu.memory_space<hbm>> -> memref<4x1664xf32, #tpu.memory_space<hbm>>
    %dma_start3A_25 = arith.constant 0 : i32
    %dma_start3A_26 = arith.constant 0 : i32
    %dma_start3A_27 = tpu.memref_slice %arg9[%dma_start3A, %dma_start3A_11, %dma_start3A_25, %dma_start3A_26] : memref<3x2x4x3328xf32, #tpu.memory_space<vmem>> -> memref<1x1x4x1664xf32, #tpu.memory_space<vmem>>
    %dma_start3A_28 = tpu.memref_squeeze %dma_start3A_27 : memref<1x1x4x1664xf32, #tpu.memory_space<vmem>> -> memref<4x1664xf32, #tpu.memory_space<vmem>>
    tpu.enqueue_dma source(%dma_start3A_28 : memref<4x1664xf32, #tpu.memory_space<vmem>>) target(%dma_start3A_24 : memref<4x1664xf32, #tpu.memory_space<hbm>>) target_semaphore(%arg10 : memref<!tpu.dma_semaphore, #tpu.memory_space<semaphore_mem>>)
    %mul3A_29 = arith.constant 2 : i32
    %mul3A_30 = arith.muli %add3A, %mul3A_29 : i32
    %add3A_31 = arith.constant 1 : i32
    %add3A_32 = arith.addi %mul3A_30, %add3A_31 : i32
    %dma_start3A_33 = arith.constant 0 : i32
    %dma_start3A_34 = arith.constant 1 : i32
    %dma_start3A_35 = arith.constant 0 : i32
    %dma_start3A_36 = arith.constant 0 : i32
    %dma_start3A_37 = arith.constant 0 : i32
    %dma_start3A_38 = tpu.memref_slice %arg9[%dma_start3A_33, %dma_start3A_34, %dma_start3A_36, %dma_start3A_37] : memref<3x2x4x3328xf32, #tpu.memory_space<vmem>> -> memref<1x1x4x1664xf32, #tpu.memory_space<vmem>>
    %dma_start3A_39 = tpu.memref_squeeze %dma_start3A_38 : memref<1x1x4x1664xf32, #tpu.memory_space<vmem>> -> memref<4x1664xf32, #tpu.memory_space<vmem>>
    %dma_start3A_40 = arith.constant 0 : i32
    %dma_start3A_41 = arith.constant 0 : i32
    %dma_start3A_42 = tpu.memref_slice %arg5[%dma_start3A_35, %add3A_32, %dma_start3A_40, %dma_start3A_41] : memref<3x64x4x3328xf32, #tpu.memory_space<hbm>> -> memref<1x1x4x1664xf32, #tpu.memory_space<hbm>>
    %dma_start3A_43 = tpu.memref_squeeze %dma_start3A_42 : memref<1x1x4x1664xf32, #tpu.memory_space<hbm>> -> memref<4x1664xf32, #tpu.memory_space<hbm>>
    %dma_start3A_44 = arith.constant 0 : i32
    %dma_start3A_45 = arith.constant 0 : i32
    %dma_start3A_46 = tpu.memref_slice %arg5[%dma_start3A_35, %add3A_32, %dma_start3A_44, %dma_start3A_45] : memref<3x64x4x3328xf32, #tpu.memory_space<hbm>> -> memref<1x1x4x1664xf32, #tpu.memory_space<hbm>>
    %dma_start3A_47 = tpu.memref_squeeze %dma_start3A_46 : memref<1x1x4x1664xf32, #tpu.memory_space<hbm>> -> memref<4x1664xf32, #tpu.memory_space<hbm>>
    %dma_start3A_48 = arith.constant 0 : i32
    %dma_start3A_49 = arith.constant 0 : i32
    %dma_start3A_50 = tpu.memref_slice %arg9[%dma_start3A_33, %dma_start3A_34, %dma_start3A_48, %dma_start3A_49] : memref<3x2x4x3328xf32, #tpu.memory_space<vmem>> -> memref<1x1x4x1664xf32, #tpu.memory_space<vmem>>
    %dma_start3A_51 = tpu.memref_squeeze %dma_start3A_50 : memref<1x1x4x1664xf32, #tpu.memory_space<vmem>> -> memref<4x1664xf32, #tpu.memory_space<vmem>>
    tpu.enqueue_dma source(%dma_start3A_51 : memref<4x1664xf32, #tpu.memory_space<vmem>>) target(%dma_start3A_47 : memref<4x1664xf32, #tpu.memory_space<hbm>>) target_semaphore(%arg10 : memref<!tpu.dma_semaphore, #tpu.memory_space<semaphore_mem>>)
    %mul3A_52 = arith.constant 2 : i32
    %mul3A_53 = arith.muli %add3A, %mul3A_52 : i32
    %add3A_54 = arith.constant 0 : i32
    %add3A_55 = arith.addi %mul3A_53, %add3A_54 : i32
    %dma_start3A_56 = arith.constant 1 : i32
    %dma_start3A_57 = arith.constant 0 : i32
    %dma_start3A_58 = arith.constant 1 : i32
    %dma_start3A_59 = arith.constant 0 : i32
    %dma_start3A_60 = arith.constant 0 : i32
    %dma_start3A_61 = tpu.memref_slice %arg9[%dma_start3A_56, %dma_start3A_57, %dma_start3A_59, %dma_start3A_60] : memref<3x2x4x3328xf32, #tpu.memory_space<vmem>> -> memref<1x1x4x1664xf32, #tpu.memory_space<vmem>>
    %dma_start3A_62 = tpu.memref_squeeze %dma_start3A_61 : memref<1x1x4x1664xf32, #tpu.memory_space<vmem>> -> memref<4x1664xf32, #tpu.memory_space<vmem>>
    %dma_start3A_63 = arith.constant 0 : i32
    %dma_start3A_64 = arith.constant 0 : i32
    %dma_start3A_65 = tpu.memref_slice %arg5[%dma_start3A_58, %add3A_55, %dma_start3A_63, %dma_start3A_64] : memref<3x64x4x3328xf32, #tpu.memory_space<hbm>> -> memref<1x1x4x1664xf32, #tpu.memory_space<hbm>>
    %dma_start3A_66 = tpu.memref_squeeze %dma_start3A_65 : memref<1x1x4x1664xf32, #tpu.memory_space<hbm>> -> memref<4x1664xf32, #tpu.memory_space<hbm>>
    %dma_start3A_67 = arith.constant 0 : i32
    %dma_start3A_68 = arith.constant 0 : i32
    %dma_start3A_69 = tpu.memref_slice %arg5[%dma_start3A_58, %add3A_55, %dma_start3A_67, %dma_start3A_68] : memref<3x64x4x3328xf32, #tpu.memory_space<hbm>> -> memref<1x1x4x1664xf32, #tpu.memory_space<hbm>>
    %dma_start3A_70 = tpu.memref_squeeze %dma_start3A_69 : memref<1x1x4x1664xf32, #tpu.memory_space<hbm>> -> memref<4x1664xf32, #tpu.memory_space<hbm>>
    %dma_start3A_71 = arith.constant 0 : i32
    %dma_start3A_72 = arith.constant 0 : i32
    %dma_start3A_73 = tpu.memref_slice %arg9[%dma_start3A_56, %dma_start3A_57, %dma_start3A_71, %dma_start3A_72] : memref<3x2x4x3328xf32, #tpu.memory_space<vmem>> -> memref<1x1x4x1664xf32, #tpu.memory_space<vmem>>
    %dma_start3A_74 = tpu.memref_squeeze %dma_start3A_73 : memref<1x1x4x1664xf32, #tpu.memory_space<vmem>> -> memref<4x1664xf32, #tpu.memory_space<vmem>>
    tpu.enqueue_dma source(%dma_start3A_74 : memref<4x1664xf32, #tpu.memory_space<vmem>>) target(%dma_start3A_70 : memref<4x1664xf32, #tpu.memory_space<hbm>>) target_semaphore(%arg10 : memref<!tpu.dma_semaphore, #tpu.memory_space<semaphore_mem>>)
    %mul3A_75 = arith.constant 2 : i32
    %mul3A_76 = arith.muli %add3A, %mul3A_75 : i32
    %add3A_77 = arith.constant 1 : i32
    %add3A_78 = arith.addi %mul3A_76, %add3A_77 : i32
    %dma_start3A_79 = arith.constant 1 : i32
    %dma_start3A_80 = arith.constant 1 : i32
    %dma_start3A_81 = arith.constant 1 : i32
    %dma_start3A_82 = arith.constant 0 : i32
    %dma_start3A_83 = arith.constant 0 : i32
    %dma_start3A_84 = tpu.memref_slice %arg9[%dma_start3A_79, %dma_start3A_80, %dma_start3A_82, %dma_start3A_83] : memref<3x2x4x3328xf32, #tpu.memory_space<vmem>> -> memref<1x1x4x1664xf32, #tpu.memory_space<vmem>>
    %dma_start3A_85 = tpu.memref_squeeze %dma_start3A_84 : memref<1x1x4x1664xf32, #tpu.memory_space<vmem>> -> memref<4x1664xf32, #tpu.memory_space<vmem>>
    %dma_start3A_86 = arith.constant 0 : i32
    %dma_start3A_87 = arith.constant 0 : i32
    %dma_start3A_88 = tpu.memref_slice %arg5[%dma_start3A_81, %add3A_78, %dma_start3A_86, %dma_start3A_87] : memref<3x64x4x3328xf32, #tpu.memory_space<hbm>> -> memref<1x1x4x1664xf32, #tpu.memory_space<hbm>>
    %dma_start3A_89 = tpu.memref_squeeze %dma_start3A_88 : memref<1x1x4x1664xf32, #tpu.memory_space<hbm>> -> memref<4x1664xf32, #tpu.memory_space<hbm>>
    %dma_start3A_90 = arith.constant 0 : i32
    %dma_start3A_91 = arith.constant 0 : i32
    %dma_start3A_92 = tpu.memref_slice %arg5[%dma_start3A_81, %add3A_78, %dma_start3A_90, %dma_start3A_91] : memref<3x64x4x3328xf32, #tpu.memory_space<hbm>> -> memref<1x1x4x1664xf32, #tpu.memory_space<hbm>>
    %dma_start3A_93 = tpu.memref_squeeze %dma_start3A_92 : memref<1x1x4x1664xf32, #tpu.memory_space<hbm>> -> memref<4x1664xf32, #tpu.memory_space<hbm>>
    %dma_start3A_94 = arith.constant 0 : i32
    %dma_start3A_95 = arith.constant 0 : i32
    %dma_start3A_96 = tpu.memref_slice %arg9[%dma_start3A_79, %dma_start3A_80, %dma_start3A_94, %dma_start3A_95] : memref<3x2x4x3328xf32, #tpu.memory_space<vmem>> -> memref<1x1x4x1664xf32, #tpu.memory_space<vmem>>
    %dma_start3A_97 = tpu.memref_squeeze %dma_start3A_96 : memref<1x1x4x1664xf32, #tpu.memory_space<vmem>> -> memref<4x1664xf32, #tpu.memory_space<vmem>>
    tpu.enqueue_dma source(%dma_start3A_97 : memref<4x1664xf32, #tpu.memory_space<vmem>>) target(%dma_start3A_93 : memref<4x1664xf32, #tpu.memory_space<hbm>>) target_semaphore(%arg10 : memref<!tpu.dma_semaphore, #tpu.memory_space<semaphore_mem>>)
    %mul3A_98 = arith.constant 2 : i32
    %mul3A_99 = arith.muli %add3A, %mul3A_98 : i32
    %add3A_100 = arith.constant 0 : i32
    %add3A_101 = arith.addi %mul3A_99, %add3A_100 : i32
    %dma_start3A_102 = arith.constant 2 : i32
    %dma_start3A_103 = arith.constant 0 : i32
    %dma_start3A_104 = arith.constant 2 : i32
    %dma_start3A_105 = arith.constant 0 : i32
    %dma_start3A_106 = arith.constant 0 : i32
    %dma_start3A_107 = tpu.memref_slice %arg9[%dma_start3A_102, %dma_start3A_103, %dma_start3A_105, %dma_start3A_106] : memref<3x2x4x3328xf32, #tpu.memory_space<vmem>> -> memref<1x1x4x1664xf32, #tpu.memory_space<vmem>>
    %dma_start3A_108 = tpu.memref_squeeze %dma_start3A_107 : memref<1x1x4x1664xf32, #tpu.memory_space<vmem>> -> memref<4x1664xf32, #tpu.memory_space<vmem>>
    %dma_start3A_109 = arith.constant 0 : i32
    %dma_start3A_110 = arith.constant 0 : i32
    %dma_start3A_111 = tpu.memref_slice %arg5[%dma_start3A_104, %add3A_101, %dma_start3A_109, %dma_start3A_110] : memref<3x64x4x3328xf32, #tpu.memory_space<hbm>> -> memref<1x1x4x1664xf32, #tpu.memory_space<hbm>>
    %dma_start3A_112 = tpu.memref_squeeze %dma_start3A_111 : memref<1x1x4x1664xf32, #tpu.memory_space<hbm>> -> memref<4x1664xf32, #tpu.memory_space<hbm>>
    %dma_start3A_113 = arith.constant 0 : i32
    %dma_start3A_114 = arith.constant 0 : i32
    %dma_start3A_115 = tpu.memref_slice %arg5[%dma_start3A_104, %add3A_101, %dma_start3A_113, %dma_start3A_114] : memref<3x64x4x3328xf32, #tpu.memory_space<hbm>> -> memref<1x1x4x1664xf32, #tpu.memory_space<hbm>>
    %dma_start3A_116 = tpu.memref_squeeze %dma_start3A_115 : memref<1x1x4x1664xf32, #tpu.memory_space<hbm>> -> memref<4x1664xf32, #tpu.memory_space<hbm>>
    %dma_start3A_117 = arith.constant 0 : i32
    %dma_start3A_118 = arith.constant 0 : i32
    %dma_start3A_119 = tpu.memref_slice %arg9[%dma_start3A_102, %dma_start3A_103, %dma_start3A_117, %dma_start3A_118] : memref<3x2x4x3328xf32, #tpu.memory_space<vmem>> -> memref<1x1x4x1664xf32, #tpu.memory_space<vmem>>
    %dma_start3A_120 = tpu.memref_squeeze %dma_start3A_119 : memref<1x1x4x1664xf32, #tpu.memory_space<vmem>> -> memref<4x1664xf32, #tpu.memory_space<vmem>>
    tpu.enqueue_dma source(%dma_start3A_120 : memref<4x1664xf32, #tpu.memory_space<vmem>>) target(%dma_start3A_116 : memref<4x1664xf32, #tpu.memory_space<hbm>>) target_semaphore(%arg10 : memref<!tpu.dma_semaphore, #tpu.memory_space<semaphore_mem>>)
    %mul3A_121 = arith.constant 2 : i32
    %mul3A_122 = arith.muli %add3A, %mul3A_121 : i32
    %add3A_123 = arith.constant 1 : i32
    %add3A_124 = arith.addi %mul3A_122, %add3A_123 : i32
    %dma_start3A_125 = arith.constant 2 : i32
    %dma_start3A_126 = arith.constant 1 : i32
    %dma_start3A_127 = arith.constant 2 : i32
    %dma_start3A_128 = arith.constant 0 : i32
    %dma_start3A_129 = arith.constant 0 : i32
    %dma_start3A_130 = tpu.memref_slice %arg9[%dma_start3A_125, %dma_start3A_126, %dma_start3A_128, %dma_start3A_129] : memref<3x2x4x3328xf32, #tpu.memory_space<vmem>> -> memref<1x1x4x1664xf32, #tpu.memory_space<vmem>>
    %dma_start3A_131 = tpu.memref_squeeze %dma_start3A_130 : memref<1x1x4x1664xf32, #tpu.memory_space<vmem>> -> memref<4x1664xf32, #tpu.memory_space<vmem>>
    %dma_start3A_132 = arith.constant 0 : i32
    %dma_start3A_133 = arith.constant 0 : i32
    %dma_start3A_134 = tpu.memref_slice %arg5[%dma_start3A_127, %add3A_124, %dma_start3A_132, %dma_start3A_133] : memref<3x64x4x3328xf32, #tpu.memory_space<hbm>> -> memref<1x1x4x1664xf32, #tpu.memory_space<hbm>>
    %dma_start3A_135 = tpu.memref_squeeze %dma_start3A_134 : memref<1x1x4x1664xf32, #tpu.memory_space<hbm>> -> memref<4x1664xf32, #tpu.memory_space<hbm>>
    %dma_start3A_136 = arith.constant 0 : i32
    %dma_start3A_137 = arith.constant 0 : i32
    %dma_start3A_138 = tpu.memref_slice %arg5[%dma_start3A_127, %add3A_124, %dma_start3A_136, %dma_start3A_137] : memref<3x64x4x3328xf32, #tpu.memory_space<hbm>> -> memref<1x1x4x1664xf32, #tpu.memory_space<hbm>>
    %dma_start3A_139 = tpu.memref_squeeze %dma_start3A_138 : memref<1x1x4x1664xf32, #tpu.memory_space<hbm>> -> memref<4x1664xf32, #tpu.memory_space<hbm>>
    %dma_start3A_140 = arith.constant 0 : i32
    %dma_start3A_141 = arith.constant 0 : i32
    %dma_start3A_142 = tpu.memref_slice %arg9[%dma_start3A_125, %dma_start3A_126, %dma_start3A_140, %dma_start3A_141] : memref<3x2x4x3328xf32, #tpu.memory_space<vmem>> -> memref<1x1x4x1664xf32, #tpu.memory_space<vmem>>
    %dma_start3A_143 = tpu.memref_squeeze %dma_start3A_142 : memref<1x1x4x1664xf32, #tpu.memory_space<vmem>> -> memref<4x1664xf32, #tpu.memory_space<vmem>>
    tpu.enqueue_dma source(%dma_start3A_143 : memref<4x1664xf32, #tpu.memory_space<vmem>>) target(%dma_start3A_139 : memref<4x1664xf32, #tpu.memory_space<hbm>>) target_semaphore(%arg10 : memref<!tpu.dma_semaphore, #tpu.memory_space<semaphore_mem>>)
    %parallel_loop3A_144 = arith.constant 104 : i32
    %parallel_loop3A_145 = arith.constant 208 : i32
    %parallel_loop3A_146 = arith.constant 1 : i32
    scf.for %parallel_loop3A_512 = %parallel_loop3A_144 to %parallel_loop3A_145 step %parallel_loop3A_146  : i32 {
      %parallel_loop3A_513 = arith.constant 16 : i32
      %parallel_loop3A_514 = arith.muli %parallel_loop3A_512, %parallel_loop3A_513 : i32
      %parallel_loop3A_515 = arith.constant 0 : i32
      %parallel_loop3A_516 = arith.index_cast %parallel_loop3A_515 : i32 to index
      %parallel_loop3A_517 = arith.index_cast %parallel_loop3A_514 : i32 to index
      %parallel_loop3A_518 = tpu.vector_load %arg7[%parallel_loop3A_516, %parallel_loop3A_517] {strides = array<i32>} : memref<3x3328xi32, #tpu.memory_space<vmem>>, vector<16xi32>,
      %parallel_loop3A_519 = arith.constant 1 : i32
      %parallel_loop3A_520 = arith.index_cast %parallel_loop3A_519 : i32 to index
      %parallel_loop3A_521 = arith.index_cast %parallel_loop3A_514 : i32 to index
      %parallel_loop3A_522 = tpu.vector_load %arg7[%parallel_loop3A_520, %parallel_loop3A_521] {strides = array<i32>} : memref<3x3328xi32, #tpu.memory_space<vmem>>, vector<16xi32>,
      %parallel_loop3A_523 = arith.constant 2 : i32
      %parallel_loop3A_524 = arith.index_cast %parallel_loop3A_523 : i32 to index
      %parallel_loop3A_525 = arith.index_cast %parallel_loop3A_514 : i32 to index
      %parallel_loop3A_526 = tpu.vector_load %arg7[%parallel_loop3A_524, %parallel_loop3A_525] {strides = array<i32>} : memref<3x3328xi32, #tpu.memory_space<vmem>>, vector<16xi32>,
      %parallel_loop3A_527 = arith.constant 0 : i32
      %parallel_loop3A_528 = arith.index_cast %parallel_loop3A_527 : i32 to index
      %parallel_loop3A_529 = arith.index_cast %parallel_loop3A_514 : i32 to index
      %parallel_loop3A_530 = tpu.vector_load %arg8[%parallel_loop3A_528, %parallel_loop3A_529] {strides = array<i32>} : memref<3x3328xf32, #tpu.memory_space<vmem>>, vector<16xf32>,
      %parallel_loop3A_531 = arith.constant 1 : i32
      %parallel_loop3A_532 = arith.index_cast %parallel_loop3A_531 : i32 to index
      %parallel_loop3A_533 = arith.index_cast %parallel_loop3A_514 : i32 to index
      %parallel_loop3A_534 = tpu.vector_load %arg8[%parallel_loop3A_532, %parallel_loop3A_533] {strides = array<i32>} : memref<3x3328xf32, #tpu.memory_space<vmem>>, vector<16xf32>,
      %parallel_loop3A_535 = arith.constant 2 : i32
      %parallel_loop3A_536 = arith.index_cast %parallel_loop3A_535 : i32 to index
      %parallel_loop3A_537 = arith.index_cast %parallel_loop3A_514 : i32 to index
      %parallel_loop3A_538 = tpu.vector_load %arg8[%parallel_loop3A_536, %parallel_loop3A_537] {strides = array<i32>} : memref<3x3328xf32, #tpu.memory_space<vmem>>, vector<16xf32>,
      %parallel_loop3A_539 = arith.constant 0 : i32
      %parallel_loop3A_540 = vector.broadcast %parallel_loop3A_539 : i32 to vector<16xi32>
      %parallel_loop3A_541 = arith.addi %parallel_loop3A_518, %parallel_loop3A_540 : vector<16xi32>
      %parallel_loop3A_542 = tpu.vector_load_idx %arg6[%parallel_loop3A_541] : memref<19656xf32, #tpu.memory_space<vmem>>[vector<16xi32>], vector<16xf32>,
      %parallel_loop3A_543 = arith.mulf %parallel_loop3A_542, %parallel_loop3A_530 : vector<16xf32>
      %parallel_loop3A_544 = arith.constant 0 : i32
      %parallel_loop3A_545 = vector.broadcast %parallel_loop3A_544 : i32 to vector<16xi32>
      %parallel_loop3A_546 = arith.addi %parallel_loop3A_522, %parallel_loop3A_545 : vector<16xi32>
      %parallel_loop3A_547 = tpu.vector_load_idx %arg6[%parallel_loop3A_546] : memref<19656xf32, #tpu.memory_space<vmem>>[vector<16xi32>], vector<16xf32>,
      %parallel_loop3A_548 = arith.mulf %parallel_loop3A_547, %parallel_loop3A_534 : vector<16xf32>
      %parallel_loop3A_549 = arith.addf %parallel_loop3A_543, %parallel_loop3A_548 : vector<16xf32>
      %parallel_loop3A_550 = arith.constant 0 : i32
      %parallel_loop3A_551 = vector.broadcast %parallel_loop3A_550 : i32 to vector<16xi32>
      %parallel_loop3A_552 = arith.addi %parallel_loop3A_526, %parallel_loop3A_551 : vector<16xi32>
      %parallel_loop3A_553 = tpu.vector_load_idx %arg6[%parallel_loop3A_552] : memref<19656xf32, #tpu.memory_space<vmem>>[vector<16xi32>], vector<16xf32>,
      %parallel_loop3A_554 = arith.mulf %parallel_loop3A_553, %parallel_loop3A_538 : vector<16xf32>
      %parallel_loop3A_555 = arith.addf %parallel_loop3A_549, %parallel_loop3A_554 : vector<16xf32>
      %parallel_loop3A_556 = arith.constant 0 : i32
      %parallel_loop3A_557 = arith.constant 0 : i32
      %parallel_loop3A_558 = arith.constant 0 : i32
      %parallel_loop3A_559 = arith.index_cast %parallel_loop3A_556 : i32 to index
      %parallel_loop3A_560 = arith.index_cast %parallel_loop3A_557 : i32 to index
      %parallel_loop3A_561 = arith.index_cast %parallel_loop3A_558 : i32 to index
      %parallel_loop3A_562 = arith.index_cast %parallel_loop3A_514 : i32 to index
      %parallel_loop3A_563 = tpu.vector_load %arg9[%parallel_loop3A_559, %parallel_loop3A_560, %parallel_loop3A_561, %parallel_loop3A_562] {strides = array<i32>} : memref<3x2x4x3328xf32, #tpu.memory_space<vmem>>, vector<16xf32>,
      tpu.vector_store %arg9[%parallel_loop3A_559, %parallel_loop3A_560, %parallel_loop3A_561, %parallel_loop3A_562], %parallel_loop3A_555 {strides = array<i32>} : memref<3x2x4x3328xf32, #tpu.memory_space<vmem>>, vector<16xf32>,
      %parallel_loop3A_564 = arith.constant 819 : i32
      %parallel_loop3A_565 = vector.broadcast %parallel_loop3A_564 : i32 to vector<16xi32>
      %parallel_loop3A_566 = arith.addi %parallel_loop3A_518, %parallel_loop3A_565 : vector<16xi32>
      %parallel_loop3A_567 = tpu.vector_load_idx %arg6[%parallel_loop3A_566] : memref<19656xf32, #tpu.memory_space<vmem>>[vector<16xi32>], vector<16xf32>,
      %parallel_loop3A_568 = arith.mulf %parallel_loop3A_567, %parallel_loop3A_530 : vector<16xf32>
      %parallel_loop3A_569 = arith.constant 819 : i32
      %parallel_loop3A_570 = vector.broadcast %parallel_loop3A_569 : i32 to vector<16xi32>
      %parallel_loop3A_571 = arith.addi %parallel_loop3A_522, %parallel_loop3A_570 : vector<16xi32>
      %parallel_loop3A_572 = tpu.vector_load_idx %arg6[%parallel_loop3A_571] : memref<19656xf32, #tpu.memory_space<vmem>>[vector<16xi32>], vector<16xf32>,
      %parallel_loop3A_573 = arith.mulf %parallel_loop3A_572, %parallel_loop3A_534 : vector<16xf32>
      %parallel_loop3A_574 = arith.addf %parallel_loop3A_568, %parallel_loop3A_573 : vector<16xf32>
      %parallel_loop3A_575 = arith.constant 819 : i32
      %parallel_loop3A_576 = vector.broadcast %parallel_loop3A_575 : i32 to vector<16xi32>
      %parallel_loop3A_577 = arith.addi %parallel_loop3A_526, %parallel_loop3A_576 : vector<16xi32>
      %parallel_loop3A_578 = tpu.vector_load_idx %arg6[%parallel_loop3A_577] : memref<19656xf32, #tpu.memory_space<vmem>>[vector<16xi32>], vector<16xf32>,
      %parallel_loop3A_579 = arith.mulf %parallel_loop3A_578, %parallel_loop3A_538 : vector<16xf32>
      %parallel_loop3A_580 = arith.addf %parallel_loop3A_574, %parallel_loop3A_579 : vector<16xf32>
      %parallel_loop3A_581 = arith.constant 1 : i32
      %parallel_loop3A_582 = arith.constant 0 : i32
      %parallel_loop3A_583 = arith.constant 0 : i32
      %parallel_loop3A_584 = arith.index_cast %parallel_loop3A_581 : i32 to index
      %parallel_loop3A_585 = arith.index_cast %parallel_loop3A_582 : i32 to index
      %parallel_loop3A_586 = arith.index_cast %parallel_loop3A_583 : i32 to index
      %parallel_loop3A_587 = arith.index_cast %parallel_loop3A_514 : i32 to index
      %parallel_loop3A_588 = tpu.vector_load %arg9[%parallel_loop3A_584, %parallel_loop3A_585, %parallel_loop3A_586, %parallel_loop3A_587] {strides = array<i32>} : memref<3x2x4x3328xf32, #tpu.memory_space<vmem>>, vector<16xf32>,
      tpu.vector_store %arg9[%parallel_loop3A_584, %parallel_loop3A_585, %parallel_loop3A_586, %parallel_loop3A_587], %parallel_loop3A_580 {strides = array<i32>} : memref<3x2x4x3328xf32, #tpu.memory_space<vmem>>, vector<16xf32>,
      %parallel_loop3A_589 = arith.constant 1638 : i32
      %parallel_loop3A_590 = vector.broadcast %parallel_loop3A_589 : i32 to vector<16xi32>
      %parallel_loop3A_591 = arith.addi %parallel_loop3A_518, %parallel_loop3A_590 : vector<16xi32>
      %parallel_loop3A_592 = tpu.vector_load_idx %arg6[%parallel_loop3A_591] : memref<19656xf32, #tpu.memory_space<vmem>>[vector<16xi32>], vector<16xf32>,
      %parallel_loop3A_593 = arith.mulf %parallel_loop3A_592, %parallel_loop3A_530 : vector<16xf32>
      %parallel_loop3A_594 = arith.constant 1638 : i32
      %parallel_loop3A_595 = vector.broadcast %parallel_loop3A_594 : i32 to vector<16xi32>
      %parallel_loop3A_596 = arith.addi %parallel_loop3A_522, %parallel_loop3A_595 : vector<16xi32>
      %parallel_loop3A_597 = tpu.vector_load_idx %arg6[%parallel_loop3A_596] : memref<19656xf32, #tpu.memory_space<vmem>>[vector<16xi32>], vector<16xf32>,
      %parallel_loop3A_598 = arith.mulf %parallel_loop3A_597, %parallel_loop3A_534 : vector<16xf32>
      %parallel_loop3A_599 = arith.addf %parallel_loop3A_593, %parallel_loop3A_598 : vector<16xf32>
      %parallel_loop3A_600 = arith.constant 1638 : i32
      %parallel_loop3A_601 = vector.broadcast %parallel_loop3A_600 : i32 to vector<16xi32>
      %parallel_loop3A_602 = arith.addi %parallel_loop3A_526, %parallel_loop3A_601 : vector<16xi32>
      %parallel_loop3A_603 = tpu.vector_load_idx %arg6[%parallel_loop3A_602] : memref<19656xf32, #tpu.memory_space<vmem>>[vector<16xi32>], vector<16xf32>,
      %parallel_loop3A_604 = arith.mulf %parallel_loop3A_603, %parallel_loop3A_538 : vector<16xf32>
      %parallel_loop3A_605 = arith.addf %parallel_loop3A_599, %parallel_loop3A_604 : vector<16xf32>
      %parallel_loop3A_606 = arith.constant 2 : i32
      %parallel_loop3A_607 = arith.constant 0 : i32
      %parallel_loop3A_608 = arith.constant 0 : i32
      %parallel_loop3A_609 = arith.index_cast %parallel_loop3A_606 : i32 to index
      %parallel_loop3A_610 = arith.index_cast %parallel_loop3A_607 : i32 to index
      %parallel_loop3A_611 = arith.index_cast %parallel_loop3A_608 : i32 to index
      %parallel_loop3A_612 = arith.index_cast %parallel_loop3A_514 : i32 to index
      %parallel_loop3A_613 = tpu.vector_load %arg9[%parallel_loop3A_609, %parallel_loop3A_610, %parallel_loop3A_611, %parallel_loop3A_612] {strides = array<i32>} : memref<3x2x4x3328xf32, #tpu.memory_space<vmem>>, vector<16xf32>,
      tpu.vector_store %arg9[%parallel_loop3A_609, %parallel_loop3A_610, %parallel_loop3A_611, %parallel_loop3A_612], %parallel_loop3A_605 {strides = array<i32>} : memref<3x2x4x3328xf32, #tpu.memory_space<vmem>>, vector<16xf32>,
      %parallel_loop3A_614 = arith.constant 2457 : i32
      %parallel_loop3A_615 = vector.broadcast %parallel_loop3A_614 : i32 to vector<16xi32>
      %parallel_loop3A_616 = arith.addi %parallel_loop3A_518, %parallel_loop3A_615 : vector<16xi32>
      %parallel_loop3A_617 = tpu.vector_load_idx %arg6[%parallel_loop3A_616] : memref<19656xf32, #tpu.memory_space<vmem>>[vector<16xi32>], vector<16xf32>,
      %parallel_loop3A_618 = arith.mulf %parallel_loop3A_617, %parallel_loop3A_530 : vector<16xf32>
      %parallel_loop3A_619 = arith.constant 2457 : i32
      %parallel_loop3A_620 = vector.broadcast %parallel_loop3A_619 : i32 to vector<16xi32>
      %parallel_loop3A_621 = arith.addi %parallel_loop3A_522, %parallel_loop3A_620 : vector<16xi32>
      %parallel_loop3A_622 = tpu.vector_load_idx %arg6[%parallel_loop3A_621] : memref<19656xf32, #tpu.memory_space<vmem>>[vector<16xi32>], vector<16xf32>,
      %parallel_loop3A_623 = arith.mulf %parallel_loop3A_622, %parallel_loop3A_534 : vector<16xf32>
      %parallel_loop3A_624 = arith.addf %parallel_loop3A_618, %parallel_loop3A_623 : vector<16xf32>
      %parallel_loop3A_625 = arith.constant 2457 : i32
      %parallel_loop3A_626 = vector.broadcast %parallel_loop3A_625 : i32 to vector<16xi32>
      %parallel_loop3A_627 = arith.addi %parallel_loop3A_526, %parallel_loop3A_626 : vector<16xi32>
      %parallel_loop3A_628 = tpu.vector_load_idx %arg6[%parallel_loop3A_627] : memref<19656xf32, #tpu.memory_space<vmem>>[vector<16xi32>], vector<16xf32>,
      %parallel_loop3A_629 = arith.mulf %parallel_loop3A_628, %parallel_loop3A_538 : vector<16xf32>
      %parallel_loop3A_630 = arith.addf %parallel_loop3A_624, %parallel_loop3A_629 : vector<16xf32>
      %parallel_loop3A_631 = arith.constant 0 : i32
      %parallel_loop3A_632 = arith.constant 0 : i32
      %parallel_loop3A_633 = arith.constant 1 : i32
      %parallel_loop3A_634 = arith.index_cast %parallel_loop3A_631 : i32 to index
      %parallel_loop3A_635 = arith.index_cast %parallel_loop3A_632 : i32 to index
      %parallel_loop3A_636 = arith.index_cast %parallel_loop3A_633 : i32 to index
      %parallel_loop3A_637 = arith.index_cast %parallel_loop3A_514 : i32 to index
      %parallel_loop3A_638 = tpu.vector_load %arg9[%parallel_loop3A_634, %parallel_loop3A_635, %parallel_loop3A_636, %parallel_loop3A_637] {strides = array<i32>} : memref<3x2x4x3328xf32, #tpu.memory_space<vmem>>, vector<16xf32>,
      tpu.vector_store %arg9[%parallel_loop3A_634, %parallel_loop3A_635, %parallel_loop3A_636, %parallel_loop3A_637], %parallel_loop3A_630 {strides = array<i32>} : memref<3x2x4x3328xf32, #tpu.memory_space<vmem>>, vector<16xf32>,
      %parallel_loop3A_639 = arith.constant 3276 : i32
      %parallel_loop3A_640 = vector.broadcast %parallel_loop3A_639 : i32 to vector<16xi32>
      %parallel_loop3A_641 = arith.addi %parallel_loop3A_518, %parallel_loop3A_640 : vector<16xi32>
      %parallel_loop3A_642 = tpu.vector_load_idx %arg6[%parallel_loop3A_641] : memref<19656xf32, #tpu.memory_space<vmem>>[vector<16xi32>], vector<16xf32>,
      %parallel_loop3A_643 = arith.mulf %parallel_loop3A_642, %parallel_loop3A_530 : vector<16xf32>
      %parallel_loop3A_644 = arith.constant 3276 : i32
      %parallel_loop3A_645 = vector.broadcast %parallel_loop3A_644 : i32 to vector<16xi32>
      %parallel_loop3A_646 = arith.addi %parallel_loop3A_522, %parallel_loop3A_645 : vector<16xi32>
      %parallel_loop3A_647 = tpu.vector_load_idx %arg6[%parallel_loop3A_646] : memref<19656xf32, #tpu.memory_space<vmem>>[vector<16xi32>], vector<16xf32>,
      %parallel_loop3A_648 = arith.mulf %parallel_loop3A_647, %parallel_loop3A_534 : vector<16xf32>
      %parallel_loop3A_649 = arith.addf %parallel_loop3A_643, %parallel_loop3A_648 : vector<16xf32>
      %parallel_loop3A_650 = arith.constant 3276 : i32
      %parallel_loop3A_651 = vector.broadcast %parallel_loop3A_650 : i32 to vector<16xi32>
      %parallel_loop3A_652 = arith.addi %parallel_loop3A_526, %parallel_loop3A_651 : vector<16xi32>
      %parallel_loop3A_653 = tpu.vector_load_idx %arg6[%parallel_loop3A_652] : memref<19656xf32, #tpu.memory_space<vmem>>[vector<16xi32>], vector<16xf32>,
      %parallel_loop3A_654 = arith.mulf %parallel_loop3A_653, %parallel_loop3A_538 : vector<16xf32>
      %parallel_loop3A_655 = arith.addf %parallel_loop3A_649, %parallel_loop3A_654 : vector<16xf32>
      %parallel_loop3A_656 = arith.constant 1 : i32
      %parallel_loop3A_657 = arith.constant 0 : i32
      %parallel_loop3A_658 = arith.constant 1 : i32
      %parallel_loop3A_659 = arith.index_cast %parallel_loop3A_656 : i32 to index
      %parallel_loop3A_660 = arith.index_cast %parallel_loop3A_657 : i32 to index
      %parallel_loop3A_661 = arith.index_cast %parallel_loop3A_658 : i32 to index
      %parallel_loop3A_662 = arith.index_cast %parallel_loop3A_514 : i32 to index
      %parallel_loop3A_663 = tpu.vector_load %arg9[%parallel_loop3A_659, %parallel_loop3A_660, %parallel_loop3A_661, %parallel_loop3A_662] {strides = array<i32>} : memref<3x2x4x3328xf32, #tpu.memory_space<vmem>>, vector<16xf32>,
      tpu.vector_store %arg9[%parallel_loop3A_659, %parallel_loop3A_660, %parallel_loop3A_661, %parallel_loop3A_662], %parallel_loop3A_655 {strides = array<i32>} : memref<3x2x4x3328xf32, #tpu.memory_space<vmem>>, vector<16xf32>,
      %parallel_loop3A_664 = arith.constant 4095 : i32
      %parallel_loop3A_665 = vector.broadcast %parallel_loop3A_664 : i32 to vector<16xi32>
      %parallel_loop3A_666 = arith.addi %parallel_loop3A_518, %parallel_loop3A_665 : vector<16xi32>
      %parallel_loop3A_667 = tpu.vector_load_idx %arg6[%parallel_loop3A_666] : memref<19656xf32, #tpu.memory_space<vmem>>[vector<16xi32>], vector<16xf32>,
      %parallel_loop3A_668 = arith.mulf %parallel_loop3A_667, %parallel_loop3A_530 : vector<16xf32>
      %parallel_loop3A_669 = arith.constant 4095 : i32
      %parallel_loop3A_670 = vector.broadcast %parallel_loop3A_669 : i32 to vector<16xi32>
      %parallel_loop3A_671 = arith.addi %parallel_loop3A_522, %parallel_loop3A_670 : vector<16xi32>
      %parallel_loop3A_672 = tpu.vector_load_idx %arg6[%parallel_loop3A_671] : memref<19656xf32, #tpu.memory_space<vmem>>[vector<16xi32>], vector<16xf32>,
      %parallel_loop3A_673 = arith.mulf %parallel_loop3A_672, %parallel_loop3A_534 : vector<16xf32>
      %parallel_loop3A_674 = arith.addf %parallel_loop3A_668, %parallel_loop3A_673 : vector<16xf32>
      %parallel_loop3A_675 = arith.constant 4095 : i32
      %parallel_loop3A_676 = vector.broadcast %parallel_loop3A_675 : i32 to vector<16xi32>
      %parallel_loop3A_677 = arith.addi %parallel_loop3A_526, %parallel_loop3A_676 : vector<16xi32>
      %parallel_loop3A_678 = tpu.vector_load_idx %arg6[%parallel_loop3A_677] : memref<19656xf32, #tpu.memory_space<vmem>>[vector<16xi32>], vector<16xf32>,
      %parallel_loop3A_679 = arith.mulf %parallel_loop3A_678, %parallel_loop3A_538 : vector<16xf32>
      %parallel_loop3A_680 = arith.addf %parallel_loop3A_674, %parallel_loop3A_679 : vector<16xf32>
      %parallel_loop3A_681 = arith.constant 2 : i32
      %parallel_loop3A_682 = arith.constant 0 : i32
      %parallel_loop3A_683 = arith.constant 1 : i32
      %parallel_loop3A_684 = arith.index_cast %parallel_loop3A_681 : i32 to index
      %parallel_loop3A_685 = arith.index_cast %parallel_loop3A_682 : i32 to index
      %parallel_loop3A_686 = arith.index_cast %parallel_loop3A_683 : i32 to index
      %parallel_loop3A_687 = arith.index_cast %parallel_loop3A_514 : i32 to index
      %parallel_loop3A_688 = tpu.vector_load %arg9[%parallel_loop3A_684, %parallel_loop3A_685, %parallel_loop3A_686, %parallel_loop3A_687] {strides = array<i32>} : memref<3x2x4x3328xf32, #tpu.memory_space<vmem>>, vector<16xf32>,
      tpu.vector_store %arg9[%parallel_loop3A_684, %parallel_loop3A_685, %parallel_loop3A_686, %parallel_loop3A_687], %parallel_loop3A_680 {strides = array<i32>} : memref<3x2x4x3328xf32, #tpu.memory_space<vmem>>, vector<16xf32>,
      %parallel_loop3A_689 = arith.constant 4914 : i32
      %parallel_loop3A_690 = vector.broadcast %parallel_loop3A_689 : i32 to vector<16xi32>
      %parallel_loop3A_691 = arith.addi %parallel_loop3A_518, %parallel_loop3A_690 : vector<16xi32>
      %parallel_loop3A_692 = tpu.vector_load_idx %arg6[%parallel_loop3A_691] : memref<19656xf32, #tpu.memory_space<vmem>>[vector<16xi32>], vector<16xf32>,
      %parallel_loop3A_693 = arith.mulf %parallel_loop3A_692, %parallel_loop3A_530 : vector<16xf32>
      %parallel_loop3A_694 = arith.constant 4914 : i32
      %parallel_loop3A_695 = vector.broadcast %parallel_loop3A_694 : i32 to vector<16xi32>
      %parallel_loop3A_696 = arith.addi %parallel_loop3A_522, %parallel_loop3A_695 : vector<16xi32>
      %parallel_loop3A_697 = tpu.vector_load_idx %arg6[%parallel_loop3A_696] : memref<19656xf32, #tpu.memory_space<vmem>>[vector<16xi32>], vector<16xf32>,
      %parallel_loop3A_698 = arith.mulf %parallel_loop3A_697, %parallel_loop3A_534 : vector<16xf32>
      %parallel_loop3A_699 = arith.addf %parallel_loop3A_693, %parallel_loop3A_698 : vector<16xf32>
      %parallel_loop3A_700 = arith.constant 4914 : i32
      %parallel_loop3A_701 = vector.broadcast %parallel_loop3A_700 : i32 to vector<16xi32>
      %parallel_loop3A_702 = arith.addi %parallel_loop3A_526, %parallel_loop3A_701 : vector<16xi32>
      %parallel_loop3A_703 = tpu.vector_load_idx %arg6[%parallel_loop3A_702] : memref<19656xf32, #tpu.memory_space<vmem>>[vector<16xi32>], vector<16xf32>,
      %parallel_loop3A_704 = arith.mulf %parallel_loop3A_703, %parallel_loop3A_538 : vector<16xf32>
      %parallel_loop3A_705 = arith.addf %parallel_loop3A_699, %parallel_loop3A_704 : vector<16xf32>
      %parallel_loop3A_706 = arith.constant 0 : i32
      %parallel_loop3A_707 = arith.constant 0 : i32
      %parallel_loop3A_708 = arith.constant 2 : i32
      %parallel_loop3A_709 = arith.index_cast %parallel_loop3A_706 : i32 to index
      %parallel_loop3A_710 = arith.index_cast %parallel_loop3A_707 : i32 to index
      %parallel_loop3A_711 = arith.index_cast %parallel_loop3A_708 : i32 to index
      %parallel_loop3A_712 = arith.index_cast %parallel_loop3A_514 : i32 to index
      %parallel_loop3A_713 = tpu.vector_load %arg9[%parallel_loop3A_709, %parallel_loop3A_710, %parallel_loop3A_711, %parallel_loop3A_712] {strides = array<i32>} : memref<3x2x4x3328xf32, #tpu.memory_space<vmem>>, vector<16xf32>,
      tpu.vector_store %arg9[%parallel_loop3A_709, %parallel_loop3A_710, %parallel_loop3A_711, %parallel_loop3A_712], %parallel_loop3A_705 {strides = array<i32>} : memref<3x2x4x3328xf32, #tpu.memory_space<vmem>>, vector<16xf32>,
      %parallel_loop3A_714 = arith.constant 5733 : i32
      %parallel_loop3A_715 = vector.broadcast %parallel_loop3A_714 : i32 to vector<16xi32>
      %parallel_loop3A_716 = arith.addi %parallel_loop3A_518, %parallel_loop3A_715 : vector<16xi32>
      %parallel_loop3A_717 = tpu.vector_load_idx %arg6[%parallel_loop3A_716] : memref<19656xf32, #tpu.memory_space<vmem>>[vector<16xi32>], vector<16xf32>,
      %parallel_loop3A_718 = arith.mulf %parallel_loop3A_717, %parallel_loop3A_530 : vector<16xf32>
      %parallel_loop3A_719 = arith.constant 5733 : i32
      %parallel_loop3A_720 = vector.broadcast %parallel_loop3A_719 : i32 to vector<16xi32>
      %parallel_loop3A_721 = arith.addi %parallel_loop3A_522, %parallel_loop3A_720 : vector<16xi32>
      %parallel_loop3A_722 = tpu.vector_load_idx %arg6[%parallel_loop3A_721] : memref<19656xf32, #tpu.memory_space<vmem>>[vector<16xi32>], vector<16xf32>,
      %parallel_loop3A_723 = arith.mulf %parallel_loop3A_722, %parallel_loop3A_534 : vector<16xf32>
      %parallel_loop3A_724 = arith.addf %parallel_loop3A_718, %parallel_loop3A_723 : vector<16xf32>
      %parallel_loop3A_725 = arith.constant 5733 : i32
      %parallel_loop3A_726 = vector.broadcast %parallel_loop3A_725 : i32 to vector<16xi32>
      %parallel_loop3A_727 = arith.addi %parallel_loop3A_526, %parallel_loop3A_726 : vector<16xi32>
      %parallel_loop3A_728 = tpu.vector_load_idx %arg6[%parallel_loop3A_727] : memref<19656xf32, #tpu.memory_space<vmem>>[vector<16xi32>], vector<16xf32>,
      %parallel_loop3A_729 = arith.mulf %parallel_loop3A_728, %parallel_loop3A_538 : vector<16xf32>
      %parallel_loop3A_730 = arith.addf %parallel_loop3A_724, %parallel_loop3A_729 : vector<16xf32>
      %parallel_loop3A_731 = arith.constant 1 : i32
      %parallel_loop3A_732 = arith.constant 0 : i32
      %parallel_loop3A_733 = arith.constant 2 : i32
      %parallel_loop3A_734 = arith.index_cast %parallel_loop3A_731 : i32 to index
      %parallel_loop3A_735 = arith.index_cast %parallel_loop3A_732 : i32 to index
      %parallel_loop3A_736 = arith.index_cast %parallel_loop3A_733 : i32 to index
      %parallel_loop3A_737 = arith.index_cast %parallel_loop3A_514 : i32 to index
      %parallel_loop3A_738 = tpu.vector_load %arg9[%parallel_loop3A_734, %parallel_loop3A_735, %parallel_loop3A_736, %parallel_loop3A_737] {strides = array<i32>} : memref<3x2x4x3328xf32, #tpu.memory_space<vmem>>, vector<16xf32>,
      tpu.vector_store %arg9[%parallel_loop3A_734, %parallel_loop3A_735, %parallel_loop3A_736, %parallel_loop3A_737], %parallel_loop3A_730 {strides = array<i32>} : memref<3x2x4x3328xf32, #tpu.memory_space<vmem>>, vector<16xf32>,
      %parallel_loop3A_739 = arith.constant 6552 : i32
      %parallel_loop3A_740 = vector.broadcast %parallel_loop3A_739 : i32 to vector<16xi32>
      %parallel_loop3A_741 = arith.addi %parallel_loop3A_518, %parallel_loop3A_740 : vector<16xi32>
      %parallel_loop3A_742 = tpu.vector_load_idx %arg6[%parallel_loop3A_741] : memref<19656xf32, #tpu.memory_space<vmem>>[vector<16xi32>], vector<16xf32>,
      %parallel_loop3A_743 = arith.mulf %parallel_loop3A_742, %parallel_loop3A_530 : vector<16xf32>
      %parallel_loop3A_744 = arith.constant 6552 : i32
      %parallel_loop3A_745 = vector.broadcast %parallel_loop3A_744 : i32 to vector<16xi32>
      %parallel_loop3A_746 = arith.addi %parallel_loop3A_522, %parallel_loop3A_745 : vector<16xi32>
      %parallel_loop3A_747 = tpu.vector_load_idx %arg6[%parallel_loop3A_746] : memref<19656xf32, #tpu.memory_space<vmem>>[vector<16xi32>], vector<16xf32>,
      %parallel_loop3A_748 = arith.mulf %parallel_loop3A_747, %parallel_loop3A_534 : vector<16xf32>
      %parallel_loop3A_749 = arith.addf %parallel_loop3A_743, %parallel_loop3A_748 : vector<16xf32>
      %parallel_loop3A_750 = arith.constant 6552 : i32
      %parallel_loop3A_751 = vector.broadcast %parallel_loop3A_750 : i32 to vector<16xi32>
      %parallel_loop3A_752 = arith.addi %parallel_loop3A_526, %parallel_loop3A_751 : vector<16xi32>
      %parallel_loop3A_753 = tpu.vector_load_idx %arg6[%parallel_loop3A_752] : memref<19656xf32, #tpu.memory_space<vmem>>[vector<16xi32>], vector<16xf32>,
      %parallel_loop3A_754 = arith.mulf %parallel_loop3A_753, %parallel_loop3A_538 : vector<16xf32>
      %parallel_loop3A_755 = arith.addf %parallel_loop3A_749, %parallel_loop3A_754 : vector<16xf32>
      %parallel_loop3A_756 = arith.constant 2 : i32
      %parallel_loop3A_757 = arith.constant 0 : i32
      %parallel_loop3A_758 = arith.constant 2 : i32
      %parallel_loop3A_759 = arith.index_cast %parallel_loop3A_756 : i32 to index
      %parallel_loop3A_760 = arith.index_cast %parallel_loop3A_757 : i32 to index
      %parallel_loop3A_761 = arith.index_cast %parallel_loop3A_758 : i32 to index
      %parallel_loop3A_762 = arith.index_cast %parallel_loop3A_514 : i32 to index
      %parallel_loop3A_763 = tpu.vector_load %arg9[%parallel_loop3A_759, %parallel_loop3A_760, %parallel_loop3A_761, %parallel_loop3A_762] {strides = array<i32>} : memref<3x2x4x3328xf32, #tpu.memory_space<vmem>>, vector<16xf32>,
      tpu.vector_store %arg9[%parallel_loop3A_759, %parallel_loop3A_760, %parallel_loop3A_761, %parallel_loop3A_762], %parallel_loop3A_755 {strides = array<i32>} : memref<3x2x4x3328xf32, #tpu.memory_space<vmem>>, vector<16xf32>,
      %parallel_loop3A_764 = arith.constant 7371 : i32
      %parallel_loop3A_765 = vector.broadcast %parallel_loop3A_764 : i32 to vector<16xi32>
      %parallel_loop3A_766 = arith.addi %parallel_loop3A_518, %parallel_loop3A_765 : vector<16xi32>
      %parallel_loop3A_767 = tpu.vector_load_idx %arg6[%parallel_loop3A_766] : memref<19656xf32, #tpu.memory_space<vmem>>[vector<16xi32>], vector<16xf32>,
      %parallel_loop3A_768 = arith.mulf %parallel_loop3A_767, %parallel_loop3A_530 : vector<16xf32>
      %parallel_loop3A_769 = arith.constant 7371 : i32
      %parallel_loop3A_770 = vector.broadcast %parallel_loop3A_769 : i32 to vector<16xi32>
      %parallel_loop3A_771 = arith.addi %parallel_loop3A_522, %parallel_loop3A_770 : vector<16xi32>
      %parallel_loop3A_772 = tpu.vector_load_idx %arg6[%parallel_loop3A_771] : memref<19656xf32, #tpu.memory_space<vmem>>[vector<16xi32>], vector<16xf32>,
      %parallel_loop3A_773 = arith.mulf %parallel_loop3A_772, %parallel_loop3A_534 : vector<16xf32>
      %parallel_loop3A_774 = arith.addf %parallel_loop3A_768, %parallel_loop3A_773 : vector<16xf32>
      %parallel_loop3A_775 = arith.constant 7371 : i32
      %parallel_loop3A_776 = vector.broadcast %parallel_loop3A_775 : i32 to vector<16xi32>
      %parallel_loop3A_777 = arith.addi %parallel_loop3A_526, %parallel_loop3A_776 : vector<16xi32>
      %parallel_loop3A_778 = tpu.vector_load_idx %arg6[%parallel_loop3A_777] : memref<19656xf32, #tpu.memory_space<vmem>>[vector<16xi32>], vector<16xf32>,
      %parallel_loop3A_779 = arith.mulf %parallel_loop3A_778, %parallel_loop3A_538 : vector<16xf32>
      %parallel_loop3A_780 = arith.addf %parallel_loop3A_774, %parallel_loop3A_779 : vector<16xf32>
      %parallel_loop3A_781 = arith.constant 0 : i32
      %parallel_loop3A_782 = arith.constant 0 : i32
      %parallel_loop3A_783 = arith.constant 3 : i32
      %parallel_loop3A_784 = arith.index_cast %parallel_loop3A_781 : i32 to index
      %parallel_loop3A_785 = arith.index_cast %parallel_loop3A_782 : i32 to index
      %parallel_loop3A_786 = arith.index_cast %parallel_loop3A_783 : i32 to index
      %parallel_loop3A_787 = arith.index_cast %parallel_loop3A_514 : i32 to index
      %parallel_loop3A_788 = tpu.vector_load %arg9[%parallel_loop3A_784, %parallel_loop3A_785, %parallel_loop3A_786, %parallel_loop3A_787] {strides = array<i32>} : memref<3x2x4x3328xf32, #tpu.memory_space<vmem>>, vector<16xf32>,
      tpu.vector_store %arg9[%parallel_loop3A_784, %parallel_loop3A_785, %parallel_loop3A_786, %parallel_loop3A_787], %parallel_loop3A_780 {strides = array<i32>} : memref<3x2x4x3328xf32, #tpu.memory_space<vmem>>, vector<16xf32>,
      %parallel_loop3A_789 = arith.constant 8190 : i32
      %parallel_loop3A_790 = vector.broadcast %parallel_loop3A_789 : i32 to vector<16xi32>
      %parallel_loop3A_791 = arith.addi %parallel_loop3A_518, %parallel_loop3A_790 : vector<16xi32>
      %parallel_loop3A_792 = tpu.vector_load_idx %arg6[%parallel_loop3A_791] : memref<19656xf32, #tpu.memory_space<vmem>>[vector<16xi32>], vector<16xf32>,
      %parallel_loop3A_793 = arith.mulf %parallel_loop3A_792, %parallel_loop3A_530 : vector<16xf32>
      %parallel_loop3A_794 = arith.constant 8190 : i32
      %parallel_loop3A_795 = vector.broadcast %parallel_loop3A_794 : i32 to vector<16xi32>
      %parallel_loop3A_796 = arith.addi %parallel_loop3A_522, %parallel_loop3A_795 : vector<16xi32>
      %parallel_loop3A_797 = tpu.vector_load_idx %arg6[%parallel_loop3A_796] : memref<19656xf32, #tpu.memory_space<vmem>>[vector<16xi32>], vector<16xf32>,
      %parallel_loop3A_798 = arith.mulf %parallel_loop3A_797, %parallel_loop3A_534 : vector<16xf32>
      %parallel_loop3A_799 = arith.addf %parallel_loop3A_793, %parallel_loop3A_798 : vector<16xf32>
      %parallel_loop3A_800 = arith.constant 8190 : i32
      %parallel_loop3A_801 = vector.broadcast %parallel_loop3A_800 : i32 to vector<16xi32>
      %parallel_loop3A_802 = arith.addi %parallel_loop3A_526, %parallel_loop3A_801 : vector<16xi32>
      %parallel_loop3A_803 = tpu.vector_load_idx %arg6[%parallel_loop3A_802] : memref<19656xf32, #tpu.memory_space<vmem>>[vector<16xi32>], vector<16xf32>,
      %parallel_loop3A_804 = arith.mulf %parallel_loop3A_803, %parallel_loop3A_538 : vector<16xf32>
      %parallel_loop3A_805 = arith.addf %parallel_loop3A_799, %parallel_loop3A_804 : vector<16xf32>
      %parallel_loop3A_806 = arith.constant 1 : i32
      %parallel_loop3A_807 = arith.constant 0 : i32
      %parallel_loop3A_808 = arith.constant 3 : i32
      %parallel_loop3A_809 = arith.index_cast %parallel_loop3A_806 : i32 to index
      %parallel_loop3A_810 = arith.index_cast %parallel_loop3A_807 : i32 to index
      %parallel_loop3A_811 = arith.index_cast %parallel_loop3A_808 : i32 to index
      %parallel_loop3A_812 = arith.index_cast %parallel_loop3A_514 : i32 to index
      %parallel_loop3A_813 = tpu.vector_load %arg9[%parallel_loop3A_809, %parallel_loop3A_810, %parallel_loop3A_811, %parallel_loop3A_812] {strides = array<i32>} : memref<3x2x4x3328xf32, #tpu.memory_space<vmem>>, vector<16xf32>,
      tpu.vector_store %arg9[%parallel_loop3A_809, %parallel_loop3A_810, %parallel_loop3A_811, %parallel_loop3A_812], %parallel_loop3A_805 {strides = array<i32>} : memref<3x2x4x3328xf32, #tpu.memory_space<vmem>>, vector<16xf32>,
      %parallel_loop3A_814 = arith.constant 9009 : i32
      %parallel_loop3A_815 = vector.broadcast %parallel_loop3A_814 : i32 to vector<16xi32>
      %parallel_loop3A_816 = arith.addi %parallel_loop3A_518, %parallel_loop3A_815 : vector<16xi32>
      %parallel_loop3A_817 = tpu.vector_load_idx %arg6[%parallel_loop3A_816] : memref<19656xf32, #tpu.memory_space<vmem>>[vector<16xi32>], vector<16xf32>,
      %parallel_loop3A_818 = arith.mulf %parallel_loop3A_817, %parallel_loop3A_530 : vector<16xf32>
      %parallel_loop3A_819 = arith.constant 9009 : i32
      %parallel_loop3A_820 = vector.broadcast %parallel_loop3A_819 : i32 to vector<16xi32>
      %parallel_loop3A_821 = arith.addi %parallel_loop3A_522, %parallel_loop3A_820 : vector<16xi32>
      %parallel_loop3A_822 = tpu.vector_load_idx %arg6[%parallel_loop3A_821] : memref<19656xf32, #tpu.memory_space<vmem>>[vector<16xi32>], vector<16xf32>,
      %parallel_loop3A_823 = arith.mulf %parallel_loop3A_822, %parallel_loop3A_534 : vector<16xf32>
      %parallel_loop3A_824 = arith.addf %parallel_loop3A_818, %parallel_loop3A_823 : vector<16xf32>
      %parallel_loop3A_825 = arith.constant 9009 : i32
      %parallel_loop3A_826 = vector.broadcast %parallel_loop3A_825 : i32 to vector<16xi32>
      %parallel_loop3A_827 = arith.addi %parallel_loop3A_526, %parallel_loop3A_826 : vector<16xi32>
      %parallel_loop3A_828 = tpu.vector_load_idx %arg6[%parallel_loop3A_827] : memref<19656xf32, #tpu.memory_space<vmem>>[vector<16xi32>], vector<16xf32>,
      %parallel_loop3A_829 = arith.mulf %parallel_loop3A_828, %parallel_loop3A_538 : vector<16xf32>
      %parallel_loop3A_830 = arith.addf %parallel_loop3A_824, %parallel_loop3A_829 : vector<16xf32>
      %parallel_loop3A_831 = arith.constant 2 : i32
      %parallel_loop3A_832 = arith.constant 0 : i32
      %parallel_loop3A_833 = arith.constant 3 : i32
      %parallel_loop3A_834 = arith.index_cast %parallel_loop3A_831 : i32 to index
      %parallel_loop3A_835 = arith.index_cast %parallel_loop3A_832 : i32 to index
      %parallel_loop3A_836 = arith.index_cast %parallel_loop3A_833 : i32 to index
      %parallel_loop3A_837 = arith.index_cast %parallel_loop3A_514 : i32 to index
      %parallel_loop3A_838 = tpu.vector_load %arg9[%parallel_loop3A_834, %parallel_loop3A_835, %parallel_loop3A_836, %parallel_loop3A_837] {strides = array<i32>} : memref<3x2x4x3328xf32, #tpu.memory_space<vmem>>, vector<16xf32>,
      tpu.vector_store %arg9[%parallel_loop3A_834, %parallel_loop3A_835, %parallel_loop3A_836, %parallel_loop3A_837], %parallel_loop3A_830 {strides = array<i32>} : memref<3x2x4x3328xf32, #tpu.memory_space<vmem>>, vector<16xf32>,
      %parallel_loop3A_839 = arith.constant 9828 : i32
      %parallel_loop3A_840 = vector.broadcast %parallel_loop3A_839 : i32 to vector<16xi32>
      %parallel_loop3A_841 = arith.addi %parallel_loop3A_518, %parallel_loop3A_840 : vector<16xi32>
      %parallel_loop3A_842 = tpu.vector_load_idx %arg6[%parallel_loop3A_841] : memref<19656xf32, #tpu.memory_space<vmem>>[vector<16xi32>], vector<16xf32>,
      %parallel_loop3A_843 = arith.mulf %parallel_loop3A_842, %parallel_loop3A_530 : vector<16xf32>
      %parallel_loop3A_844 = arith.constant 9828 : i32
      %parallel_loop3A_845 = vector.broadcast %parallel_loop3A_844 : i32 to vector<16xi32>
      %parallel_loop3A_846 = arith.addi %parallel_loop3A_522, %parallel_loop3A_845 : vector<16xi32>
      %parallel_loop3A_847 = tpu.vector_load_idx %arg6[%parallel_loop3A_846] : memref<19656xf32, #tpu.memory_space<vmem>>[vector<16xi32>], vector<16xf32>,
      %parallel_loop3A_848 = arith.mulf %parallel_loop3A_847, %parallel_loop3A_534 : vector<16xf32>
      %parallel_loop3A_849 = arith.addf %parallel_loop3A_843, %parallel_loop3A_848 : vector<16xf32>
      %parallel_loop3A_850 = arith.constant 9828 : i32
      %parallel_loop3A_851 = vector.broadcast %parallel_loop3A_850 : i32 to vector<16xi32>
      %parallel_loop3A_852 = arith.addi %parallel_loop3A_526, %parallel_loop3A_851 : vector<16xi32>
      %parallel_loop3A_853 = tpu.vector_load_idx %arg6[%parallel_loop3A_852] : memref<19656xf32, #tpu.memory_space<vmem>>[vector<16xi32>], vector<16xf32>,
      %parallel_loop3A_854 = arith.mulf %parallel_loop3A_853, %parallel_loop3A_538 : vector<16xf32>
      %parallel_loop3A_855 = arith.addf %parallel_loop3A_849, %parallel_loop3A_854 : vector<16xf32>
      %parallel_loop3A_856 = arith.constant 0 : i32
      %parallel_loop3A_857 = arith.constant 1 : i32
      %parallel_loop3A_858 = arith.constant 0 : i32
      %parallel_loop3A_859 = arith.index_cast %parallel_loop3A_856 : i32 to index
      %parallel_loop3A_860 = arith.index_cast %parallel_loop3A_857 : i32 to index
      %parallel_loop3A_861 = arith.index_cast %parallel_loop3A_858 : i32 to index
      %parallel_loop3A_862 = arith.index_cast %parallel_loop3A_514 : i32 to index
      %parallel_loop3A_863 = tpu.vector_load %arg9[%parallel_loop3A_859, %parallel_loop3A_860, %parallel_loop3A_861, %parallel_loop3A_862] {strides = array<i32>} : memref<3x2x4x3328xf32, #tpu.memory_space<vmem>>, vector<16xf32>,
      tpu.vector_store %arg9[%parallel_loop3A_859, %parallel_loop3A_860, %parallel_loop3A_861, %parallel_loop3A_862], %parallel_loop3A_855 {strides = array<i32>} : memref<3x2x4x3328xf32, #tpu.memory_space<vmem>>, vector<16xf32>,
      %parallel_loop3A_864 = arith.constant 10647 : i32
      %parallel_loop3A_865 = vector.broadcast %parallel_loop3A_864 : i32 to vector<16xi32>
      %parallel_loop3A_866 = arith.addi %parallel_loop3A_518, %parallel_loop3A_865 : vector<16xi32>
      %parallel_loop3A_867 = tpu.vector_load_idx %arg6[%parallel_loop3A_866] : memref<19656xf32, #tpu.memory_space<vmem>>[vector<16xi32>], vector<16xf32>,
      %parallel_loop3A_868 = arith.mulf %parallel_loop3A_867, %parallel_loop3A_530 : vector<16xf32>
      %parallel_loop3A_869 = arith.constant 10647 : i32
      %parallel_loop3A_870 = vector.broadcast %parallel_loop3A_869 : i32 to vector<16xi32>
      %parallel_loop3A_871 = arith.addi %parallel_loop3A_522, %parallel_loop3A_870 : vector<16xi32>
      %parallel_loop3A_872 = tpu.vector_load_idx %arg6[%parallel_loop3A_871] : memref<19656xf32, #tpu.memory_space<vmem>>[vector<16xi32>], vector<16xf32>,
      %parallel_loop3A_873 = arith.mulf %parallel_loop3A_872, %parallel_loop3A_534 : vector<16xf32>
      %parallel_loop3A_874 = arith.addf %parallel_loop3A_868, %parallel_loop3A_873 : vector<16xf32>
      %parallel_loop3A_875 = arith.constant 10647 : i32
      %parallel_loop3A_876 = vector.broadcast %parallel_loop3A_875 : i32 to vector<16xi32>
      %parallel_loop3A_877 = arith.addi %parallel_loop3A_526, %parallel_loop3A_876 : vector<16xi32>
      %parallel_loop3A_878 = tpu.vector_load_idx %arg6[%parallel_loop3A_877] : memref<19656xf32, #tpu.memory_space<vmem>>[vector<16xi32>], vector<16xf32>,
      %parallel_loop3A_879 = arith.mulf %parallel_loop3A_878, %parallel_loop3A_538 : vector<16xf32>
      %parallel_loop3A_880 = arith.addf %parallel_loop3A_874, %parallel_loop3A_879 : vector<16xf32>
      %parallel_loop3A_881 = arith.constant 1 : i32
      %parallel_loop3A_882 = arith.constant 1 : i32
      %parallel_loop3A_883 = arith.constant 0 : i32
      %parallel_loop3A_884 = arith.index_cast %parallel_loop3A_881 : i32 to index
      %parallel_loop3A_885 = arith.index_cast %parallel_loop3A_882 : i32 to index
      %parallel_loop3A_886 = arith.index_cast %parallel_loop3A_883 : i32 to index
      %parallel_loop3A_887 = arith.index_cast %parallel_loop3A_514 : i32 to index
      %parallel_loop3A_888 = tpu.vector_load %arg9[%parallel_loop3A_884, %parallel_loop3A_885, %parallel_loop3A_886, %parallel_loop3A_887] {strides = array<i32>} : memref<3x2x4x3328xf32, #tpu.memory_space<vmem>>, vector<16xf32>,
      tpu.vector_store %arg9[%parallel_loop3A_884, %parallel_loop3A_885, %parallel_loop3A_886, %parallel_loop3A_887], %parallel_loop3A_880 {strides = array<i32>} : memref<3x2x4x3328xf32, #tpu.memory_space<vmem>>, vector<16xf32>,
      %parallel_loop3A_889 = arith.constant 11466 : i32
      %parallel_loop3A_890 = vector.broadcast %parallel_loop3A_889 : i32 to vector<16xi32>
      %parallel_loop3A_891 = arith.addi %parallel_loop3A_518, %parallel_loop3A_890 : vector<16xi32>
      %parallel_loop3A_892 = tpu.vector_load_idx %arg6[%parallel_loop3A_891] : memref<19656xf32, #tpu.memory_space<vmem>>[vector<16xi32>], vector<16xf32>,
      %parallel_loop3A_893 = arith.mulf %parallel_loop3A_892, %parallel_loop3A_530 : vector<16xf32>
      %parallel_loop3A_894 = arith.constant 11466 : i32
      %parallel_loop3A_895 = vector.broadcast %parallel_loop3A_894 : i32 to vector<16xi32>
      %parallel_loop3A_896 = arith.addi %parallel_loop3A_522, %parallel_loop3A_895 : vector<16xi32>
      %parallel_loop3A_897 = tpu.vector_load_idx %arg6[%parallel_loop3A_896] : memref<19656xf32, #tpu.memory_space<vmem>>[vector<16xi32>], vector<16xf32>,
      %parallel_loop3A_898 = arith.mulf %parallel_loop3A_897, %parallel_loop3A_534 : vector<16xf32>
      %parallel_loop3A_899 = arith.addf %parallel_loop3A_893, %parallel_loop3A_898 : vector<16xf32>
      %parallel_loop3A_900 = arith.constant 11466 : i32
      %parallel_loop3A_901 = vector.broadcast %parallel_loop3A_900 : i32 to vector<16xi32>
      %parallel_loop3A_902 = arith.addi %parallel_loop3A_526, %parallel_loop3A_901 : vector<16xi32>
      %parallel_loop3A_903 = tpu.vector_load_idx %arg6[%parallel_loop3A_902] : memref<19656xf32, #tpu.memory_space<vmem>>[vector<16xi32>], vector<16xf32>,
      %parallel_loop3A_904 = arith.mulf %parallel_loop3A_903, %parallel_loop3A_538 : vector<16xf32>
      %parallel_loop3A_905 = arith.addf %parallel_loop3A_899, %parallel_loop3A_904 : vector<16xf32>
      %parallel_loop3A_906 = arith.constant 2 : i32
      %parallel_loop3A_907 = arith.constant 1 : i32
      %parallel_loop3A_908 = arith.constant 0 : i32
      %parallel_loop3A_909 = arith.index_cast %parallel_loop3A_906 : i32 to index
      %parallel_loop3A_910 = arith.index_cast %parallel_loop3A_907 : i32 to index
      %parallel_loop3A_911 = arith.index_cast %parallel_loop3A_908 : i32 to index
      %parallel_loop3A_912 = arith.index_cast %parallel_loop3A_514 : i32 to index
      %parallel_loop3A_913 = tpu.vector_load %arg9[%parallel_loop3A_909, %parallel_loop3A_910, %parallel_loop3A_911, %parallel_loop3A_912] {strides = array<i32>} : memref<3x2x4x3328xf32, #tpu.memory_space<vmem>>, vector<16xf32>,
      tpu.vector_store %arg9[%parallel_loop3A_909, %parallel_loop3A_910, %parallel_loop3A_911, %parallel_loop3A_912], %parallel_loop3A_905 {strides = array<i32>} : memref<3x2x4x3328xf32, #tpu.memory_space<vmem>>, vector<16xf32>,
      %parallel_loop3A_914 = arith.constant 12285 : i32
      %parallel_loop3A_915 = vector.broadcast %parallel_loop3A_914 : i32 to vector<16xi32>
      %parallel_loop3A_916 = arith.addi %parallel_loop3A_518, %parallel_loop3A_915 : vector<16xi32>
      %parallel_loop3A_917 = tpu.vector_load_idx %arg6[%parallel_loop3A_916] : memref<19656xf32, #tpu.memory_space<vmem>>[vector<16xi32>], vector<16xf32>,
      %parallel_loop3A_918 = arith.mulf %parallel_loop3A_917, %parallel_loop3A_530 : vector<16xf32>
      %parallel_loop3A_919 = arith.constant 12285 : i32
      %parallel_loop3A_920 = vector.broadcast %parallel_loop3A_919 : i32 to vector<16xi32>
      %parallel_loop3A_921 = arith.addi %parallel_loop3A_522, %parallel_loop3A_920 : vector<16xi32>
      %parallel_loop3A_922 = tpu.vector_load_idx %arg6[%parallel_loop3A_921] : memref<19656xf32, #tpu.memory_space<vmem>>[vector<16xi32>], vector<16xf32>,
      %parallel_loop3A_923 = arith.mulf %parallel_loop3A_922, %parallel_loop3A_534 : vector<16xf32>
      %parallel_loop3A_924 = arith.addf %parallel_loop3A_918, %parallel_loop3A_923 : vector<16xf32>
      %parallel_loop3A_925 = arith.constant 12285 : i32
      %parallel_loop3A_926 = vector.broadcast %parallel_loop3A_925 : i32 to vector<16xi32>
      %parallel_loop3A_927 = arith.addi %parallel_loop3A_526, %parallel_loop3A_926 : vector<16xi32>
      %parallel_loop3A_928 = tpu.vector_load_idx %arg6[%parallel_loop3A_927] : memref<19656xf32, #tpu.memory_space<vmem>>[vector<16xi32>], vector<16xf32>,
      %parallel_loop3A_929 = arith.mulf %parallel_loop3A_928, %parallel_loop3A_538 : vector<16xf32>
      %parallel_loop3A_930 = arith.addf %parallel_loop3A_924, %parallel_loop3A_929 : vector<16xf32>
      %parallel_loop3A_931 = arith.constant 0 : i32
      %parallel_loop3A_932 = arith.constant 1 : i32
      %parallel_loop3A_933 = arith.constant 1 : i32
      %parallel_loop3A_934 = arith.index_cast %parallel_loop3A_931 : i32 to index
      %parallel_loop3A_935 = arith.index_cast %parallel_loop3A_932 : i32 to index
      %parallel_loop3A_936 = arith.index_cast %parallel_loop3A_933 : i32 to index
      %parallel_loop3A_937 = arith.index_cast %parallel_loop3A_514 : i32 to index
      %parallel_loop3A_938 = tpu.vector_load %arg9[%parallel_loop3A_934, %parallel_loop3A_935, %parallel_loop3A_936, %parallel_loop3A_937] {strides = array<i32>} : memref<3x2x4x3328xf32, #tpu.memory_space<vmem>>, vector<16xf32>,
      tpu.vector_store %arg9[%parallel_loop3A_934, %parallel_loop3A_935, %parallel_loop3A_936, %parallel_loop3A_937], %parallel_loop3A_930 {strides = array<i32>} : memref<3x2x4x3328xf32, #tpu.memory_space<vmem>>, vector<16xf32>,
      %parallel_loop3A_939 = arith.constant 13104 : i32
      %parallel_loop3A_940 = vector.broadcast %parallel_loop3A_939 : i32 to vector<16xi32>
      %parallel_loop3A_941 = arith.addi %parallel_loop3A_518, %parallel_loop3A_940 : vector<16xi32>
      %parallel_loop3A_942 = tpu.vector_load_idx %arg6[%parallel_loop3A_941] : memref<19656xf32, #tpu.memory_space<vmem>>[vector<16xi32>], vector<16xf32>,
      %parallel_loop3A_943 = arith.mulf %parallel_loop3A_942, %parallel_loop3A_530 : vector<16xf32>
      %parallel_loop3A_944 = arith.constant 13104 : i32
      %parallel_loop3A_945 = vector.broadcast %parallel_loop3A_944 : i32 to vector<16xi32>
      %parallel_loop3A_946 = arith.addi %parallel_loop3A_522, %parallel_loop3A_945 : vector<16xi32>
      %parallel_loop3A_947 = tpu.vector_load_idx %arg6[%parallel_loop3A_946] : memref<19656xf32, #tpu.memory_space<vmem>>[vector<16xi32>], vector<16xf32>,
      %parallel_loop3A_948 = arith.mulf %parallel_loop3A_947, %parallel_loop3A_534 : vector<16xf32>
      %parallel_loop3A_949 = arith.addf %parallel_loop3A_943, %parallel_loop3A_948 : vector<16xf32>
      %parallel_loop3A_950 = arith.constant 13104 : i32
      %parallel_loop3A_951 = vector.broadcast %parallel_loop3A_950 : i32 to vector<16xi32>
      %parallel_loop3A_952 = arith.addi %parallel_loop3A_526, %parallel_loop3A_951 : vector<16xi32>
      %parallel_loop3A_953 = tpu.vector_load_idx %arg6[%parallel_loop3A_952] : memref<19656xf32, #tpu.memory_space<vmem>>[vector<16xi32>], vector<16xf32>,
      %parallel_loop3A_954 = arith.mulf %parallel_loop3A_953, %parallel_loop3A_538 : vector<16xf32>
      %parallel_loop3A_955 = arith.addf %parallel_loop3A_949, %parallel_loop3A_954 : vector<16xf32>
      %parallel_loop3A_956 = arith.constant 1 : i32
      %parallel_loop3A_957 = arith.constant 1 : i32
      %parallel_loop3A_958 = arith.constant 1 : i32
      %parallel_loop3A_959 = arith.index_cast %parallel_loop3A_956 : i32 to index
      %parallel_loop3A_960 = arith.index_cast %parallel_loop3A_957 : i32 to index
      %parallel_loop3A_961 = arith.index_cast %parallel_loop3A_958 : i32 to index
      %parallel_loop3A_962 = arith.index_cast %parallel_loop3A_514 : i32 to index
      %parallel_loop3A_963 = tpu.vector_load %arg9[%parallel_loop3A_959, %parallel_loop3A_960, %parallel_loop3A_961, %parallel_loop3A_962] {strides = array<i32>} : memref<3x2x4x3328xf32, #tpu.memory_space<vmem>>, vector<16xf32>,
      tpu.vector_store %arg9[%parallel_loop3A_959, %parallel_loop3A_960, %parallel_loop3A_961, %parallel_loop3A_962], %parallel_loop3A_955 {strides = array<i32>} : memref<3x2x4x3328xf32, #tpu.memory_space<vmem>>, vector<16xf32>,
      %parallel_loop3A_964 = arith.constant 13923 : i32
      %parallel_loop3A_965 = vector.broadcast %parallel_loop3A_964 : i32 to vector<16xi32>
      %parallel_loop3A_966 = arith.addi %parallel_loop3A_518, %parallel_loop3A_965 : vector<16xi32>
      %parallel_loop3A_967 = tpu.vector_load_idx %arg6[%parallel_loop3A_966] : memref<19656xf32, #tpu.memory_space<vmem>>[vector<16xi32>], vector<16xf32>,
      %parallel_loop3A_968 = arith.mulf %parallel_loop3A_967, %parallel_loop3A_530 : vector<16xf32>
      %parallel_loop3A_969 = arith.constant 13923 : i32
      %parallel_loop3A_970 = vector.broadcast %parallel_loop3A_969 : i32 to vector<16xi32>
      %parallel_loop3A_971 = arith.addi %parallel_loop3A_522, %parallel_loop3A_970 : vector<16xi32>
      %parallel_loop3A_972 = tpu.vector_load_idx %arg6[%parallel_loop3A_971] : memref<19656xf32, #tpu.memory_space<vmem>>[vector<16xi32>], vector<16xf32>,
      %parallel_loop3A_973 = arith.mulf %parallel_loop3A_972, %parallel_loop3A_534 : vector<16xf32>
      %parallel_loop3A_974 = arith.addf %parallel_loop3A_968, %parallel_loop3A_973 : vector<16xf32>
      %parallel_loop3A_975 = arith.constant 13923 : i32
      %parallel_loop3A_976 = vector.broadcast %parallel_loop3A_975 : i32 to vector<16xi32>
      %parallel_loop3A_977 = arith.addi %parallel_loop3A_526, %parallel_loop3A_976 : vector<16xi32>
      %parallel_loop3A_978 = tpu.vector_load_idx %arg6[%parallel_loop3A_977] : memref<19656xf32, #tpu.memory_space<vmem>>[vector<16xi32>], vector<16xf32>,
      %parallel_loop3A_979 = arith.mulf %parallel_loop3A_978, %parallel_loop3A_538 : vector<16xf32>
      %parallel_loop3A_980 = arith.addf %parallel_loop3A_974, %parallel_loop3A_979 : vector<16xf32>
      %parallel_loop3A_981 = arith.constant 2 : i32
      %parallel_loop3A_982 = arith.constant 1 : i32
      %parallel_loop3A_983 = arith.constant 1 : i32
      %parallel_loop3A_984 = arith.index_cast %parallel_loop3A_981 : i32 to index
      %parallel_loop3A_985 = arith.index_cast %parallel_loop3A_982 : i32 to index
      %parallel_loop3A_986 = arith.index_cast %parallel_loop3A_983 : i32 to index
      %parallel_loop3A_987 = arith.index_cast %parallel_loop3A_514 : i32 to index
      %parallel_loop3A_988 = tpu.vector_load %arg9[%parallel_loop3A_984, %parallel_loop3A_985, %parallel_loop3A_986, %parallel_loop3A_987] {strides = array<i32>} : memref<3x2x4x3328xf32, #tpu.memory_space<vmem>>, vector<16xf32>,
      tpu.vector_store %arg9[%parallel_loop3A_984, %parallel_loop3A_985, %parallel_loop3A_986, %parallel_loop3A_987], %parallel_loop3A_980 {strides = array<i32>} : memref<3x2x4x3328xf32, #tpu.memory_space<vmem>>, vector<16xf32>,
      %parallel_loop3A_989 = arith.constant 14742 : i32
      %parallel_loop3A_990 = vector.broadcast %parallel_loop3A_989 : i32 to vector<16xi32>
      %parallel_loop3A_991 = arith.addi %parallel_loop3A_518, %parallel_loop3A_990 : vector<16xi32>
      %parallel_loop3A_992 = tpu.vector_load_idx %arg6[%parallel_loop3A_991] : memref<19656xf32, #tpu.memory_space<vmem>>[vector<16xi32>], vector<16xf32>,
      %parallel_loop3A_993 = arith.mulf %parallel_loop3A_992, %parallel_loop3A_530 : vector<16xf32>
      %parallel_loop3A_994 = arith.constant 14742 : i32
      %parallel_loop3A_995 = vector.broadcast %parallel_loop3A_994 : i32 to vector<16xi32>
      %parallel_loop3A_996 = arith.addi %parallel_loop3A_522, %parallel_loop3A_995 : vector<16xi32>
      %parallel_loop3A_997 = tpu.vector_load_idx %arg6[%parallel_loop3A_996] : memref<19656xf32, #tpu.memory_space<vmem>>[vector<16xi32>], vector<16xf32>,
      %parallel_loop3A_998 = arith.mulf %parallel_loop3A_997, %parallel_loop3A_534 : vector<16xf32>
      %parallel_loop3A_999 = arith.addf %parallel_loop3A_993, %parallel_loop3A_998 : vector<16xf32>
      %parallel_loop3A_1000 = arith.constant 14742 : i32
      %parallel_loop3A_1001 = vector.broadcast %parallel_loop3A_1000 : i32 to vector<16xi32>
      %parallel_loop3A_1002 = arith.addi %parallel_loop3A_526, %parallel_loop3A_1001 : vector<16xi32>
      %parallel_loop3A_1003 = tpu.vector_load_idx %arg6[%parallel_loop3A_1002] : memref<19656xf32, #tpu.memory_space<vmem>>[vector<16xi32>], vector<16xf32>,
      %parallel_loop3A_1004 = arith.mulf %parallel_loop3A_1003, %parallel_loop3A_538 : vector<16xf32>
      %parallel_loop3A_1005 = arith.addf %parallel_loop3A_999, %parallel_loop3A_1004 : vector<16xf32>
      %parallel_loop3A_1006 = arith.constant 0 : i32
      %parallel_loop3A_1007 = arith.constant 1 : i32
      %parallel_loop3A_1008 = arith.constant 2 : i32
      %parallel_loop3A_1009 = arith.index_cast %parallel_loop3A_1006 : i32 to index
      %parallel_loop3A_1010 = arith.index_cast %parallel_loop3A_1007 : i32 to index
      %parallel_loop3A_1011 = arith.index_cast %parallel_loop3A_1008 : i32 to index
      %parallel_loop3A_1012 = arith.index_cast %parallel_loop3A_514 : i32 to index
      %parallel_loop3A_1013 = tpu.vector_load %arg9[%parallel_loop3A_1009, %parallel_loop3A_1010, %parallel_loop3A_1011, %parallel_loop3A_1012] {strides = array<i32>} : memref<3x2x4x3328xf32, #tpu.memory_space<vmem>>, vector<16xf32>,
      tpu.vector_store %arg9[%parallel_loop3A_1009, %parallel_loop3A_1010, %parallel_loop3A_1011, %parallel_loop3A_1012], %parallel_loop3A_1005 {strides = array<i32>} : memref<3x2x4x3328xf32, #tpu.memory_space<vmem>>, vector<16xf32>,
      %parallel_loop3A_1014 = arith.constant 15561 : i32
      %parallel_loop3A_1015 = vector.broadcast %parallel_loop3A_1014 : i32 to vector<16xi32>
      %parallel_loop3A_1016 = arith.addi %parallel_loop3A_518, %parallel_loop3A_1015 : vector<16xi32>
      %parallel_loop3A_1017 = tpu.vector_load_idx %arg6[%parallel_loop3A_1016] : memref<19656xf32, #tpu.memory_space<vmem>>[vector<16xi32>], vector<16xf32>,
      %parallel_loop3A_1018 = arith.mulf %parallel_loop3A_1017, %parallel_loop3A_530 : vector<16xf32>
      %parallel_loop3A_1019 = arith.constant 15561 : i32
      %parallel_loop3A_1020 = vector.broadcast %parallel_loop3A_1019 : i32 to vector<16xi32>
      %parallel_loop3A_1021 = arith.addi %parallel_loop3A_522, %parallel_loop3A_1020 : vector<16xi32>
      %parallel_loop3A_1022 = tpu.vector_load_idx %arg6[%parallel_loop3A_1021] : memref<19656xf32, #tpu.memory_space<vmem>>[vector<16xi32>], vector<16xf32>,
      %parallel_loop3A_1023 = arith.mulf %parallel_loop3A_1022, %parallel_loop3A_534 : vector<16xf32>
      %parallel_loop3A_1024 = arith.addf %parallel_loop3A_1018, %parallel_loop3A_1023 : vector<16xf32>
      %parallel_loop3A_1025 = arith.constant 15561 : i32
      %parallel_loop3A_1026 = vector.broadcast %parallel_loop3A_1025 : i32 to vector<16xi32>
      %parallel_loop3A_1027 = arith.addi %parallel_loop3A_526, %parallel_loop3A_1026 : vector<16xi32>
      %parallel_loop3A_1028 = tpu.vector_load_idx %arg6[%parallel_loop3A_1027] : memref<19656xf32, #tpu.memory_space<vmem>>[vector<16xi32>], vector<16xf32>,
      %parallel_loop3A_1029 = arith.mulf %parallel_loop3A_1028, %parallel_loop3A_538 : vector<16xf32>
      %parallel_loop3A_1030 = arith.addf %parallel_loop3A_1024, %parallel_loop3A_1029 : vector<16xf32>
      %parallel_loop3A_1031 = arith.constant 1 : i32
      %parallel_loop3A_1032 = arith.constant 1 : i32
      %parallel_loop3A_1033 = arith.constant 2 : i32
      %parallel_loop3A_1034 = arith.index_cast %parallel_loop3A_1031 : i32 to index
      %parallel_loop3A_1035 = arith.index_cast %parallel_loop3A_1032 : i32 to index
      %parallel_loop3A_1036 = arith.index_cast %parallel_loop3A_1033 : i32 to index
      %parallel_loop3A_1037 = arith.index_cast %parallel_loop3A_514 : i32 to index
      %parallel_loop3A_1038 = tpu.vector_load %arg9[%parallel_loop3A_1034, %parallel_loop3A_1035, %parallel_loop3A_1036, %parallel_loop3A_1037] {strides = array<i32>} : memref<3x2x4x3328xf32, #tpu.memory_space<vmem>>, vector<16xf32>,
      tpu.vector_store %arg9[%parallel_loop3A_1034, %parallel_loop3A_1035, %parallel_loop3A_1036, %parallel_loop3A_1037], %parallel_loop3A_1030 {strides = array<i32>} : memref<3x2x4x3328xf32, #tpu.memory_space<vmem>>, vector<16xf32>,
      %parallel_loop3A_1039 = arith.constant 16380 : i32
      %parallel_loop3A_1040 = vector.broadcast %parallel_loop3A_1039 : i32 to vector<16xi32>
      %parallel_loop3A_1041 = arith.addi %parallel_loop3A_518, %parallel_loop3A_1040 : vector<16xi32>
      %parallel_loop3A_1042 = tpu.vector_load_idx %arg6[%parallel_loop3A_1041] : memref<19656xf32, #tpu.memory_space<vmem>>[vector<16xi32>], vector<16xf32>,
      %parallel_loop3A_1043 = arith.mulf %parallel_loop3A_1042, %parallel_loop3A_530 : vector<16xf32>
      %parallel_loop3A_1044 = arith.constant 16380 : i32
      %parallel_loop3A_1045 = vector.broadcast %parallel_loop3A_1044 : i32 to vector<16xi32>
      %parallel_loop3A_1046 = arith.addi %parallel_loop3A_522, %parallel_loop3A_1045 : vector<16xi32>
      %parallel_loop3A_1047 = tpu.vector_load_idx %arg6[%parallel_loop3A_1046] : memref<19656xf32, #tpu.memory_space<vmem>>[vector<16xi32>], vector<16xf32>,
      %parallel_loop3A_1048 = arith.mulf %parallel_loop3A_1047, %parallel_loop3A_534 : vector<16xf32>
      %parallel_loop3A_1049 = arith.addf %parallel_loop3A_1043, %parallel_loop3A_1048 : vector<16xf32>
      %parallel_loop3A_1050 = arith.constant 16380 : i32
      %parallel_loop3A_1051 = vector.broadcast %parallel_loop3A_1050 : i32 to vector<16xi32>
      %parallel_loop3A_1052 = arith.addi %parallel_loop3A_526, %parallel_loop3A_1051 : vector<16xi32>
      %parallel_loop3A_1053 = tpu.vector_load_idx %arg6[%parallel_loop3A_1052] : memref<19656xf32, #tpu.memory_space<vmem>>[vector<16xi32>], vector<16xf32>,
      %parallel_loop3A_1054 = arith.mulf %parallel_loop3A_1053, %parallel_loop3A_538 : vector<16xf32>
      %parallel_loop3A_1055 = arith.addf %parallel_loop3A_1049, %parallel_loop3A_1054 : vector<16xf32>
      %parallel_loop3A_1056 = arith.constant 2 : i32
      %parallel_loop3A_1057 = arith.constant 1 : i32
      %parallel_loop3A_1058 = arith.constant 2 : i32
      %parallel_loop3A_1059 = arith.index_cast %parallel_loop3A_1056 : i32 to index
      %parallel_loop3A_1060 = arith.index_cast %parallel_loop3A_1057 : i32 to index
      %parallel_loop3A_1061 = arith.index_cast %parallel_loop3A_1058 : i32 to index
      %parallel_loop3A_1062 = arith.index_cast %parallel_loop3A_514 : i32 to index
      %parallel_loop3A_1063 = tpu.vector_load %arg9[%parallel_loop3A_1059, %parallel_loop3A_1060, %parallel_loop3A_1061, %parallel_loop3A_1062] {strides = array<i32>} : memref<3x2x4x3328xf32, #tpu.memory_space<vmem>>, vector<16xf32>,
      tpu.vector_store %arg9[%parallel_loop3A_1059, %parallel_loop3A_1060, %parallel_loop3A_1061, %parallel_loop3A_1062], %parallel_loop3A_1055 {strides = array<i32>} : memref<3x2x4x3328xf32, #tpu.memory_space<vmem>>, vector<16xf32>,
      %parallel_loop3A_1064 = arith.constant 17199 : i32
      %parallel_loop3A_1065 = vector.broadcast %parallel_loop3A_1064 : i32 to vector<16xi32>
      %parallel_loop3A_1066 = arith.addi %parallel_loop3A_518, %parallel_loop3A_1065 : vector<16xi32>
      %parallel_loop3A_1067 = tpu.vector_load_idx %arg6[%parallel_loop3A_1066] : memref<19656xf32, #tpu.memory_space<vmem>>[vector<16xi32>], vector<16xf32>,
      %parallel_loop3A_1068 = arith.mulf %parallel_loop3A_1067, %parallel_loop3A_530 : vector<16xf32>
      %parallel_loop3A_1069 = arith.constant 17199 : i32
      %parallel_loop3A_1070 = vector.broadcast %parallel_loop3A_1069 : i32 to vector<16xi32>
      %parallel_loop3A_1071 = arith.addi %parallel_loop3A_522, %parallel_loop3A_1070 : vector<16xi32>
      %parallel_loop3A_1072 = tpu.vector_load_idx %arg6[%parallel_loop3A_1071] : memref<19656xf32, #tpu.memory_space<vmem>>[vector<16xi32>], vector<16xf32>,
      %parallel_loop3A_1073 = arith.mulf %parallel_loop3A_1072, %parallel_loop3A_534 : vector<16xf32>
      %parallel_loop3A_1074 = arith.addf %parallel_loop3A_1068, %parallel_loop3A_1073 : vector<16xf32>
      %parallel_loop3A_1075 = arith.constant 17199 : i32
      %parallel_loop3A_1076 = vector.broadcast %parallel_loop3A_1075 : i32 to vector<16xi32>
      %parallel_loop3A_1077 = arith.addi %parallel_loop3A_526, %parallel_loop3A_1076 : vector<16xi32>
      %parallel_loop3A_1078 = tpu.vector_load_idx %arg6[%parallel_loop3A_1077] : memref<19656xf32, #tpu.memory_space<vmem>>[vector<16xi32>], vector<16xf32>,
      %parallel_loop3A_1079 = arith.mulf %parallel_loop3A_1078, %parallel_loop3A_538 : vector<16xf32>
      %parallel_loop3A_1080 = arith.addf %parallel_loop3A_1074, %parallel_loop3A_1079 : vector<16xf32>
      %parallel_loop3A_1081 = arith.constant 0 : i32
      %parallel_loop3A_1082 = arith.constant 1 : i32
      %parallel_loop3A_1083 = arith.constant 3 : i32
      %parallel_loop3A_1084 = arith.index_cast %parallel_loop3A_1081 : i32 to index
      %parallel_loop3A_1085 = arith.index_cast %parallel_loop3A_1082 : i32 to index
      %parallel_loop3A_1086 = arith.index_cast %parallel_loop3A_1083 : i32 to index
      %parallel_loop3A_1087 = arith.index_cast %parallel_loop3A_514 : i32 to index
      %parallel_loop3A_1088 = tpu.vector_load %arg9[%parallel_loop3A_1084, %parallel_loop3A_1085, %parallel_loop3A_1086, %parallel_loop3A_1087] {strides = array<i32>} : memref<3x2x4x3328xf32, #tpu.memory_space<vmem>>, vector<16xf32>,
      tpu.vector_store %arg9[%parallel_loop3A_1084, %parallel_loop3A_1085, %parallel_loop3A_1086, %parallel_loop3A_1087], %parallel_loop3A_1080 {strides = array<i32>} : memref<3x2x4x3328xf32, #tpu.memory_space<vmem>>, vector<16xf32>,
      %parallel_loop3A_1089 = arith.constant 18018 : i32
      %parallel_loop3A_1090 = vector.broadcast %parallel_loop3A_1089 : i32 to vector<16xi32>
      %parallel_loop3A_1091 = arith.addi %parallel_loop3A_518, %parallel_loop3A_1090 : vector<16xi32>
      %parallel_loop3A_1092 = tpu.vector_load_idx %arg6[%parallel_loop3A_1091] : memref<19656xf32, #tpu.memory_space<vmem>>[vector<16xi32>], vector<16xf32>,
      %parallel_loop3A_1093 = arith.mulf %parallel_loop3A_1092, %parallel_loop3A_530 : vector<16xf32>
      %parallel_loop3A_1094 = arith.constant 18018 : i32
      %parallel_loop3A_1095 = vector.broadcast %parallel_loop3A_1094 : i32 to vector<16xi32>
      %parallel_loop3A_1096 = arith.addi %parallel_loop3A_522, %parallel_loop3A_1095 : vector<16xi32>
      %parallel_loop3A_1097 = tpu.vector_load_idx %arg6[%parallel_loop3A_1096] : memref<19656xf32, #tpu.memory_space<vmem>>[vector<16xi32>], vector<16xf32>,
      %parallel_loop3A_1098 = arith.mulf %parallel_loop3A_1097, %parallel_loop3A_534 : vector<16xf32>
      %parallel_loop3A_1099 = arith.addf %parallel_loop3A_1093, %parallel_loop3A_1098 : vector<16xf32>
      %parallel_loop3A_1100 = arith.constant 18018 : i32
      %parallel_loop3A_1101 = vector.broadcast %parallel_loop3A_1100 : i32 to vector<16xi32>
      %parallel_loop3A_1102 = arith.addi %parallel_loop3A_526, %parallel_loop3A_1101 : vector<16xi32>
      %parallel_loop3A_1103 = tpu.vector_load_idx %arg6[%parallel_loop3A_1102] : memref<19656xf32, #tpu.memory_space<vmem>>[vector<16xi32>], vector<16xf32>,
      %parallel_loop3A_1104 = arith.mulf %parallel_loop3A_1103, %parallel_loop3A_538 : vector<16xf32>
      %parallel_loop3A_1105 = arith.addf %parallel_loop3A_1099, %parallel_loop3A_1104 : vector<16xf32>
      %parallel_loop3A_1106 = arith.constant 1 : i32
      %parallel_loop3A_1107 = arith.constant 1 : i32
      %parallel_loop3A_1108 = arith.constant 3 : i32
      %parallel_loop3A_1109 = arith.index_cast %parallel_loop3A_1106 : i32 to index
      %parallel_loop3A_1110 = arith.index_cast %parallel_loop3A_1107 : i32 to index
      %parallel_loop3A_1111 = arith.index_cast %parallel_loop3A_1108 : i32 to index
      %parallel_loop3A_1112 = arith.index_cast %parallel_loop3A_514 : i32 to index
      %parallel_loop3A_1113 = tpu.vector_load %arg9[%parallel_loop3A_1109, %parallel_loop3A_1110, %parallel_loop3A_1111, %parallel_loop3A_1112] {strides = array<i32>} : memref<3x2x4x3328xf32, #tpu.memory_space<vmem>>, vector<16xf32>,
      tpu.vector_store %arg9[%parallel_loop3A_1109, %parallel_loop3A_1110, %parallel_loop3A_1111, %parallel_loop3A_1112], %parallel_loop3A_1105 {strides = array<i32>} : memref<3x2x4x3328xf32, #tpu.memory_space<vmem>>, vector<16xf32>,
      %parallel_loop3A_1114 = arith.constant 18837 : i32
      %parallel_loop3A_1115 = vector.broadcast %parallel_loop3A_1114 : i32 to vector<16xi32>
      %parallel_loop3A_1116 = arith.addi %parallel_loop3A_518, %parallel_loop3A_1115 : vector<16xi32>
      %parallel_loop3A_1117 = tpu.vector_load_idx %arg6[%parallel_loop3A_1116] : memref<19656xf32, #tpu.memory_space<vmem>>[vector<16xi32>], vector<16xf32>,
      %parallel_loop3A_1118 = arith.mulf %parallel_loop3A_1117, %parallel_loop3A_530 : vector<16xf32>
      %parallel_loop3A_1119 = arith.constant 18837 : i32
      %parallel_loop3A_1120 = vector.broadcast %parallel_loop3A_1119 : i32 to vector<16xi32>
      %parallel_loop3A_1121 = arith.addi %parallel_loop3A_522, %parallel_loop3A_1120 : vector<16xi32>
      %parallel_loop3A_1122 = tpu.vector_load_idx %arg6[%parallel_loop3A_1121] : memref<19656xf32, #tpu.memory_space<vmem>>[vector<16xi32>], vector<16xf32>,
      %parallel_loop3A_1123 = arith.mulf %parallel_loop3A_1122, %parallel_loop3A_534 : vector<16xf32>
      %parallel_loop3A_1124 = arith.addf %parallel_loop3A_1118, %parallel_loop3A_1123 : vector<16xf32>
      %parallel_loop3A_1125 = arith.constant 18837 : i32
      %parallel_loop3A_1126 = vector.broadcast %parallel_loop3A_1125 : i32 to vector<16xi32>
      %parallel_loop3A_1127 = arith.addi %parallel_loop3A_526, %parallel_loop3A_1126 : vector<16xi32>
      %parallel_loop3A_1128 = tpu.vector_load_idx %arg6[%parallel_loop3A_1127] : memref<19656xf32, #tpu.memory_space<vmem>>[vector<16xi32>], vector<16xf32>,
      %parallel_loop3A_1129 = arith.mulf %parallel_loop3A_1128, %parallel_loop3A_538 : vector<16xf32>
      %parallel_loop3A_1130 = arith.addf %parallel_loop3A_1124, %parallel_loop3A_1129 : vector<16xf32>
      %parallel_loop3A_1131 = arith.constant 2 : i32
      %parallel_loop3A_1132 = arith.constant 1 : i32
      %parallel_loop3A_1133 = arith.constant 3 : i32
      %parallel_loop3A_1134 = arith.index_cast %parallel_loop3A_1131 : i32 to index
      %parallel_loop3A_1135 = arith.index_cast %parallel_loop3A_1132 : i32 to index
      %parallel_loop3A_1136 = arith.index_cast %parallel_loop3A_1133 : i32 to index
      %parallel_loop3A_1137 = arith.index_cast %parallel_loop3A_514 : i32 to index
      %parallel_loop3A_1138 = tpu.vector_load %arg9[%parallel_loop3A_1134, %parallel_loop3A_1135, %parallel_loop3A_1136, %parallel_loop3A_1137] {strides = array<i32>} : memref<3x2x4x3328xf32, #tpu.memory_space<vmem>>, vector<16xf32>,
      tpu.vector_store %arg9[%parallel_loop3A_1134, %parallel_loop3A_1135, %parallel_loop3A_1136, %parallel_loop3A_1137], %parallel_loop3A_1130 {strides = array<i32>} : memref<3x2x4x3328xf32, #tpu.memory_space<vmem>>, vector<16xf32>,
    } {sc.loop_unroll_factor = 1 : i64, sc.parallel_access}
    %mul3A_147 = arith.constant 2 : i32
    %mul3A_148 = arith.muli %add3A, %mul3A_147 : i32
    %add3A_149 = arith.constant 0 : i32
    %add3A_150 = arith.addi %mul3A_148, %add3A_149 : i32
    %dma_start3A_151 = arith.constant 0 : i32
    %dma_start3A_152 = arith.constant 0 : i32
    %dma_start3A_153 = arith.constant 0 : i32
    %dma_start3A_154 = arith.constant 0 : i32
    %dma_start3A_155 = arith.constant 1664 : i32
    %dma_start3A_156 = tpu.memref_slice %arg9[%dma_start3A_151, %dma_start3A_152, %dma_start3A_154, %dma_start3A_155] : memref<3x2x4x3328xf32, #tpu.memory_space<vmem>> -> memref<1x1x4x1664xf32, #tpu.memory_space<vmem>>
    %dma_start3A_157 = tpu.memref_squeeze %dma_start3A_156 : memref<1x1x4x1664xf32, #tpu.memory_space<vmem>> -> memref<4x1664xf32, #tpu.memory_space<vmem>>
    %dma_start3A_158 = arith.constant 0 : i32
    %dma_start3A_159 = arith.constant 1664 : i32
    %dma_start3A_160 = tpu.memref_slice %arg5[%dma_start3A_153, %add3A_150, %dma_start3A_158, %dma_start3A_159] : memref<3x64x4x3328xf32, #tpu.memory_space<hbm>> -> memref<1x1x4x1664xf32, #tpu.memory_space<hbm>>
    %dma_start3A_161 = tpu.memref_squeeze %dma_start3A_160 : memref<1x1x4x1664xf32, #tpu.memory_space<hbm>> -> memref<4x1664xf32, #tpu.memory_space<hbm>>
    %dma_start3A_162 = arith.constant 0 : i32
    %dma_start3A_163 = arith.constant 1664 : i32
    %dma_start3A_164 = tpu.memref_slice %arg5[%dma_start3A_153, %add3A_150, %dma_start3A_162, %dma_start3A_163] : memref<3x64x4x3328xf32, #tpu.memory_space<hbm>> -> memref<1x1x4x1664xf32, #tpu.memory_space<hbm>>
    %dma_start3A_165 = tpu.memref_squeeze %dma_start3A_164 : memref<1x1x4x1664xf32, #tpu.memory_space<hbm>> -> memref<4x1664xf32, #tpu.memory_space<hbm>>
    %dma_start3A_166 = arith.constant 0 : i32
    %dma_start3A_167 = arith.constant 1664 : i32
    %dma_start3A_168 = tpu.memref_slice %arg9[%dma_start3A_151, %dma_start3A_152, %dma_start3A_166, %dma_start3A_167] : memref<3x2x4x3328xf32, #tpu.memory_space<vmem>> -> memref<1x1x4x1664xf32, #tpu.memory_space<vmem>>
    %dma_start3A_169 = tpu.memref_squeeze %dma_start3A_168 : memref<1x1x4x1664xf32, #tpu.memory_space<vmem>> -> memref<4x1664xf32, #tpu.memory_space<vmem>>
    tpu.enqueue_dma source(%dma_start3A_169 : memref<4x1664xf32, #tpu.memory_space<vmem>>) target(%dma_start3A_165 : memref<4x1664xf32, #tpu.memory_space<hbm>>) target_semaphore(%arg10 : memref<!tpu.dma_semaphore, #tpu.memory_space<semaphore_mem>>)
    %mul3A_170 = arith.constant 2 : i32
    %mul3A_171 = arith.muli %add3A, %mul3A_170 : i32
    %add3A_172 = arith.constant 1 : i32
    %add3A_173 = arith.addi %mul3A_171, %add3A_172 : i32
    %dma_start3A_174 = arith.constant 0 : i32
    %dma_start3A_175 = arith.constant 1 : i32
    %dma_start3A_176 = arith.constant 0 : i32
    %dma_start3A_177 = arith.constant 0 : i32
    %dma_start3A_178 = arith.constant 1664 : i32
    %dma_start3A_179 = tpu.memref_slice %arg9[%dma_start3A_174, %dma_start3A_175, %dma_start3A_177, %dma_start3A_178] : memref<3x2x4x3328xf32, #tpu.memory_space<vmem>> -> memref<1x1x4x1664xf32, #tpu.memory_space<vmem>>
    %dma_start3A_180 = tpu.memref_squeeze %dma_start3A_179 : memref<1x1x4x1664xf32, #tpu.memory_space<vmem>> -> memref<4x1664xf32, #tpu.memory_space<vmem>>
    %dma_start3A_181 = arith.constant 0 : i32
    %dma_start3A_182 = arith.constant 1664 : i32
    %dma_start3A_183 = tpu.memref_slice %arg5[%dma_start3A_176, %add3A_173, %dma_start3A_181, %dma_start3A_182] : memref<3x64x4x3328xf32, #tpu.memory_space<hbm>> -> memref<1x1x4x1664xf32, #tpu.memory_space<hbm>>
    %dma_start3A_184 = tpu.memref_squeeze %dma_start3A_183 : memref<1x1x4x1664xf32, #tpu.memory_space<hbm>> -> memref<4x1664xf32, #tpu.memory_space<hbm>>
    %dma_start3A_185 = arith.constant 0 : i32
    %dma_start3A_186 = arith.constant 1664 : i32
    %dma_start3A_187 = tpu.memref_slice %arg5[%dma_start3A_176, %add3A_173, %dma_start3A_185, %dma_start3A_186] : memref<3x64x4x3328xf32, #tpu.memory_space<hbm>> -> memref<1x1x4x1664xf32, #tpu.memory_space<hbm>>
    %dma_start3A_188 = tpu.memref_squeeze %dma_start3A_187 : memref<1x1x4x1664xf32, #tpu.memory_space<hbm>> -> memref<4x1664xf32, #tpu.memory_space<hbm>>
    %dma_start3A_189 = arith.constant 0 : i32
    %dma_start3A_190 = arith.constant 1664 : i32
    %dma_start3A_191 = tpu.memref_slice %arg9[%dma_start3A_174, %dma_start3A_175, %dma_start3A_189, %dma_start3A_190] : memref<3x2x4x3328xf32, #tpu.memory_space<vmem>> -> memref<1x1x4x1664xf32, #tpu.memory_space<vmem>>
    %dma_start3A_192 = tpu.memref_squeeze %dma_start3A_191 : memref<1x1x4x1664xf32, #tpu.memory_space<vmem>> -> memref<4x1664xf32, #tpu.memory_space<vmem>>
    tpu.enqueue_dma source(%dma_start3A_192 : memref<4x1664xf32, #tpu.memory_space<vmem>>) target(%dma_start3A_188 : memref<4x1664xf32, #tpu.memory_space<hbm>>) target_semaphore(%arg10 : memref<!tpu.dma_semaphore, #tpu.memory_space<semaphore_mem>>)
    %mul3A_193 = arith.constant 2 : i32
    %mul3A_194 = arith.muli %add3A, %mul3A_193 : i32
    %add3A_195 = arith.constant 0 : i32
    %add3A_196 = arith.addi %mul3A_194, %add3A_195 : i32
    %dma_start3A_197 = arith.constant 1 : i32
    %dma_start3A_198 = arith.constant 0 : i32
    %dma_start3A_199 = arith.constant 1 : i32
    %dma_start3A_200 = arith.constant 0 : i32
    %dma_start3A_201 = arith.constant 1664 : i32
    %dma_start3A_202 = tpu.memref_slice %arg9[%dma_start3A_197, %dma_start3A_198, %dma_start3A_200, %dma_start3A_201] : memref<3x2x4x3328xf32, #tpu.memory_space<vmem>> -> memref<1x1x4x1664xf32, #tpu.memory_space<vmem>>
    %dma_start3A_203 = tpu.memref_squeeze %dma_start3A_202 : memref<1x1x4x1664xf32, #tpu.memory_space<vmem>> -> memref<4x1664xf32, #tpu.memory_space<vmem>>
    %dma_start3A_204 = arith.constant 0 : i32
    %dma_start3A_205 = arith.constant 1664 : i32
    %dma_start3A_206 = tpu.memref_slice %arg5[%dma_start3A_199, %add3A_196, %dma_start3A_204, %dma_start3A_205] : memref<3x64x4x3328xf32, #tpu.memory_space<hbm>> -> memref<1x1x4x1664xf32, #tpu.memory_space<hbm>>
    %dma_start3A_207 = tpu.memref_squeeze %dma_start3A_206 : memref<1x1x4x1664xf32, #tpu.memory_space<hbm>> -> memref<4x1664xf32, #tpu.memory_space<hbm>>
    %dma_start3A_208 = arith.constant 0 : i32
    %dma_start3A_209 = arith.constant 1664 : i32
    %dma_start3A_210 = tpu.memref_slice %arg5[%dma_start3A_199, %add3A_196, %dma_start3A_208, %dma_start3A_209] : memref<3x64x4x3328xf32, #tpu.memory_space<hbm>> -> memref<1x1x4x1664xf32, #tpu.memory_space<hbm>>
    %dma_start3A_211 = tpu.memref_squeeze %dma_start3A_210 : memref<1x1x4x1664xf32, #tpu.memory_space<hbm>> -> memref<4x1664xf32, #tpu.memory_space<hbm>>
    %dma_start3A_212 = arith.constant 0 : i32
    %dma_start3A_213 = arith.constant 1664 : i32
    %dma_start3A_214 = tpu.memref_slice %arg9[%dma_start3A_197, %dma_start3A_198, %dma_start3A_212, %dma_start3A_213] : memref<3x2x4x3328xf32, #tpu.memory_space<vmem>> -> memref<1x1x4x1664xf32, #tpu.memory_space<vmem>>
    %dma_start3A_215 = tpu.memref_squeeze %dma_start3A_214 : memref<1x1x4x1664xf32, #tpu.memory_space<vmem>> -> memref<4x1664xf32, #tpu.memory_space<vmem>>
    tpu.enqueue_dma source(%dma_start3A_215 : memref<4x1664xf32, #tpu.memory_space<vmem>>) target(%dma_start3A_211 : memref<4x1664xf32, #tpu.memory_space<hbm>>) target_semaphore(%arg10 : memref<!tpu.dma_semaphore, #tpu.memory_space<semaphore_mem>>)
    %mul3A_216 = arith.constant 2 : i32
    %mul3A_217 = arith.muli %add3A, %mul3A_216 : i32
    %add3A_218 = arith.constant 1 : i32
    %add3A_219 = arith.addi %mul3A_217, %add3A_218 : i32
    %dma_start3A_220 = arith.constant 1 : i32
    %dma_start3A_221 = arith.constant 1 : i32
    %dma_start3A_222 = arith.constant 1 : i32
    %dma_start3A_223 = arith.constant 0 : i32
    %dma_start3A_224 = arith.constant 1664 : i32
    %dma_start3A_225 = tpu.memref_slice %arg9[%dma_start3A_220, %dma_start3A_221, %dma_start3A_223, %dma_start3A_224] : memref<3x2x4x3328xf32, #tpu.memory_space<vmem>> -> memref<1x1x4x1664xf32, #tpu.memory_space<vmem>>
    %dma_start3A_226 = tpu.memref_squeeze %dma_start3A_225 : memref<1x1x4x1664xf32, #tpu.memory_space<vmem>> -> memref<4x1664xf32, #tpu.memory_space<vmem>>
    %dma_start3A_227 = arith.constant 0 : i32
    %dma_start3A_228 = arith.constant 1664 : i32
    %dma_start3A_229 = tpu.memref_slice %arg5[%dma_start3A_222, %add3A_219, %dma_start3A_227, %dma_start3A_228] : memref<3x64x4x3328xf32, #tpu.memory_space<hbm>> -> memref<1x1x4x1664xf32, #tpu.memory_space<hbm>>
    %dma_start3A_230 = tpu.memref_squeeze %dma_start3A_229 : memref<1x1x4x1664xf32, #tpu.memory_space<hbm>> -> memref<4x1664xf32, #tpu.memory_space<hbm>>
    %dma_start3A_231 = arith.constant 0 : i32
    %dma_start3A_232 = arith.constant 1664 : i32
    %dma_start3A_233 = tpu.memref_slice %arg5[%dma_start3A_222, %add3A_219, %dma_start3A_231, %dma_start3A_232] : memref<3x64x4x3328xf32, #tpu.memory_space<hbm>> -> memref<1x1x4x1664xf32, #tpu.memory_space<hbm>>
    %dma_start3A_234 = tpu.memref_squeeze %dma_start3A_233 : memref<1x1x4x1664xf32, #tpu.memory_space<hbm>> -> memref<4x1664xf32, #tpu.memory_space<hbm>>
    %dma_start3A_235 = arith.constant 0 : i32
    %dma_start3A_236 = arith.constant 1664 : i32
    %dma_start3A_237 = tpu.memref_slice %arg9[%dma_start3A_220, %dma_start3A_221, %dma_start3A_235, %dma_start3A_236] : memref<3x2x4x3328xf32, #tpu.memory_space<vmem>> -> memref<1x1x4x1664xf32, #tpu.memory_space<vmem>>
    %dma_start3A_238 = tpu.memref_squeeze %dma_start3A_237 : memref<1x1x4x1664xf32, #tpu.memory_space<vmem>> -> memref<4x1664xf32, #tpu.memory_space<vmem>>
    tpu.enqueue_dma source(%dma_start3A_238 : memref<4x1664xf32, #tpu.memory_space<vmem>>) target(%dma_start3A_234 : memref<4x1664xf32, #tpu.memory_space<hbm>>) target_semaphore(%arg10 : memref<!tpu.dma_semaphore, #tpu.memory_space<semaphore_mem>>)
    %mul3A_239 = arith.constant 2 : i32
    %mul3A_240 = arith.muli %add3A, %mul3A_239 : i32
    %add3A_241 = arith.constant 0 : i32
    %add3A_242 = arith.addi %mul3A_240, %add3A_241 : i32
    %dma_start3A_243 = arith.constant 2 : i32
    %dma_start3A_244 = arith.constant 0 : i32
    %dma_start3A_245 = arith.constant 2 : i32
    %dma_start3A_246 = arith.constant 0 : i32
    %dma_start3A_247 = arith.constant 1664 : i32
    %dma_start3A_248 = tpu.memref_slice %arg9[%dma_start3A_243, %dma_start3A_244, %dma_start3A_246, %dma_start3A_247] : memref<3x2x4x3328xf32, #tpu.memory_space<vmem>> -> memref<1x1x4x1664xf32, #tpu.memory_space<vmem>>
    %dma_start3A_249 = tpu.memref_squeeze %dma_start3A_248 : memref<1x1x4x1664xf32, #tpu.memory_space<vmem>> -> memref<4x1664xf32, #tpu.memory_space<vmem>>
    %dma_start3A_250 = arith.constant 0 : i32
    %dma_start3A_251 = arith.constant 1664 : i32
    %dma_start3A_252 = tpu.memref_slice %arg5[%dma_start3A_245, %add3A_242, %dma_start3A_250, %dma_start3A_251] : memref<3x64x4x3328xf32, #tpu.memory_space<hbm>> -> memref<1x1x4x1664xf32, #tpu.memory_space<hbm>>
    %dma_start3A_253 = tpu.memref_squeeze %dma_start3A_252 : memref<1x1x4x1664xf32, #tpu.memory_space<hbm>> -> memref<4x1664xf32, #tpu.memory_space<hbm>>
    %dma_start3A_254 = arith.constant 0 : i32
    %dma_start3A_255 = arith.constant 1664 : i32
    %dma_start3A_256 = tpu.memref_slice %arg5[%dma_start3A_245, %add3A_242, %dma_start3A_254, %dma_start3A_255] : memref<3x64x4x3328xf32, #tpu.memory_space<hbm>> -> memref<1x1x4x1664xf32, #tpu.memory_space<hbm>>
    %dma_start3A_257 = tpu.memref_squeeze %dma_start3A_256 : memref<1x1x4x1664xf32, #tpu.memory_space<hbm>> -> memref<4x1664xf32, #tpu.memory_space<hbm>>
    %dma_start3A_258 = arith.constant 0 : i32
    %dma_start3A_259 = arith.constant 1664 : i32
    %dma_start3A_260 = tpu.memref_slice %arg9[%dma_start3A_243, %dma_start3A_244, %dma_start3A_258, %dma_start3A_259] : memref<3x2x4x3328xf32, #tpu.memory_space<vmem>> -> memref<1x1x4x1664xf32, #tpu.memory_space<vmem>>
    %dma_start3A_261 = tpu.memref_squeeze %dma_start3A_260 : memref<1x1x4x1664xf32, #tpu.memory_space<vmem>> -> memref<4x1664xf32, #tpu.memory_space<vmem>>
    tpu.enqueue_dma source(%dma_start3A_261 : memref<4x1664xf32, #tpu.memory_space<vmem>>) target(%dma_start3A_257 : memref<4x1664xf32, #tpu.memory_space<hbm>>) target_semaphore(%arg10 : memref<!tpu.dma_semaphore, #tpu.memory_space<semaphore_mem>>)
    %mul3A_262 = arith.constant 2 : i32
    %mul3A_263 = arith.muli %add3A, %mul3A_262 : i32
    %add3A_264 = arith.constant 1 : i32
    %add3A_265 = arith.addi %mul3A_263, %add3A_264 : i32
    %dma_start3A_266 = arith.constant 2 : i32
    %dma_start3A_267 = arith.constant 1 : i32
    %dma_start3A_268 = arith.constant 2 : i32
    %dma_start3A_269 = arith.constant 0 : i32
    %dma_start3A_270 = arith.constant 1664 : i32
    %dma_start3A_271 = tpu.memref_slice %arg9[%dma_start3A_266, %dma_start3A_267, %dma_start3A_269, %dma_start3A_270] : memref<3x2x4x3328xf32, #tpu.memory_space<vmem>> -> memref<1x1x4x1664xf32, #tpu.memory_space<vmem>>
    %dma_start3A_272 = tpu.memref_squeeze %dma_start3A_271 : memref<1x1x4x1664xf32, #tpu.memory_space<vmem>> -> memref<4x1664xf32, #tpu.memory_space<vmem>>
    %dma_start3A_273 = arith.constant 0 : i32
    %dma_start3A_274 = arith.constant 1664 : i32
    %dma_start3A_275 = tpu.memref_slice %arg5[%dma_start3A_268, %add3A_265, %dma_start3A_273, %dma_start3A_274] : memref<3x64x4x3328xf32, #tpu.memory_space<hbm>> -> memref<1x1x4x1664xf32, #tpu.memory_space<hbm>>
    %dma_start3A_276 = tpu.memref_squeeze %dma_start3A_275 : memref<1x1x4x1664xf32, #tpu.memory_space<hbm>> -> memref<4x1664xf32, #tpu.memory_space<hbm>>
    %dma_start3A_277 = arith.constant 0 : i32
    %dma_start3A_278 = arith.constant 1664 : i32
    %dma_start3A_279 = tpu.memref_slice %arg5[%dma_start3A_268, %add3A_265, %dma_start3A_277, %dma_start3A_278] : memref<3x64x4x3328xf32, #tpu.memory_space<hbm>> -> memref<1x1x4x1664xf32, #tpu.memory_space<hbm>>
    %dma_start3A_280 = tpu.memref_squeeze %dma_start3A_279 : memref<1x1x4x1664xf32, #tpu.memory_space<hbm>> -> memref<4x1664xf32, #tpu.memory_space<hbm>>
    %dma_start3A_281 = arith.constant 0 : i32
    %dma_start3A_282 = arith.constant 1664 : i32
    %dma_start3A_283 = tpu.memref_slice %arg9[%dma_start3A_266, %dma_start3A_267, %dma_start3A_281, %dma_start3A_282] : memref<3x2x4x3328xf32, #tpu.memory_space<vmem>> -> memref<1x1x4x1664xf32, #tpu.memory_space<vmem>>
    %dma_start3A_284 = tpu.memref_squeeze %dma_start3A_283 : memref<1x1x4x1664xf32, #tpu.memory_space<vmem>> -> memref<4x1664xf32, #tpu.memory_space<vmem>>
    tpu.enqueue_dma source(%dma_start3A_284 : memref<4x1664xf32, #tpu.memory_space<vmem>>) target(%dma_start3A_280 : memref<4x1664xf32, #tpu.memory_space<hbm>>) target_semaphore(%arg10 : memref<!tpu.dma_semaphore, #tpu.memory_space<semaphore_mem>>)
    %dma_wait3A = arith.constant 0 : i32
    %dma_wait3A_285 = arith.constant 0 : i32
    %dma_wait3A_286 = arith.constant 0 : i32
    %dma_wait3A_287 = arith.constant 0 : i32
    %dma_wait3A_288 = arith.constant 0 : i32
    %dma_wait3A_289 = tpu.memref_slice %arg9[%dma_wait3A, %dma_wait3A_285, %dma_wait3A_287, %dma_wait3A_288] : memref<3x2x4x3328xf32, #tpu.memory_space<vmem>> -> memref<1x1x4x1664xf32, #tpu.memory_space<vmem>>
    %dma_wait3A_290 = tpu.memref_squeeze %dma_wait3A_289 : memref<1x1x4x1664xf32, #tpu.memory_space<vmem>> -> memref<4x1664xf32, #tpu.memory_space<vmem>>
    %dma_wait3A_291 = arith.constant 0 : i32
    %dma_wait3A_292 = arith.constant 0 : i32
    %dma_wait3A_293 = tpu.memref_slice %arg5[%dma_wait3A_286, %add3A_10, %dma_wait3A_291, %dma_wait3A_292] : memref<3x64x4x3328xf32, #tpu.memory_space<hbm>> -> memref<1x1x4x1664xf32, #tpu.memory_space<hbm>>
    %dma_wait3A_294 = tpu.memref_squeeze %dma_wait3A_293 : memref<1x1x4x1664xf32, #tpu.memory_space<hbm>> -> memref<4x1664xf32, #tpu.memory_space<hbm>>
    %dma_wait3A_295 = arith.constant 0 : i32
    %dma_wait3A_296 = arith.constant 0 : i32
    %dma_wait3A_297 = tpu.memref_slice %arg5[%dma_wait3A_286, %add3A_10, %dma_wait3A_295, %dma_wait3A_296] : memref<3x64x4x3328xf32, #tpu.memory_space<hbm>> -> memref<1x1x4x1664xf32, #tpu.memory_space<hbm>>
    %dma_wait3A_298 = tpu.memref_squeeze %dma_wait3A_297 : memref<1x1x4x1664xf32, #tpu.memory_space<hbm>> -> memref<4x1664xf32, #tpu.memory_space<hbm>>
    %dma_wait3A_299 = arith.constant 0 : i32
    %dma_wait3A_300 = arith.constant 0 : i32
    %dma_wait3A_301 = tpu.memref_slice %arg9[%dma_wait3A, %dma_wait3A_285, %dma_wait3A_299, %dma_wait3A_300] : memref<3x2x4x3328xf32, #tpu.memory_space<vmem>> -> memref<1x1x4x1664xf32, #tpu.memory_space<vmem>>
    %dma_wait3A_302 = tpu.memref_squeeze %dma_wait3A_301 : memref<1x1x4x1664xf32, #tpu.memory_space<vmem>> -> memref<4x1664xf32, #tpu.memory_space<vmem>>
    tpu.wait_dma2 semaphore(%arg10 : memref<!tpu.dma_semaphore, #tpu.memory_space<semaphore_mem>>) src(%dma_wait3A_302 : memref<4x1664xf32, #tpu.memory_space<vmem>>) dst(%dma_wait3A_298 : memref<4x1664xf32, #tpu.memory_space<hbm>>)
    %dma_wait3A_303 = arith.constant 0 : i32
    %dma_wait3A_304 = arith.constant 1 : i32
    %dma_wait3A_305 = arith.constant 0 : i32
    %dma_wait3A_306 = arith.constant 0 : i32
    %dma_wait3A_307 = arith.constant 0 : i32
    %dma_wait3A_308 = tpu.memref_slice %arg9[%dma_wait3A_303, %dma_wait3A_304, %dma_wait3A_306, %dma_wait3A_307] : memref<3x2x4x3328xf32, #tpu.memory_space<vmem>> -> memref<1x1x4x1664xf32, #tpu.memory_space<vmem>>
    %dma_wait3A_309 = tpu.memref_squeeze %dma_wait3A_308 : memref<1x1x4x1664xf32, #tpu.memory_space<vmem>> -> memref<4x1664xf32, #tpu.memory_space<vmem>>
    %dma_wait3A_310 = arith.constant 0 : i32
    %dma_wait3A_311 = arith.constant 0 : i32
    %dma_wait3A_312 = tpu.memref_slice %arg5[%dma_wait3A_305, %add3A_32, %dma_wait3A_310, %dma_wait3A_311] : memref<3x64x4x3328xf32, #tpu.memory_space<hbm>> -> memref<1x1x4x1664xf32, #tpu.memory_space<hbm>>
    %dma_wait3A_313 = tpu.memref_squeeze %dma_wait3A_312 : memref<1x1x4x1664xf32, #tpu.memory_space<hbm>> -> memref<4x1664xf32, #tpu.memory_space<hbm>>
    %dma_wait3A_314 = arith.constant 0 : i32
    %dma_wait3A_315 = arith.constant 0 : i32
    %dma_wait3A_316 = tpu.memref_slice %arg5[%dma_wait3A_305, %add3A_32, %dma_wait3A_314, %dma_wait3A_315] : memref<3x64x4x3328xf32, #tpu.memory_space<hbm>> -> memref<1x1x4x1664xf32, #tpu.memory_space<hbm>>
    %dma_wait3A_317 = tpu.memref_squeeze %dma_wait3A_316 : memref<1x1x4x1664xf32, #tpu.memory_space<hbm>> -> memref<4x1664xf32, #tpu.memory_space<hbm>>
    %dma_wait3A_318 = arith.constant 0 : i32
    %dma_wait3A_319 = arith.constant 0 : i32
    %dma_wait3A_320 = tpu.memref_slice %arg9[%dma_wait3A_303, %dma_wait3A_304, %dma_wait3A_318, %dma_wait3A_319] : memref<3x2x4x3328xf32, #tpu.memory_space<vmem>> -> memref<1x1x4x1664xf32, #tpu.memory_space<vmem>>
    %dma_wait3A_321 = tpu.memref_squeeze %dma_wait3A_320 : memref<1x1x4x1664xf32, #tpu.memory_space<vmem>> -> memref<4x1664xf32, #tpu.memory_space<vmem>>
    tpu.wait_dma2 semaphore(%arg10 : memref<!tpu.dma_semaphore, #tpu.memory_space<semaphore_mem>>) src(%dma_wait3A_321 : memref<4x1664xf32, #tpu.memory_space<vmem>>) dst(%dma_wait3A_317 : memref<4x1664xf32, #tpu.memory_space<hbm>>)
    %dma_wait3A_322 = arith.constant 1 : i32
    %dma_wait3A_323 = arith.constant 0 : i32
    %dma_wait3A_324 = arith.constant 1 : i32
    %dma_wait3A_325 = arith.constant 0 : i32
    %dma_wait3A_326 = arith.constant 0 : i32
    %dma_wait3A_327 = tpu.memref_slice %arg9[%dma_wait3A_322, %dma_wait3A_323, %dma_wait3A_325, %dma_wait3A_326] : memref<3x2x4x3328xf32, #tpu.memory_space<vmem>> -> memref<1x1x4x1664xf32, #tpu.memory_space<vmem>>
    %dma_wait3A_328 = tpu.memref_squeeze %dma_wait3A_327 : memref<1x1x4x1664xf32, #tpu.memory_space<vmem>> -> memref<4x1664xf32, #tpu.memory_space<vmem>>
    %dma_wait3A_329 = arith.constant 0 : i32
    %dma_wait3A_330 = arith.constant 0 : i32
    %dma_wait3A_331 = tpu.memref_slice %arg5[%dma_wait3A_324, %add3A_55, %dma_wait3A_329, %dma_wait3A_330] : memref<3x64x4x3328xf32, #tpu.memory_space<hbm>> -> memref<1x1x4x1664xf32, #tpu.memory_space<hbm>>
    %dma_wait3A_332 = tpu.memref_squeeze %dma_wait3A_331 : memref<1x1x4x1664xf32, #tpu.memory_space<hbm>> -> memref<4x1664xf32, #tpu.memory_space<hbm>>
    %dma_wait3A_333 = arith.constant 0 : i32
    %dma_wait3A_334 = arith.constant 0 : i32
    %dma_wait3A_335 = tpu.memref_slice %arg5[%dma_wait3A_324, %add3A_55, %dma_wait3A_333, %dma_wait3A_334] : memref<3x64x4x3328xf32, #tpu.memory_space<hbm>> -> memref<1x1x4x1664xf32, #tpu.memory_space<hbm>>
    %dma_wait3A_336 = tpu.memref_squeeze %dma_wait3A_335 : memref<1x1x4x1664xf32, #tpu.memory_space<hbm>> -> memref<4x1664xf32, #tpu.memory_space<hbm>>
    %dma_wait3A_337 = arith.constant 0 : i32
    %dma_wait3A_338 = arith.constant 0 : i32
    %dma_wait3A_339 = tpu.memref_slice %arg9[%dma_wait3A_322, %dma_wait3A_323, %dma_wait3A_337, %dma_wait3A_338] : memref<3x2x4x3328xf32, #tpu.memory_space<vmem>> -> memref<1x1x4x1664xf32, #tpu.memory_space<vmem>>
    %dma_wait3A_340 = tpu.memref_squeeze %dma_wait3A_339 : memref<1x1x4x1664xf32, #tpu.memory_space<vmem>> -> memref<4x1664xf32, #tpu.memory_space<vmem>>
    tpu.wait_dma2 semaphore(%arg10 : memref<!tpu.dma_semaphore, #tpu.memory_space<semaphore_mem>>) src(%dma_wait3A_340 : memref<4x1664xf32, #tpu.memory_space<vmem>>) dst(%dma_wait3A_336 : memref<4x1664xf32, #tpu.memory_space<hbm>>)
    %dma_wait3A_341 = arith.constant 1 : i32
    %dma_wait3A_342 = arith.constant 1 : i32
    %dma_wait3A_343 = arith.constant 1 : i32
    %dma_wait3A_344 = arith.constant 0 : i32
    %dma_wait3A_345 = arith.constant 0 : i32
    %dma_wait3A_346 = tpu.memref_slice %arg9[%dma_wait3A_341, %dma_wait3A_342, %dma_wait3A_344, %dma_wait3A_345] : memref<3x2x4x3328xf32, #tpu.memory_space<vmem>> -> memref<1x1x4x1664xf32, #tpu.memory_space<vmem>>
    %dma_wait3A_347 = tpu.memref_squeeze %dma_wait3A_346 : memref<1x1x4x1664xf32, #tpu.memory_space<vmem>> -> memref<4x1664xf32, #tpu.memory_space<vmem>>
    %dma_wait3A_348 = arith.constant 0 : i32
    %dma_wait3A_349 = arith.constant 0 : i32
    %dma_wait3A_350 = tpu.memref_slice %arg5[%dma_wait3A_343, %add3A_78, %dma_wait3A_348, %dma_wait3A_349] : memref<3x64x4x3328xf32, #tpu.memory_space<hbm>> -> memref<1x1x4x1664xf32, #tpu.memory_space<hbm>>
    %dma_wait3A_351 = tpu.memref_squeeze %dma_wait3A_350 : memref<1x1x4x1664xf32, #tpu.memory_space<hbm>> -> memref<4x1664xf32, #tpu.memory_space<hbm>>
    %dma_wait3A_352 = arith.constant 0 : i32
    %dma_wait3A_353 = arith.constant 0 : i32
    %dma_wait3A_354 = tpu.memref_slice %arg5[%dma_wait3A_343, %add3A_78, %dma_wait3A_352, %dma_wait3A_353] : memref<3x64x4x3328xf32, #tpu.memory_space<hbm>> -> memref<1x1x4x1664xf32, #tpu.memory_space<hbm>>
    %dma_wait3A_355 = tpu.memref_squeeze %dma_wait3A_354 : memref<1x1x4x1664xf32, #tpu.memory_space<hbm>> -> memref<4x1664xf32, #tpu.memory_space<hbm>>
    %dma_wait3A_356 = arith.constant 0 : i32
    %dma_wait3A_357 = arith.constant 0 : i32
    %dma_wait3A_358 = tpu.memref_slice %arg9[%dma_wait3A_341, %dma_wait3A_342, %dma_wait3A_356, %dma_wait3A_357] : memref<3x2x4x3328xf32, #tpu.memory_space<vmem>> -> memref<1x1x4x1664xf32, #tpu.memory_space<vmem>>
    %dma_wait3A_359 = tpu.memref_squeeze %dma_wait3A_358 : memref<1x1x4x1664xf32, #tpu.memory_space<vmem>> -> memref<4x1664xf32, #tpu.memory_space<vmem>>
    tpu.wait_dma2 semaphore(%arg10 : memref<!tpu.dma_semaphore, #tpu.memory_space<semaphore_mem>>) src(%dma_wait3A_359 : memref<4x1664xf32, #tpu.memory_space<vmem>>) dst(%dma_wait3A_355 : memref<4x1664xf32, #tpu.memory_space<hbm>>)
    %dma_wait3A_360 = arith.constant 2 : i32
    %dma_wait3A_361 = arith.constant 0 : i32
    %dma_wait3A_362 = arith.constant 2 : i32
    %dma_wait3A_363 = arith.constant 0 : i32
    %dma_wait3A_364 = arith.constant 0 : i32
    %dma_wait3A_365 = tpu.memref_slice %arg9[%dma_wait3A_360, %dma_wait3A_361, %dma_wait3A_363, %dma_wait3A_364] : memref<3x2x4x3328xf32, #tpu.memory_space<vmem>> -> memref<1x1x4x1664xf32, #tpu.memory_space<vmem>>
    %dma_wait3A_366 = tpu.memref_squeeze %dma_wait3A_365 : memref<1x1x4x1664xf32, #tpu.memory_space<vmem>> -> memref<4x1664xf32, #tpu.memory_space<vmem>>
    %dma_wait3A_367 = arith.constant 0 : i32
    %dma_wait3A_368 = arith.constant 0 : i32
    %dma_wait3A_369 = tpu.memref_slice %arg5[%dma_wait3A_362, %add3A_101, %dma_wait3A_367, %dma_wait3A_368] : memref<3x64x4x3328xf32, #tpu.memory_space<hbm>> -> memref<1x1x4x1664xf32, #tpu.memory_space<hbm>>
    %dma_wait3A_370 = tpu.memref_squeeze %dma_wait3A_369 : memref<1x1x4x1664xf32, #tpu.memory_space<hbm>> -> memref<4x1664xf32, #tpu.memory_space<hbm>>
    %dma_wait3A_371 = arith.constant 0 : i32
    %dma_wait3A_372 = arith.constant 0 : i32
    %dma_wait3A_373 = tpu.memref_slice %arg5[%dma_wait3A_362, %add3A_101, %dma_wait3A_371, %dma_wait3A_372] : memref<3x64x4x3328xf32, #tpu.memory_space<hbm>> -> memref<1x1x4x1664xf32, #tpu.memory_space<hbm>>
    %dma_wait3A_374 = tpu.memref_squeeze %dma_wait3A_373 : memref<1x1x4x1664xf32, #tpu.memory_space<hbm>> -> memref<4x1664xf32, #tpu.memory_space<hbm>>
    %dma_wait3A_375 = arith.constant 0 : i32
    %dma_wait3A_376 = arith.constant 0 : i32
    %dma_wait3A_377 = tpu.memref_slice %arg9[%dma_wait3A_360, %dma_wait3A_361, %dma_wait3A_375, %dma_wait3A_376] : memref<3x2x4x3328xf32, #tpu.memory_space<vmem>> -> memref<1x1x4x1664xf32, #tpu.memory_space<vmem>>
    %dma_wait3A_378 = tpu.memref_squeeze %dma_wait3A_377 : memref<1x1x4x1664xf32, #tpu.memory_space<vmem>> -> memref<4x1664xf32, #tpu.memory_space<vmem>>
    tpu.wait_dma2 semaphore(%arg10 : memref<!tpu.dma_semaphore, #tpu.memory_space<semaphore_mem>>) src(%dma_wait3A_378 : memref<4x1664xf32, #tpu.memory_space<vmem>>) dst(%dma_wait3A_374 : memref<4x1664xf32, #tpu.memory_space<hbm>>)
    %dma_wait3A_379 = arith.constant 2 : i32
    %dma_wait3A_380 = arith.constant 1 : i32
    %dma_wait3A_381 = arith.constant 2 : i32
    %dma_wait3A_382 = arith.constant 0 : i32
    %dma_wait3A_383 = arith.constant 0 : i32
    %dma_wait3A_384 = tpu.memref_slice %arg9[%dma_wait3A_379, %dma_wait3A_380, %dma_wait3A_382, %dma_wait3A_383] : memref<3x2x4x3328xf32, #tpu.memory_space<vmem>> -> memref<1x1x4x1664xf32, #tpu.memory_space<vmem>>
    %dma_wait3A_385 = tpu.memref_squeeze %dma_wait3A_384 : memref<1x1x4x1664xf32, #tpu.memory_space<vmem>> -> memref<4x1664xf32, #tpu.memory_space<vmem>>
    %dma_wait3A_386 = arith.constant 0 : i32
    %dma_wait3A_387 = arith.constant 0 : i32
    %dma_wait3A_388 = tpu.memref_slice %arg5[%dma_wait3A_381, %add3A_124, %dma_wait3A_386, %dma_wait3A_387] : memref<3x64x4x3328xf32, #tpu.memory_space<hbm>> -> memref<1x1x4x1664xf32, #tpu.memory_space<hbm>>
    %dma_wait3A_389 = tpu.memref_squeeze %dma_wait3A_388 : memref<1x1x4x1664xf32, #tpu.memory_space<hbm>> -> memref<4x1664xf32, #tpu.memory_space<hbm>>
    %dma_wait3A_390 = arith.constant 0 : i32
    %dma_wait3A_391 = arith.constant 0 : i32
    %dma_wait3A_392 = tpu.memref_slice %arg5[%dma_wait3A_381, %add3A_124, %dma_wait3A_390, %dma_wait3A_391] : memref<3x64x4x3328xf32, #tpu.memory_space<hbm>> -> memref<1x1x4x1664xf32, #tpu.memory_space<hbm>>
    %dma_wait3A_393 = tpu.memref_squeeze %dma_wait3A_392 : memref<1x1x4x1664xf32, #tpu.memory_space<hbm>> -> memref<4x1664xf32, #tpu.memory_space<hbm>>
    %dma_wait3A_394 = arith.constant 0 : i32
    %dma_wait3A_395 = arith.constant 0 : i32
    %dma_wait3A_396 = tpu.memref_slice %arg9[%dma_wait3A_379, %dma_wait3A_380, %dma_wait3A_394, %dma_wait3A_395] : memref<3x2x4x3328xf32, #tpu.memory_space<vmem>> -> memref<1x1x4x1664xf32, #tpu.memory_space<vmem>>
    %dma_wait3A_397 = tpu.memref_squeeze %dma_wait3A_396 : memref<1x1x4x1664xf32, #tpu.memory_space<vmem>> -> memref<4x1664xf32, #tpu.memory_space<vmem>>
    tpu.wait_dma2 semaphore(%arg10 : memref<!tpu.dma_semaphore, #tpu.memory_space<semaphore_mem>>) src(%dma_wait3A_397 : memref<4x1664xf32, #tpu.memory_space<vmem>>) dst(%dma_wait3A_393 : memref<4x1664xf32, #tpu.memory_space<hbm>>)
    %dma_wait3A_398 = arith.constant 0 : i32
    %dma_wait3A_399 = arith.constant 0 : i32
    %dma_wait3A_400 = arith.constant 0 : i32
    %dma_wait3A_401 = arith.constant 0 : i32
    %dma_wait3A_402 = arith.constant 1664 : i32
    %dma_wait3A_403 = tpu.memref_slice %arg9[%dma_wait3A_398, %dma_wait3A_399, %dma_wait3A_401, %dma_wait3A_402] : memref<3x2x4x3328xf32, #tpu.memory_space<vmem>> -> memref<1x1x4x1664xf32, #tpu.memory_space<vmem>>
    %dma_wait3A_404 = tpu.memref_squeeze %dma_wait3A_403 : memref<1x1x4x1664xf32, #tpu.memory_space<vmem>> -> memref<4x1664xf32, #tpu.memory_space<vmem>>
    %dma_wait3A_405 = arith.constant 0 : i32
    %dma_wait3A_406 = arith.constant 1664 : i32
    %dma_wait3A_407 = tpu.memref_slice %arg5[%dma_wait3A_400, %add3A_150, %dma_wait3A_405, %dma_wait3A_406] : memref<3x64x4x3328xf32, #tpu.memory_space<hbm>> -> memref<1x1x4x1664xf32, #tpu.memory_space<hbm>>
    %dma_wait3A_408 = tpu.memref_squeeze %dma_wait3A_407 : memref<1x1x4x1664xf32, #tpu.memory_space<hbm>> -> memref<4x1664xf32, #tpu.memory_space<hbm>>
    %dma_wait3A_409 = arith.constant 0 : i32
    %dma_wait3A_410 = arith.constant 1664 : i32
    %dma_wait3A_411 = tpu.memref_slice %arg5[%dma_wait3A_400, %add3A_150, %dma_wait3A_409, %dma_wait3A_410] : memref<3x64x4x3328xf32, #tpu.memory_space<hbm>> -> memref<1x1x4x1664xf32, #tpu.memory_space<hbm>>
    %dma_wait3A_412 = tpu.memref_squeeze %dma_wait3A_411 : memref<1x1x4x1664xf32, #tpu.memory_space<hbm>> -> memref<4x1664xf32, #tpu.memory_space<hbm>>
    %dma_wait3A_413 = arith.constant 0 : i32
    %dma_wait3A_414 = arith.constant 1664 : i32
    %dma_wait3A_415 = tpu.memref_slice %arg9[%dma_wait3A_398, %dma_wait3A_399, %dma_wait3A_413, %dma_wait3A_414] : memref<3x2x4x3328xf32, #tpu.memory_space<vmem>> -> memref<1x1x4x1664xf32, #tpu.memory_space<vmem>>
    %dma_wait3A_416 = tpu.memref_squeeze %dma_wait3A_415 : memref<1x1x4x1664xf32, #tpu.memory_space<vmem>> -> memref<4x1664xf32, #tpu.memory_space<vmem>>
    tpu.wait_dma2 semaphore(%arg10 : memref<!tpu.dma_semaphore, #tpu.memory_space<semaphore_mem>>) src(%dma_wait3A_416 : memref<4x1664xf32, #tpu.memory_space<vmem>>) dst(%dma_wait3A_412 : memref<4x1664xf32, #tpu.memory_space<hbm>>)
    %dma_wait3A_417 = arith.constant 0 : i32
    %dma_wait3A_418 = arith.constant 1 : i32
    %dma_wait3A_419 = arith.constant 0 : i32
    %dma_wait3A_420 = arith.constant 0 : i32
    %dma_wait3A_421 = arith.constant 1664 : i32
    %dma_wait3A_422 = tpu.memref_slice %arg9[%dma_wait3A_417, %dma_wait3A_418, %dma_wait3A_420, %dma_wait3A_421] : memref<3x2x4x3328xf32, #tpu.memory_space<vmem>> -> memref<1x1x4x1664xf32, #tpu.memory_space<vmem>>
    %dma_wait3A_423 = tpu.memref_squeeze %dma_wait3A_422 : memref<1x1x4x1664xf32, #tpu.memory_space<vmem>> -> memref<4x1664xf32, #tpu.memory_space<vmem>>
    %dma_wait3A_424 = arith.constant 0 : i32
    %dma_wait3A_425 = arith.constant 1664 : i32
    %dma_wait3A_426 = tpu.memref_slice %arg5[%dma_wait3A_419, %add3A_173, %dma_wait3A_424, %dma_wait3A_425] : memref<3x64x4x3328xf32, #tpu.memory_space<hbm>> -> memref<1x1x4x1664xf32, #tpu.memory_space<hbm>>
    %dma_wait3A_427 = tpu.memref_squeeze %dma_wait3A_426 : memref<1x1x4x1664xf32, #tpu.memory_space<hbm>> -> memref<4x1664xf32, #tpu.memory_space<hbm>>
    %dma_wait3A_428 = arith.constant 0 : i32
    %dma_wait3A_429 = arith.constant 1664 : i32
    %dma_wait3A_430 = tpu.memref_slice %arg5[%dma_wait3A_419, %add3A_173, %dma_wait3A_428, %dma_wait3A_429] : memref<3x64x4x3328xf32, #tpu.memory_space<hbm>> -> memref<1x1x4x1664xf32, #tpu.memory_space<hbm>>
    %dma_wait3A_431 = tpu.memref_squeeze %dma_wait3A_430 : memref<1x1x4x1664xf32, #tpu.memory_space<hbm>> -> memref<4x1664xf32, #tpu.memory_space<hbm>>
    %dma_wait3A_432 = arith.constant 0 : i32
    %dma_wait3A_433 = arith.constant 1664 : i32
    %dma_wait3A_434 = tpu.memref_slice %arg9[%dma_wait3A_417, %dma_wait3A_418, %dma_wait3A_432, %dma_wait3A_433] : memref<3x2x4x3328xf32, #tpu.memory_space<vmem>> -> memref<1x1x4x1664xf32, #tpu.memory_space<vmem>>
    %dma_wait3A_435 = tpu.memref_squeeze %dma_wait3A_434 : memref<1x1x4x1664xf32, #tpu.memory_space<vmem>> -> memref<4x1664xf32, #tpu.memory_space<vmem>>
    tpu.wait_dma2 semaphore(%arg10 : memref<!tpu.dma_semaphore, #tpu.memory_space<semaphore_mem>>) src(%dma_wait3A_435 : memref<4x1664xf32, #tpu.memory_space<vmem>>) dst(%dma_wait3A_431 : memref<4x1664xf32, #tpu.memory_space<hbm>>)
    %dma_wait3A_436 = arith.constant 1 : i32
    %dma_wait3A_437 = arith.constant 0 : i32
    %dma_wait3A_438 = arith.constant 1 : i32
    %dma_wait3A_439 = arith.constant 0 : i32
    %dma_wait3A_440 = arith.constant 1664 : i32
    %dma_wait3A_441 = tpu.memref_slice %arg9[%dma_wait3A_436, %dma_wait3A_437, %dma_wait3A_439, %dma_wait3A_440] : memref<3x2x4x3328xf32, #tpu.memory_space<vmem>> -> memref<1x1x4x1664xf32, #tpu.memory_space<vmem>>
    %dma_wait3A_442 = tpu.memref_squeeze %dma_wait3A_441 : memref<1x1x4x1664xf32, #tpu.memory_space<vmem>> -> memref<4x1664xf32, #tpu.memory_space<vmem>>
    %dma_wait3A_443 = arith.constant 0 : i32
    %dma_wait3A_444 = arith.constant 1664 : i32
    %dma_wait3A_445 = tpu.memref_slice %arg5[%dma_wait3A_438, %add3A_196, %dma_wait3A_443, %dma_wait3A_444] : memref<3x64x4x3328xf32, #tpu.memory_space<hbm>> -> memref<1x1x4x1664xf32, #tpu.memory_space<hbm>>
    %dma_wait3A_446 = tpu.memref_squeeze %dma_wait3A_445 : memref<1x1x4x1664xf32, #tpu.memory_space<hbm>> -> memref<4x1664xf32, #tpu.memory_space<hbm>>
    %dma_wait3A_447 = arith.constant 0 : i32
    %dma_wait3A_448 = arith.constant 1664 : i32
    %dma_wait3A_449 = tpu.memref_slice %arg5[%dma_wait3A_438, %add3A_196, %dma_wait3A_447, %dma_wait3A_448] : memref<3x64x4x3328xf32, #tpu.memory_space<hbm>> -> memref<1x1x4x1664xf32, #tpu.memory_space<hbm>>
    %dma_wait3A_450 = tpu.memref_squeeze %dma_wait3A_449 : memref<1x1x4x1664xf32, #tpu.memory_space<hbm>> -> memref<4x1664xf32, #tpu.memory_space<hbm>>
    %dma_wait3A_451 = arith.constant 0 : i32
    %dma_wait3A_452 = arith.constant 1664 : i32
    %dma_wait3A_453 = tpu.memref_slice %arg9[%dma_wait3A_436, %dma_wait3A_437, %dma_wait3A_451, %dma_wait3A_452] : memref<3x2x4x3328xf32, #tpu.memory_space<vmem>> -> memref<1x1x4x1664xf32, #tpu.memory_space<vmem>>
    %dma_wait3A_454 = tpu.memref_squeeze %dma_wait3A_453 : memref<1x1x4x1664xf32, #tpu.memory_space<vmem>> -> memref<4x1664xf32, #tpu.memory_space<vmem>>
    tpu.wait_dma2 semaphore(%arg10 : memref<!tpu.dma_semaphore, #tpu.memory_space<semaphore_mem>>) src(%dma_wait3A_454 : memref<4x1664xf32, #tpu.memory_space<vmem>>) dst(%dma_wait3A_450 : memref<4x1664xf32, #tpu.memory_space<hbm>>)
    %dma_wait3A_455 = arith.constant 1 : i32
    %dma_wait3A_456 = arith.constant 1 : i32
    %dma_wait3A_457 = arith.constant 1 : i32
    %dma_wait3A_458 = arith.constant 0 : i32
    %dma_wait3A_459 = arith.constant 1664 : i32
    %dma_wait3A_460 = tpu.memref_slice %arg9[%dma_wait3A_455, %dma_wait3A_456, %dma_wait3A_458, %dma_wait3A_459] : memref<3x2x4x3328xf32, #tpu.memory_space<vmem>> -> memref<1x1x4x1664xf32, #tpu.memory_space<vmem>>
    %dma_wait3A_461 = tpu.memref_squeeze %dma_wait3A_460 : memref<1x1x4x1664xf32, #tpu.memory_space<vmem>> -> memref<4x1664xf32, #tpu.memory_space<vmem>>
    %dma_wait3A_462 = arith.constant 0 : i32
    %dma_wait3A_463 = arith.constant 1664 : i32
    %dma_wait3A_464 = tpu.memref_slice %arg5[%dma_wait3A_457, %add3A_219, %dma_wait3A_462, %dma_wait3A_463] : memref<3x64x4x3328xf32, #tpu.memory_space<hbm>> -> memref<1x1x4x1664xf32, #tpu.memory_space<hbm>>
    %dma_wait3A_465 = tpu.memref_squeeze %dma_wait3A_464 : memref<1x1x4x1664xf32, #tpu.memory_space<hbm>> -> memref<4x1664xf32, #tpu.memory_space<hbm>>
    %dma_wait3A_466 = arith.constant 0 : i32
    %dma_wait3A_467 = arith.constant 1664 : i32
    %dma_wait3A_468 = tpu.memref_slice %arg5[%dma_wait3A_457, %add3A_219, %dma_wait3A_466, %dma_wait3A_467] : memref<3x64x4x3328xf32, #tpu.memory_space<hbm>> -> memref<1x1x4x1664xf32, #tpu.memory_space<hbm>>
    %dma_wait3A_469 = tpu.memref_squeeze %dma_wait3A_468 : memref<1x1x4x1664xf32, #tpu.memory_space<hbm>> -> memref<4x1664xf32, #tpu.memory_space<hbm>>
    %dma_wait3A_470 = arith.constant 0 : i32
    %dma_wait3A_471 = arith.constant 1664 : i32
    %dma_wait3A_472 = tpu.memref_slice %arg9[%dma_wait3A_455, %dma_wait3A_456, %dma_wait3A_470, %dma_wait3A_471] : memref<3x2x4x3328xf32, #tpu.memory_space<vmem>> -> memref<1x1x4x1664xf32, #tpu.memory_space<vmem>>
    %dma_wait3A_473 = tpu.memref_squeeze %dma_wait3A_472 : memref<1x1x4x1664xf32, #tpu.memory_space<vmem>> -> memref<4x1664xf32, #tpu.memory_space<vmem>>
    tpu.wait_dma2 semaphore(%arg10 : memref<!tpu.dma_semaphore, #tpu.memory_space<semaphore_mem>>) src(%dma_wait3A_473 : memref<4x1664xf32, #tpu.memory_space<vmem>>) dst(%dma_wait3A_469 : memref<4x1664xf32, #tpu.memory_space<hbm>>)
    %dma_wait3A_474 = arith.constant 2 : i32
    %dma_wait3A_475 = arith.constant 0 : i32
    %dma_wait3A_476 = arith.constant 2 : i32
    %dma_wait3A_477 = arith.constant 0 : i32
    %dma_wait3A_478 = arith.constant 1664 : i32
    %dma_wait3A_479 = tpu.memref_slice %arg9[%dma_wait3A_474, %dma_wait3A_475, %dma_wait3A_477, %dma_wait3A_478] : memref<3x2x4x3328xf32, #tpu.memory_space<vmem>> -> memref<1x1x4x1664xf32, #tpu.memory_space<vmem>>
    %dma_wait3A_480 = tpu.memref_squeeze %dma_wait3A_479 : memref<1x1x4x1664xf32, #tpu.memory_space<vmem>> -> memref<4x1664xf32, #tpu.memory_space<vmem>>
    %dma_wait3A_481 = arith.constant 0 : i32
    %dma_wait3A_482 = arith.constant 1664 : i32
    %dma_wait3A_483 = tpu.memref_slice %arg5[%dma_wait3A_476, %add3A_242, %dma_wait3A_481, %dma_wait3A_482] : memref<3x64x4x3328xf32, #tpu.memory_space<hbm>> -> memref<1x1x4x1664xf32, #tpu.memory_space<hbm>>
    %dma_wait3A_484 = tpu.memref_squeeze %dma_wait3A_483 : memref<1x1x4x1664xf32, #tpu.memory_space<hbm>> -> memref<4x1664xf32, #tpu.memory_space<hbm>>
    %dma_wait3A_485 = arith.constant 0 : i32
    %dma_wait3A_486 = arith.constant 1664 : i32
    %dma_wait3A_487 = tpu.memref_slice %arg5[%dma_wait3A_476, %add3A_242, %dma_wait3A_485, %dma_wait3A_486] : memref<3x64x4x3328xf32, #tpu.memory_space<hbm>> -> memref<1x1x4x1664xf32, #tpu.memory_space<hbm>>
    %dma_wait3A_488 = tpu.memref_squeeze %dma_wait3A_487 : memref<1x1x4x1664xf32, #tpu.memory_space<hbm>> -> memref<4x1664xf32, #tpu.memory_space<hbm>>
    %dma_wait3A_489 = arith.constant 0 : i32
    %dma_wait3A_490 = arith.constant 1664 : i32
    %dma_wait3A_491 = tpu.memref_slice %arg9[%dma_wait3A_474, %dma_wait3A_475, %dma_wait3A_489, %dma_wait3A_490] : memref<3x2x4x3328xf32, #tpu.memory_space<vmem>> -> memref<1x1x4x1664xf32, #tpu.memory_space<vmem>>
    %dma_wait3A_492 = tpu.memref_squeeze %dma_wait3A_491 : memref<1x1x4x1664xf32, #tpu.memory_space<vmem>> -> memref<4x1664xf32, #tpu.memory_space<vmem>>
    tpu.wait_dma2 semaphore(%arg10 : memref<!tpu.dma_semaphore, #tpu.memory_space<semaphore_mem>>) src(%dma_wait3A_492 : memref<4x1664xf32, #tpu.memory_space<vmem>>) dst(%dma_wait3A_488 : memref<4x1664xf32, #tpu.memory_space<hbm>>)
    %dma_wait3A_493 = arith.constant 2 : i32
    %dma_wait3A_494 = arith.constant 1 : i32
    %dma_wait3A_495 = arith.constant 2 : i32
    %dma_wait3A_496 = arith.constant 0 : i32
    %dma_wait3A_497 = arith.constant 1664 : i32
    %dma_wait3A_498 = tpu.memref_slice %arg9[%dma_wait3A_493, %dma_wait3A_494, %dma_wait3A_496, %dma_wait3A_497] : memref<3x2x4x3328xf32, #tpu.memory_space<vmem>> -> memref<1x1x4x1664xf32, #tpu.memory_space<vmem>>
    %dma_wait3A_499 = tpu.memref_squeeze %dma_wait3A_498 : memref<1x1x4x1664xf32, #tpu.memory_space<vmem>> -> memref<4x1664xf32, #tpu.memory_space<vmem>>
    %dma_wait3A_500 = arith.constant 0 : i32
    %dma_wait3A_501 = arith.constant 1664 : i32
    %dma_wait3A_502 = tpu.memref_slice %arg5[%dma_wait3A_495, %add3A_265, %dma_wait3A_500, %dma_wait3A_501] : memref<3x64x4x3328xf32, #tpu.memory_space<hbm>> -> memref<1x1x4x1664xf32, #tpu.memory_space<hbm>>
    %dma_wait3A_503 = tpu.memref_squeeze %dma_wait3A_502 : memref<1x1x4x1664xf32, #tpu.memory_space<hbm>> -> memref<4x1664xf32, #tpu.memory_space<hbm>>
    %dma_wait3A_504 = arith.constant 0 : i32
    %dma_wait3A_505 = arith.constant 1664 : i32
    %dma_wait3A_506 = tpu.memref_slice %arg5[%dma_wait3A_495, %add3A_265, %dma_wait3A_504, %dma_wait3A_505] : memref<3x64x4x3328xf32, #tpu.memory_space<hbm>> -> memref<1x1x4x1664xf32, #tpu.memory_space<hbm>>
    %dma_wait3A_507 = tpu.memref_squeeze %dma_wait3A_506 : memref<1x1x4x1664xf32, #tpu.memory_space<hbm>> -> memref<4x1664xf32, #tpu.memory_space<hbm>>
    %dma_wait3A_508 = arith.constant 0 : i32
    %dma_wait3A_509 = arith.constant 1664 : i32
    %dma_wait3A_510 = tpu.memref_slice %arg9[%dma_wait3A_493, %dma_wait3A_494, %dma_wait3A_508, %dma_wait3A_509] : memref<3x2x4x3328xf32, #tpu.memory_space<vmem>> -> memref<1x1x4x1664xf32, #tpu.memory_space<vmem>>
    %dma_wait3A_511 = tpu.memref_squeeze %dma_wait3A_510 : memref<1x1x4x1664xf32, #tpu.memory_space<vmem>> -> memref<4x1664xf32, #tpu.memory_space<vmem>>
    tpu.wait_dma2 semaphore(%arg10 : memref<!tpu.dma_semaphore, #tpu.memory_space<semaphore_mem>>) src(%dma_wait3A_511 : memref<4x1664xf32, #tpu.memory_space<vmem>>) dst(%dma_wait3A_507 : memref<4x1664xf32, #tpu.memory_space<hbm>>)
    return
  }
}

module attributes {stable_mosaic.version = 14 : i64} {
  func.func @tc_body(%arg0: i32, %arg1: memref<3x14xi32, #tpu.memory_space<smem>>, %arg2: memref<3x14xf32, #tpu.memory_space<smem>>, %arg3: memref<3x16x4x3328xf32, #tpu.memory_space<vmem>>, %arg4: memref<16x14x4x3276xf32, #tpu.memory_space<vmem>>) attributes {dimension_semantics = [#tpu.dimension_semantics<arbitrary>], iteration_bounds = array<i64: 4>, scalar_prefetch = 0 : i64, scratch_operands = 0 : i64, tpu.core_type = #tpu.core_type<tc>, window_params = [{transform_indices = @transform_0, window_bounds = array<i64: 3, 14>}, {transform_indices = @transform_1, window_bounds = array<i64: 3, 14>}, {transform_indices = @transform_2, window_bounds = array<i64: 3, 16, 4, 3328>}, {transform_indices = @transform_3, window_bounds = array<i64: 16, 14, 4, 3276>}]} {
    %get3A = arith.constant 0 : index
    %get3A_0 = arith.constant 0 : index
    %get3A_1 = arith.constant 0 : index
    %get3A_2 = arith.constant 0 : index
    %get3A_3 = vector.load %arg3[%get3A, %get3A_0, %get3A_1, %get3A_2] : memref<3x16x4x3328xf32, #tpu.memory_space<vmem>>, vector<1x16x4x3276xf32>
    %get3A_4 = vector.shape_cast %get3A_3 : vector<1x16x4x3276xf32> to vector<16x4x3276xf32>
    %get3A_5 = arith.constant 1 : index
    %get3A_6 = arith.constant 0 : index
    %get3A_7 = arith.constant 0 : index
    %get3A_8 = arith.constant 0 : index
    %get3A_9 = vector.load %arg3[%get3A_5, %get3A_6, %get3A_7, %get3A_8] : memref<3x16x4x3328xf32, #tpu.memory_space<vmem>>, vector<1x16x4x3276xf32>
    %get3A_10 = vector.shape_cast %get3A_9 : vector<1x16x4x3276xf32> to vector<16x4x3276xf32>
    %get3A_11 = arith.constant 2 : index
    %get3A_12 = arith.constant 0 : index
    %get3A_13 = arith.constant 0 : index
    %get3A_14 = arith.constant 0 : index
    %get3A_15 = vector.load %arg3[%get3A_11, %get3A_12, %get3A_13, %get3A_14] : memref<3x16x4x3328xf32, #tpu.memory_space<vmem>>, vector<1x16x4x3276xf32>
    %get3A_16 = vector.shape_cast %get3A_15 : vector<1x16x4x3276xf32> to vector<16x4x3276xf32>
    %get3A_17 = arith.constant 0 : index
    %get3A_18 = arith.constant 0 : index
    %get3A_19 = memref.load %arg1[%get3A_17, %get3A_18] : memref<3x14xi32, #tpu.memory_space<smem>>
    %eq3A = arith.constant 0 : i32
    %eq3A_20 = arith.cmpi eq, %get3A_19, %eq3A : i32
    %get3A_21 = arith.constant 0 : index
    %get3A_22 = arith.constant 0 : index
    %get3A_23 = memref.load %arg2[%get3A_21, %get3A_22] : memref<3x14xf32, #tpu.memory_space<smem>>
    %jit3A = arith.constant 0.000000e+00 : f32
    %select_n3A = arith.select %eq3A_20, %get3A_23, %jit3A : f32
    %add3A = arith.constant 0.000000e+00 : f32
    %add3A_24 = arith.addf %add3A, %select_n3A : f32
    %get3A_25 = arith.constant 1 : index
    %get3A_26 = arith.constant 0 : index
    %get3A_27 = memref.load %arg1[%get3A_25, %get3A_26] : memref<3x14xi32, #tpu.memory_space<smem>>
    %eq3A_28 = arith.constant 0 : i32
    %eq3A_29 = arith.cmpi eq, %get3A_27, %eq3A_28 : i32
    %get3A_30 = arith.constant 1 : index
    %get3A_31 = arith.constant 0 : index
    %get3A_32 = memref.load %arg2[%get3A_30, %get3A_31] : memref<3x14xf32, #tpu.memory_space<smem>>
    %jit3A_33 = arith.constant 0.000000e+00 : f32
    %select_n3A_34 = arith.select %eq3A_29, %get3A_32, %jit3A_33 : f32
    %add3A_35 = arith.addf %add3A_24, %select_n3A_34 : f32
    %get3A_36 = arith.constant 2 : index
    %get3A_37 = arith.constant 0 : index
    %get3A_38 = memref.load %arg1[%get3A_36, %get3A_37] : memref<3x14xi32, #tpu.memory_space<smem>>
    %eq3A_39 = arith.constant 0 : i32
    %eq3A_40 = arith.cmpi eq, %get3A_38, %eq3A_39 : i32
    %get3A_41 = arith.constant 2 : index
    %get3A_42 = arith.constant 0 : index
    %get3A_43 = memref.load %arg2[%get3A_41, %get3A_42] : memref<3x14xf32, #tpu.memory_space<smem>>
    %jit3A_44 = arith.constant 0.000000e+00 : f32
    %select_n3A_45 = arith.select %eq3A_40, %get3A_43, %jit3A_44 : f32
    %add3A_46 = arith.addf %add3A_35, %select_n3A_45 : f32
    %get3A_47 = arith.constant 0 : index
    %get3A_48 = arith.constant 0 : index
    %get3A_49 = memref.load %arg1[%get3A_47, %get3A_48] : memref<3x14xi32, #tpu.memory_space<smem>>
    %eq3A_50 = arith.constant 1 : i32
    %eq3A_51 = arith.cmpi eq, %get3A_49, %eq3A_50 : i32
    %get3A_52 = arith.constant 0 : index
    %get3A_53 = arith.constant 0 : index
    %get3A_54 = memref.load %arg2[%get3A_52, %get3A_53] : memref<3x14xf32, #tpu.memory_space<smem>>
    %jit3A_55 = arith.constant 0.000000e+00 : f32
    %select_n3A_56 = arith.select %eq3A_51, %get3A_54, %jit3A_55 : f32
    %add3A_57 = arith.constant 0.000000e+00 : f32
    %add3A_58 = arith.addf %add3A_57, %select_n3A_56 : f32
    %get3A_59 = arith.constant 1 : index
    %get3A_60 = arith.constant 0 : index
    %get3A_61 = memref.load %arg1[%get3A_59, %get3A_60] : memref<3x14xi32, #tpu.memory_space<smem>>
    %eq3A_62 = arith.constant 1 : i32
    %eq3A_63 = arith.cmpi eq, %get3A_61, %eq3A_62 : i32
    %get3A_64 = arith.constant 1 : index
    %get3A_65 = arith.constant 0 : index
    %get3A_66 = memref.load %arg2[%get3A_64, %get3A_65] : memref<3x14xf32, #tpu.memory_space<smem>>
    %jit3A_67 = arith.constant 0.000000e+00 : f32
    %select_n3A_68 = arith.select %eq3A_63, %get3A_66, %jit3A_67 : f32
    %add3A_69 = arith.addf %add3A_58, %select_n3A_68 : f32
    %get3A_70 = arith.constant 2 : index
    %get3A_71 = arith.constant 0 : index
    %get3A_72 = memref.load %arg1[%get3A_70, %get3A_71] : memref<3x14xi32, #tpu.memory_space<smem>>
    %eq3A_73 = arith.constant 1 : i32
    %eq3A_74 = arith.cmpi eq, %get3A_72, %eq3A_73 : i32
    %get3A_75 = arith.constant 2 : index
    %get3A_76 = arith.constant 0 : index
    %get3A_77 = memref.load %arg2[%get3A_75, %get3A_76] : memref<3x14xf32, #tpu.memory_space<smem>>
    %jit3A_78 = arith.constant 0.000000e+00 : f32
    %select_n3A_79 = arith.select %eq3A_74, %get3A_77, %jit3A_78 : f32
    %add3A_80 = arith.addf %add3A_69, %select_n3A_79 : f32
    %get3A_81 = arith.constant 0 : index
    %get3A_82 = arith.constant 0 : index
    %get3A_83 = memref.load %arg1[%get3A_81, %get3A_82] : memref<3x14xi32, #tpu.memory_space<smem>>
    %eq3A_84 = arith.constant 2 : i32
    %eq3A_85 = arith.cmpi eq, %get3A_83, %eq3A_84 : i32
    %get3A_86 = arith.constant 0 : index
    %get3A_87 = arith.constant 0 : index
    %get3A_88 = memref.load %arg2[%get3A_86, %get3A_87] : memref<3x14xf32, #tpu.memory_space<smem>>
    %jit3A_89 = arith.constant 0.000000e+00 : f32
    %select_n3A_90 = arith.select %eq3A_85, %get3A_88, %jit3A_89 : f32
    %add3A_91 = arith.constant 0.000000e+00 : f32
    %add3A_92 = arith.addf %add3A_91, %select_n3A_90 : f32
    %get3A_93 = arith.constant 1 : index
    %get3A_94 = arith.constant 0 : index
    %get3A_95 = memref.load %arg1[%get3A_93, %get3A_94] : memref<3x14xi32, #tpu.memory_space<smem>>
    %eq3A_96 = arith.constant 2 : i32
    %eq3A_97 = arith.cmpi eq, %get3A_95, %eq3A_96 : i32
    %get3A_98 = arith.constant 1 : index
    %get3A_99 = arith.constant 0 : index
    %get3A_100 = memref.load %arg2[%get3A_98, %get3A_99] : memref<3x14xf32, #tpu.memory_space<smem>>
    %jit3A_101 = arith.constant 0.000000e+00 : f32
    %select_n3A_102 = arith.select %eq3A_97, %get3A_100, %jit3A_101 : f32
    %add3A_103 = arith.addf %add3A_92, %select_n3A_102 : f32
    %get3A_104 = arith.constant 2 : index
    %get3A_105 = arith.constant 0 : index
    %get3A_106 = memref.load %arg1[%get3A_104, %get3A_105] : memref<3x14xi32, #tpu.memory_space<smem>>
    %eq3A_107 = arith.constant 2 : i32
    %eq3A_108 = arith.cmpi eq, %get3A_106, %eq3A_107 : i32
    %get3A_109 = arith.constant 2 : index
    %get3A_110 = arith.constant 0 : index
    %get3A_111 = memref.load %arg2[%get3A_109, %get3A_110] : memref<3x14xf32, #tpu.memory_space<smem>>
    %jit3A_112 = arith.constant 0.000000e+00 : f32
    %select_n3A_113 = arith.select %eq3A_108, %get3A_111, %jit3A_112 : f32
    %add3A_114 = arith.addf %add3A_103, %select_n3A_113 : f32
    %mul3A = vector.broadcast %add3A_46 : f32 to vector<16x4x3276xf32>
    %mul3A_115 = arith.mulf %get3A_4, %mul3A : vector<16x4x3276xf32>
    %mul3A_116 = vector.broadcast %add3A_80 : f32 to vector<16x4x3276xf32>
    %mul3A_117 = arith.mulf %get3A_10, %mul3A_116 : vector<16x4x3276xf32>
    %add3A_118 = arith.addf %mul3A_115, %mul3A_117 : vector<16x4x3276xf32>
    %mul3A_119 = vector.broadcast %add3A_114 : f32 to vector<16x4x3276xf32>
    %mul3A_120 = arith.mulf %get3A_16, %mul3A_119 : vector<16x4x3276xf32>
    %add3A_121 = arith.addf %add3A_118, %mul3A_120 : vector<16x4x3276xf32>
    %swap3A = arith.constant 0 : index
    %swap3A_122 = arith.constant 0 : index
    %swap3A_123 = arith.constant 0 : index
    %swap3A_124 = arith.constant 0 : index
    %swap3A_125 = vector.load %arg4[%swap3A, %swap3A_122, %swap3A_123, %swap3A_124] : memref<16x14x4x3276xf32, #tpu.memory_space<vmem>>, vector<16x1x4x3276xf32>
    %swap3A_126 = vector.shape_cast %swap3A_125 : vector<16x1x4x3276xf32> to vector<16x4x3276xf32>
    %swap3A_127 = vector.shape_cast %add3A_121 : vector<16x4x3276xf32> to vector<16x1x4x3276xf32>
    tpu.vector_store %arg4[%swap3A, %swap3A_122, %swap3A_123, %swap3A_124], %swap3A_127 {strides = array<i32>} : memref<16x14x4x3276xf32, #tpu.memory_space<vmem>>, vector<16x1x4x3276xf32>,
    %get3A_128 = arith.constant 0 : index
    %get3A_129 = arith.constant 1 : index
    %get3A_130 = memref.load %arg1[%get3A_128, %get3A_129] : memref<3x14xi32, #tpu.memory_space<smem>>
    %eq3A_131 = arith.constant 0 : i32
    %eq3A_132 = arith.cmpi eq, %get3A_130, %eq3A_131 : i32
    %get3A_133 = arith.constant 0 : index
    %get3A_134 = arith.constant 1 : index
    %get3A_135 = memref.load %arg2[%get3A_133, %get3A_134] : memref<3x14xf32, #tpu.memory_space<smem>>
    %jit3A_136 = arith.constant 0.000000e+00 : f32
    %select_n3A_137 = arith.select %eq3A_132, %get3A_135, %jit3A_136 : f32
    %add3A_138 = arith.constant 0.000000e+00 : f32
    %add3A_139 = arith.addf %add3A_138, %select_n3A_137 : f32
    %get3A_140 = arith.constant 1 : index
    %get3A_141 = arith.constant 1 : index
    %get3A_142 = memref.load %arg1[%get3A_140, %get3A_141] : memref<3x14xi32, #tpu.memory_space<smem>>
    %eq3A_143 = arith.constant 0 : i32
    %eq3A_144 = arith.cmpi eq, %get3A_142, %eq3A_143 : i32
    %get3A_145 = arith.constant 1 : index
    %get3A_146 = arith.constant 1 : index
    %get3A_147 = memref.load %arg2[%get3A_145, %get3A_146] : memref<3x14xf32, #tpu.memory_space<smem>>
    %jit3A_148 = arith.constant 0.000000e+00 : f32
    %select_n3A_149 = arith.select %eq3A_144, %get3A_147, %jit3A_148 : f32
    %add3A_150 = arith.addf %add3A_139, %select_n3A_149 : f32
    %get3A_151 = arith.constant 2 : index
    %get3A_152 = arith.constant 1 : index
    %get3A_153 = memref.load %arg1[%get3A_151, %get3A_152] : memref<3x14xi32, #tpu.memory_space<smem>>
    %eq3A_154 = arith.constant 0 : i32
    %eq3A_155 = arith.cmpi eq, %get3A_153, %eq3A_154 : i32
    %get3A_156 = arith.constant 2 : index
    %get3A_157 = arith.constant 1 : index
    %get3A_158 = memref.load %arg2[%get3A_156, %get3A_157] : memref<3x14xf32, #tpu.memory_space<smem>>
    %jit3A_159 = arith.constant 0.000000e+00 : f32
    %select_n3A_160 = arith.select %eq3A_155, %get3A_158, %jit3A_159 : f32
    %add3A_161 = arith.addf %add3A_150, %select_n3A_160 : f32
    %get3A_162 = arith.constant 0 : index
    %get3A_163 = arith.constant 1 : index
    %get3A_164 = memref.load %arg1[%get3A_162, %get3A_163] : memref<3x14xi32, #tpu.memory_space<smem>>
    %eq3A_165 = arith.constant 1 : i32
    %eq3A_166 = arith.cmpi eq, %get3A_164, %eq3A_165 : i32
    %get3A_167 = arith.constant 0 : index
    %get3A_168 = arith.constant 1 : index
    %get3A_169 = memref.load %arg2[%get3A_167, %get3A_168] : memref<3x14xf32, #tpu.memory_space<smem>>
    %jit3A_170 = arith.constant 0.000000e+00 : f32
    %select_n3A_171 = arith.select %eq3A_166, %get3A_169, %jit3A_170 : f32
    %add3A_172 = arith.constant 0.000000e+00 : f32
    %add3A_173 = arith.addf %add3A_172, %select_n3A_171 : f32
    %get3A_174 = arith.constant 1 : index
    %get3A_175 = arith.constant 1 : index
    %get3A_176 = memref.load %arg1[%get3A_174, %get3A_175] : memref<3x14xi32, #tpu.memory_space<smem>>
    %eq3A_177 = arith.constant 1 : i32
    %eq3A_178 = arith.cmpi eq, %get3A_176, %eq3A_177 : i32
    %get3A_179 = arith.constant 1 : index
    %get3A_180 = arith.constant 1 : index
    %get3A_181 = memref.load %arg2[%get3A_179, %get3A_180] : memref<3x14xf32, #tpu.memory_space<smem>>
    %jit3A_182 = arith.constant 0.000000e+00 : f32
    %select_n3A_183 = arith.select %eq3A_178, %get3A_181, %jit3A_182 : f32
    %add3A_184 = arith.addf %add3A_173, %select_n3A_183 : f32
    %get3A_185 = arith.constant 2 : index
    %get3A_186 = arith.constant 1 : index
    %get3A_187 = memref.load %arg1[%get3A_185, %get3A_186] : memref<3x14xi32, #tpu.memory_space<smem>>
    %eq3A_188 = arith.constant 1 : i32
    %eq3A_189 = arith.cmpi eq, %get3A_187, %eq3A_188 : i32
    %get3A_190 = arith.constant 2 : index
    %get3A_191 = arith.constant 1 : index
    %get3A_192 = memref.load %arg2[%get3A_190, %get3A_191] : memref<3x14xf32, #tpu.memory_space<smem>>
    %jit3A_193 = arith.constant 0.000000e+00 : f32
    %select_n3A_194 = arith.select %eq3A_189, %get3A_192, %jit3A_193 : f32
    %add3A_195 = arith.addf %add3A_184, %select_n3A_194 : f32
    %get3A_196 = arith.constant 0 : index
    %get3A_197 = arith.constant 1 : index
    %get3A_198 = memref.load %arg1[%get3A_196, %get3A_197] : memref<3x14xi32, #tpu.memory_space<smem>>
    %eq3A_199 = arith.constant 2 : i32
    %eq3A_200 = arith.cmpi eq, %get3A_198, %eq3A_199 : i32
    %get3A_201 = arith.constant 0 : index
    %get3A_202 = arith.constant 1 : index
    %get3A_203 = memref.load %arg2[%get3A_201, %get3A_202] : memref<3x14xf32, #tpu.memory_space<smem>>
    %jit3A_204 = arith.constant 0.000000e+00 : f32
    %select_n3A_205 = arith.select %eq3A_200, %get3A_203, %jit3A_204 : f32
    %add3A_206 = arith.constant 0.000000e+00 : f32
    %add3A_207 = arith.addf %add3A_206, %select_n3A_205 : f32
    %get3A_208 = arith.constant 1 : index
    %get3A_209 = arith.constant 1 : index
    %get3A_210 = memref.load %arg1[%get3A_208, %get3A_209] : memref<3x14xi32, #tpu.memory_space<smem>>
    %eq3A_211 = arith.constant 2 : i32
    %eq3A_212 = arith.cmpi eq, %get3A_210, %eq3A_211 : i32
    %get3A_213 = arith.constant 1 : index
    %get3A_214 = arith.constant 1 : index
    %get3A_215 = memref.load %arg2[%get3A_213, %get3A_214] : memref<3x14xf32, #tpu.memory_space<smem>>
    %jit3A_216 = arith.constant 0.000000e+00 : f32
    %select_n3A_217 = arith.select %eq3A_212, %get3A_215, %jit3A_216 : f32
    %add3A_218 = arith.addf %add3A_207, %select_n3A_217 : f32
    %get3A_219 = arith.constant 2 : index
    %get3A_220 = arith.constant 1 : index
    %get3A_221 = memref.load %arg1[%get3A_219, %get3A_220] : memref<3x14xi32, #tpu.memory_space<smem>>
    %eq3A_222 = arith.constant 2 : i32
    %eq3A_223 = arith.cmpi eq, %get3A_221, %eq3A_222 : i32
    %get3A_224 = arith.constant 2 : index
    %get3A_225 = arith.constant 1 : index
    %get3A_226 = memref.load %arg2[%get3A_224, %get3A_225] : memref<3x14xf32, #tpu.memory_space<smem>>
    %jit3A_227 = arith.constant 0.000000e+00 : f32
    %select_n3A_228 = arith.select %eq3A_223, %get3A_226, %jit3A_227 : f32
    %add3A_229 = arith.addf %add3A_218, %select_n3A_228 : f32
    %mul3A_230 = vector.broadcast %add3A_161 : f32 to vector<16x4x3276xf32>
    %mul3A_231 = arith.mulf %get3A_4, %mul3A_230 : vector<16x4x3276xf32>
    %mul3A_232 = vector.broadcast %add3A_195 : f32 to vector<16x4x3276xf32>
    %mul3A_233 = arith.mulf %get3A_10, %mul3A_232 : vector<16x4x3276xf32>
    %add3A_234 = arith.addf %mul3A_231, %mul3A_233 : vector<16x4x3276xf32>
    %mul3A_235 = vector.broadcast %add3A_229 : f32 to vector<16x4x3276xf32>
    %mul3A_236 = arith.mulf %get3A_16, %mul3A_235 : vector<16x4x3276xf32>
    %add3A_237 = arith.addf %add3A_234, %mul3A_236 : vector<16x4x3276xf32>
    %swap3A_238 = arith.constant 0 : index
    %swap3A_239 = arith.constant 1 : index
    %swap3A_240 = arith.constant 0 : index
    %swap3A_241 = arith.constant 0 : index
    %swap3A_242 = vector.load %arg4[%swap3A_238, %swap3A_239, %swap3A_240, %swap3A_241] : memref<16x14x4x3276xf32, #tpu.memory_space<vmem>>, vector<16x1x4x3276xf32>
    %swap3A_243 = vector.shape_cast %swap3A_242 : vector<16x1x4x3276xf32> to vector<16x4x3276xf32>
    %swap3A_244 = vector.shape_cast %add3A_237 : vector<16x4x3276xf32> to vector<16x1x4x3276xf32>
    tpu.vector_store %arg4[%swap3A_238, %swap3A_239, %swap3A_240, %swap3A_241], %swap3A_244 {strides = array<i32>} : memref<16x14x4x3276xf32, #tpu.memory_space<vmem>>, vector<16x1x4x3276xf32>,
    %get3A_245 = arith.constant 0 : index
    %get3A_246 = arith.constant 2 : index
    %get3A_247 = memref.load %arg1[%get3A_245, %get3A_246] : memref<3x14xi32, #tpu.memory_space<smem>>
    %eq3A_248 = arith.constant 0 : i32
    %eq3A_249 = arith.cmpi eq, %get3A_247, %eq3A_248 : i32
    %get3A_250 = arith.constant 0 : index
    %get3A_251 = arith.constant 2 : index
    %get3A_252 = memref.load %arg2[%get3A_250, %get3A_251] : memref<3x14xf32, #tpu.memory_space<smem>>
    %jit3A_253 = arith.constant 0.000000e+00 : f32
    %select_n3A_254 = arith.select %eq3A_249, %get3A_252, %jit3A_253 : f32
    %add3A_255 = arith.constant 0.000000e+00 : f32
    %add3A_256 = arith.addf %add3A_255, %select_n3A_254 : f32
    %get3A_257 = arith.constant 1 : index
    %get3A_258 = arith.constant 2 : index
    %get3A_259 = memref.load %arg1[%get3A_257, %get3A_258] : memref<3x14xi32, #tpu.memory_space<smem>>
    %eq3A_260 = arith.constant 0 : i32
    %eq3A_261 = arith.cmpi eq, %get3A_259, %eq3A_260 : i32
    %get3A_262 = arith.constant 1 : index
    %get3A_263 = arith.constant 2 : index
    %get3A_264 = memref.load %arg2[%get3A_262, %get3A_263] : memref<3x14xf32, #tpu.memory_space<smem>>
    %jit3A_265 = arith.constant 0.000000e+00 : f32
    %select_n3A_266 = arith.select %eq3A_261, %get3A_264, %jit3A_265 : f32
    %add3A_267 = arith.addf %add3A_256, %select_n3A_266 : f32
    %get3A_268 = arith.constant 2 : index
    %get3A_269 = arith.constant 2 : index
    %get3A_270 = memref.load %arg1[%get3A_268, %get3A_269] : memref<3x14xi32, #tpu.memory_space<smem>>
    %eq3A_271 = arith.constant 0 : i32
    %eq3A_272 = arith.cmpi eq, %get3A_270, %eq3A_271 : i32
    %get3A_273 = arith.constant 2 : index
    %get3A_274 = arith.constant 2 : index
    %get3A_275 = memref.load %arg2[%get3A_273, %get3A_274] : memref<3x14xf32, #tpu.memory_space<smem>>
    %jit3A_276 = arith.constant 0.000000e+00 : f32
    %select_n3A_277 = arith.select %eq3A_272, %get3A_275, %jit3A_276 : f32
    %add3A_278 = arith.addf %add3A_267, %select_n3A_277 : f32
    %get3A_279 = arith.constant 0 : index
    %get3A_280 = arith.constant 2 : index
    %get3A_281 = memref.load %arg1[%get3A_279, %get3A_280] : memref<3x14xi32, #tpu.memory_space<smem>>
    %eq3A_282 = arith.constant 1 : i32
    %eq3A_283 = arith.cmpi eq, %get3A_281, %eq3A_282 : i32
    %get3A_284 = arith.constant 0 : index
    %get3A_285 = arith.constant 2 : index
    %get3A_286 = memref.load %arg2[%get3A_284, %get3A_285] : memref<3x14xf32, #tpu.memory_space<smem>>
    %jit3A_287 = arith.constant 0.000000e+00 : f32
    %select_n3A_288 = arith.select %eq3A_283, %get3A_286, %jit3A_287 : f32
    %add3A_289 = arith.constant 0.000000e+00 : f32
    %add3A_290 = arith.addf %add3A_289, %select_n3A_288 : f32
    %get3A_291 = arith.constant 1 : index
    %get3A_292 = arith.constant 2 : index
    %get3A_293 = memref.load %arg1[%get3A_291, %get3A_292] : memref<3x14xi32, #tpu.memory_space<smem>>
    %eq3A_294 = arith.constant 1 : i32
    %eq3A_295 = arith.cmpi eq, %get3A_293, %eq3A_294 : i32
    %get3A_296 = arith.constant 1 : index
    %get3A_297 = arith.constant 2 : index
    %get3A_298 = memref.load %arg2[%get3A_296, %get3A_297] : memref<3x14xf32, #tpu.memory_space<smem>>
    %jit3A_299 = arith.constant 0.000000e+00 : f32
    %select_n3A_300 = arith.select %eq3A_295, %get3A_298, %jit3A_299 : f32
    %add3A_301 = arith.addf %add3A_290, %select_n3A_300 : f32
    %get3A_302 = arith.constant 2 : index
    %get3A_303 = arith.constant 2 : index
    %get3A_304 = memref.load %arg1[%get3A_302, %get3A_303] : memref<3x14xi32, #tpu.memory_space<smem>>
    %eq3A_305 = arith.constant 1 : i32
    %eq3A_306 = arith.cmpi eq, %get3A_304, %eq3A_305 : i32
    %get3A_307 = arith.constant 2 : index
    %get3A_308 = arith.constant 2 : index
    %get3A_309 = memref.load %arg2[%get3A_307, %get3A_308] : memref<3x14xf32, #tpu.memory_space<smem>>
    %jit3A_310 = arith.constant 0.000000e+00 : f32
    %select_n3A_311 = arith.select %eq3A_306, %get3A_309, %jit3A_310 : f32
    %add3A_312 = arith.addf %add3A_301, %select_n3A_311 : f32
    %get3A_313 = arith.constant 0 : index
    %get3A_314 = arith.constant 2 : index
    %get3A_315 = memref.load %arg1[%get3A_313, %get3A_314] : memref<3x14xi32, #tpu.memory_space<smem>>
    %eq3A_316 = arith.constant 2 : i32
    %eq3A_317 = arith.cmpi eq, %get3A_315, %eq3A_316 : i32
    %get3A_318 = arith.constant 0 : index
    %get3A_319 = arith.constant 2 : index
    %get3A_320 = memref.load %arg2[%get3A_318, %get3A_319] : memref<3x14xf32, #tpu.memory_space<smem>>
    %jit3A_321 = arith.constant 0.000000e+00 : f32
    %select_n3A_322 = arith.select %eq3A_317, %get3A_320, %jit3A_321 : f32
    %add3A_323 = arith.constant 0.000000e+00 : f32
    %add3A_324 = arith.addf %add3A_323, %select_n3A_322 : f32
    %get3A_325 = arith.constant 1 : index
    %get3A_326 = arith.constant 2 : index
    %get3A_327 = memref.load %arg1[%get3A_325, %get3A_326] : memref<3x14xi32, #tpu.memory_space<smem>>
    %eq3A_328 = arith.constant 2 : i32
    %eq3A_329 = arith.cmpi eq, %get3A_327, %eq3A_328 : i32
    %get3A_330 = arith.constant 1 : index
    %get3A_331 = arith.constant 2 : index
    %get3A_332 = memref.load %arg2[%get3A_330, %get3A_331] : memref<3x14xf32, #tpu.memory_space<smem>>
    %jit3A_333 = arith.constant 0.000000e+00 : f32
    %select_n3A_334 = arith.select %eq3A_329, %get3A_332, %jit3A_333 : f32
    %add3A_335 = arith.addf %add3A_324, %select_n3A_334 : f32
    %get3A_336 = arith.constant 2 : index
    %get3A_337 = arith.constant 2 : index
    %get3A_338 = memref.load %arg1[%get3A_336, %get3A_337] : memref<3x14xi32, #tpu.memory_space<smem>>
    %eq3A_339 = arith.constant 2 : i32
    %eq3A_340 = arith.cmpi eq, %get3A_338, %eq3A_339 : i32
    %get3A_341 = arith.constant 2 : index
    %get3A_342 = arith.constant 2 : index
    %get3A_343 = memref.load %arg2[%get3A_341, %get3A_342] : memref<3x14xf32, #tpu.memory_space<smem>>
    %jit3A_344 = arith.constant 0.000000e+00 : f32
    %select_n3A_345 = arith.select %eq3A_340, %get3A_343, %jit3A_344 : f32
    %add3A_346 = arith.addf %add3A_335, %select_n3A_345 : f32
    %mul3A_347 = vector.broadcast %add3A_278 : f32 to vector<16x4x3276xf32>
    %mul3A_348 = arith.mulf %get3A_4, %mul3A_347 : vector<16x4x3276xf32>
    %mul3A_349 = vector.broadcast %add3A_312 : f32 to vector<16x4x3276xf32>
    %mul3A_350 = arith.mulf %get3A_10, %mul3A_349 : vector<16x4x3276xf32>
    %add3A_351 = arith.addf %mul3A_348, %mul3A_350 : vector<16x4x3276xf32>
    %mul3A_352 = vector.broadcast %add3A_346 : f32 to vector<16x4x3276xf32>
    %mul3A_353 = arith.mulf %get3A_16, %mul3A_352 : vector<16x4x3276xf32>
    %add3A_354 = arith.addf %add3A_351, %mul3A_353 : vector<16x4x3276xf32>
    %swap3A_355 = arith.constant 0 : index
    %swap3A_356 = arith.constant 2 : index
    %swap3A_357 = arith.constant 0 : index
    %swap3A_358 = arith.constant 0 : index
    %swap3A_359 = vector.load %arg4[%swap3A_355, %swap3A_356, %swap3A_357, %swap3A_358] : memref<16x14x4x3276xf32, #tpu.memory_space<vmem>>, vector<16x1x4x3276xf32>
    %swap3A_360 = vector.shape_cast %swap3A_359 : vector<16x1x4x3276xf32> to vector<16x4x3276xf32>
    %swap3A_361 = vector.shape_cast %add3A_354 : vector<16x4x3276xf32> to vector<16x1x4x3276xf32>
    tpu.vector_store %arg4[%swap3A_355, %swap3A_356, %swap3A_357, %swap3A_358], %swap3A_361 {strides = array<i32>} : memref<16x14x4x3276xf32, #tpu.memory_space<vmem>>, vector<16x1x4x3276xf32>,
    %get3A_362 = arith.constant 0 : index
    %get3A_363 = arith.constant 3 : index
    %get3A_364 = memref.load %arg1[%get3A_362, %get3A_363] : memref<3x14xi32, #tpu.memory_space<smem>>
    %eq3A_365 = arith.constant 0 : i32
    %eq3A_366 = arith.cmpi eq, %get3A_364, %eq3A_365 : i32
    %get3A_367 = arith.constant 0 : index
    %get3A_368 = arith.constant 3 : index
    %get3A_369 = memref.load %arg2[%get3A_367, %get3A_368] : memref<3x14xf32, #tpu.memory_space<smem>>
    %jit3A_370 = arith.constant 0.000000e+00 : f32
    %select_n3A_371 = arith.select %eq3A_366, %get3A_369, %jit3A_370 : f32
    %add3A_372 = arith.constant 0.000000e+00 : f32
    %add3A_373 = arith.addf %add3A_372, %select_n3A_371 : f32
    %get3A_374 = arith.constant 1 : index
    %get3A_375 = arith.constant 3 : index
    %get3A_376 = memref.load %arg1[%get3A_374, %get3A_375] : memref<3x14xi32, #tpu.memory_space<smem>>
    %eq3A_377 = arith.constant 0 : i32
    %eq3A_378 = arith.cmpi eq, %get3A_376, %eq3A_377 : i32
    %get3A_379 = arith.constant 1 : index
    %get3A_380 = arith.constant 3 : index
    %get3A_381 = memref.load %arg2[%get3A_379, %get3A_380] : memref<3x14xf32, #tpu.memory_space<smem>>
    %jit3A_382 = arith.constant 0.000000e+00 : f32
    %select_n3A_383 = arith.select %eq3A_378, %get3A_381, %jit3A_382 : f32
    %add3A_384 = arith.addf %add3A_373, %select_n3A_383 : f32
    %get3A_385 = arith.constant 2 : index
    %get3A_386 = arith.constant 3 : index
    %get3A_387 = memref.load %arg1[%get3A_385, %get3A_386] : memref<3x14xi32, #tpu.memory_space<smem>>
    %eq3A_388 = arith.constant 0 : i32
    %eq3A_389 = arith.cmpi eq, %get3A_387, %eq3A_388 : i32
    %get3A_390 = arith.constant 2 : index
    %get3A_391 = arith.constant 3 : index
    %get3A_392 = memref.load %arg2[%get3A_390, %get3A_391] : memref<3x14xf32, #tpu.memory_space<smem>>
    %jit3A_393 = arith.constant 0.000000e+00 : f32
    %select_n3A_394 = arith.select %eq3A_389, %get3A_392, %jit3A_393 : f32
    %add3A_395 = arith.addf %add3A_384, %select_n3A_394 : f32
    %get3A_396 = arith.constant 0 : index
    %get3A_397 = arith.constant 3 : index
    %get3A_398 = memref.load %arg1[%get3A_396, %get3A_397] : memref<3x14xi32, #tpu.memory_space<smem>>
    %eq3A_399 = arith.constant 1 : i32
    %eq3A_400 = arith.cmpi eq, %get3A_398, %eq3A_399 : i32
    %get3A_401 = arith.constant 0 : index
    %get3A_402 = arith.constant 3 : index
    %get3A_403 = memref.load %arg2[%get3A_401, %get3A_402] : memref<3x14xf32, #tpu.memory_space<smem>>
    %jit3A_404 = arith.constant 0.000000e+00 : f32
    %select_n3A_405 = arith.select %eq3A_400, %get3A_403, %jit3A_404 : f32
    %add3A_406 = arith.constant 0.000000e+00 : f32
    %add3A_407 = arith.addf %add3A_406, %select_n3A_405 : f32
    %get3A_408 = arith.constant 1 : index
    %get3A_409 = arith.constant 3 : index
    %get3A_410 = memref.load %arg1[%get3A_408, %get3A_409] : memref<3x14xi32, #tpu.memory_space<smem>>
    %eq3A_411 = arith.constant 1 : i32
    %eq3A_412 = arith.cmpi eq, %get3A_410, %eq3A_411 : i32
    %get3A_413 = arith.constant 1 : index
    %get3A_414 = arith.constant 3 : index
    %get3A_415 = memref.load %arg2[%get3A_413, %get3A_414] : memref<3x14xf32, #tpu.memory_space<smem>>
    %jit3A_416 = arith.constant 0.000000e+00 : f32
    %select_n3A_417 = arith.select %eq3A_412, %get3A_415, %jit3A_416 : f32
    %add3A_418 = arith.addf %add3A_407, %select_n3A_417 : f32
    %get3A_419 = arith.constant 2 : index
    %get3A_420 = arith.constant 3 : index
    %get3A_421 = memref.load %arg1[%get3A_419, %get3A_420] : memref<3x14xi32, #tpu.memory_space<smem>>
    %eq3A_422 = arith.constant 1 : i32
    %eq3A_423 = arith.cmpi eq, %get3A_421, %eq3A_422 : i32
    %get3A_424 = arith.constant 2 : index
    %get3A_425 = arith.constant 3 : index
    %get3A_426 = memref.load %arg2[%get3A_424, %get3A_425] : memref<3x14xf32, #tpu.memory_space<smem>>
    %jit3A_427 = arith.constant 0.000000e+00 : f32
    %select_n3A_428 = arith.select %eq3A_423, %get3A_426, %jit3A_427 : f32
    %add3A_429 = arith.addf %add3A_418, %select_n3A_428 : f32
    %get3A_430 = arith.constant 0 : index
    %get3A_431 = arith.constant 3 : index
    %get3A_432 = memref.load %arg1[%get3A_430, %get3A_431] : memref<3x14xi32, #tpu.memory_space<smem>>
    %eq3A_433 = arith.constant 2 : i32
    %eq3A_434 = arith.cmpi eq, %get3A_432, %eq3A_433 : i32
    %get3A_435 = arith.constant 0 : index
    %get3A_436 = arith.constant 3 : index
    %get3A_437 = memref.load %arg2[%get3A_435, %get3A_436] : memref<3x14xf32, #tpu.memory_space<smem>>
    %jit3A_438 = arith.constant 0.000000e+00 : f32
    %select_n3A_439 = arith.select %eq3A_434, %get3A_437, %jit3A_438 : f32
    %add3A_440 = arith.constant 0.000000e+00 : f32
    %add3A_441 = arith.addf %add3A_440, %select_n3A_439 : f32
    %get3A_442 = arith.constant 1 : index
    %get3A_443 = arith.constant 3 : index
    %get3A_444 = memref.load %arg1[%get3A_442, %get3A_443] : memref<3x14xi32, #tpu.memory_space<smem>>
    %eq3A_445 = arith.constant 2 : i32
    %eq3A_446 = arith.cmpi eq, %get3A_444, %eq3A_445 : i32
    %get3A_447 = arith.constant 1 : index
    %get3A_448 = arith.constant 3 : index
    %get3A_449 = memref.load %arg2[%get3A_447, %get3A_448] : memref<3x14xf32, #tpu.memory_space<smem>>
    %jit3A_450 = arith.constant 0.000000e+00 : f32
    %select_n3A_451 = arith.select %eq3A_446, %get3A_449, %jit3A_450 : f32
    %add3A_452 = arith.addf %add3A_441, %select_n3A_451 : f32
    %get3A_453 = arith.constant 2 : index
    %get3A_454 = arith.constant 3 : index
    %get3A_455 = memref.load %arg1[%get3A_453, %get3A_454] : memref<3x14xi32, #tpu.memory_space<smem>>
    %eq3A_456 = arith.constant 2 : i32
    %eq3A_457 = arith.cmpi eq, %get3A_455, %eq3A_456 : i32
    %get3A_458 = arith.constant 2 : index
    %get3A_459 = arith.constant 3 : index
    %get3A_460 = memref.load %arg2[%get3A_458, %get3A_459] : memref<3x14xf32, #tpu.memory_space<smem>>
    %jit3A_461 = arith.constant 0.000000e+00 : f32
    %select_n3A_462 = arith.select %eq3A_457, %get3A_460, %jit3A_461 : f32
    %add3A_463 = arith.addf %add3A_452, %select_n3A_462 : f32
    %mul3A_464 = vector.broadcast %add3A_395 : f32 to vector<16x4x3276xf32>
    %mul3A_465 = arith.mulf %get3A_4, %mul3A_464 : vector<16x4x3276xf32>
    %mul3A_466 = vector.broadcast %add3A_429 : f32 to vector<16x4x3276xf32>
    %mul3A_467 = arith.mulf %get3A_10, %mul3A_466 : vector<16x4x3276xf32>
    %add3A_468 = arith.addf %mul3A_465, %mul3A_467 : vector<16x4x3276xf32>
    %mul3A_469 = vector.broadcast %add3A_463 : f32 to vector<16x4x3276xf32>
    %mul3A_470 = arith.mulf %get3A_16, %mul3A_469 : vector<16x4x3276xf32>
    %add3A_471 = arith.addf %add3A_468, %mul3A_470 : vector<16x4x3276xf32>
    %swap3A_472 = arith.constant 0 : index
    %swap3A_473 = arith.constant 3 : index
    %swap3A_474 = arith.constant 0 : index
    %swap3A_475 = arith.constant 0 : index
    %swap3A_476 = vector.load %arg4[%swap3A_472, %swap3A_473, %swap3A_474, %swap3A_475] : memref<16x14x4x3276xf32, #tpu.memory_space<vmem>>, vector<16x1x4x3276xf32>
    %swap3A_477 = vector.shape_cast %swap3A_476 : vector<16x1x4x3276xf32> to vector<16x4x3276xf32>
    %swap3A_478 = vector.shape_cast %add3A_471 : vector<16x4x3276xf32> to vector<16x1x4x3276xf32>
    tpu.vector_store %arg4[%swap3A_472, %swap3A_473, %swap3A_474, %swap3A_475], %swap3A_478 {strides = array<i32>} : memref<16x14x4x3276xf32, #tpu.memory_space<vmem>>, vector<16x1x4x3276xf32>,
    %get3A_479 = arith.constant 0 : index
    %get3A_480 = arith.constant 4 : index
    %get3A_481 = memref.load %arg1[%get3A_479, %get3A_480] : memref<3x14xi32, #tpu.memory_space<smem>>
    %eq3A_482 = arith.constant 0 : i32
    %eq3A_483 = arith.cmpi eq, %get3A_481, %eq3A_482 : i32
    %get3A_484 = arith.constant 0 : index
    %get3A_485 = arith.constant 4 : index
    %get3A_486 = memref.load %arg2[%get3A_484, %get3A_485] : memref<3x14xf32, #tpu.memory_space<smem>>
    %jit3A_487 = arith.constant 0.000000e+00 : f32
    %select_n3A_488 = arith.select %eq3A_483, %get3A_486, %jit3A_487 : f32
    %add3A_489 = arith.constant 0.000000e+00 : f32
    %add3A_490 = arith.addf %add3A_489, %select_n3A_488 : f32
    %get3A_491 = arith.constant 1 : index
    %get3A_492 = arith.constant 4 : index
    %get3A_493 = memref.load %arg1[%get3A_491, %get3A_492] : memref<3x14xi32, #tpu.memory_space<smem>>
    %eq3A_494 = arith.constant 0 : i32
    %eq3A_495 = arith.cmpi eq, %get3A_493, %eq3A_494 : i32
    %get3A_496 = arith.constant 1 : index
    %get3A_497 = arith.constant 4 : index
    %get3A_498 = memref.load %arg2[%get3A_496, %get3A_497] : memref<3x14xf32, #tpu.memory_space<smem>>
    %jit3A_499 = arith.constant 0.000000e+00 : f32
    %select_n3A_500 = arith.select %eq3A_495, %get3A_498, %jit3A_499 : f32
    %add3A_501 = arith.addf %add3A_490, %select_n3A_500 : f32
    %get3A_502 = arith.constant 2 : index
    %get3A_503 = arith.constant 4 : index
    %get3A_504 = memref.load %arg1[%get3A_502, %get3A_503] : memref<3x14xi32, #tpu.memory_space<smem>>
    %eq3A_505 = arith.constant 0 : i32
    %eq3A_506 = arith.cmpi eq, %get3A_504, %eq3A_505 : i32
    %get3A_507 = arith.constant 2 : index
    %get3A_508 = arith.constant 4 : index
    %get3A_509 = memref.load %arg2[%get3A_507, %get3A_508] : memref<3x14xf32, #tpu.memory_space<smem>>
    %jit3A_510 = arith.constant 0.000000e+00 : f32
    %select_n3A_511 = arith.select %eq3A_506, %get3A_509, %jit3A_510 : f32
    %add3A_512 = arith.addf %add3A_501, %select_n3A_511 : f32
    %get3A_513 = arith.constant 0 : index
    %get3A_514 = arith.constant 4 : index
    %get3A_515 = memref.load %arg1[%get3A_513, %get3A_514] : memref<3x14xi32, #tpu.memory_space<smem>>
    %eq3A_516 = arith.constant 1 : i32
    %eq3A_517 = arith.cmpi eq, %get3A_515, %eq3A_516 : i32
    %get3A_518 = arith.constant 0 : index
    %get3A_519 = arith.constant 4 : index
    %get3A_520 = memref.load %arg2[%get3A_518, %get3A_519] : memref<3x14xf32, #tpu.memory_space<smem>>
    %jit3A_521 = arith.constant 0.000000e+00 : f32
    %select_n3A_522 = arith.select %eq3A_517, %get3A_520, %jit3A_521 : f32
    %add3A_523 = arith.constant 0.000000e+00 : f32
    %add3A_524 = arith.addf %add3A_523, %select_n3A_522 : f32
    %get3A_525 = arith.constant 1 : index
    %get3A_526 = arith.constant 4 : index
    %get3A_527 = memref.load %arg1[%get3A_525, %get3A_526] : memref<3x14xi32, #tpu.memory_space<smem>>
    %eq3A_528 = arith.constant 1 : i32
    %eq3A_529 = arith.cmpi eq, %get3A_527, %eq3A_528 : i32
    %get3A_530 = arith.constant 1 : index
    %get3A_531 = arith.constant 4 : index
    %get3A_532 = memref.load %arg2[%get3A_530, %get3A_531] : memref<3x14xf32, #tpu.memory_space<smem>>
    %jit3A_533 = arith.constant 0.000000e+00 : f32
    %select_n3A_534 = arith.select %eq3A_529, %get3A_532, %jit3A_533 : f32
    %add3A_535 = arith.addf %add3A_524, %select_n3A_534 : f32
    %get3A_536 = arith.constant 2 : index
    %get3A_537 = arith.constant 4 : index
    %get3A_538 = memref.load %arg1[%get3A_536, %get3A_537] : memref<3x14xi32, #tpu.memory_space<smem>>
    %eq3A_539 = arith.constant 1 : i32
    %eq3A_540 = arith.cmpi eq, %get3A_538, %eq3A_539 : i32
    %get3A_541 = arith.constant 2 : index
    %get3A_542 = arith.constant 4 : index
    %get3A_543 = memref.load %arg2[%get3A_541, %get3A_542] : memref<3x14xf32, #tpu.memory_space<smem>>
    %jit3A_544 = arith.constant 0.000000e+00 : f32
    %select_n3A_545 = arith.select %eq3A_540, %get3A_543, %jit3A_544 : f32
    %add3A_546 = arith.addf %add3A_535, %select_n3A_545 : f32
    %get3A_547 = arith.constant 0 : index
    %get3A_548 = arith.constant 4 : index
    %get3A_549 = memref.load %arg1[%get3A_547, %get3A_548] : memref<3x14xi32, #tpu.memory_space<smem>>
    %eq3A_550 = arith.constant 2 : i32
    %eq3A_551 = arith.cmpi eq, %get3A_549, %eq3A_550 : i32
    %get3A_552 = arith.constant 0 : index
    %get3A_553 = arith.constant 4 : index
    %get3A_554 = memref.load %arg2[%get3A_552, %get3A_553] : memref<3x14xf32, #tpu.memory_space<smem>>
    %jit3A_555 = arith.constant 0.000000e+00 : f32
    %select_n3A_556 = arith.select %eq3A_551, %get3A_554, %jit3A_555 : f32
    %add3A_557 = arith.constant 0.000000e+00 : f32
    %add3A_558 = arith.addf %add3A_557, %select_n3A_556 : f32
    %get3A_559 = arith.constant 1 : index
    %get3A_560 = arith.constant 4 : index
    %get3A_561 = memref.load %arg1[%get3A_559, %get3A_560] : memref<3x14xi32, #tpu.memory_space<smem>>
    %eq3A_562 = arith.constant 2 : i32
    %eq3A_563 = arith.cmpi eq, %get3A_561, %eq3A_562 : i32
    %get3A_564 = arith.constant 1 : index
    %get3A_565 = arith.constant 4 : index
    %get3A_566 = memref.load %arg2[%get3A_564, %get3A_565] : memref<3x14xf32, #tpu.memory_space<smem>>
    %jit3A_567 = arith.constant 0.000000e+00 : f32
    %select_n3A_568 = arith.select %eq3A_563, %get3A_566, %jit3A_567 : f32
    %add3A_569 = arith.addf %add3A_558, %select_n3A_568 : f32
    %get3A_570 = arith.constant 2 : index
    %get3A_571 = arith.constant 4 : index
    %get3A_572 = memref.load %arg1[%get3A_570, %get3A_571] : memref<3x14xi32, #tpu.memory_space<smem>>
    %eq3A_573 = arith.constant 2 : i32
    %eq3A_574 = arith.cmpi eq, %get3A_572, %eq3A_573 : i32
    %get3A_575 = arith.constant 2 : index
    %get3A_576 = arith.constant 4 : index
    %get3A_577 = memref.load %arg2[%get3A_575, %get3A_576] : memref<3x14xf32, #tpu.memory_space<smem>>
    %jit3A_578 = arith.constant 0.000000e+00 : f32
    %select_n3A_579 = arith.select %eq3A_574, %get3A_577, %jit3A_578 : f32
    %add3A_580 = arith.addf %add3A_569, %select_n3A_579 : f32
    %mul3A_581 = vector.broadcast %add3A_512 : f32 to vector<16x4x3276xf32>
    %mul3A_582 = arith.mulf %get3A_4, %mul3A_581 : vector<16x4x3276xf32>
    %mul3A_583 = vector.broadcast %add3A_546 : f32 to vector<16x4x3276xf32>
    %mul3A_584 = arith.mulf %get3A_10, %mul3A_583 : vector<16x4x3276xf32>
    %add3A_585 = arith.addf %mul3A_582, %mul3A_584 : vector<16x4x3276xf32>
    %mul3A_586 = vector.broadcast %add3A_580 : f32 to vector<16x4x3276xf32>
    %mul3A_587 = arith.mulf %get3A_16, %mul3A_586 : vector<16x4x3276xf32>
    %add3A_588 = arith.addf %add3A_585, %mul3A_587 : vector<16x4x3276xf32>
    %swap3A_589 = arith.constant 0 : index
    %swap3A_590 = arith.constant 4 : index
    %swap3A_591 = arith.constant 0 : index
    %swap3A_592 = arith.constant 0 : index
    %swap3A_593 = vector.load %arg4[%swap3A_589, %swap3A_590, %swap3A_591, %swap3A_592] : memref<16x14x4x3276xf32, #tpu.memory_space<vmem>>, vector<16x1x4x3276xf32>
    %swap3A_594 = vector.shape_cast %swap3A_593 : vector<16x1x4x3276xf32> to vector<16x4x3276xf32>
    %swap3A_595 = vector.shape_cast %add3A_588 : vector<16x4x3276xf32> to vector<16x1x4x3276xf32>
    tpu.vector_store %arg4[%swap3A_589, %swap3A_590, %swap3A_591, %swap3A_592], %swap3A_595 {strides = array<i32>} : memref<16x14x4x3276xf32, #tpu.memory_space<vmem>>, vector<16x1x4x3276xf32>,
    %get3A_596 = arith.constant 0 : index
    %get3A_597 = arith.constant 5 : index
    %get3A_598 = memref.load %arg1[%get3A_596, %get3A_597] : memref<3x14xi32, #tpu.memory_space<smem>>
    %eq3A_599 = arith.constant 0 : i32
    %eq3A_600 = arith.cmpi eq, %get3A_598, %eq3A_599 : i32
    %get3A_601 = arith.constant 0 : index
    %get3A_602 = arith.constant 5 : index
    %get3A_603 = memref.load %arg2[%get3A_601, %get3A_602] : memref<3x14xf32, #tpu.memory_space<smem>>
    %jit3A_604 = arith.constant 0.000000e+00 : f32
    %select_n3A_605 = arith.select %eq3A_600, %get3A_603, %jit3A_604 : f32
    %add3A_606 = arith.constant 0.000000e+00 : f32
    %add3A_607 = arith.addf %add3A_606, %select_n3A_605 : f32
    %get3A_608 = arith.constant 1 : index
    %get3A_609 = arith.constant 5 : index
    %get3A_610 = memref.load %arg1[%get3A_608, %get3A_609] : memref<3x14xi32, #tpu.memory_space<smem>>
    %eq3A_611 = arith.constant 0 : i32
    %eq3A_612 = arith.cmpi eq, %get3A_610, %eq3A_611 : i32
    %get3A_613 = arith.constant 1 : index
    %get3A_614 = arith.constant 5 : index
    %get3A_615 = memref.load %arg2[%get3A_613, %get3A_614] : memref<3x14xf32, #tpu.memory_space<smem>>
    %jit3A_616 = arith.constant 0.000000e+00 : f32
    %select_n3A_617 = arith.select %eq3A_612, %get3A_615, %jit3A_616 : f32
    %add3A_618 = arith.addf %add3A_607, %select_n3A_617 : f32
    %get3A_619 = arith.constant 2 : index
    %get3A_620 = arith.constant 5 : index
    %get3A_621 = memref.load %arg1[%get3A_619, %get3A_620] : memref<3x14xi32, #tpu.memory_space<smem>>
    %eq3A_622 = arith.constant 0 : i32
    %eq3A_623 = arith.cmpi eq, %get3A_621, %eq3A_622 : i32
    %get3A_624 = arith.constant 2 : index
    %get3A_625 = arith.constant 5 : index
    %get3A_626 = memref.load %arg2[%get3A_624, %get3A_625] : memref<3x14xf32, #tpu.memory_space<smem>>
    %jit3A_627 = arith.constant 0.000000e+00 : f32
    %select_n3A_628 = arith.select %eq3A_623, %get3A_626, %jit3A_627 : f32
    %add3A_629 = arith.addf %add3A_618, %select_n3A_628 : f32
    %get3A_630 = arith.constant 0 : index
    %get3A_631 = arith.constant 5 : index
    %get3A_632 = memref.load %arg1[%get3A_630, %get3A_631] : memref<3x14xi32, #tpu.memory_space<smem>>
    %eq3A_633 = arith.constant 1 : i32
    %eq3A_634 = arith.cmpi eq, %get3A_632, %eq3A_633 : i32
    %get3A_635 = arith.constant 0 : index
    %get3A_636 = arith.constant 5 : index
    %get3A_637 = memref.load %arg2[%get3A_635, %get3A_636] : memref<3x14xf32, #tpu.memory_space<smem>>
    %jit3A_638 = arith.constant 0.000000e+00 : f32
    %select_n3A_639 = arith.select %eq3A_634, %get3A_637, %jit3A_638 : f32
    %add3A_640 = arith.constant 0.000000e+00 : f32
    %add3A_641 = arith.addf %add3A_640, %select_n3A_639 : f32
    %get3A_642 = arith.constant 1 : index
    %get3A_643 = arith.constant 5 : index
    %get3A_644 = memref.load %arg1[%get3A_642, %get3A_643] : memref<3x14xi32, #tpu.memory_space<smem>>
    %eq3A_645 = arith.constant 1 : i32
    %eq3A_646 = arith.cmpi eq, %get3A_644, %eq3A_645 : i32
    %get3A_647 = arith.constant 1 : index
    %get3A_648 = arith.constant 5 : index
    %get3A_649 = memref.load %arg2[%get3A_647, %get3A_648] : memref<3x14xf32, #tpu.memory_space<smem>>
    %jit3A_650 = arith.constant 0.000000e+00 : f32
    %select_n3A_651 = arith.select %eq3A_646, %get3A_649, %jit3A_650 : f32
    %add3A_652 = arith.addf %add3A_641, %select_n3A_651 : f32
    %get3A_653 = arith.constant 2 : index
    %get3A_654 = arith.constant 5 : index
    %get3A_655 = memref.load %arg1[%get3A_653, %get3A_654] : memref<3x14xi32, #tpu.memory_space<smem>>
    %eq3A_656 = arith.constant 1 : i32
    %eq3A_657 = arith.cmpi eq, %get3A_655, %eq3A_656 : i32
    %get3A_658 = arith.constant 2 : index
    %get3A_659 = arith.constant 5 : index
    %get3A_660 = memref.load %arg2[%get3A_658, %get3A_659] : memref<3x14xf32, #tpu.memory_space<smem>>
    %jit3A_661 = arith.constant 0.000000e+00 : f32
    %select_n3A_662 = arith.select %eq3A_657, %get3A_660, %jit3A_661 : f32
    %add3A_663 = arith.addf %add3A_652, %select_n3A_662 : f32
    %get3A_664 = arith.constant 0 : index
    %get3A_665 = arith.constant 5 : index
    %get3A_666 = memref.load %arg1[%get3A_664, %get3A_665] : memref<3x14xi32, #tpu.memory_space<smem>>
    %eq3A_667 = arith.constant 2 : i32
    %eq3A_668 = arith.cmpi eq, %get3A_666, %eq3A_667 : i32
    %get3A_669 = arith.constant 0 : index
    %get3A_670 = arith.constant 5 : index
    %get3A_671 = memref.load %arg2[%get3A_669, %get3A_670] : memref<3x14xf32, #tpu.memory_space<smem>>
    %jit3A_672 = arith.constant 0.000000e+00 : f32
    %select_n3A_673 = arith.select %eq3A_668, %get3A_671, %jit3A_672 : f32
    %add3A_674 = arith.constant 0.000000e+00 : f32
    %add3A_675 = arith.addf %add3A_674, %select_n3A_673 : f32
    %get3A_676 = arith.constant 1 : index
    %get3A_677 = arith.constant 5 : index
    %get3A_678 = memref.load %arg1[%get3A_676, %get3A_677] : memref<3x14xi32, #tpu.memory_space<smem>>
    %eq3A_679 = arith.constant 2 : i32
    %eq3A_680 = arith.cmpi eq, %get3A_678, %eq3A_679 : i32
    %get3A_681 = arith.constant 1 : index
    %get3A_682 = arith.constant 5 : index
    %get3A_683 = memref.load %arg2[%get3A_681, %get3A_682] : memref<3x14xf32, #tpu.memory_space<smem>>
    %jit3A_684 = arith.constant 0.000000e+00 : f32
    %select_n3A_685 = arith.select %eq3A_680, %get3A_683, %jit3A_684 : f32
    %add3A_686 = arith.addf %add3A_675, %select_n3A_685 : f32
    %get3A_687 = arith.constant 2 : index
    %get3A_688 = arith.constant 5 : index
    %get3A_689 = memref.load %arg1[%get3A_687, %get3A_688] : memref<3x14xi32, #tpu.memory_space<smem>>
    %eq3A_690 = arith.constant 2 : i32
    %eq3A_691 = arith.cmpi eq, %get3A_689, %eq3A_690 : i32
    %get3A_692 = arith.constant 2 : index
    %get3A_693 = arith.constant 5 : index
    %get3A_694 = memref.load %arg2[%get3A_692, %get3A_693] : memref<3x14xf32, #tpu.memory_space<smem>>
    %jit3A_695 = arith.constant 0.000000e+00 : f32
    %select_n3A_696 = arith.select %eq3A_691, %get3A_694, %jit3A_695 : f32
    %add3A_697 = arith.addf %add3A_686, %select_n3A_696 : f32
    %mul3A_698 = vector.broadcast %add3A_629 : f32 to vector<16x4x3276xf32>
    %mul3A_699 = arith.mulf %get3A_4, %mul3A_698 : vector<16x4x3276xf32>
    %mul3A_700 = vector.broadcast %add3A_663 : f32 to vector<16x4x3276xf32>
    %mul3A_701 = arith.mulf %get3A_10, %mul3A_700 : vector<16x4x3276xf32>
    %add3A_702 = arith.addf %mul3A_699, %mul3A_701 : vector<16x4x3276xf32>
    %mul3A_703 = vector.broadcast %add3A_697 : f32 to vector<16x4x3276xf32>
    %mul3A_704 = arith.mulf %get3A_16, %mul3A_703 : vector<16x4x3276xf32>
    %add3A_705 = arith.addf %add3A_702, %mul3A_704 : vector<16x4x3276xf32>
    %swap3A_706 = arith.constant 0 : index
    %swap3A_707 = arith.constant 5 : index
    %swap3A_708 = arith.constant 0 : index
    %swap3A_709 = arith.constant 0 : index
    %swap3A_710 = vector.load %arg4[%swap3A_706, %swap3A_707, %swap3A_708, %swap3A_709] : memref<16x14x4x3276xf32, #tpu.memory_space<vmem>>, vector<16x1x4x3276xf32>
    %swap3A_711 = vector.shape_cast %swap3A_710 : vector<16x1x4x3276xf32> to vector<16x4x3276xf32>
    %swap3A_712 = vector.shape_cast %add3A_705 : vector<16x4x3276xf32> to vector<16x1x4x3276xf32>
    tpu.vector_store %arg4[%swap3A_706, %swap3A_707, %swap3A_708, %swap3A_709], %swap3A_712 {strides = array<i32>} : memref<16x14x4x3276xf32, #tpu.memory_space<vmem>>, vector<16x1x4x3276xf32>,
    %get3A_713 = arith.constant 0 : index
    %get3A_714 = arith.constant 6 : index
    %get3A_715 = memref.load %arg1[%get3A_713, %get3A_714] : memref<3x14xi32, #tpu.memory_space<smem>>
    %eq3A_716 = arith.constant 0 : i32
    %eq3A_717 = arith.cmpi eq, %get3A_715, %eq3A_716 : i32
    %get3A_718 = arith.constant 0 : index
    %get3A_719 = arith.constant 6 : index
    %get3A_720 = memref.load %arg2[%get3A_718, %get3A_719] : memref<3x14xf32, #tpu.memory_space<smem>>
    %jit3A_721 = arith.constant 0.000000e+00 : f32
    %select_n3A_722 = arith.select %eq3A_717, %get3A_720, %jit3A_721 : f32
    %add3A_723 = arith.constant 0.000000e+00 : f32
    %add3A_724 = arith.addf %add3A_723, %select_n3A_722 : f32
    %get3A_725 = arith.constant 1 : index
    %get3A_726 = arith.constant 6 : index
    %get3A_727 = memref.load %arg1[%get3A_725, %get3A_726] : memref<3x14xi32, #tpu.memory_space<smem>>
    %eq3A_728 = arith.constant 0 : i32
    %eq3A_729 = arith.cmpi eq, %get3A_727, %eq3A_728 : i32
    %get3A_730 = arith.constant 1 : index
    %get3A_731 = arith.constant 6 : index
    %get3A_732 = memref.load %arg2[%get3A_730, %get3A_731] : memref<3x14xf32, #tpu.memory_space<smem>>
    %jit3A_733 = arith.constant 0.000000e+00 : f32
    %select_n3A_734 = arith.select %eq3A_729, %get3A_732, %jit3A_733 : f32
    %add3A_735 = arith.addf %add3A_724, %select_n3A_734 : f32
    %get3A_736 = arith.constant 2 : index
    %get3A_737 = arith.constant 6 : index
    %get3A_738 = memref.load %arg1[%get3A_736, %get3A_737] : memref<3x14xi32, #tpu.memory_space<smem>>
    %eq3A_739 = arith.constant 0 : i32
    %eq3A_740 = arith.cmpi eq, %get3A_738, %eq3A_739 : i32
    %get3A_741 = arith.constant 2 : index
    %get3A_742 = arith.constant 6 : index
    %get3A_743 = memref.load %arg2[%get3A_741, %get3A_742] : memref<3x14xf32, #tpu.memory_space<smem>>
    %jit3A_744 = arith.constant 0.000000e+00 : f32
    %select_n3A_745 = arith.select %eq3A_740, %get3A_743, %jit3A_744 : f32
    %add3A_746 = arith.addf %add3A_735, %select_n3A_745 : f32
    %get3A_747 = arith.constant 0 : index
    %get3A_748 = arith.constant 6 : index
    %get3A_749 = memref.load %arg1[%get3A_747, %get3A_748] : memref<3x14xi32, #tpu.memory_space<smem>>
    %eq3A_750 = arith.constant 1 : i32
    %eq3A_751 = arith.cmpi eq, %get3A_749, %eq3A_750 : i32
    %get3A_752 = arith.constant 0 : index
    %get3A_753 = arith.constant 6 : index
    %get3A_754 = memref.load %arg2[%get3A_752, %get3A_753] : memref<3x14xf32, #tpu.memory_space<smem>>
    %jit3A_755 = arith.constant 0.000000e+00 : f32
    %select_n3A_756 = arith.select %eq3A_751, %get3A_754, %jit3A_755 : f32
    %add3A_757 = arith.constant 0.000000e+00 : f32
    %add3A_758 = arith.addf %add3A_757, %select_n3A_756 : f32
    %get3A_759 = arith.constant 1 : index
    %get3A_760 = arith.constant 6 : index
    %get3A_761 = memref.load %arg1[%get3A_759, %get3A_760] : memref<3x14xi32, #tpu.memory_space<smem>>
    %eq3A_762 = arith.constant 1 : i32
    %eq3A_763 = arith.cmpi eq, %get3A_761, %eq3A_762 : i32
    %get3A_764 = arith.constant 1 : index
    %get3A_765 = arith.constant 6 : index
    %get3A_766 = memref.load %arg2[%get3A_764, %get3A_765] : memref<3x14xf32, #tpu.memory_space<smem>>
    %jit3A_767 = arith.constant 0.000000e+00 : f32
    %select_n3A_768 = arith.select %eq3A_763, %get3A_766, %jit3A_767 : f32
    %add3A_769 = arith.addf %add3A_758, %select_n3A_768 : f32
    %get3A_770 = arith.constant 2 : index
    %get3A_771 = arith.constant 6 : index
    %get3A_772 = memref.load %arg1[%get3A_770, %get3A_771] : memref<3x14xi32, #tpu.memory_space<smem>>
    %eq3A_773 = arith.constant 1 : i32
    %eq3A_774 = arith.cmpi eq, %get3A_772, %eq3A_773 : i32
    %get3A_775 = arith.constant 2 : index
    %get3A_776 = arith.constant 6 : index
    %get3A_777 = memref.load %arg2[%get3A_775, %get3A_776] : memref<3x14xf32, #tpu.memory_space<smem>>
    %jit3A_778 = arith.constant 0.000000e+00 : f32
    %select_n3A_779 = arith.select %eq3A_774, %get3A_777, %jit3A_778 : f32
    %add3A_780 = arith.addf %add3A_769, %select_n3A_779 : f32
    %get3A_781 = arith.constant 0 : index
    %get3A_782 = arith.constant 6 : index
    %get3A_783 = memref.load %arg1[%get3A_781, %get3A_782] : memref<3x14xi32, #tpu.memory_space<smem>>
    %eq3A_784 = arith.constant 2 : i32
    %eq3A_785 = arith.cmpi eq, %get3A_783, %eq3A_784 : i32
    %get3A_786 = arith.constant 0 : index
    %get3A_787 = arith.constant 6 : index
    %get3A_788 = memref.load %arg2[%get3A_786, %get3A_787] : memref<3x14xf32, #tpu.memory_space<smem>>
    %jit3A_789 = arith.constant 0.000000e+00 : f32
    %select_n3A_790 = arith.select %eq3A_785, %get3A_788, %jit3A_789 : f32
    %add3A_791 = arith.constant 0.000000e+00 : f32
    %add3A_792 = arith.addf %add3A_791, %select_n3A_790 : f32
    %get3A_793 = arith.constant 1 : index
    %get3A_794 = arith.constant 6 : index
    %get3A_795 = memref.load %arg1[%get3A_793, %get3A_794] : memref<3x14xi32, #tpu.memory_space<smem>>
    %eq3A_796 = arith.constant 2 : i32
    %eq3A_797 = arith.cmpi eq, %get3A_795, %eq3A_796 : i32
    %get3A_798 = arith.constant 1 : index
    %get3A_799 = arith.constant 6 : index
    %get3A_800 = memref.load %arg2[%get3A_798, %get3A_799] : memref<3x14xf32, #tpu.memory_space<smem>>
    %jit3A_801 = arith.constant 0.000000e+00 : f32
    %select_n3A_802 = arith.select %eq3A_797, %get3A_800, %jit3A_801 : f32
    %add3A_803 = arith.addf %add3A_792, %select_n3A_802 : f32
    %get3A_804 = arith.constant 2 : index
    %get3A_805 = arith.constant 6 : index
    %get3A_806 = memref.load %arg1[%get3A_804, %get3A_805] : memref<3x14xi32, #tpu.memory_space<smem>>
    %eq3A_807 = arith.constant 2 : i32
    %eq3A_808 = arith.cmpi eq, %get3A_806, %eq3A_807 : i32
    %get3A_809 = arith.constant 2 : index
    %get3A_810 = arith.constant 6 : index
    %get3A_811 = memref.load %arg2[%get3A_809, %get3A_810] : memref<3x14xf32, #tpu.memory_space<smem>>
    %jit3A_812 = arith.constant 0.000000e+00 : f32
    %select_n3A_813 = arith.select %eq3A_808, %get3A_811, %jit3A_812 : f32
    %add3A_814 = arith.addf %add3A_803, %select_n3A_813 : f32
    %mul3A_815 = vector.broadcast %add3A_746 : f32 to vector<16x4x3276xf32>
    %mul3A_816 = arith.mulf %get3A_4, %mul3A_815 : vector<16x4x3276xf32>
    %mul3A_817 = vector.broadcast %add3A_780 : f32 to vector<16x4x3276xf32>
    %mul3A_818 = arith.mulf %get3A_10, %mul3A_817 : vector<16x4x3276xf32>
    %add3A_819 = arith.addf %mul3A_816, %mul3A_818 : vector<16x4x3276xf32>
    %mul3A_820 = vector.broadcast %add3A_814 : f32 to vector<16x4x3276xf32>
    %mul3A_821 = arith.mulf %get3A_16, %mul3A_820 : vector<16x4x3276xf32>
    %add3A_822 = arith.addf %add3A_819, %mul3A_821 : vector<16x4x3276xf32>
    %swap3A_823 = arith.constant 0 : index
    %swap3A_824 = arith.constant 6 : index
    %swap3A_825 = arith.constant 0 : index
    %swap3A_826 = arith.constant 0 : index
    %swap3A_827 = vector.load %arg4[%swap3A_823, %swap3A_824, %swap3A_825, %swap3A_826] : memref<16x14x4x3276xf32, #tpu.memory_space<vmem>>, vector<16x1x4x3276xf32>
    %swap3A_828 = vector.shape_cast %swap3A_827 : vector<16x1x4x3276xf32> to vector<16x4x3276xf32>
    %swap3A_829 = vector.shape_cast %add3A_822 : vector<16x4x3276xf32> to vector<16x1x4x3276xf32>
    tpu.vector_store %arg4[%swap3A_823, %swap3A_824, %swap3A_825, %swap3A_826], %swap3A_829 {strides = array<i32>} : memref<16x14x4x3276xf32, #tpu.memory_space<vmem>>, vector<16x1x4x3276xf32>,
    %get3A_830 = arith.constant 0 : index
    %get3A_831 = arith.constant 7 : index
    %get3A_832 = memref.load %arg1[%get3A_830, %get3A_831] : memref<3x14xi32, #tpu.memory_space<smem>>
    %eq3A_833 = arith.constant 0 : i32
    %eq3A_834 = arith.cmpi eq, %get3A_832, %eq3A_833 : i32
    %get3A_835 = arith.constant 0 : index
    %get3A_836 = arith.constant 7 : index
    %get3A_837 = memref.load %arg2[%get3A_835, %get3A_836] : memref<3x14xf32, #tpu.memory_space<smem>>
    %jit3A_838 = arith.constant 0.000000e+00 : f32
    %select_n3A_839 = arith.select %eq3A_834, %get3A_837, %jit3A_838 : f32
    %add3A_840 = arith.constant 0.000000e+00 : f32
    %add3A_841 = arith.addf %add3A_840, %select_n3A_839 : f32
    %get3A_842 = arith.constant 1 : index
    %get3A_843 = arith.constant 7 : index
    %get3A_844 = memref.load %arg1[%get3A_842, %get3A_843] : memref<3x14xi32, #tpu.memory_space<smem>>
    %eq3A_845 = arith.constant 0 : i32
    %eq3A_846 = arith.cmpi eq, %get3A_844, %eq3A_845 : i32
    %get3A_847 = arith.constant 1 : index
    %get3A_848 = arith.constant 7 : index
    %get3A_849 = memref.load %arg2[%get3A_847, %get3A_848] : memref<3x14xf32, #tpu.memory_space<smem>>
    %jit3A_850 = arith.constant 0.000000e+00 : f32
    %select_n3A_851 = arith.select %eq3A_846, %get3A_849, %jit3A_850 : f32
    %add3A_852 = arith.addf %add3A_841, %select_n3A_851 : f32
    %get3A_853 = arith.constant 2 : index
    %get3A_854 = arith.constant 7 : index
    %get3A_855 = memref.load %arg1[%get3A_853, %get3A_854] : memref<3x14xi32, #tpu.memory_space<smem>>
    %eq3A_856 = arith.constant 0 : i32
    %eq3A_857 = arith.cmpi eq, %get3A_855, %eq3A_856 : i32
    %get3A_858 = arith.constant 2 : index
    %get3A_859 = arith.constant 7 : index
    %get3A_860 = memref.load %arg2[%get3A_858, %get3A_859] : memref<3x14xf32, #tpu.memory_space<smem>>
    %jit3A_861 = arith.constant 0.000000e+00 : f32
    %select_n3A_862 = arith.select %eq3A_857, %get3A_860, %jit3A_861 : f32
    %add3A_863 = arith.addf %add3A_852, %select_n3A_862 : f32
    %get3A_864 = arith.constant 0 : index
    %get3A_865 = arith.constant 7 : index
    %get3A_866 = memref.load %arg1[%get3A_864, %get3A_865] : memref<3x14xi32, #tpu.memory_space<smem>>
    %eq3A_867 = arith.constant 1 : i32
    %eq3A_868 = arith.cmpi eq, %get3A_866, %eq3A_867 : i32
    %get3A_869 = arith.constant 0 : index
    %get3A_870 = arith.constant 7 : index
    %get3A_871 = memref.load %arg2[%get3A_869, %get3A_870] : memref<3x14xf32, #tpu.memory_space<smem>>
    %jit3A_872 = arith.constant 0.000000e+00 : f32
    %select_n3A_873 = arith.select %eq3A_868, %get3A_871, %jit3A_872 : f32
    %add3A_874 = arith.constant 0.000000e+00 : f32
    %add3A_875 = arith.addf %add3A_874, %select_n3A_873 : f32
    %get3A_876 = arith.constant 1 : index
    %get3A_877 = arith.constant 7 : index
    %get3A_878 = memref.load %arg1[%get3A_876, %get3A_877] : memref<3x14xi32, #tpu.memory_space<smem>>
    %eq3A_879 = arith.constant 1 : i32
    %eq3A_880 = arith.cmpi eq, %get3A_878, %eq3A_879 : i32
    %get3A_881 = arith.constant 1 : index
    %get3A_882 = arith.constant 7 : index
    %get3A_883 = memref.load %arg2[%get3A_881, %get3A_882] : memref<3x14xf32, #tpu.memory_space<smem>>
    %jit3A_884 = arith.constant 0.000000e+00 : f32
    %select_n3A_885 = arith.select %eq3A_880, %get3A_883, %jit3A_884 : f32
    %add3A_886 = arith.addf %add3A_875, %select_n3A_885 : f32
    %get3A_887 = arith.constant 2 : index
    %get3A_888 = arith.constant 7 : index
    %get3A_889 = memref.load %arg1[%get3A_887, %get3A_888] : memref<3x14xi32, #tpu.memory_space<smem>>
    %eq3A_890 = arith.constant 1 : i32
    %eq3A_891 = arith.cmpi eq, %get3A_889, %eq3A_890 : i32
    %get3A_892 = arith.constant 2 : index
    %get3A_893 = arith.constant 7 : index
    %get3A_894 = memref.load %arg2[%get3A_892, %get3A_893] : memref<3x14xf32, #tpu.memory_space<smem>>
    %jit3A_895 = arith.constant 0.000000e+00 : f32
    %select_n3A_896 = arith.select %eq3A_891, %get3A_894, %jit3A_895 : f32
    %add3A_897 = arith.addf %add3A_886, %select_n3A_896 : f32
    %get3A_898 = arith.constant 0 : index
    %get3A_899 = arith.constant 7 : index
    %get3A_900 = memref.load %arg1[%get3A_898, %get3A_899] : memref<3x14xi32, #tpu.memory_space<smem>>
    %eq3A_901 = arith.constant 2 : i32
    %eq3A_902 = arith.cmpi eq, %get3A_900, %eq3A_901 : i32
    %get3A_903 = arith.constant 0 : index
    %get3A_904 = arith.constant 7 : index
    %get3A_905 = memref.load %arg2[%get3A_903, %get3A_904] : memref<3x14xf32, #tpu.memory_space<smem>>
    %jit3A_906 = arith.constant 0.000000e+00 : f32
    %select_n3A_907 = arith.select %eq3A_902, %get3A_905, %jit3A_906 : f32
    %add3A_908 = arith.constant 0.000000e+00 : f32
    %add3A_909 = arith.addf %add3A_908, %select_n3A_907 : f32
    %get3A_910 = arith.constant 1 : index
    %get3A_911 = arith.constant 7 : index
    %get3A_912 = memref.load %arg1[%get3A_910, %get3A_911] : memref<3x14xi32, #tpu.memory_space<smem>>
    %eq3A_913 = arith.constant 2 : i32
    %eq3A_914 = arith.cmpi eq, %get3A_912, %eq3A_913 : i32
    %get3A_915 = arith.constant 1 : index
    %get3A_916 = arith.constant 7 : index
    %get3A_917 = memref.load %arg2[%get3A_915, %get3A_916] : memref<3x14xf32, #tpu.memory_space<smem>>
    %jit3A_918 = arith.constant 0.000000e+00 : f32
    %select_n3A_919 = arith.select %eq3A_914, %get3A_917, %jit3A_918 : f32
    %add3A_920 = arith.addf %add3A_909, %select_n3A_919 : f32
    %get3A_921 = arith.constant 2 : index
    %get3A_922 = arith.constant 7 : index
    %get3A_923 = memref.load %arg1[%get3A_921, %get3A_922] : memref<3x14xi32, #tpu.memory_space<smem>>
    %eq3A_924 = arith.constant 2 : i32
    %eq3A_925 = arith.cmpi eq, %get3A_923, %eq3A_924 : i32
    %get3A_926 = arith.constant 2 : index
    %get3A_927 = arith.constant 7 : index
    %get3A_928 = memref.load %arg2[%get3A_926, %get3A_927] : memref<3x14xf32, #tpu.memory_space<smem>>
    %jit3A_929 = arith.constant 0.000000e+00 : f32
    %select_n3A_930 = arith.select %eq3A_925, %get3A_928, %jit3A_929 : f32
    %add3A_931 = arith.addf %add3A_920, %select_n3A_930 : f32
    %mul3A_932 = vector.broadcast %add3A_863 : f32 to vector<16x4x3276xf32>
    %mul3A_933 = arith.mulf %get3A_4, %mul3A_932 : vector<16x4x3276xf32>
    %mul3A_934 = vector.broadcast %add3A_897 : f32 to vector<16x4x3276xf32>
    %mul3A_935 = arith.mulf %get3A_10, %mul3A_934 : vector<16x4x3276xf32>
    %add3A_936 = arith.addf %mul3A_933, %mul3A_935 : vector<16x4x3276xf32>
    %mul3A_937 = vector.broadcast %add3A_931 : f32 to vector<16x4x3276xf32>
    %mul3A_938 = arith.mulf %get3A_16, %mul3A_937 : vector<16x4x3276xf32>
    %add3A_939 = arith.addf %add3A_936, %mul3A_938 : vector<16x4x3276xf32>
    %swap3A_940 = arith.constant 0 : index
    %swap3A_941 = arith.constant 7 : index
    %swap3A_942 = arith.constant 0 : index
    %swap3A_943 = arith.constant 0 : index
    %swap3A_944 = vector.load %arg4[%swap3A_940, %swap3A_941, %swap3A_942, %swap3A_943] : memref<16x14x4x3276xf32, #tpu.memory_space<vmem>>, vector<16x1x4x3276xf32>
    %swap3A_945 = vector.shape_cast %swap3A_944 : vector<16x1x4x3276xf32> to vector<16x4x3276xf32>
    %swap3A_946 = vector.shape_cast %add3A_939 : vector<16x4x3276xf32> to vector<16x1x4x3276xf32>
    tpu.vector_store %arg4[%swap3A_940, %swap3A_941, %swap3A_942, %swap3A_943], %swap3A_946 {strides = array<i32>} : memref<16x14x4x3276xf32, #tpu.memory_space<vmem>>, vector<16x1x4x3276xf32>,
    %get3A_947 = arith.constant 0 : index
    %get3A_948 = arith.constant 8 : index
    %get3A_949 = memref.load %arg1[%get3A_947, %get3A_948] : memref<3x14xi32, #tpu.memory_space<smem>>
    %eq3A_950 = arith.constant 0 : i32
    %eq3A_951 = arith.cmpi eq, %get3A_949, %eq3A_950 : i32
    %get3A_952 = arith.constant 0 : index
    %get3A_953 = arith.constant 8 : index
    %get3A_954 = memref.load %arg2[%get3A_952, %get3A_953] : memref<3x14xf32, #tpu.memory_space<smem>>
    %jit3A_955 = arith.constant 0.000000e+00 : f32
    %select_n3A_956 = arith.select %eq3A_951, %get3A_954, %jit3A_955 : f32
    %add3A_957 = arith.constant 0.000000e+00 : f32
    %add3A_958 = arith.addf %add3A_957, %select_n3A_956 : f32
    %get3A_959 = arith.constant 1 : index
    %get3A_960 = arith.constant 8 : index
    %get3A_961 = memref.load %arg1[%get3A_959, %get3A_960] : memref<3x14xi32, #tpu.memory_space<smem>>
    %eq3A_962 = arith.constant 0 : i32
    %eq3A_963 = arith.cmpi eq, %get3A_961, %eq3A_962 : i32
    %get3A_964 = arith.constant 1 : index
    %get3A_965 = arith.constant 8 : index
    %get3A_966 = memref.load %arg2[%get3A_964, %get3A_965] : memref<3x14xf32, #tpu.memory_space<smem>>
    %jit3A_967 = arith.constant 0.000000e+00 : f32
    %select_n3A_968 = arith.select %eq3A_963, %get3A_966, %jit3A_967 : f32
    %add3A_969 = arith.addf %add3A_958, %select_n3A_968 : f32
    %get3A_970 = arith.constant 2 : index
    %get3A_971 = arith.constant 8 : index
    %get3A_972 = memref.load %arg1[%get3A_970, %get3A_971] : memref<3x14xi32, #tpu.memory_space<smem>>
    %eq3A_973 = arith.constant 0 : i32
    %eq3A_974 = arith.cmpi eq, %get3A_972, %eq3A_973 : i32
    %get3A_975 = arith.constant 2 : index
    %get3A_976 = arith.constant 8 : index
    %get3A_977 = memref.load %arg2[%get3A_975, %get3A_976] : memref<3x14xf32, #tpu.memory_space<smem>>
    %jit3A_978 = arith.constant 0.000000e+00 : f32
    %select_n3A_979 = arith.select %eq3A_974, %get3A_977, %jit3A_978 : f32
    %add3A_980 = arith.addf %add3A_969, %select_n3A_979 : f32
    %get3A_981 = arith.constant 0 : index
    %get3A_982 = arith.constant 8 : index
    %get3A_983 = memref.load %arg1[%get3A_981, %get3A_982] : memref<3x14xi32, #tpu.memory_space<smem>>
    %eq3A_984 = arith.constant 1 : i32
    %eq3A_985 = arith.cmpi eq, %get3A_983, %eq3A_984 : i32
    %get3A_986 = arith.constant 0 : index
    %get3A_987 = arith.constant 8 : index
    %get3A_988 = memref.load %arg2[%get3A_986, %get3A_987] : memref<3x14xf32, #tpu.memory_space<smem>>
    %jit3A_989 = arith.constant 0.000000e+00 : f32
    %select_n3A_990 = arith.select %eq3A_985, %get3A_988, %jit3A_989 : f32
    %add3A_991 = arith.constant 0.000000e+00 : f32
    %add3A_992 = arith.addf %add3A_991, %select_n3A_990 : f32
    %get3A_993 = arith.constant 1 : index
    %get3A_994 = arith.constant 8 : index
    %get3A_995 = memref.load %arg1[%get3A_993, %get3A_994] : memref<3x14xi32, #tpu.memory_space<smem>>
    %eq3A_996 = arith.constant 1 : i32
    %eq3A_997 = arith.cmpi eq, %get3A_995, %eq3A_996 : i32
    %get3A_998 = arith.constant 1 : index
    %get3A_999 = arith.constant 8 : index
    %get3A_1000 = memref.load %arg2[%get3A_998, %get3A_999] : memref<3x14xf32, #tpu.memory_space<smem>>
    %jit3A_1001 = arith.constant 0.000000e+00 : f32
    %select_n3A_1002 = arith.select %eq3A_997, %get3A_1000, %jit3A_1001 : f32
    %add3A_1003 = arith.addf %add3A_992, %select_n3A_1002 : f32
    %get3A_1004 = arith.constant 2 : index
    %get3A_1005 = arith.constant 8 : index
    %get3A_1006 = memref.load %arg1[%get3A_1004, %get3A_1005] : memref<3x14xi32, #tpu.memory_space<smem>>
    %eq3A_1007 = arith.constant 1 : i32
    %eq3A_1008 = arith.cmpi eq, %get3A_1006, %eq3A_1007 : i32
    %get3A_1009 = arith.constant 2 : index
    %get3A_1010 = arith.constant 8 : index
    %get3A_1011 = memref.load %arg2[%get3A_1009, %get3A_1010] : memref<3x14xf32, #tpu.memory_space<smem>>
    %jit3A_1012 = arith.constant 0.000000e+00 : f32
    %select_n3A_1013 = arith.select %eq3A_1008, %get3A_1011, %jit3A_1012 : f32
    %add3A_1014 = arith.addf %add3A_1003, %select_n3A_1013 : f32
    %get3A_1015 = arith.constant 0 : index
    %get3A_1016 = arith.constant 8 : index
    %get3A_1017 = memref.load %arg1[%get3A_1015, %get3A_1016] : memref<3x14xi32, #tpu.memory_space<smem>>
    %eq3A_1018 = arith.constant 2 : i32
    %eq3A_1019 = arith.cmpi eq, %get3A_1017, %eq3A_1018 : i32
    %get3A_1020 = arith.constant 0 : index
    %get3A_1021 = arith.constant 8 : index
    %get3A_1022 = memref.load %arg2[%get3A_1020, %get3A_1021] : memref<3x14xf32, #tpu.memory_space<smem>>
    %jit3A_1023 = arith.constant 0.000000e+00 : f32
    %select_n3A_1024 = arith.select %eq3A_1019, %get3A_1022, %jit3A_1023 : f32
    %add3A_1025 = arith.constant 0.000000e+00 : f32
    %add3A_1026 = arith.addf %add3A_1025, %select_n3A_1024 : f32
    %get3A_1027 = arith.constant 1 : index
    %get3A_1028 = arith.constant 8 : index
    %get3A_1029 = memref.load %arg1[%get3A_1027, %get3A_1028] : memref<3x14xi32, #tpu.memory_space<smem>>
    %eq3A_1030 = arith.constant 2 : i32
    %eq3A_1031 = arith.cmpi eq, %get3A_1029, %eq3A_1030 : i32
    %get3A_1032 = arith.constant 1 : index
    %get3A_1033 = arith.constant 8 : index
    %get3A_1034 = memref.load %arg2[%get3A_1032, %get3A_1033] : memref<3x14xf32, #tpu.memory_space<smem>>
    %jit3A_1035 = arith.constant 0.000000e+00 : f32
    %select_n3A_1036 = arith.select %eq3A_1031, %get3A_1034, %jit3A_1035 : f32
    %add3A_1037 = arith.addf %add3A_1026, %select_n3A_1036 : f32
    %get3A_1038 = arith.constant 2 : index
    %get3A_1039 = arith.constant 8 : index
    %get3A_1040 = memref.load %arg1[%get3A_1038, %get3A_1039] : memref<3x14xi32, #tpu.memory_space<smem>>
    %eq3A_1041 = arith.constant 2 : i32
    %eq3A_1042 = arith.cmpi eq, %get3A_1040, %eq3A_1041 : i32
    %get3A_1043 = arith.constant 2 : index
    %get3A_1044 = arith.constant 8 : index
    %get3A_1045 = memref.load %arg2[%get3A_1043, %get3A_1044] : memref<3x14xf32, #tpu.memory_space<smem>>
    %jit3A_1046 = arith.constant 0.000000e+00 : f32
    %select_n3A_1047 = arith.select %eq3A_1042, %get3A_1045, %jit3A_1046 : f32
    %add3A_1048 = arith.addf %add3A_1037, %select_n3A_1047 : f32
    %mul3A_1049 = vector.broadcast %add3A_980 : f32 to vector<16x4x3276xf32>
    %mul3A_1050 = arith.mulf %get3A_4, %mul3A_1049 : vector<16x4x3276xf32>
    %mul3A_1051 = vector.broadcast %add3A_1014 : f32 to vector<16x4x3276xf32>
    %mul3A_1052 = arith.mulf %get3A_10, %mul3A_1051 : vector<16x4x3276xf32>
    %add3A_1053 = arith.addf %mul3A_1050, %mul3A_1052 : vector<16x4x3276xf32>
    %mul3A_1054 = vector.broadcast %add3A_1048 : f32 to vector<16x4x3276xf32>
    %mul3A_1055 = arith.mulf %get3A_16, %mul3A_1054 : vector<16x4x3276xf32>
    %add3A_1056 = arith.addf %add3A_1053, %mul3A_1055 : vector<16x4x3276xf32>
    %swap3A_1057 = arith.constant 0 : index
    %swap3A_1058 = arith.constant 8 : index
    %swap3A_1059 = arith.constant 0 : index
    %swap3A_1060 = arith.constant 0 : index
    %swap3A_1061 = vector.load %arg4[%swap3A_1057, %swap3A_1058, %swap3A_1059, %swap3A_1060] : memref<16x14x4x3276xf32, #tpu.memory_space<vmem>>, vector<16x1x4x3276xf32>
    %swap3A_1062 = vector.shape_cast %swap3A_1061 : vector<16x1x4x3276xf32> to vector<16x4x3276xf32>
    %swap3A_1063 = vector.shape_cast %add3A_1056 : vector<16x4x3276xf32> to vector<16x1x4x3276xf32>
    tpu.vector_store %arg4[%swap3A_1057, %swap3A_1058, %swap3A_1059, %swap3A_1060], %swap3A_1063 {strides = array<i32>} : memref<16x14x4x3276xf32, #tpu.memory_space<vmem>>, vector<16x1x4x3276xf32>,
    %get3A_1064 = arith.constant 0 : index
    %get3A_1065 = arith.constant 9 : index
    %get3A_1066 = memref.load %arg1[%get3A_1064, %get3A_1065] : memref<3x14xi32, #tpu.memory_space<smem>>
    %eq3A_1067 = arith.constant 0 : i32
    %eq3A_1068 = arith.cmpi eq, %get3A_1066, %eq3A_1067 : i32
    %get3A_1069 = arith.constant 0 : index
    %get3A_1070 = arith.constant 9 : index
    %get3A_1071 = memref.load %arg2[%get3A_1069, %get3A_1070] : memref<3x14xf32, #tpu.memory_space<smem>>
    %jit3A_1072 = arith.constant 0.000000e+00 : f32
    %select_n3A_1073 = arith.select %eq3A_1068, %get3A_1071, %jit3A_1072 : f32
    %add3A_1074 = arith.constant 0.000000e+00 : f32
    %add3A_1075 = arith.addf %add3A_1074, %select_n3A_1073 : f32
    %get3A_1076 = arith.constant 1 : index
    %get3A_1077 = arith.constant 9 : index
    %get3A_1078 = memref.load %arg1[%get3A_1076, %get3A_1077] : memref<3x14xi32, #tpu.memory_space<smem>>
    %eq3A_1079 = arith.constant 0 : i32
    %eq3A_1080 = arith.cmpi eq, %get3A_1078, %eq3A_1079 : i32
    %get3A_1081 = arith.constant 1 : index
    %get3A_1082 = arith.constant 9 : index
    %get3A_1083 = memref.load %arg2[%get3A_1081, %get3A_1082] : memref<3x14xf32, #tpu.memory_space<smem>>
    %jit3A_1084 = arith.constant 0.000000e+00 : f32
    %select_n3A_1085 = arith.select %eq3A_1080, %get3A_1083, %jit3A_1084 : f32
    %add3A_1086 = arith.addf %add3A_1075, %select_n3A_1085 : f32
    %get3A_1087 = arith.constant 2 : index
    %get3A_1088 = arith.constant 9 : index
    %get3A_1089 = memref.load %arg1[%get3A_1087, %get3A_1088] : memref<3x14xi32, #tpu.memory_space<smem>>
    %eq3A_1090 = arith.constant 0 : i32
    %eq3A_1091 = arith.cmpi eq, %get3A_1089, %eq3A_1090 : i32
    %get3A_1092 = arith.constant 2 : index
    %get3A_1093 = arith.constant 9 : index
    %get3A_1094 = memref.load %arg2[%get3A_1092, %get3A_1093] : memref<3x14xf32, #tpu.memory_space<smem>>
    %jit3A_1095 = arith.constant 0.000000e+00 : f32
    %select_n3A_1096 = arith.select %eq3A_1091, %get3A_1094, %jit3A_1095 : f32
    %add3A_1097 = arith.addf %add3A_1086, %select_n3A_1096 : f32
    %get3A_1098 = arith.constant 0 : index
    %get3A_1099 = arith.constant 9 : index
    %get3A_1100 = memref.load %arg1[%get3A_1098, %get3A_1099] : memref<3x14xi32, #tpu.memory_space<smem>>
    %eq3A_1101 = arith.constant 1 : i32
    %eq3A_1102 = arith.cmpi eq, %get3A_1100, %eq3A_1101 : i32
    %get3A_1103 = arith.constant 0 : index
    %get3A_1104 = arith.constant 9 : index
    %get3A_1105 = memref.load %arg2[%get3A_1103, %get3A_1104] : memref<3x14xf32, #tpu.memory_space<smem>>
    %jit3A_1106 = arith.constant 0.000000e+00 : f32
    %select_n3A_1107 = arith.select %eq3A_1102, %get3A_1105, %jit3A_1106 : f32
    %add3A_1108 = arith.constant 0.000000e+00 : f32
    %add3A_1109 = arith.addf %add3A_1108, %select_n3A_1107 : f32
    %get3A_1110 = arith.constant 1 : index
    %get3A_1111 = arith.constant 9 : index
    %get3A_1112 = memref.load %arg1[%get3A_1110, %get3A_1111] : memref<3x14xi32, #tpu.memory_space<smem>>
    %eq3A_1113 = arith.constant 1 : i32
    %eq3A_1114 = arith.cmpi eq, %get3A_1112, %eq3A_1113 : i32
    %get3A_1115 = arith.constant 1 : index
    %get3A_1116 = arith.constant 9 : index
    %get3A_1117 = memref.load %arg2[%get3A_1115, %get3A_1116] : memref<3x14xf32, #tpu.memory_space<smem>>
    %jit3A_1118 = arith.constant 0.000000e+00 : f32
    %select_n3A_1119 = arith.select %eq3A_1114, %get3A_1117, %jit3A_1118 : f32
    %add3A_1120 = arith.addf %add3A_1109, %select_n3A_1119 : f32
    %get3A_1121 = arith.constant 2 : index
    %get3A_1122 = arith.constant 9 : index
    %get3A_1123 = memref.load %arg1[%get3A_1121, %get3A_1122] : memref<3x14xi32, #tpu.memory_space<smem>>
    %eq3A_1124 = arith.constant 1 : i32
    %eq3A_1125 = arith.cmpi eq, %get3A_1123, %eq3A_1124 : i32
    %get3A_1126 = arith.constant 2 : index
    %get3A_1127 = arith.constant 9 : index
    %get3A_1128 = memref.load %arg2[%get3A_1126, %get3A_1127] : memref<3x14xf32, #tpu.memory_space<smem>>
    %jit3A_1129 = arith.constant 0.000000e+00 : f32
    %select_n3A_1130 = arith.select %eq3A_1125, %get3A_1128, %jit3A_1129 : f32
    %add3A_1131 = arith.addf %add3A_1120, %select_n3A_1130 : f32
    %get3A_1132 = arith.constant 0 : index
    %get3A_1133 = arith.constant 9 : index
    %get3A_1134 = memref.load %arg1[%get3A_1132, %get3A_1133] : memref<3x14xi32, #tpu.memory_space<smem>>
    %eq3A_1135 = arith.constant 2 : i32
    %eq3A_1136 = arith.cmpi eq, %get3A_1134, %eq3A_1135 : i32
    %get3A_1137 = arith.constant 0 : index
    %get3A_1138 = arith.constant 9 : index
    %get3A_1139 = memref.load %arg2[%get3A_1137, %get3A_1138] : memref<3x14xf32, #tpu.memory_space<smem>>
    %jit3A_1140 = arith.constant 0.000000e+00 : f32
    %select_n3A_1141 = arith.select %eq3A_1136, %get3A_1139, %jit3A_1140 : f32
    %add3A_1142 = arith.constant 0.000000e+00 : f32
    %add3A_1143 = arith.addf %add3A_1142, %select_n3A_1141 : f32
    %get3A_1144 = arith.constant 1 : index
    %get3A_1145 = arith.constant 9 : index
    %get3A_1146 = memref.load %arg1[%get3A_1144, %get3A_1145] : memref<3x14xi32, #tpu.memory_space<smem>>
    %eq3A_1147 = arith.constant 2 : i32
    %eq3A_1148 = arith.cmpi eq, %get3A_1146, %eq3A_1147 : i32
    %get3A_1149 = arith.constant 1 : index
    %get3A_1150 = arith.constant 9 : index
    %get3A_1151 = memref.load %arg2[%get3A_1149, %get3A_1150] : memref<3x14xf32, #tpu.memory_space<smem>>
    %jit3A_1152 = arith.constant 0.000000e+00 : f32
    %select_n3A_1153 = arith.select %eq3A_1148, %get3A_1151, %jit3A_1152 : f32
    %add3A_1154 = arith.addf %add3A_1143, %select_n3A_1153 : f32
    %get3A_1155 = arith.constant 2 : index
    %get3A_1156 = arith.constant 9 : index
    %get3A_1157 = memref.load %arg1[%get3A_1155, %get3A_1156] : memref<3x14xi32, #tpu.memory_space<smem>>
    %eq3A_1158 = arith.constant 2 : i32
    %eq3A_1159 = arith.cmpi eq, %get3A_1157, %eq3A_1158 : i32
    %get3A_1160 = arith.constant 2 : index
    %get3A_1161 = arith.constant 9 : index
    %get3A_1162 = memref.load %arg2[%get3A_1160, %get3A_1161] : memref<3x14xf32, #tpu.memory_space<smem>>
    %jit3A_1163 = arith.constant 0.000000e+00 : f32
    %select_n3A_1164 = arith.select %eq3A_1159, %get3A_1162, %jit3A_1163 : f32
    %add3A_1165 = arith.addf %add3A_1154, %select_n3A_1164 : f32
    %mul3A_1166 = vector.broadcast %add3A_1097 : f32 to vector<16x4x3276xf32>
    %mul3A_1167 = arith.mulf %get3A_4, %mul3A_1166 : vector<16x4x3276xf32>
    %mul3A_1168 = vector.broadcast %add3A_1131 : f32 to vector<16x4x3276xf32>
    %mul3A_1169 = arith.mulf %get3A_10, %mul3A_1168 : vector<16x4x3276xf32>
    %add3A_1170 = arith.addf %mul3A_1167, %mul3A_1169 : vector<16x4x3276xf32>
    %mul3A_1171 = vector.broadcast %add3A_1165 : f32 to vector<16x4x3276xf32>
    %mul3A_1172 = arith.mulf %get3A_16, %mul3A_1171 : vector<16x4x3276xf32>
    %add3A_1173 = arith.addf %add3A_1170, %mul3A_1172 : vector<16x4x3276xf32>
    %swap3A_1174 = arith.constant 0 : index
    %swap3A_1175 = arith.constant 9 : index
    %swap3A_1176 = arith.constant 0 : index
    %swap3A_1177 = arith.constant 0 : index
    %swap3A_1178 = vector.load %arg4[%swap3A_1174, %swap3A_1175, %swap3A_1176, %swap3A_1177] : memref<16x14x4x3276xf32, #tpu.memory_space<vmem>>, vector<16x1x4x3276xf32>
    %swap3A_1179 = vector.shape_cast %swap3A_1178 : vector<16x1x4x3276xf32> to vector<16x4x3276xf32>
    %swap3A_1180 = vector.shape_cast %add3A_1173 : vector<16x4x3276xf32> to vector<16x1x4x3276xf32>
    tpu.vector_store %arg4[%swap3A_1174, %swap3A_1175, %swap3A_1176, %swap3A_1177], %swap3A_1180 {strides = array<i32>} : memref<16x14x4x3276xf32, #tpu.memory_space<vmem>>, vector<16x1x4x3276xf32>,
    %get3A_1181 = arith.constant 0 : index
    %get3A_1182 = arith.constant 10 : index
    %get3A_1183 = memref.load %arg1[%get3A_1181, %get3A_1182] : memref<3x14xi32, #tpu.memory_space<smem>>
    %eq3A_1184 = arith.constant 0 : i32
    %eq3A_1185 = arith.cmpi eq, %get3A_1183, %eq3A_1184 : i32
    %get3A_1186 = arith.constant 0 : index
    %get3A_1187 = arith.constant 10 : index
    %get3A_1188 = memref.load %arg2[%get3A_1186, %get3A_1187] : memref<3x14xf32, #tpu.memory_space<smem>>
    %jit3A_1189 = arith.constant 0.000000e+00 : f32
    %select_n3A_1190 = arith.select %eq3A_1185, %get3A_1188, %jit3A_1189 : f32
    %add3A_1191 = arith.constant 0.000000e+00 : f32
    %add3A_1192 = arith.addf %add3A_1191, %select_n3A_1190 : f32
    %get3A_1193 = arith.constant 1 : index
    %get3A_1194 = arith.constant 10 : index
    %get3A_1195 = memref.load %arg1[%get3A_1193, %get3A_1194] : memref<3x14xi32, #tpu.memory_space<smem>>
    %eq3A_1196 = arith.constant 0 : i32
    %eq3A_1197 = arith.cmpi eq, %get3A_1195, %eq3A_1196 : i32
    %get3A_1198 = arith.constant 1 : index
    %get3A_1199 = arith.constant 10 : index
    %get3A_1200 = memref.load %arg2[%get3A_1198, %get3A_1199] : memref<3x14xf32, #tpu.memory_space<smem>>
    %jit3A_1201 = arith.constant 0.000000e+00 : f32
    %select_n3A_1202 = arith.select %eq3A_1197, %get3A_1200, %jit3A_1201 : f32
    %add3A_1203 = arith.addf %add3A_1192, %select_n3A_1202 : f32
    %get3A_1204 = arith.constant 2 : index
    %get3A_1205 = arith.constant 10 : index
    %get3A_1206 = memref.load %arg1[%get3A_1204, %get3A_1205] : memref<3x14xi32, #tpu.memory_space<smem>>
    %eq3A_1207 = arith.constant 0 : i32
    %eq3A_1208 = arith.cmpi eq, %get3A_1206, %eq3A_1207 : i32
    %get3A_1209 = arith.constant 2 : index
    %get3A_1210 = arith.constant 10 : index
    %get3A_1211 = memref.load %arg2[%get3A_1209, %get3A_1210] : memref<3x14xf32, #tpu.memory_space<smem>>
    %jit3A_1212 = arith.constant 0.000000e+00 : f32
    %select_n3A_1213 = arith.select %eq3A_1208, %get3A_1211, %jit3A_1212 : f32
    %add3A_1214 = arith.addf %add3A_1203, %select_n3A_1213 : f32
    %get3A_1215 = arith.constant 0 : index
    %get3A_1216 = arith.constant 10 : index
    %get3A_1217 = memref.load %arg1[%get3A_1215, %get3A_1216] : memref<3x14xi32, #tpu.memory_space<smem>>
    %eq3A_1218 = arith.constant 1 : i32
    %eq3A_1219 = arith.cmpi eq, %get3A_1217, %eq3A_1218 : i32
    %get3A_1220 = arith.constant 0 : index
    %get3A_1221 = arith.constant 10 : index
    %get3A_1222 = memref.load %arg2[%get3A_1220, %get3A_1221] : memref<3x14xf32, #tpu.memory_space<smem>>
    %jit3A_1223 = arith.constant 0.000000e+00 : f32
    %select_n3A_1224 = arith.select %eq3A_1219, %get3A_1222, %jit3A_1223 : f32
    %add3A_1225 = arith.constant 0.000000e+00 : f32
    %add3A_1226 = arith.addf %add3A_1225, %select_n3A_1224 : f32
    %get3A_1227 = arith.constant 1 : index
    %get3A_1228 = arith.constant 10 : index
    %get3A_1229 = memref.load %arg1[%get3A_1227, %get3A_1228] : memref<3x14xi32, #tpu.memory_space<smem>>
    %eq3A_1230 = arith.constant 1 : i32
    %eq3A_1231 = arith.cmpi eq, %get3A_1229, %eq3A_1230 : i32
    %get3A_1232 = arith.constant 1 : index
    %get3A_1233 = arith.constant 10 : index
    %get3A_1234 = memref.load %arg2[%get3A_1232, %get3A_1233] : memref<3x14xf32, #tpu.memory_space<smem>>
    %jit3A_1235 = arith.constant 0.000000e+00 : f32
    %select_n3A_1236 = arith.select %eq3A_1231, %get3A_1234, %jit3A_1235 : f32
    %add3A_1237 = arith.addf %add3A_1226, %select_n3A_1236 : f32
    %get3A_1238 = arith.constant 2 : index
    %get3A_1239 = arith.constant 10 : index
    %get3A_1240 = memref.load %arg1[%get3A_1238, %get3A_1239] : memref<3x14xi32, #tpu.memory_space<smem>>
    %eq3A_1241 = arith.constant 1 : i32
    %eq3A_1242 = arith.cmpi eq, %get3A_1240, %eq3A_1241 : i32
    %get3A_1243 = arith.constant 2 : index
    %get3A_1244 = arith.constant 10 : index
    %get3A_1245 = memref.load %arg2[%get3A_1243, %get3A_1244] : memref<3x14xf32, #tpu.memory_space<smem>>
    %jit3A_1246 = arith.constant 0.000000e+00 : f32
    %select_n3A_1247 = arith.select %eq3A_1242, %get3A_1245, %jit3A_1246 : f32
    %add3A_1248 = arith.addf %add3A_1237, %select_n3A_1247 : f32
    %get3A_1249 = arith.constant 0 : index
    %get3A_1250 = arith.constant 10 : index
    %get3A_1251 = memref.load %arg1[%get3A_1249, %get3A_1250] : memref<3x14xi32, #tpu.memory_space<smem>>
    %eq3A_1252 = arith.constant 2 : i32
    %eq3A_1253 = arith.cmpi eq, %get3A_1251, %eq3A_1252 : i32
    %get3A_1254 = arith.constant 0 : index
    %get3A_1255 = arith.constant 10 : index
    %get3A_1256 = memref.load %arg2[%get3A_1254, %get3A_1255] : memref<3x14xf32, #tpu.memory_space<smem>>
    %jit3A_1257 = arith.constant 0.000000e+00 : f32
    %select_n3A_1258 = arith.select %eq3A_1253, %get3A_1256, %jit3A_1257 : f32
    %add3A_1259 = arith.constant 0.000000e+00 : f32
    %add3A_1260 = arith.addf %add3A_1259, %select_n3A_1258 : f32
    %get3A_1261 = arith.constant 1 : index
    %get3A_1262 = arith.constant 10 : index
    %get3A_1263 = memref.load %arg1[%get3A_1261, %get3A_1262] : memref<3x14xi32, #tpu.memory_space<smem>>
    %eq3A_1264 = arith.constant 2 : i32
    %eq3A_1265 = arith.cmpi eq, %get3A_1263, %eq3A_1264 : i32
    %get3A_1266 = arith.constant 1 : index
    %get3A_1267 = arith.constant 10 : index
    %get3A_1268 = memref.load %arg2[%get3A_1266, %get3A_1267] : memref<3x14xf32, #tpu.memory_space<smem>>
    %jit3A_1269 = arith.constant 0.000000e+00 : f32
    %select_n3A_1270 = arith.select %eq3A_1265, %get3A_1268, %jit3A_1269 : f32
    %add3A_1271 = arith.addf %add3A_1260, %select_n3A_1270 : f32
    %get3A_1272 = arith.constant 2 : index
    %get3A_1273 = arith.constant 10 : index
    %get3A_1274 = memref.load %arg1[%get3A_1272, %get3A_1273] : memref<3x14xi32, #tpu.memory_space<smem>>
    %eq3A_1275 = arith.constant 2 : i32
    %eq3A_1276 = arith.cmpi eq, %get3A_1274, %eq3A_1275 : i32
    %get3A_1277 = arith.constant 2 : index
    %get3A_1278 = arith.constant 10 : index
    %get3A_1279 = memref.load %arg2[%get3A_1277, %get3A_1278] : memref<3x14xf32, #tpu.memory_space<smem>>
    %jit3A_1280 = arith.constant 0.000000e+00 : f32
    %select_n3A_1281 = arith.select %eq3A_1276, %get3A_1279, %jit3A_1280 : f32
    %add3A_1282 = arith.addf %add3A_1271, %select_n3A_1281 : f32
    %mul3A_1283 = vector.broadcast %add3A_1214 : f32 to vector<16x4x3276xf32>
    %mul3A_1284 = arith.mulf %get3A_4, %mul3A_1283 : vector<16x4x3276xf32>
    %mul3A_1285 = vector.broadcast %add3A_1248 : f32 to vector<16x4x3276xf32>
    %mul3A_1286 = arith.mulf %get3A_10, %mul3A_1285 : vector<16x4x3276xf32>
    %add3A_1287 = arith.addf %mul3A_1284, %mul3A_1286 : vector<16x4x3276xf32>
    %mul3A_1288 = vector.broadcast %add3A_1282 : f32 to vector<16x4x3276xf32>
    %mul3A_1289 = arith.mulf %get3A_16, %mul3A_1288 : vector<16x4x3276xf32>
    %add3A_1290 = arith.addf %add3A_1287, %mul3A_1289 : vector<16x4x3276xf32>
    %swap3A_1291 = arith.constant 0 : index
    %swap3A_1292 = arith.constant 10 : index
    %swap3A_1293 = arith.constant 0 : index
    %swap3A_1294 = arith.constant 0 : index
    %swap3A_1295 = vector.load %arg4[%swap3A_1291, %swap3A_1292, %swap3A_1293, %swap3A_1294] : memref<16x14x4x3276xf32, #tpu.memory_space<vmem>>, vector<16x1x4x3276xf32>
    %swap3A_1296 = vector.shape_cast %swap3A_1295 : vector<16x1x4x3276xf32> to vector<16x4x3276xf32>
    %swap3A_1297 = vector.shape_cast %add3A_1290 : vector<16x4x3276xf32> to vector<16x1x4x3276xf32>
    tpu.vector_store %arg4[%swap3A_1291, %swap3A_1292, %swap3A_1293, %swap3A_1294], %swap3A_1297 {strides = array<i32>} : memref<16x14x4x3276xf32, #tpu.memory_space<vmem>>, vector<16x1x4x3276xf32>,
    %get3A_1298 = arith.constant 0 : index
    %get3A_1299 = arith.constant 11 : index
    %get3A_1300 = memref.load %arg1[%get3A_1298, %get3A_1299] : memref<3x14xi32, #tpu.memory_space<smem>>
    %eq3A_1301 = arith.constant 0 : i32
    %eq3A_1302 = arith.cmpi eq, %get3A_1300, %eq3A_1301 : i32
    %get3A_1303 = arith.constant 0 : index
    %get3A_1304 = arith.constant 11 : index
    %get3A_1305 = memref.load %arg2[%get3A_1303, %get3A_1304] : memref<3x14xf32, #tpu.memory_space<smem>>
    %jit3A_1306 = arith.constant 0.000000e+00 : f32
    %select_n3A_1307 = arith.select %eq3A_1302, %get3A_1305, %jit3A_1306 : f32
    %add3A_1308 = arith.constant 0.000000e+00 : f32
    %add3A_1309 = arith.addf %add3A_1308, %select_n3A_1307 : f32
    %get3A_1310 = arith.constant 1 : index
    %get3A_1311 = arith.constant 11 : index
    %get3A_1312 = memref.load %arg1[%get3A_1310, %get3A_1311] : memref<3x14xi32, #tpu.memory_space<smem>>
    %eq3A_1313 = arith.constant 0 : i32
    %eq3A_1314 = arith.cmpi eq, %get3A_1312, %eq3A_1313 : i32
    %get3A_1315 = arith.constant 1 : index
    %get3A_1316 = arith.constant 11 : index
    %get3A_1317 = memref.load %arg2[%get3A_1315, %get3A_1316] : memref<3x14xf32, #tpu.memory_space<smem>>
    %jit3A_1318 = arith.constant 0.000000e+00 : f32
    %select_n3A_1319 = arith.select %eq3A_1314, %get3A_1317, %jit3A_1318 : f32
    %add3A_1320 = arith.addf %add3A_1309, %select_n3A_1319 : f32
    %get3A_1321 = arith.constant 2 : index
    %get3A_1322 = arith.constant 11 : index
    %get3A_1323 = memref.load %arg1[%get3A_1321, %get3A_1322] : memref<3x14xi32, #tpu.memory_space<smem>>
    %eq3A_1324 = arith.constant 0 : i32
    %eq3A_1325 = arith.cmpi eq, %get3A_1323, %eq3A_1324 : i32
    %get3A_1326 = arith.constant 2 : index
    %get3A_1327 = arith.constant 11 : index
    %get3A_1328 = memref.load %arg2[%get3A_1326, %get3A_1327] : memref<3x14xf32, #tpu.memory_space<smem>>
    %jit3A_1329 = arith.constant 0.000000e+00 : f32
    %select_n3A_1330 = arith.select %eq3A_1325, %get3A_1328, %jit3A_1329 : f32
    %add3A_1331 = arith.addf %add3A_1320, %select_n3A_1330 : f32
    %get3A_1332 = arith.constant 0 : index
    %get3A_1333 = arith.constant 11 : index
    %get3A_1334 = memref.load %arg1[%get3A_1332, %get3A_1333] : memref<3x14xi32, #tpu.memory_space<smem>>
    %eq3A_1335 = arith.constant 1 : i32
    %eq3A_1336 = arith.cmpi eq, %get3A_1334, %eq3A_1335 : i32
    %get3A_1337 = arith.constant 0 : index
    %get3A_1338 = arith.constant 11 : index
    %get3A_1339 = memref.load %arg2[%get3A_1337, %get3A_1338] : memref<3x14xf32, #tpu.memory_space<smem>>
    %jit3A_1340 = arith.constant 0.000000e+00 : f32
    %select_n3A_1341 = arith.select %eq3A_1336, %get3A_1339, %jit3A_1340 : f32
    %add3A_1342 = arith.constant 0.000000e+00 : f32
    %add3A_1343 = arith.addf %add3A_1342, %select_n3A_1341 : f32
    %get3A_1344 = arith.constant 1 : index
    %get3A_1345 = arith.constant 11 : index
    %get3A_1346 = memref.load %arg1[%get3A_1344, %get3A_1345] : memref<3x14xi32, #tpu.memory_space<smem>>
    %eq3A_1347 = arith.constant 1 : i32
    %eq3A_1348 = arith.cmpi eq, %get3A_1346, %eq3A_1347 : i32
    %get3A_1349 = arith.constant 1 : index
    %get3A_1350 = arith.constant 11 : index
    %get3A_1351 = memref.load %arg2[%get3A_1349, %get3A_1350] : memref<3x14xf32, #tpu.memory_space<smem>>
    %jit3A_1352 = arith.constant 0.000000e+00 : f32
    %select_n3A_1353 = arith.select %eq3A_1348, %get3A_1351, %jit3A_1352 : f32
    %add3A_1354 = arith.addf %add3A_1343, %select_n3A_1353 : f32
    %get3A_1355 = arith.constant 2 : index
    %get3A_1356 = arith.constant 11 : index
    %get3A_1357 = memref.load %arg1[%get3A_1355, %get3A_1356] : memref<3x14xi32, #tpu.memory_space<smem>>
    %eq3A_1358 = arith.constant 1 : i32
    %eq3A_1359 = arith.cmpi eq, %get3A_1357, %eq3A_1358 : i32
    %get3A_1360 = arith.constant 2 : index
    %get3A_1361 = arith.constant 11 : index
    %get3A_1362 = memref.load %arg2[%get3A_1360, %get3A_1361] : memref<3x14xf32, #tpu.memory_space<smem>>
    %jit3A_1363 = arith.constant 0.000000e+00 : f32
    %select_n3A_1364 = arith.select %eq3A_1359, %get3A_1362, %jit3A_1363 : f32
    %add3A_1365 = arith.addf %add3A_1354, %select_n3A_1364 : f32
    %get3A_1366 = arith.constant 0 : index
    %get3A_1367 = arith.constant 11 : index
    %get3A_1368 = memref.load %arg1[%get3A_1366, %get3A_1367] : memref<3x14xi32, #tpu.memory_space<smem>>
    %eq3A_1369 = arith.constant 2 : i32
    %eq3A_1370 = arith.cmpi eq, %get3A_1368, %eq3A_1369 : i32
    %get3A_1371 = arith.constant 0 : index
    %get3A_1372 = arith.constant 11 : index
    %get3A_1373 = memref.load %arg2[%get3A_1371, %get3A_1372] : memref<3x14xf32, #tpu.memory_space<smem>>
    %jit3A_1374 = arith.constant 0.000000e+00 : f32
    %select_n3A_1375 = arith.select %eq3A_1370, %get3A_1373, %jit3A_1374 : f32
    %add3A_1376 = arith.constant 0.000000e+00 : f32
    %add3A_1377 = arith.addf %add3A_1376, %select_n3A_1375 : f32
    %get3A_1378 = arith.constant 1 : index
    %get3A_1379 = arith.constant 11 : index
    %get3A_1380 = memref.load %arg1[%get3A_1378, %get3A_1379] : memref<3x14xi32, #tpu.memory_space<smem>>
    %eq3A_1381 = arith.constant 2 : i32
    %eq3A_1382 = arith.cmpi eq, %get3A_1380, %eq3A_1381 : i32
    %get3A_1383 = arith.constant 1 : index
    %get3A_1384 = arith.constant 11 : index
    %get3A_1385 = memref.load %arg2[%get3A_1383, %get3A_1384] : memref<3x14xf32, #tpu.memory_space<smem>>
    %jit3A_1386 = arith.constant 0.000000e+00 : f32
    %select_n3A_1387 = arith.select %eq3A_1382, %get3A_1385, %jit3A_1386 : f32
    %add3A_1388 = arith.addf %add3A_1377, %select_n3A_1387 : f32
    %get3A_1389 = arith.constant 2 : index
    %get3A_1390 = arith.constant 11 : index
    %get3A_1391 = memref.load %arg1[%get3A_1389, %get3A_1390] : memref<3x14xi32, #tpu.memory_space<smem>>
    %eq3A_1392 = arith.constant 2 : i32
    %eq3A_1393 = arith.cmpi eq, %get3A_1391, %eq3A_1392 : i32
    %get3A_1394 = arith.constant 2 : index
    %get3A_1395 = arith.constant 11 : index
    %get3A_1396 = memref.load %arg2[%get3A_1394, %get3A_1395] : memref<3x14xf32, #tpu.memory_space<smem>>
    %jit3A_1397 = arith.constant 0.000000e+00 : f32
    %select_n3A_1398 = arith.select %eq3A_1393, %get3A_1396, %jit3A_1397 : f32
    %add3A_1399 = arith.addf %add3A_1388, %select_n3A_1398 : f32
    %mul3A_1400 = vector.broadcast %add3A_1331 : f32 to vector<16x4x3276xf32>
    %mul3A_1401 = arith.mulf %get3A_4, %mul3A_1400 : vector<16x4x3276xf32>
    %mul3A_1402 = vector.broadcast %add3A_1365 : f32 to vector<16x4x3276xf32>
    %mul3A_1403 = arith.mulf %get3A_10, %mul3A_1402 : vector<16x4x3276xf32>
    %add3A_1404 = arith.addf %mul3A_1401, %mul3A_1403 : vector<16x4x3276xf32>
    %mul3A_1405 = vector.broadcast %add3A_1399 : f32 to vector<16x4x3276xf32>
    %mul3A_1406 = arith.mulf %get3A_16, %mul3A_1405 : vector<16x4x3276xf32>
    %add3A_1407 = arith.addf %add3A_1404, %mul3A_1406 : vector<16x4x3276xf32>
    %swap3A_1408 = arith.constant 0 : index
    %swap3A_1409 = arith.constant 11 : index
    %swap3A_1410 = arith.constant 0 : index
    %swap3A_1411 = arith.constant 0 : index
    %swap3A_1412 = vector.load %arg4[%swap3A_1408, %swap3A_1409, %swap3A_1410, %swap3A_1411] : memref<16x14x4x3276xf32, #tpu.memory_space<vmem>>, vector<16x1x4x3276xf32>
    %swap3A_1413 = vector.shape_cast %swap3A_1412 : vector<16x1x4x3276xf32> to vector<16x4x3276xf32>
    %swap3A_1414 = vector.shape_cast %add3A_1407 : vector<16x4x3276xf32> to vector<16x1x4x3276xf32>
    tpu.vector_store %arg4[%swap3A_1408, %swap3A_1409, %swap3A_1410, %swap3A_1411], %swap3A_1414 {strides = array<i32>} : memref<16x14x4x3276xf32, #tpu.memory_space<vmem>>, vector<16x1x4x3276xf32>,
    %get3A_1415 = arith.constant 0 : index
    %get3A_1416 = arith.constant 12 : index
    %get3A_1417 = memref.load %arg1[%get3A_1415, %get3A_1416] : memref<3x14xi32, #tpu.memory_space<smem>>
    %eq3A_1418 = arith.constant 0 : i32
    %eq3A_1419 = arith.cmpi eq, %get3A_1417, %eq3A_1418 : i32
    %get3A_1420 = arith.constant 0 : index
    %get3A_1421 = arith.constant 12 : index
    %get3A_1422 = memref.load %arg2[%get3A_1420, %get3A_1421] : memref<3x14xf32, #tpu.memory_space<smem>>
    %jit3A_1423 = arith.constant 0.000000e+00 : f32
    %select_n3A_1424 = arith.select %eq3A_1419, %get3A_1422, %jit3A_1423 : f32
    %add3A_1425 = arith.constant 0.000000e+00 : f32
    %add3A_1426 = arith.addf %add3A_1425, %select_n3A_1424 : f32
    %get3A_1427 = arith.constant 1 : index
    %get3A_1428 = arith.constant 12 : index
    %get3A_1429 = memref.load %arg1[%get3A_1427, %get3A_1428] : memref<3x14xi32, #tpu.memory_space<smem>>
    %eq3A_1430 = arith.constant 0 : i32
    %eq3A_1431 = arith.cmpi eq, %get3A_1429, %eq3A_1430 : i32
    %get3A_1432 = arith.constant 1 : index
    %get3A_1433 = arith.constant 12 : index
    %get3A_1434 = memref.load %arg2[%get3A_1432, %get3A_1433] : memref<3x14xf32, #tpu.memory_space<smem>>
    %jit3A_1435 = arith.constant 0.000000e+00 : f32
    %select_n3A_1436 = arith.select %eq3A_1431, %get3A_1434, %jit3A_1435 : f32
    %add3A_1437 = arith.addf %add3A_1426, %select_n3A_1436 : f32
    %get3A_1438 = arith.constant 2 : index
    %get3A_1439 = arith.constant 12 : index
    %get3A_1440 = memref.load %arg1[%get3A_1438, %get3A_1439] : memref<3x14xi32, #tpu.memory_space<smem>>
    %eq3A_1441 = arith.constant 0 : i32
    %eq3A_1442 = arith.cmpi eq, %get3A_1440, %eq3A_1441 : i32
    %get3A_1443 = arith.constant 2 : index
    %get3A_1444 = arith.constant 12 : index
    %get3A_1445 = memref.load %arg2[%get3A_1443, %get3A_1444] : memref<3x14xf32, #tpu.memory_space<smem>>
    %jit3A_1446 = arith.constant 0.000000e+00 : f32
    %select_n3A_1447 = arith.select %eq3A_1442, %get3A_1445, %jit3A_1446 : f32
    %add3A_1448 = arith.addf %add3A_1437, %select_n3A_1447 : f32
    %get3A_1449 = arith.constant 0 : index
    %get3A_1450 = arith.constant 12 : index
    %get3A_1451 = memref.load %arg1[%get3A_1449, %get3A_1450] : memref<3x14xi32, #tpu.memory_space<smem>>
    %eq3A_1452 = arith.constant 1 : i32
    %eq3A_1453 = arith.cmpi eq, %get3A_1451, %eq3A_1452 : i32
    %get3A_1454 = arith.constant 0 : index
    %get3A_1455 = arith.constant 12 : index
    %get3A_1456 = memref.load %arg2[%get3A_1454, %get3A_1455] : memref<3x14xf32, #tpu.memory_space<smem>>
    %jit3A_1457 = arith.constant 0.000000e+00 : f32
    %select_n3A_1458 = arith.select %eq3A_1453, %get3A_1456, %jit3A_1457 : f32
    %add3A_1459 = arith.constant 0.000000e+00 : f32
    %add3A_1460 = arith.addf %add3A_1459, %select_n3A_1458 : f32
    %get3A_1461 = arith.constant 1 : index
    %get3A_1462 = arith.constant 12 : index
    %get3A_1463 = memref.load %arg1[%get3A_1461, %get3A_1462] : memref<3x14xi32, #tpu.memory_space<smem>>
    %eq3A_1464 = arith.constant 1 : i32
    %eq3A_1465 = arith.cmpi eq, %get3A_1463, %eq3A_1464 : i32
    %get3A_1466 = arith.constant 1 : index
    %get3A_1467 = arith.constant 12 : index
    %get3A_1468 = memref.load %arg2[%get3A_1466, %get3A_1467] : memref<3x14xf32, #tpu.memory_space<smem>>
    %jit3A_1469 = arith.constant 0.000000e+00 : f32
    %select_n3A_1470 = arith.select %eq3A_1465, %get3A_1468, %jit3A_1469 : f32
    %add3A_1471 = arith.addf %add3A_1460, %select_n3A_1470 : f32
    %get3A_1472 = arith.constant 2 : index
    %get3A_1473 = arith.constant 12 : index
    %get3A_1474 = memref.load %arg1[%get3A_1472, %get3A_1473] : memref<3x14xi32, #tpu.memory_space<smem>>
    %eq3A_1475 = arith.constant 1 : i32
    %eq3A_1476 = arith.cmpi eq, %get3A_1474, %eq3A_1475 : i32
    %get3A_1477 = arith.constant 2 : index
    %get3A_1478 = arith.constant 12 : index
    %get3A_1479 = memref.load %arg2[%get3A_1477, %get3A_1478] : memref<3x14xf32, #tpu.memory_space<smem>>
    %jit3A_1480 = arith.constant 0.000000e+00 : f32
    %select_n3A_1481 = arith.select %eq3A_1476, %get3A_1479, %jit3A_1480 : f32
    %add3A_1482 = arith.addf %add3A_1471, %select_n3A_1481 : f32
    %get3A_1483 = arith.constant 0 : index
    %get3A_1484 = arith.constant 12 : index
    %get3A_1485 = memref.load %arg1[%get3A_1483, %get3A_1484] : memref<3x14xi32, #tpu.memory_space<smem>>
    %eq3A_1486 = arith.constant 2 : i32
    %eq3A_1487 = arith.cmpi eq, %get3A_1485, %eq3A_1486 : i32
    %get3A_1488 = arith.constant 0 : index
    %get3A_1489 = arith.constant 12 : index
    %get3A_1490 = memref.load %arg2[%get3A_1488, %get3A_1489] : memref<3x14xf32, #tpu.memory_space<smem>>
    %jit3A_1491 = arith.constant 0.000000e+00 : f32
    %select_n3A_1492 = arith.select %eq3A_1487, %get3A_1490, %jit3A_1491 : f32
    %add3A_1493 = arith.constant 0.000000e+00 : f32
    %add3A_1494 = arith.addf %add3A_1493, %select_n3A_1492 : f32
    %get3A_1495 = arith.constant 1 : index
    %get3A_1496 = arith.constant 12 : index
    %get3A_1497 = memref.load %arg1[%get3A_1495, %get3A_1496] : memref<3x14xi32, #tpu.memory_space<smem>>
    %eq3A_1498 = arith.constant 2 : i32
    %eq3A_1499 = arith.cmpi eq, %get3A_1497, %eq3A_1498 : i32
    %get3A_1500 = arith.constant 1 : index
    %get3A_1501 = arith.constant 12 : index
    %get3A_1502 = memref.load %arg2[%get3A_1500, %get3A_1501] : memref<3x14xf32, #tpu.memory_space<smem>>
    %jit3A_1503 = arith.constant 0.000000e+00 : f32
    %select_n3A_1504 = arith.select %eq3A_1499, %get3A_1502, %jit3A_1503 : f32
    %add3A_1505 = arith.addf %add3A_1494, %select_n3A_1504 : f32
    %get3A_1506 = arith.constant 2 : index
    %get3A_1507 = arith.constant 12 : index
    %get3A_1508 = memref.load %arg1[%get3A_1506, %get3A_1507] : memref<3x14xi32, #tpu.memory_space<smem>>
    %eq3A_1509 = arith.constant 2 : i32
    %eq3A_1510 = arith.cmpi eq, %get3A_1508, %eq3A_1509 : i32
    %get3A_1511 = arith.constant 2 : index
    %get3A_1512 = arith.constant 12 : index
    %get3A_1513 = memref.load %arg2[%get3A_1511, %get3A_1512] : memref<3x14xf32, #tpu.memory_space<smem>>
    %jit3A_1514 = arith.constant 0.000000e+00 : f32
    %select_n3A_1515 = arith.select %eq3A_1510, %get3A_1513, %jit3A_1514 : f32
    %add3A_1516 = arith.addf %add3A_1505, %select_n3A_1515 : f32
    %mul3A_1517 = vector.broadcast %add3A_1448 : f32 to vector<16x4x3276xf32>
    %mul3A_1518 = arith.mulf %get3A_4, %mul3A_1517 : vector<16x4x3276xf32>
    %mul3A_1519 = vector.broadcast %add3A_1482 : f32 to vector<16x4x3276xf32>
    %mul3A_1520 = arith.mulf %get3A_10, %mul3A_1519 : vector<16x4x3276xf32>
    %add3A_1521 = arith.addf %mul3A_1518, %mul3A_1520 : vector<16x4x3276xf32>
    %mul3A_1522 = vector.broadcast %add3A_1516 : f32 to vector<16x4x3276xf32>
    %mul3A_1523 = arith.mulf %get3A_16, %mul3A_1522 : vector<16x4x3276xf32>
    %add3A_1524 = arith.addf %add3A_1521, %mul3A_1523 : vector<16x4x3276xf32>
    %swap3A_1525 = arith.constant 0 : index
    %swap3A_1526 = arith.constant 12 : index
    %swap3A_1527 = arith.constant 0 : index
    %swap3A_1528 = arith.constant 0 : index
    %swap3A_1529 = vector.load %arg4[%swap3A_1525, %swap3A_1526, %swap3A_1527, %swap3A_1528] : memref<16x14x4x3276xf32, #tpu.memory_space<vmem>>, vector<16x1x4x3276xf32>
    %swap3A_1530 = vector.shape_cast %swap3A_1529 : vector<16x1x4x3276xf32> to vector<16x4x3276xf32>
    %swap3A_1531 = vector.shape_cast %add3A_1524 : vector<16x4x3276xf32> to vector<16x1x4x3276xf32>
    tpu.vector_store %arg4[%swap3A_1525, %swap3A_1526, %swap3A_1527, %swap3A_1528], %swap3A_1531 {strides = array<i32>} : memref<16x14x4x3276xf32, #tpu.memory_space<vmem>>, vector<16x1x4x3276xf32>,
    %get3A_1532 = arith.constant 0 : index
    %get3A_1533 = arith.constant 13 : index
    %get3A_1534 = memref.load %arg1[%get3A_1532, %get3A_1533] : memref<3x14xi32, #tpu.memory_space<smem>>
    %eq3A_1535 = arith.constant 0 : i32
    %eq3A_1536 = arith.cmpi eq, %get3A_1534, %eq3A_1535 : i32
    %get3A_1537 = arith.constant 0 : index
    %get3A_1538 = arith.constant 13 : index
    %get3A_1539 = memref.load %arg2[%get3A_1537, %get3A_1538] : memref<3x14xf32, #tpu.memory_space<smem>>
    %jit3A_1540 = arith.constant 0.000000e+00 : f32
    %select_n3A_1541 = arith.select %eq3A_1536, %get3A_1539, %jit3A_1540 : f32
    %add3A_1542 = arith.constant 0.000000e+00 : f32
    %add3A_1543 = arith.addf %add3A_1542, %select_n3A_1541 : f32
    %get3A_1544 = arith.constant 1 : index
    %get3A_1545 = arith.constant 13 : index
    %get3A_1546 = memref.load %arg1[%get3A_1544, %get3A_1545] : memref<3x14xi32, #tpu.memory_space<smem>>
    %eq3A_1547 = arith.constant 0 : i32
    %eq3A_1548 = arith.cmpi eq, %get3A_1546, %eq3A_1547 : i32
    %get3A_1549 = arith.constant 1 : index
    %get3A_1550 = arith.constant 13 : index
    %get3A_1551 = memref.load %arg2[%get3A_1549, %get3A_1550] : memref<3x14xf32, #tpu.memory_space<smem>>
    %jit3A_1552 = arith.constant 0.000000e+00 : f32
    %select_n3A_1553 = arith.select %eq3A_1548, %get3A_1551, %jit3A_1552 : f32
    %add3A_1554 = arith.addf %add3A_1543, %select_n3A_1553 : f32
    %get3A_1555 = arith.constant 2 : index
    %get3A_1556 = arith.constant 13 : index
    %get3A_1557 = memref.load %arg1[%get3A_1555, %get3A_1556] : memref<3x14xi32, #tpu.memory_space<smem>>
    %eq3A_1558 = arith.constant 0 : i32
    %eq3A_1559 = arith.cmpi eq, %get3A_1557, %eq3A_1558 : i32
    %get3A_1560 = arith.constant 2 : index
    %get3A_1561 = arith.constant 13 : index
    %get3A_1562 = memref.load %arg2[%get3A_1560, %get3A_1561] : memref<3x14xf32, #tpu.memory_space<smem>>
    %jit3A_1563 = arith.constant 0.000000e+00 : f32
    %select_n3A_1564 = arith.select %eq3A_1559, %get3A_1562, %jit3A_1563 : f32
    %add3A_1565 = arith.addf %add3A_1554, %select_n3A_1564 : f32
    %get3A_1566 = arith.constant 0 : index
    %get3A_1567 = arith.constant 13 : index
    %get3A_1568 = memref.load %arg1[%get3A_1566, %get3A_1567] : memref<3x14xi32, #tpu.memory_space<smem>>
    %eq3A_1569 = arith.constant 1 : i32
    %eq3A_1570 = arith.cmpi eq, %get3A_1568, %eq3A_1569 : i32
    %get3A_1571 = arith.constant 0 : index
    %get3A_1572 = arith.constant 13 : index
    %get3A_1573 = memref.load %arg2[%get3A_1571, %get3A_1572] : memref<3x14xf32, #tpu.memory_space<smem>>
    %jit3A_1574 = arith.constant 0.000000e+00 : f32
    %select_n3A_1575 = arith.select %eq3A_1570, %get3A_1573, %jit3A_1574 : f32
    %add3A_1576 = arith.constant 0.000000e+00 : f32
    %add3A_1577 = arith.addf %add3A_1576, %select_n3A_1575 : f32
    %get3A_1578 = arith.constant 1 : index
    %get3A_1579 = arith.constant 13 : index
    %get3A_1580 = memref.load %arg1[%get3A_1578, %get3A_1579] : memref<3x14xi32, #tpu.memory_space<smem>>
    %eq3A_1581 = arith.constant 1 : i32
    %eq3A_1582 = arith.cmpi eq, %get3A_1580, %eq3A_1581 : i32
    %get3A_1583 = arith.constant 1 : index
    %get3A_1584 = arith.constant 13 : index
    %get3A_1585 = memref.load %arg2[%get3A_1583, %get3A_1584] : memref<3x14xf32, #tpu.memory_space<smem>>
    %jit3A_1586 = arith.constant 0.000000e+00 : f32
    %select_n3A_1587 = arith.select %eq3A_1582, %get3A_1585, %jit3A_1586 : f32
    %add3A_1588 = arith.addf %add3A_1577, %select_n3A_1587 : f32
    %get3A_1589 = arith.constant 2 : index
    %get3A_1590 = arith.constant 13 : index
    %get3A_1591 = memref.load %arg1[%get3A_1589, %get3A_1590] : memref<3x14xi32, #tpu.memory_space<smem>>
    %eq3A_1592 = arith.constant 1 : i32
    %eq3A_1593 = arith.cmpi eq, %get3A_1591, %eq3A_1592 : i32
    %get3A_1594 = arith.constant 2 : index
    %get3A_1595 = arith.constant 13 : index
    %get3A_1596 = memref.load %arg2[%get3A_1594, %get3A_1595] : memref<3x14xf32, #tpu.memory_space<smem>>
    %jit3A_1597 = arith.constant 0.000000e+00 : f32
    %select_n3A_1598 = arith.select %eq3A_1593, %get3A_1596, %jit3A_1597 : f32
    %add3A_1599 = arith.addf %add3A_1588, %select_n3A_1598 : f32
    %get3A_1600 = arith.constant 0 : index
    %get3A_1601 = arith.constant 13 : index
    %get3A_1602 = memref.load %arg1[%get3A_1600, %get3A_1601] : memref<3x14xi32, #tpu.memory_space<smem>>
    %eq3A_1603 = arith.constant 2 : i32
    %eq3A_1604 = arith.cmpi eq, %get3A_1602, %eq3A_1603 : i32
    %get3A_1605 = arith.constant 0 : index
    %get3A_1606 = arith.constant 13 : index
    %get3A_1607 = memref.load %arg2[%get3A_1605, %get3A_1606] : memref<3x14xf32, #tpu.memory_space<smem>>
    %jit3A_1608 = arith.constant 0.000000e+00 : f32
    %select_n3A_1609 = arith.select %eq3A_1604, %get3A_1607, %jit3A_1608 : f32
    %add3A_1610 = arith.constant 0.000000e+00 : f32
    %add3A_1611 = arith.addf %add3A_1610, %select_n3A_1609 : f32
    %get3A_1612 = arith.constant 1 : index
    %get3A_1613 = arith.constant 13 : index
    %get3A_1614 = memref.load %arg1[%get3A_1612, %get3A_1613] : memref<3x14xi32, #tpu.memory_space<smem>>
    %eq3A_1615 = arith.constant 2 : i32
    %eq3A_1616 = arith.cmpi eq, %get3A_1614, %eq3A_1615 : i32
    %get3A_1617 = arith.constant 1 : index
    %get3A_1618 = arith.constant 13 : index
    %get3A_1619 = memref.load %arg2[%get3A_1617, %get3A_1618] : memref<3x14xf32, #tpu.memory_space<smem>>
    %jit3A_1620 = arith.constant 0.000000e+00 : f32
    %select_n3A_1621 = arith.select %eq3A_1616, %get3A_1619, %jit3A_1620 : f32
    %add3A_1622 = arith.addf %add3A_1611, %select_n3A_1621 : f32
    %get3A_1623 = arith.constant 2 : index
    %get3A_1624 = arith.constant 13 : index
    %get3A_1625 = memref.load %arg1[%get3A_1623, %get3A_1624] : memref<3x14xi32, #tpu.memory_space<smem>>
    %eq3A_1626 = arith.constant 2 : i32
    %eq3A_1627 = arith.cmpi eq, %get3A_1625, %eq3A_1626 : i32
    %get3A_1628 = arith.constant 2 : index
    %get3A_1629 = arith.constant 13 : index
    %get3A_1630 = memref.load %arg2[%get3A_1628, %get3A_1629] : memref<3x14xf32, #tpu.memory_space<smem>>
    %jit3A_1631 = arith.constant 0.000000e+00 : f32
    %select_n3A_1632 = arith.select %eq3A_1627, %get3A_1630, %jit3A_1631 : f32
    %add3A_1633 = arith.addf %add3A_1622, %select_n3A_1632 : f32
    %mul3A_1634 = vector.broadcast %add3A_1565 : f32 to vector<16x4x3276xf32>
    %mul3A_1635 = arith.mulf %get3A_4, %mul3A_1634 : vector<16x4x3276xf32>
    %mul3A_1636 = vector.broadcast %add3A_1599 : f32 to vector<16x4x3276xf32>
    %mul3A_1637 = arith.mulf %get3A_10, %mul3A_1636 : vector<16x4x3276xf32>
    %add3A_1638 = arith.addf %mul3A_1635, %mul3A_1637 : vector<16x4x3276xf32>
    %mul3A_1639 = vector.broadcast %add3A_1633 : f32 to vector<16x4x3276xf32>
    %mul3A_1640 = arith.mulf %get3A_16, %mul3A_1639 : vector<16x4x3276xf32>
    %add3A_1641 = arith.addf %add3A_1638, %mul3A_1640 : vector<16x4x3276xf32>
    %swap3A_1642 = arith.constant 0 : index
    %swap3A_1643 = arith.constant 13 : index
    %swap3A_1644 = arith.constant 0 : index
    %swap3A_1645 = arith.constant 0 : index
    %swap3A_1646 = vector.load %arg4[%swap3A_1642, %swap3A_1643, %swap3A_1644, %swap3A_1645] : memref<16x14x4x3276xf32, #tpu.memory_space<vmem>>, vector<16x1x4x3276xf32>
    %swap3A_1647 = vector.shape_cast %swap3A_1646 : vector<16x1x4x3276xf32> to vector<16x4x3276xf32>
    %swap3A_1648 = vector.shape_cast %add3A_1641 : vector<16x4x3276xf32> to vector<16x1x4x3276xf32>
    tpu.vector_store %arg4[%swap3A_1642, %swap3A_1643, %swap3A_1644, %swap3A_1645], %swap3A_1648 {strides = array<i32>} : memref<16x14x4x3276xf32, #tpu.memory_space<vmem>>, vector<16x1x4x3276xf32>,
    return
  }
  func.func @transform_0(%arg0: i32) -> (i32, i32) {
    %c0_i32 = arith.constant 0 : i32
    %c0_i32_0 = arith.constant 0 : i32
    %c0_i32_1 = arith.constant 0 : i32
    return %c0_i32, %c0_i32_0 : i32, i32
  }
  func.func @transform_1(%arg0: i32) -> (i32, i32) {
    %c0_i32 = arith.constant 0 : i32
    %c0_i32_0 = arith.constant 0 : i32
    %c0_i32_1 = arith.constant 0 : i32
    return %c0_i32, %c0_i32_0 : i32, i32
  }
  func.func @transform_2(%arg0: i32) -> (i32, i32, i32, i32) {
    %c0_i32 = arith.constant 0 : i32
    %c0_i32_0 = arith.constant 0 : i32
    %c0_i32_1 = arith.constant 0 : i32
    %c0_i32_2 = arith.constant 0 : i32
    return %c0_i32, %arg0, %c0_i32_0, %c0_i32_1 : i32, i32, i32, i32
  }
  func.func @transform_3(%arg0: i32) -> (i32, i32, i32, i32) {
    %c0_i32 = arith.constant 0 : i32
    %c0_i32_0 = arith.constant 0 : i32
    %c0_i32_1 = arith.constant 0 : i32
    %c0_i32_2 = arith.constant 0 : i32
    return %arg0, %c0_i32, %c0_i32_0, %c0_i32_1 : i32, i32, i32, i32
  }
}

</mosaic_0001>

<sc_bundles>
// kernel: kernel.4.cloned.1.call-start
scs
__scs_entry_jumppad:
0x0: {  	(pc) =	sbr.rel $0x88, $3  }
0x1: {  	(tag) =	ssettag $0x0;
	lr =	simm.s32 $0x1  }
0x2: {  	[smem:$0x3F9C] =	sst lr;
	_ =	strace $0xD0000000  }
0x3: {  	_ = 	snop  }
0x4: {  	_ = 	snop  }
0x5: {  	_ = 	snop  }
0x6: {  	_ = 	snop  }
0x7: {  	_ = 	snop  }
__scs_overlays_trampoline_lowered:
0x8: {  	[smem:$0x3FAB] =	sst s0  }
0x9: {  	[smem:$0x3FAC] =	sst s1  }
0xa: {  	[smem:$0x3FAD] =	sst s2  }
0xb: {  	[smem:$0x3FAE] =	sst s3  }
0xc: {  	[smem:$0x3FAF] =	sst s4  }
0xd: {  	[smem:$0x3FB0] =	sst s5  }
0xe: {  	[smem:$0x3FB1] =	sst s6  }
0xf: {  	[smem:$0x3FB2] =	sst s7  }
0x10: {  	[smem:$0x3FB3] =	sst s8  }
0x11: {  	[smem:$0x3FB4] =	sst s9;
	s0 =	simm.s32 @!p0 $0x0  }
0x12: {  	s1 =	sld [smem:$0x3F9A];
	s0 =	simm.s32 @p0 $0x1  }
0x13: {  	[smem:$0x3FB5] =	sst s0;
	s0 =	simm.s32 @!p1 $0x0  }
0x14: {  	s2 =	sld [smem:$0x3F99];
	s0 =	simm.s32 @p1 $0x1  }
0x15: {  	[smem:$0x3FB6] =	sst s0;
	s0 =	simm.s32 @!p2 $0x0  }
0x16: {  	s3 =	sld [smem:$0x3FDB];
	s0 =	simm.s32 @p2 $0x1  }
0x17: {  	s4 =	simm.s32 $0x1BF5;
	[smem:$0x3FB8] =	sst s0  }
0x18: {  	s0 =	sld [smem:$0x3F9B];
	_ =	swait.ge [sflag:s4], $0x0  }
0x19: {  	s7 =	sld [smem:$0x3F9C]  }
0x1a: {  	s8 =	sadd.s32 $0xFFFFE003, lr  }
0x1b: {  	s9 =	sadd.s32 $0xFFFFFEF7, lr;
	s5 =	simm.s32 $0xFFFFFFFF;
	p2 =	slt.u32 s8, $0xFFFFF086  }
0x1c: {  	p1 =	slt.u32 s9, $0xF7A;
	s5 =	simm.s32 @!p2 $0x0  }
0x1d: {  	s5 =	simm.s32 @p1 $0x1;
	p0 =	seq.s32 s7, s2  }
0x1e: {  	s7 =	smul.u32 @!p0 $0xF7A, s2;
	p2 =	seq.s32 @!p0 s5, $0x0  }
0x1f: {  	s9 =	smul.u32 $0xF7A, s1;
	s8 =	simm.s32 @!p0 $0x1BF5;
	p2 =	por !p2, p0  }
0x20: {  	[sflag:s8] =	ssyncset.s32 @!p0 $0xFFFFF086;
	s6 =	sadd.s32 @!p0 s3, s7;
	s7 =	simm.s32 @!p0 $0x108  }
0x21: {  	s3 =	sadd.s32 s3, s9;
	s6 =	sadd.s32 @!p0 $0x88, s6;
	s7 =	simm.s32 @p2 $0x1082  }
0x22: {  	[simem:s7], [sflag:s8] =	dma.local @!p0 [hbm:s6], $0xF7A  }
0x23: {  	s9 =	sor.u32 $0xD0000000, s2;
	s6 =	simm.s32 $0x108;
	_ =	swait.ge @!p0 [sflag:s8], $0x0  }
0x24: {  	s3 =	sadd.s32 $0x88, s3;
	s6 =	simm.s32 @!p1 $0x1082;
	[sflag:s4] =	ssyncset.s32 $0xFFFFF086  }
0x25: {  	[simem:s6], [sflag:s4] =	dma.local [hbm:s3], $0xF7A  }
0x26: {  	[smem:$0x3F9C] =	sst s1;
	(tag) =	ssettag s2;
	_ =	strace s9  }
0x27: {  	s1 =	sld [smem:$0x3FAC]  }
0x28: {  	s2 =	sld [smem:$0x3FAD]  }
0x29: {  	s4 =	sld [smem:$0x3FAF]  }
0x2a: {  	p0 =	seq.s32 s5, $0x0;
	s5 =	sld [smem:$0x3FB0]  }
0x2b: {  	s6 =	sld [smem:$0x3FB1]  }
0x2c: {  	s7 =	sld [smem:$0x3FB2]  }
0x2d: {  	s3 =	simm.s32 $0x108;
	s8 =	sld [smem:$0x3FB3]  }
0x2e: {  	s3 =	simm.s32 @!p0 $0x1082;
	s9 =	sld [smem:$0x3FB4]  }
0x2f: {  	lr =	sadd.s32 s0, s3;
	s0 =	sld [smem:$0x3FAB]  }
0x30: {  	s3 =	sld [smem:$0x3FAE]  }
0x31: {  	[smem:$0x3FB7] =	sst s10  }
0x32: {  	s10 =	sld [smem:$0x3FB5];
	_ =	sdelay $0x3  }
0x33: {  	p0 =	seq.s32 s10, $0x1;
	s10 =	sld [smem:$0x3FB7];
	_ =	sdelay $0x3  }
0x34: {  	[smem:$0x3FB7] =	sst s10  }
0x35: {  	s10 =	sld [smem:$0x3FB6];
	_ =	sdelay $0x3  }
0x36: {  	p1 =	seq.s32 s10, $0x1;
	s10 =	sld [smem:$0x3FB7];
	_ =	sdelay $0x3  }
0x37: {  	[smem:$0x3FB7] =	sst s10  }
0x38: {  	s10 =	sld [smem:$0x3FB8]  }
0x39: {  	_ = 	snop;
	(pc) =	sbr.ind lr, $3  }
0x3a: {  	_ = 	snop  }
0x3b: {  	_ = 	snop  }
0x3c: {  	p2 =	seq.s32 s10, $0x1;
	s10 =	sld [smem:$0x3FB7]  }
0x3d: {  	_ =	shalt  }
0x3e: {  	_ =	shalt  }
0x3f: {  	_ =	shalt  }
0x40: {  	_ =	shalt  }
0x41: {  	_ =	shalt  }
0x42: {  	_ =	shalt  }
0x43: {  	_ =	shalt  }
0x44: {  	_ =	shalt  }
0x45: {  	_ =	shalt  }
0x46: {  	_ =	shalt  }
0x47: {  	_ =	shalt  }
0x48: {  	_ =	shalt  }
0x49: {  	_ =	shalt  }
0x4a: {  	_ =	shalt  }
0x4b: {  	_ =	shalt  }
0x4c: {  	_ =	shalt  }
0x4d: {  	_ =	shalt  }
0x4e: {  	_ =	shalt  }
0x4f: {  	_ =	shalt  }
0x50: {  	_ =	shalt  }
0x51: {  	_ =	shalt  }
0x52: {  	_ =	shalt  }
0x53: {  	_ =	shalt  }
0x54: {  	_ =	shalt  }
0x55: {  	_ =	shalt  }
0x56: {  	_ =	shalt  }
0x57: {  	_ =	shalt  }
0x58: {  	_ =	shalt  }
0x59: {  	_ =	shalt  }
0x5a: {  	_ =	shalt  }
0x5b: {  	_ =	shalt  }
0x5c: {  	_ =	shalt  }
0x5d: {  	_ =	shalt  }
0x5e: {  	_ =	shalt  }
0x5f: {  	_ =	shalt  }
0x60: {  	_ =	shalt  }
0x61: {  	_ =	shalt  }
0x62: {  	_ =	shalt  }
0x63: {  	_ =	shalt  }
0x64: {  	_ =	shalt  }
0x65: {  	_ =	shalt  }
0x66: {  	_ =	shalt  }
0x67: {  	_ =	shalt  }
0x68: {  	_ =	shalt  }
0x69: {  	_ =	shalt  }
0x6a: {  	_ =	shalt  }
0x6b: {  	_ =	shalt  }
0x6c: {  	_ =	shalt  }
0x6d: {  	_ =	shalt  }
0x6e: {  	_ =	shalt  }
0x6f: {  	_ =	shalt  }
0x70: {  	_ =	shalt  }
0x71: {  	_ =	shalt  }
0x72: {  	_ =	shalt  }
0x73: {  	_ =	shalt  }
0x74: {  	_ =	shalt  }
0x75: {  	_ =	shalt  }
0x76: {  	_ =	shalt  }
0x77: {  	_ =	shalt  }
0x78: {  	_ =	shalt  }
0x79: {  	_ =	shalt  }
0x7a: {  	_ =	shalt  }
0x7b: {  	_ =	shalt  }
0x7c: {  	_ =	shalt  }
0x7d: {  	_ =	shalt  }
0x7e: {  	_ =	shalt  }
0x7f: {  	_ =	shalt  }
0x80: {  	_ =	shalt  }
0x81: {  	_ =	shalt  }
0x82: {  	_ =	shalt  }
0x83: {  	_ =	shalt  }
0x84: {  	_ =	shalt  }
0x85: {  	_ =	shalt  }
0x86: {  	_ =	shalt  }
0x87: {  	_ =	shalt  }
.Lfunc_end0:
.L_simem_size_0:
called_computation_lowered:
.L_overlay_start_0:
0x88: {  	s2 =	sld [smem:$0x3FD9]  }
0x89: {  	s3 =	sld [smem:$0x3FFE];
	_ =	sdelay $0x1  }
0x8a: {  	s1 =	srdreg.scid  }
0x8b: {  	s0 =	sand.u32 $0x1, s1  }
0x8c: {  	s17 =	sshll.u32 s0, $0xA;
	s2 =	sadd.s32 s3, s2  }
0x8d: {  	s2 =	sadd.s32 s2, s17  }
0x8e: {  	[smem:$0x3FC3] =	sst s2  }
0x8f: {  	_ = 	snop  }
0x90: {  	s2 =	sld [smem:$0x3FD0];
	(tm) =	ssettm $0x1  }
0x91: {  	s18 =	sld [smem:$0x3FFB];
	_ =	sdelay $0x3  }
0x92: {  	_ =	strace s18  }
0x93: {  	s3 =	sld [smem:$0x3FFC];
	_ =	sdelay $0x3  }
0x94: {  	_ =	strace s3  }
0x95: {  	s3 =	sld [smem:$0x3FFD];
	_ =	sdelay $0x3  }
0x96: {  	_ =	strace s3  }
0x97: {  	_ =	strace $0x8FFFFFFF  }
0x98: {  	s19 =	sld [smem:$0x3FDB];
	_ =	sdelay $0x1  }
0x99: {  	s4 =	simm.s32 $_scs_section_size  }
0x9a: {  	s5 =	simm.s32 $_size__tile_overlayer_lowered;
	s6 =	simm.s32 $_tile_overlayer_lowered  }
0x9b: {  	s22 =	simm.s32 $0x1BFF;
	s21 =	sshll.u32 s6, $0x1;
	s3 =	sadd.s32 s4, s19  }
0x9c: {  	s7 =	simm.s32 $0x0;
	s20 =	sshll.u32 s5, $0x1;
	s5 =	sadd.s32 s21, s3  }
0x9d: {  	[timem:s7], [sflag:s22] =	dma.local [hbm:s5], s20  }
0x9e: {  	_ =	swait.ge [sflag:s22], s20  }
0x9f: {  	s4 =	ssub.s32 $0x0, s20;
	[sflag:s22] =	ssyncset.done $0x0  }
0xa0: {  	[sflag:s22] =	ssyncadd.s32 s4;
	_ =	sdelay $0x1  }
0xa1: {  	s23 =	simm.s32 $0x1B8B  }
0xa2: {  	_ =	swait.ge [sflag:s23], $0x1  }
0xa3: {  	[sflag:s23] =	ssyncset.done $0x0  }
0xa4: {  	s25 =	simm.s32 $0x1B8E;
	s24 =	sld [smem:$0x3FFE];
	[sflag:s23] =	ssyncadd.s32 $0xFFFFFFFF  }
0xa5: {  	s26 =	simm.s32 $execute0_lowered;
	[smem:$0x3FD2] =	sst s25  }
0xa6: {  	s5 =	sshll.u32 s26, $0x1;
	_ =	strace $0x80000046;
	[dreg:$0x1] =	wrdreg $0xFFFFFFFF  }
0xa7: {  	s28 =	simm.s32 $_size_execute0_lowered;
	s3 =	sadd.s32 s3, s5;
	[dreg:$0x0] =	wrdreg $0x0  }
0xa8: {  	s5 =	sshll.u32 s28, $0x1;
	[dreg:$0x2] =	wrdreg s3  }
0xa9: {  	[dreg:$0x3] =	wrdreg s5  }
0xaa: {  	[dreg:$0x4] =	wrdreg $0xC0  }
0xab: {  	_ =	task [dreg:s7], $0x5FFFF  }
0xac: {  	[dreg:$0x1] =	wrdreg $0xFFFFFFFF  }
0xad: {  	[dreg:$0x0] =	wrdreg $0x60  }
0xae: {  	[dreg:$0x2] =	wrdreg s24  }
0xaf: {  	[dreg:$0x3] =	wrdreg s2  }
0xb0: {  	[dreg:$0x4] =	wrdreg $0x9  }
0xb1: {  	_ =	task.clear_ibuf [dreg:s7], $0x5FFFF;
	_ =	strace $0x90000046  }
0xb2: {  	s29 =	simm.s32 $0x9;
	_ =	strace $0x80000048  }
0xb3: {  	_ =	swait.ge [sflag:s29], $0x1  }
0xb4: {  	[sflag:s29] =	ssyncadd.s32 $0xFFFFFFFF  }
0xb5: {  	_ =	strace $0x90000048  }
0xb6: {  	_ =	sfence  }
0xb7: {  	s30 =	sld [smem:$0x0];
	_ =	sdelay $0x2  }
0xb8: {  	s31 =	sshll.u32 s1, $0xD;
	s1 =	sshrl.u32 s1, $0x2  }
0xb9: {  	s3 =	sand.u32 $0x4000, s31;
	s1 =	sadd.s32 s1, s30  }
0xba: {  	s0 =	sor.u32 s3, s0;
	s1 =	sshll.u32 s1, $0x11  }
0xbb: {  	s0 =	sor.u32 s1, s0  }
0xbc: {  	s0 =	sadd.s32 $0x8F2B, s0  }
0xbd: {  	[sflag:s0] =	ssyncadd.remote.s32 $0x1  }
0xbe: {  	_ =	sfence.sel $0xFFFF  }
0xbf: {  	[dreg:$0x0] =	wrdreg $0xFFFFFFFF;
	(pc) =	sbr.abs _section_cstart, $3  }
0xc0: {  	[dreg:$0x1] =	wrdreg $0xFFFFFFFF  }
0xc1: {  	_ =	task.clear_ibuf [dreg:s7], $0x2FFFF;
	_ =	strace $0x9FFFFFFF  }
0xc2: {  	(tm) =	ssettm $0x7FFFFFFF  }
0xc3: {  	_ =	shalt  }
tec
execute0_lowered:
.L_overlay_start_1:
0x0: {  	(tag) =	ssettag $0x1  }
0x1: {  	s0 =	srdreg.scid;
	s1 =	rddreg [dreg:$0x0]  }
0x2: {  	s2 =	stileid.u32;
	s5 =	rddreg [dreg:$0x1];
	s19 =	simm.s32 $0x2  }
0x3: {  	s20 =	simm.s32 $0x1D300;
	s0 =	sand.u32 $0x1, s0;
	s2 =	sshll.u32 s2, $0x1  }
0x4: {  	s21 =	simm.s32 $0x1;
	s22 =	simm.s32 $0x0;
	s3 =	sor.u32 s0, s2  }
0x5: {  	s2 =	simm.s32 $0x0;
	s0 =	ssub.s32 $0x2, s0;
	s4 =	smul.u32 $0x999, s3  }
0x6: {  	[smem:$0x7FF] =	sst s2;
	s6 =	smul.u32 $0x6800, s3;
	s8 =	sshrl.u32 s0, $0x1  }
0x7: {  	s3 =	sadd.s32 $0x13A00, s1;
	_ =	strace $0x80000047;
	s0 =	ssub.s32 s0, s8  }
0x8: {  	s7 =	sadd.s32 s4, s1;
	s6 =	sshrl.u32 s6, $0x3;
	s4 =	sadd.s32 $0x14200, s1  }
0x9: {  	s18 =	smax.u32 s0, $0x1;
	s0 =	simm.s32 $0x19F00;
	s5 =	sadd.s32 s5, s6  }
0xa: {  	s6 =	sadd.s32 $0x600, s7;
	s7 =	sadd.s32 $0x680, s5;
	s8 =	sadd.s32 $0x1A000, s5  }
0xb: {  	s9 =	sadd.s32 $0x1A680, s5;
	s10 =	sadd.s32 $0x34000, s5;
	s11 =	sadd.s32 $0x34680, s5  }
0xc: {  	s12 =	sadd.s32 $0x340, s5;
	s13 =	sadd.s32 $0x9C0, s5;
	s14 =	sadd.s32 $0x1A340, s5  }
0xd: {  	s15 =	sadd.s32 $0x1A9C0, s5;
	s16 =	sadd.s32 $0x34340, s5;
	s17 =	sadd.s32 $0x349C0, s5  }
.LBB2_1:
0xe: {  	[tilespmem:s2], [sflag:$0x2] =	stream.linear.gather [hbm4b:s6+s2], $0x4CC8, $0x38;
	[tilespmem:$0x1ED00] =	vst v63  }
0xf: {  	_ =	swait.ge [sflag:s19], $0x4CC8  }
0x10: {  	[sflag:s19] =	ssyncset.done $0x0  }
0x11: {  	s1 =	simm.s32 $0x4D00;
	[sflag:s19] =	ssyncadd.s32 $0xFFFFB338  }
0x12: {  	[tilespmem:s1], [sflag:$0x2] =	stream.linear.gather [hbm4b:s3+s2], $0x3400, $0x38;
	[tilespmem:$0x1ED00] =	vst v63  }
0x13: {  	_ =	swait.ge [sflag:s19], $0x3400  }
0x14: {  	[sflag:s19] =	ssyncset.done $0x0  }
0x15: {  	s24 =	simm.s32 $0x8100;
	[sflag:s19] =	ssyncadd.s32 $0xFFFFCC00  }
0x16: {  	[tilespmem:s24], [sflag:$0x2] =	stream.linear.gather [hbm4b:s4+s2], $0x3400, $0x38;
	[tilespmem:$0x1ED00] =	vst v63  }
0x17: {  	_ =	swait.ge [sflag:s19], $0x3400  }
0x18: {  	s23 =	sand.u32 $0x70, s2;
	s24 =	sand.u32 $0x1E00, s2;
	[sflag:s19] =	ssyncset.done $0x0  }
0x19: {  	s28 =	sor.u32 s23, s24;
	[sflag:s19] =	ssyncadd.s32 $0xFFFFCC00  }
0x1a: {  	v29 =	vld [tilespmem:s28+$0x4D00]  }
0x1b: {  	v28 =	vld [tilespmem:s28+$0x4D80];
	_ =	sdelay $0x1  }
0x1c: {  	v27 =	vld [tilespmem:s28+$0x4E00];
	_ =	sdelay $0x2  }
0x1d: {  	v25 =	vld [tilespmem:s28+$0x8100]  }
0x1e: {  	v26 =	vld [tilespmem:s28+$0x8180]  }
0x1f: {  	v0 =	vld.idx.msk [tilespmem:v29+s2+$0x0], $0xffff  }
0x20: {  	v1 =	vld.idx.msk [tilespmem:v28+s2+$0x0], $0xffff  }
0x21: {  	v24 =	vld [tilespmem:s28+$0x8200]  }
0x22: {  	v2 =	vld.idx.msk [tilespmem:v27+s2+$0x0], $0xffff;
	_ =	sdelay $0x2  }
0x23: {  	v0 =	vmul.f32 v0, v25;
	v1 =	vmul.f32 v1, v26;
	_ =	sdelay $0x1  }
0x24: {  	v0 =	vadd.f32 v1, v0;
	v1 =	vmul.f32 v2, v24;
	v2 =	vadd.s32 $0x333, v29  }
0x25: {  	v3 =	vadd.s32 $0x333, v28  }
0x26: {  	v0 =	vadd.f32 v1, v0  }
0x27: {  	v1 =	vadd.s32 $0x333, v27  }
0x28: {  	[tilespmem:s28+$0xB500] =	vst v0  }
0x29: {  	v0 =	vld.idx.msk [tilespmem:v2+s2+$0x0], $0xffff  }
0x2a: {  	v2 =	vld.idx.msk [tilespmem:v3+s2+$0x0], $0xffff;
	_ =	sdelay $0x1  }
0x2b: {  	v1 =	vld.idx.msk [tilespmem:v1+s2+$0x0], $0xffff;
	_ =	sdelay $0x2  }
0x2c: {  	v0 =	vmul.f32 v0, v25;
	v2 =	vmul.f32 v2, v26;
	_ =	sdelay $0x1  }
0x2d: {  	v0 =	vadd.f32 v2, v0;
	v1 =	vmul.f32 v1, v24;
	v2 =	vadd.s32 $0x666, v29  }
0x2e: {  	v3 =	vadd.s32 $0x666, v28  }
0x2f: {  	v0 =	vadd.f32 v1, v0  }
0x30: {  	v1 =	vadd.s32 $0x666, v27  }
0x31: {  	[tilespmem:s28+$0x11D00] =	vst v0  }
0x32: {  	v0 =	vld.idx.msk [tilespmem:v2+s2+$0x0], $0xffff  }
0x33: {  	v2 =	vld.idx.msk [tilespmem:v3+s2+$0x0], $0xffff;
	_ =	sdelay $0x1  }
0x34: {  	v1 =	vld.idx.msk [tilespmem:v1+s2+$0x0], $0xffff;
	_ =	sdelay $0x2  }
0x35: {  	v0 =	vmul.f32 v0, v25;
	v2 =	vmul.f32 v2, v26;
	_ =	sdelay $0x1  }
0x36: {  	v0 =	vadd.f32 v2, v0;
	v1 =	vmul.f32 v1, v24;
	v2 =	vadd.s32 $0x999, v29  }
0x37: {  	v3 =	vadd.s32 $0x999, v28  }
0x38: {  	v0 =	vadd.f32 v1, v0  }
0x39: {  	v1 =	vadd.s32 $0x999, v27  }
0x3a: {  	[tilespmem:s28+$0x18500] =	vst v0  }
0x3b: {  	v0 =	vld.idx.msk [tilespmem:v2+s2+$0x0], $0xffff  }
0x3c: {  	v2 =	vld.idx.msk [tilespmem:v3+s2+$0x0], $0xffff;
	_ =	sdelay $0x1  }
0x3d: {  	v1 =	vld.idx.msk [tilespmem:v1+s2+$0x0], $0xffff;
	_ =	sdelay $0x2  }
0x3e: {  	v0 =	vmul.f32 v0, v25;
	v2 =	vmul.f32 v2, v26;
	_ =	sdelay $0x1  }
0x3f: {  	v3 =	vadd.s32 $0xCCC, v29;
	v0 =	vadd.f32 v2, v0;
	v1 =	vmul.f32 v1, v24  }
0x40: {  	v2 =	vadd.s32 $0xCCC, v28  }
0x41: {  	v0 =	vadd.f32 v1, v0  }
0x42: {  	v1 =	vadd.s32 $0xCCC, v27  }
0x43: {  	[tilespmem:s28+$0xB580] =	vst v0  }
0x44: {  	v0 =	vld.idx.msk [tilespmem:v3+s2+$0x0], $0xffff  }
0x45: {  	v2 =	vld.idx.msk [tilespmem:v2+s2+$0x0], $0xffff;
	_ =	sdelay $0x1  }
0x46: {  	v1 =	vld.idx.msk [tilespmem:v1+s2+$0x0], $0xffff;
	_ =	sdelay $0x2  }
0x47: {  	v0 =	vmul.f32 v0, v25;
	v2 =	vmul.f32 v2, v26;
	_ =	sdelay $0x1  }
0x48: {  	s25 =	simm.s32 $0x10;
	s26 =	simm.s32 $0x40;
	v0 =	vadd.f32 v2, v0;
	v1 =	vmul.f32 v1, v24;
	v2 =	vadd.s32 $0xFFF, v29  }
0x49: {  	s23 =	sand.u32 $0x70, s25;
	s24 =	sand.u32 $0x1E00, s26;
	v3 =	vadd.s32 $0xFFF, v28  }
0x4a: {  	s23 =	sor.u32 s23, s24;
	v0 =	vadd.f32 v1, v0  }
0x4b: {  	v4 =	vld [tilespmem:s23+$0x4D00];
	v1 =	vadd.s32 $0xFFF, v27  }
0x4c: {  	v5 =	vld [tilespmem:s23+$0x4D80];
	[tilespmem:s28+$0x11D80] =	vst v0  }
0x4d: {  	v2 =	vld.idx.msk [tilespmem:v2+s2+$0x0], $0xffff  }
0x4e: {  	v6 =	vld.idx.msk [tilespmem:v3+s2+$0x0], $0xffff  }
0x4f: {  	v3 =	vld [tilespmem:s23+$0x4E00]  }
0x50: {  	v7 =	vld.idx.msk [tilespmem:v1+s2+$0x0], $0xffff;
	_ =	sdelay $0x2  }
0x51: {  	v8 =	vld.idx.msk [tilespmem:v4+s2+$0x0], $0xffff;
	v2 =	vmul.f32 v2, v25;
	v6 =	vmul.f32 v6, v26  }
0x52: {  	v10 =	vld.idx.msk [tilespmem:v5+s2+$0x0], $0xffff  }
0x53: {  	v9 =	vadd.s32 $0x1332, v29;
	v0 =	vld [tilespmem:s23+$0x8100];
	v6 =	vadd.f32 v6, v2;
	v7 =	vmul.f32 v7, v24  }
0x54: {  	v11 =	vadd.s32 $0x1332, v28;
	v1 =	vld [tilespmem:s23+$0x8180]  }
0x55: {  	v2 =	vld [tilespmem:s23+$0x8200];
	v6 =	vadd.f32 v7, v6  }
0x56: {  	v12 =	vadd.s32 $0x1332, v27;
	v7 =	vld.idx.msk [tilespmem:v3+s2+$0x0], $0xffff  }
0x57: {  	[tilespmem:s28+$0x18580] =	vst v6  }
0x58: {  	v6 =	vld.idx.msk [tilespmem:v9+s2+$0x0], $0xffff  }
0x59: {  	v8 =	vmul.f32 v8, v0;
	v9 =	vmul.f32 v10, v1;
	v10 =	vld.idx.msk [tilespmem:v11+s2+$0x0], $0xffff;
	_ =	sdelay $0x1  }
0x5a: {  	v11 =	vld.idx.msk [tilespmem:v12+s2+$0x0], $0xffff;
	v8 =	vadd.f32 v9, v8;
	v7 =	vmul.f32 v7, v2;
	v9 =	vadd.s32 $0x333, v4  }
0x5b: {  	v12 =	vadd.s32 $0x333, v5  }
0x5c: {  	v7 =	vadd.f32 v7, v8  }
0x5d: {  	v8 =	vadd.s32 $0x333, v3;
	v6 =	vmul.f32 v6, v25;
	v10 =	vmul.f32 v10, v26  }
0x5e: {  	[tilespmem:s23+$0xB500] =	vst v7  }
0x5f: {  	v7 =	vld.idx.msk [tilespmem:v9+s2+$0x0], $0xffff;
	v6 =	vadd.f32 v10, v6;
	v9 =	vmul.f32 v11, v24;
	v10 =	vadd.s32 $0x1665, v29  }
0x60: {  	v11 =	vld.idx.msk [tilespmem:v12+s2+$0x0], $0xffff;
	v12 =	vadd.s32 $0x1665, v28  }
0x61: {  	v6 =	vadd.f32 v9, v6  }
0x62: {  	v8 =	vld.idx.msk [tilespmem:v8+s2+$0x0], $0xffff;
	v9 =	vadd.s32 $0x1665, v27  }
0x63: {  	[tilespmem:s28+$0xB600] =	vst v6  }
0x64: {  	v6 =	vld.idx.msk [tilespmem:v10+s2+$0x0], $0xffff  }
0x65: {  	v7 =	vmul.f32 v7, v0;
	v10 =	vmul.f32 v11, v1;
	v11 =	vld.idx.msk [tilespmem:v12+s2+$0x0], $0xffff;
	_ =	sdelay $0x1  }
0x66: {  	v7 =	vadd.f32 v10, v7;
	v8 =	vmul.f32 v8, v2;
	v10 =	vadd.s32 $0x666, v4;
	v9 =	vld.idx.msk [tilespmem:v9+s2+$0x0], $0xffff  }
0x67: {  	v12 =	vadd.s32 $0x666, v5  }
0x68: {  	v7 =	vadd.f32 v8, v7  }
0x69: {  	v8 =	vadd.s32 $0x666, v3;
	v6 =	vmul.f32 v6, v25;
	v11 =	vmul.f32 v11, v26  }
0x6a: {  	[tilespmem:s23+$0x11D00] =	vst v7  }
0x6b: {  	v7 =	vld.idx.msk [tilespmem:v10+s2+$0x0], $0xffff;
	v10 =	vadd.s32 $0x1998, v29;
	v6 =	vadd.f32 v11, v6;
	v9 =	vmul.f32 v9, v24  }
0x6c: {  	v11 =	vld.idx.msk [tilespmem:v12+s2+$0x0], $0xffff;
	v12 =	vadd.s32 $0x1998, v28  }
0x6d: {  	v6 =	vadd.f32 v9, v6  }
0x6e: {  	v8 =	vld.idx.msk [tilespmem:v8+s2+$0x0], $0xffff;
	v9 =	vadd.s32 $0x1998, v27  }
0x6f: {  	[tilespmem:s28+$0x11E00] =	vst v6  }
0x70: {  	v6 =	vld.idx.msk [tilespmem:v10+s2+$0x0], $0xffff  }
0x71: {  	v7 =	vmul.f32 v7, v0;
	v10 =	vmul.f32 v11, v1;
	v11 =	vld.idx.msk [tilespmem:v12+s2+$0x0], $0xffff;
	_ =	sdelay $0x1  }
0x72: {  	v7 =	vadd.f32 v10, v7;
	v8 =	vmul.f32 v8, v2;
	v10 =	vadd.s32 $0x999, v4;
	v9 =	vld.idx.msk [tilespmem:v9+s2+$0x0], $0xffff  }
0x73: {  	v12 =	vadd.s32 $0x999, v5  }
0x74: {  	v7 =	vadd.f32 v8, v7  }
0x75: {  	v8 =	vadd.s32 $0x999, v3;
	v6 =	vmul.f32 v6, v25;
	v11 =	vmul.f32 v11, v26  }
0x76: {  	[tilespmem:s23+$0x18500] =	vst v7  }
0x77: {  	v7 =	vld.idx.msk [tilespmem:v10+s2+$0x0], $0xffff;
	v10 =	vadd.s32 $0x1CCB, v29;
	v6 =	vadd.f32 v11, v6;
	v9 =	vmul.f32 v9, v24  }
0x78: {  	v11 =	vld.idx.msk [tilespmem:v12+s2+$0x0], $0xffff;
	v12 =	vadd.s32 $0x1CCB, v28  }
0x79: {  	v6 =	vadd.f32 v9, v6  }
0x7a: {  	v8 =	vld.idx.msk [tilespmem:v8+s2+$0x0], $0xffff;
	v9 =	vadd.s32 $0x1CCB, v27  }
0x7b: {  	[tilespmem:s28+$0x18600] =	vst v6  }
0x7c: {  	v10 =	vld.idx.msk [tilespmem:v10+s2+$0x0], $0xffff  }
0x7d: {  	v6 =	vmul.f32 v7, v0;
	v7 =	vmul.f32 v11, v1;
	v11 =	vld.idx.msk [tilespmem:v12+s2+$0x0], $0xffff;
	_ =	sdelay $0x1  }
0x7e: {  	s31 =	simm.s32 $0x20;
	s25 =	simm.s32 $0x80;
	v12 =	vadd.s32 $0xCCC, v4;
	v6 =	vadd.f32 v7, v6;
	v7 =	vmul.f32 v8, v2;
	v8 =	vld.idx.msk [tilespmem:v9+s2+$0x0], $0xffff  }
0x7f: {  	s24 =	sand.u32 $0x70, s31;
	s25 =	sand.u32 $0x1E00, s25;
	v13 =	vadd.s32 $0xCCC, v5  }
0x80: {  	s24 =	sor.u32 s24, s25;
	v7 =	vadd.f32 v7, v6  }
0x81: {  	v14 =	vadd.s32 $0xCCC, v3;
	v9 =	vld [tilespmem:s24+$0x4D00];
	v10 =	vmul.f32 v10, v25;
	v11 =	vmul.f32 v11, v26  }
0x82: {  	v6 =	vld [tilespmem:s24+$0x8200];
	[tilespmem:s23+$0xB580] =	vst v7  }
0x83: {  	v7 =	vld.idx.msk [tilespmem:v12+s2+$0x0], $0xffff;
	v11 =	vadd.f32 v11, v10;
	v8 =	vmul.f32 v8, v24;
	v12 =	vadd.s32 $0x1FFE, v29  }
0x84: {  	v15 =	vadd.s32 $0x1FFE, v28;
	v13 =	vld.idx.msk [tilespmem:v13+s2+$0x0], $0xffff  }
0x85: {  	v10 =	vld [tilespmem:s24+$0x4D80];
	v8 =	vadd.f32 v8, v11  }
0x86: {  	v16 =	vadd.s32 $0x1FFE, v27;
	v14 =	vld.idx.msk [tilespmem:v14+s2+$0x0], $0xffff  }
0x87: {  	v11 =	vld [tilespmem:s24+$0x4E00];
	[tilespmem:s28+$0xB680] =	vst v8  }
0x88: {  	v12 =	vld.idx.msk [tilespmem:v12+s2+$0x0], $0xffff  }
0x89: {  	v8 =	vmul.f32 v7, v0;
	v13 =	vmul.f32 v13, v1;
	v15 =	vld.idx.msk [tilespmem:v15+s2+$0x0], $0xffff  }
0x8a: {  	v19 =	vld.idx.msk [tilespmem:v9+s2+$0x0], $0xffff  }
0x8b: {  	v17 =	vadd.s32 $0xFFF, v4;
	v14 =	vmul.f32 v14, v2;
	v16 =	vld.idx.msk [tilespmem:v16+s2+$0x0], $0xffff;
	v13 =	vadd.f32 v13, v8  }
0x8c: {  	v18 =	vadd.s32 $0xFFF, v5;
	v7 =	vld [tilespmem:s24+$0x8100]  }
0x8d: {  	v8 =	vld [tilespmem:s24+$0x8180];
	v13 =	vadd.f32 v14, v13  }
0x8e: {  	v20 =	vadd.s32 $0xFFF, v3;
	v14 =	vld.idx.msk [tilespmem:v10+s2+$0x0], $0xffff;
	v12 =	vmul.f32 v12, v25;
	v15 =	vmul.f32 v15, v26  }
0x8f: {  	v21 =	vld.idx.msk [tilespmem:v11+s2+$0x0], $0xffff;
	[tilespmem:s23+$0x11D80] =	vst v13  }
0x90: {  	v13 =	vld.idx.msk [tilespmem:v17+s2+$0x0], $0xffff;
	v12 =	vadd.f32 v15, v12;
	v15 =	vmul.f32 v16, v24;
	v16 =	vadd.s32 $0x2331, v29  }
0x91: {  	v17 =	vld.idx.msk [tilespmem:v18+s2+$0x0], $0xffff;
	v18 =	vadd.s32 $0x2331, v28  }
0x92: {  	v12 =	vadd.f32 v15, v12  }
0x93: {  	v15 =	vmul.f32 v19, v7;
	v14 =	vmul.f32 v14, v8;
	v19 =	vld.idx.msk [tilespmem:v20+s2+$0x0], $0xffff;
	v20 =	vadd.s32 $0x2331, v27  }
0x94: {  	[tilespmem:s28+$0x11E80] =	vst v12  }
0x95: {  	v12 =	vadd.f32 v14, v15;
	v14 =	vmul.f32 v21, v6;
	v15 =	vld.idx.msk [tilespmem:v16+s2+$0x0], $0xffff  }
0x96: {  	v16 =	vadd.s32 $0x333, v9;
	v13 =	vmul.f32 v13, v0;
	v17 =	vmul.f32 v17, v1;
	v18 =	vld.idx.msk [tilespmem:v18+s2+$0x0], $0xffff  }
0x97: {  	v12 =	vadd.f32 v14, v12;
	v14 =	vadd.s32 $0x333, v10  }
0x98: {  	v21 =	vadd.s32 $0x1332, v4;
	v13 =	vadd.f32 v17, v13;
	v17 =	vmul.f32 v19, v2;
	v19 =	vld.idx.msk [tilespmem:v20+s2+$0x0], $0xffff  }
0x99: {  	v20 =	vadd.s32 $0x1332, v5  }
0x9a: {  	[tilespmem:s24+$0xB500] =	vst v12;
	v12 =	vadd.s32 $0x333, v11;
	v13 =	vadd.f32 v17, v13  }
0x9b: {  	v17 =	vadd.s32 $0x1332, v3;
	v16 =	vld.idx.msk [tilespmem:v16+s2+$0x0], $0xffff;
	v15 =	vmul.f32 v15, v25;
	v18 =	vmul.f32 v18, v26  }
0x9c: {  	v14 =	vld.idx.msk [tilespmem:v14+s2+$0x0], $0xffff;
	[tilespmem:s23+$0x18580] =	vst v13  }
0x9d: {  	v13 =	vld.idx.msk [tilespmem:v21+s2+$0x0], $0xffff;
	v15 =	vadd.f32 v18, v15;
	v18 =	vmul.f32 v19, v24;
	v19 =	vadd.s32 $0x2664, v29  }
0x9e: {  	v20 =	vld.idx.msk [tilespmem:v20+s2+$0x0], $0xffff;
	v21 =	vadd.s32 $0x2664, v28  }
0x9f: {  	v12 =	vld.idx.msk [tilespmem:v12+s2+$0x0], $0xffff;
	v15 =	vadd.f32 v18, v15  }
0xa0: {  	v17 =	vld.idx.msk [tilespmem:v17+s2+$0x0], $0xffff;
	v18 =	vadd.s32 $0x2664, v27  }
0xa1: {  	[tilespmem:s28+$0x18680] =	vst v15  }
0xa2: {  	v15 =	vmul.f32 v16, v7;
	v14 =	vmul.f32 v14, v8;
	v16 =	vld.idx.msk [tilespmem:v19+s2+$0x0], $0xffff  }
0xa3: {  	v19 =	vld.idx.msk [tilespmem:v21+s2+$0x0], $0xffff;
	v13 =	vmul.f32 v13, v0;
	v20 =	vmul.f32 v20, v1  }
0xa4: {  	v14 =	vadd.f32 v14, v15;
	v12 =	vmul.f32 v12, v6;
	v15 =	vadd.s32 $0x666, v9  }
0xa5: {  	v18 =	vld.idx.msk [tilespmem:v18+s2+$0x0], $0xffff;
	v13 =	vadd.f32 v20, v13;
	v17 =	vmul.f32 v17, v2;
	v20 =	vadd.s32 $0x1665, v4  }
0xa6: {  	v12 =	vadd.f32 v12, v14;
	v14 =	vadd.s32 $0x1665, v5  }
0xa7: {  	v21 =	vadd.s32 $0x666, v10;
	v13 =	vadd.f32 v17, v13  }
0xa8: {  	[tilespmem:s24+$0x11D00] =	vst v12;
	v12 =	vadd.s32 $0x1665, v3;
	v16 =	vmul.f32 v16, v25;
	v17 =	vmul.f32 v19, v26  }
0xa9: {  	v19 =	vadd.s32 $0x666, v11;
	v15 =	vld.idx.msk [tilespmem:v15+s2+$0x0], $0xffff;
	[tilespmem:s23+$0xB600] =	vst v13  }
0xaa: {  	v13 =	vld.idx.msk [tilespmem:v20+s2+$0x0], $0xffff;
	v16 =	vadd.f32 v17, v16;
	v17 =	vmul.f32 v18, v24;
	v18 =	vadd.s32 $0x2997, v29  }
0xab: {  	v20 =	vadd.s32 $0x2997, v28;
	v14 =	vld.idx.msk [tilespmem:v14+s2+$0x0], $0xffff  }
0xac: {  	v21 =	vld.idx.msk [tilespmem:v21+s2+$0x0], $0xffff;
	v16 =	vadd.f32 v17, v16  }
0xad: {  	v17 =	vadd.s32 $0x2997, v27;
	v12 =	vld.idx.msk [tilespmem:v12+s2+$0x0], $0xffff  }
0xae: {  	v19 =	vld.idx.msk [tilespmem:v19+s2+$0x0], $0xffff;
	[tilespmem:s28+$0xE900] =	vst v16  }
0xaf: {  	v16 =	vld.idx.msk [tilespmem:v18+s2+$0x0], $0xffff  }
0xb0: {  	v18 =	vld.idx.msk [tilespmem:v20+s2+$0x0], $0xffff;
	v13 =	vmul.f32 v13, v0;
	v14 =	vmul.f32 v14, v1  }
0xb1: {  	v15 =	vmul.f32 v15, v7;
	v20 =	vmul.f32 v21, v8  }
0xb2: {  	v21 =	vadd.s32 $0x1998, v4;
	v17 =	vld.idx.msk [tilespmem:v17+s2+$0x0], $0xffff;
	v13 =	vadd.f32 v14, v13;
	v12 =	vmul.f32 v12, v2  }
0xb3: {  	v14 =	vadd.f32 v20, v15;
	v15 =	vadd.s32 $0x1998, v5  }
0xb4: {  	v19 =	vmul.f32 v19, v6;
	v20 =	vadd.s32 $0x999, v9;
	v12 =	vadd.f32 v12, v13  }
0xb5: {  	v13 =	vadd.s32 $0x1998, v3;
	v16 =	vmul.f32 v16, v25;
	v18 =	vmul.f32 v18, v26  }
0xb6: {  	v14 =	vadd.f32 v19, v14;
	v19 =	vadd.s32 $0x999, v10;
	[tilespmem:s23+$0x11E00] =	vst v12  }
0xb7: {  	v16 =	vadd.f32 v18, v16;
	v17 =	vmul.f32 v17, v24;
	v18 =	vadd.s32 $0x2CCA, v29;
	v12 =	vld.idx.msk [tilespmem:v21+s2+$0x0], $0xffff  }
0xb8: {  	[tilespmem:s24+$0x18500] =	vst v14;
	v14 =	vld.idx.msk [tilespmem:v15+s2+$0x0], $0xffff;
	v15 =	vadd.s32 $0x2CCA, v28  }
0xb9: {  	v20 =	vld.idx.msk [tilespmem:v20+s2+$0x0], $0xffff;
	v21 =	vadd.s32 $0x999, v11;
	v16 =	vadd.f32 v17, v16  }
0xba: {  	v17 =	vadd.s32 $0x2CCA, v27;
	v13 =	vld.idx.msk [tilespmem:v13+s2+$0x0], $0xffff  }
0xbb: {  	v19 =	vld.idx.msk [tilespmem:v19+s2+$0x0], $0xffff;
	[tilespmem:s28+$0x15100] =	vst v16  }
0xbc: {  	v16 =	vld.idx.msk [tilespmem:v18+s2+$0x0], $0xffff  }
0xbd: {  	s1 =	simm.s32 $0x30;
	s26 =	simm.s32 $0xC0;
	v15 =	vld.idx.msk [tilespmem:v15+s2+$0x0], $0xffff;
	v12 =	vmul.f32 v12, v0;
	v14 =	vmul.f32 v14, v1  }
0xbe: {  	s26 =	sand.u32 $0x1E00, s26;
	s25 =	sand.u32 $0x70, s1;
	v18 =	vld.idx.msk [tilespmem:v21+s2+$0x0], $0xffff  }
0xbf: {  	s25 =	sor.u32 s25, s26;
	v21 =	vadd.s32 $0x1CCB, v4;
	v17 =	vld.idx.msk [tilespmem:v17+s2+$0x0], $0xffff;
	v14 =	vadd.f32 v14, v12;
	v22 =	vmul.f32 v13, v2  }
0xc0: {  	v23 =	vadd.s32 $0x1CCB, v5;
	v12 =	vld [tilespmem:s25+$0x8200]  }
0xc1: {  	v20 =	vmul.f32 v20, v7;
	v13 =	vld [tilespmem:s25+$0x8100];
	v19 =	vmul.f32 v19, v8;
	v22 =	vadd.f32 v22, v14  }
0xc2: {  	v30 =	vadd.s32 $0x1CCB, v3;
	v32 =	vadd.s32 $0xCCC, v9;
	v14 =	vld [tilespmem:s25+$0x4E00];
	v31 =	vmul.f32 v16, v25  }
0xc3: {  	v16 =	vld [tilespmem:s25+$0x4D00];
	v19 =	vadd.f32 v19, v20;
	v15 =	vmul.f32 v15, v26;
	v18 =	vmul.f32 v18, v6;
	[tilespmem:s23+$0x18600] =	vst v22  }
0xc4: {  	v51 =	vadd.s32 $0xCCC, v11;
	v22 =	vadd.s32 $0x2FFD, v29;
	v20 =	vld.idx.msk [tilespmem:v21+s2+$0x0], $0xffff  }
0xc5: {  	v15 =	vadd.f32 v15, v31;
	v21 =	vmul.f32 v17, v24;
	v18 =	vadd.f32 v18, v19;
	v19 =	vld.idx.msk [tilespmem:v23+s2+$0x0], $0xffff  }
0xc6: {  	v23 =	vadd.s32 $0x2FFD, v28;
	v17 =	vld [tilespmem:s25+$0x4D80]  }
0xc7: {  	v31 =	vadd.s32 $0xCCC, v10;
	v15 =	vadd.f32 v21, v15;
	[tilespmem:s24+$0xB580] =	vst v18;
	v18 =	vld.idx.msk [tilespmem:v30+s2+$0x0], $0xffff  }
0xc8: {  	v21 =	vadd.s32 $0x2FFD, v27;
	v30 =	vld.idx.msk [tilespmem:v32+s2+$0x0], $0xffff  }
0xc9: {  	v32 =	vld.idx.msk [tilespmem:v51+s2+$0x0], $0xffff;
	[tilespmem:s28+$0x1B900] =	vst v15  }
0xca: {  	v22 =	vld.idx.msk [tilespmem:v22+s2+$0x0], $0xffff  }
0xcb: {  	v23 =	vld.idx.msk [tilespmem:v23+s2+$0x0], $0xffff;
	v15 =	vmul.f32 v20, v0;
	v19 =	vmul.f32 v19, v1  }
0xcc: {  	v20 =	vld.idx.msk [tilespmem:v31+s2+$0x0], $0xffff  }
0xcd: {  	v31 =	vadd.s32 $0x1FFE, v4;
	v21 =	vld.idx.msk [tilespmem:v21+s2+$0x0], $0xffff;
	v19 =	vadd.f32 v19, v15;
	v18 =	vmul.f32 v18, v2  }
0xce: {  	v33 =	vadd.s32 $0x1FFE, v5;
	v15 =	vld [tilespmem:s25+$0x8180]  }
0xcf: {  	v35 =	vld.idx.msk [tilespmem:v17+s2+$0x0], $0xffff;
	v18 =	vadd.f32 v18, v19  }
0xd0: {  	v34 =	vadd.s32 $0x1FFE, v3;
	v19 =	vld.idx.msk [tilespmem:v16+s2+$0x0], $0xffff;
	v22 =	vmul.f32 v22, v25;
	v23 =	vmul.f32 v23, v26  }
0xd1: {  	v36 =	vld.idx.msk [tilespmem:v14+s2+$0x0], $0xffff;
	v30 =	vmul.f32 v30, v7;
	v20 =	vmul.f32 v20, v8;
	[tilespmem:s23+$0xB680] =	vst v18  }
0xd2: {  	v18 =	vld.idx.msk [tilespmem:v31+s2+$0x0], $0xffff;
	v22 =	vadd.f32 v23, v22;
	v21 =	vmul.f32 v21, v24;
	v23 =	vadd.s32 $0x3330, v29  }
0xd3: {  	v52 =	vadd.s32 $0x3330, v28;
	v31 =	vld.idx.msk [tilespmem:v33+s2+$0x0], $0xffff;
	v20 =	vadd.f32 v20, v30;
	v30 =	vmul.f32 v32, v6  }
0xd4: {  	v53 =	vadd.s32 $0x3330, v27;
	v54 =	vadd.s32 $0xFFF, v9;
	v21 =	vadd.f32 v21, v22  }
0xd5: {  	v22 =	vld.idx.msk [tilespmem:v34+s2+$0x0], $0xffff;
	v20 =	vadd.f32 v30, v20;
	v19 =	vmul.f32 v19, v13;
	v30 =	vmul.f32 v35, v15  }
0xd6: {  	[tilespmem:s28+$0xE980] =	vst v21;
	v21 =	vadd.s32 $0xFFF, v10  }
0xd7: {  	v55 =	vadd.s32 $0xFFF, v11;
	v19 =	vadd.f32 v30, v19;
	v30 =	vmul.f32 v36, v12;
	v23 =	vld.idx.msk [tilespmem:v23+s2+$0x0], $0xffff  }
0xd8: {  	v56 =	vadd.s32 $0x333, v16;
	v33 =	vld.idx.msk [tilespmem:v52+s2+$0x0], $0xffff;
	v18 =	vmul.f32 v18, v0;
	v31 =	vmul.f32 v31, v1  }
0xd9: {  	v58 =	vadd.s32 $0x333, v17;
	[tilespmem:s24+$0x11D80] =	vst v20;
	v20 =	vld.idx.msk [tilespmem:v53+s2+$0x0], $0xffff;
	v19 =	vadd.f32 v30, v19  }
0xda: {  	v57 =	vld.idx.msk [tilespmem:v54+s2+$0x0], $0xffff;
	v18 =	vadd.f32 v31, v18;
	v22 =	vmul.f32 v22, v2;
	v31 =	vadd.s32 $0x2331, v4  }
0xdb: {  	v30 =	vadd.s32 $0x2331, v5;
	v21 =	vld.idx.msk [tilespmem:v21+s2+$0x0], $0xffff  }
0xdc: {  	v60 =	vadd.s32 $0x333, v14;
	[tilespmem:s25+$0xB500] =	vst v19;
	v18 =	vadd.f32 v22, v18;
	v22 =	vld.idx.msk [tilespmem:v55+s2+$0x0], $0xffff  }
0xdd: {  	v19 =	vadd.s32 $0x2331, v3;
	v59 =	vld.idx.msk [tilespmem:v56+s2+$0x0], $0xffff;
	v23 =	vmul.f32 v23, v25;
	v33 =	vmul.f32 v33, v26  }
0xde: {  	v34 =	vld.idx.msk [tilespmem:v58+s2+$0x0], $0xffff;
	[tilespmem:s23+$0x11E80] =	vst v18  }
0xdf: {  	v20 =	vmul.f32 v20, v24;
	v18 =	vadd.s32 $0x3663, v29;
	v31 =	vld.idx.msk [tilespmem:v31+s2+$0x0], $0xffff;
	v23 =	vadd.f32 v33, v23  }
0xe0: {  	v61 =	vadd.s32 $0x3663, v28;
	v30 =	vld.idx.msk [tilespmem:v30+s2+$0x0], $0xffff  }
0xe1: {  	v62 =	vld.idx.msk [tilespmem:v60+s2+$0x0], $0xffff;
	v32 =	vmul.f32 v57, v7;
	v21 =	vmul.f32 v21, v8;
	v20 =	vadd.f32 v20, v23  }
0xe2: {  	v19 =	vld.idx.msk [tilespmem:v19+s2+$0x0], $0xffff;
	v23 =	vadd.s32 $0x3663, v27  }
0xe3: {  	v37 =	vadd.s32 $0x1332, v9;
	v22 =	vmul.f32 v22, v6;
	v21 =	vadd.f32 v21, v32;
	[tilespmem:s28+$0x15180] =	vst v20  }
0xe4: {  	v35 =	vmul.f32 v59, v13;
	v34 =	vmul.f32 v34, v15;
	v20 =	vadd.s32 $0x1332, v10;
	v18 =	vld.idx.msk [tilespmem:v18+s2+$0x0], $0xffff  }
0xe5: {  	v31 =	vmul.f32 v31, v0;
	v30 =	vmul.f32 v30, v1;
	v21 =	vadd.f32 v22, v21;
	v22 =	vld.idx.msk [tilespmem:v61+s2+$0x0], $0xffff  }
0xe6: {  	v63 =	vadd.s32 $0x1332, v11;
	v34 =	vadd.f32 v34, v35;
	v32 =	vmul.f32 v62, v12  }
0xe7: {  	v40 =	vadd.s32 $0x666, v14;
	v19 =	vmul.f32 v19, v2;
	[tilespmem:s24+$0x18580] =	vst v21;
	v21 =	vld.idx.msk [tilespmem:v23+s2+$0x0], $0xffff;
	v23 =	vadd.f32 v30, v31  }
0xe8: {  	v30 =	vadd.s32 $0x2664, v4;
	v31 =	vld.idx.msk [tilespmem:v37+s2+$0x0], $0xffff  }
0xe9: {  	v41 =	vadd.s32 $0x2664, v5;
	v32 =	vadd.f32 v32, v34;
	v20 =	vld.idx.msk [tilespmem:v20+s2+$0x0], $0xffff;
	v19 =	vadd.f32 v19, v23  }
0xea: {  	v23 =	vadd.s32 $0x2664, v3;
	v18 =	vmul.f32 v18, v25;
	v22 =	vmul.f32 v22, v26  }
0xeb: {  	v42 =	vadd.s32 $0x666, v16;
	[tilespmem:s25+$0x11D00] =	vst v32;
	v33 =	vld.idx.msk [tilespmem:v63+s2+$0x0], $0xffff  }
0xec: {  	v36 =	vld.idx.msk [tilespmem:v40+s2+$0x0], $0xffff;
	[tilespmem:s23+$0x18680] =	vst v19;
	v18 =	vadd.f32 v22, v18;
	v21 =	vmul.f32 v21, v24;
	v22 =	vadd.s32 $0x3996, v29  }
0xed: {  	v44 =	vadd.s32 $0x3996, v28;
	v19 =	vld.idx.msk [tilespmem:v30+s2+$0x0], $0xffff;
	v30 =	vadd.s32 $0x666, v17  }
0xee: {  	v43 =	vld.idx.msk [tilespmem:v41+s2+$0x0], $0xffff;
	v31 =	vmul.f32 v31, v7;
	v20 =	vmul.f32 v20, v8;
	v18 =	vadd.f32 v21, v18  }
0xef: {  	v21 =	vld.idx.msk [tilespmem:v23+s2+$0x0], $0xffff;
	v23 =	vadd.s32 $0x3996, v27  }
0xf0: {  	v45 =	vadd.s32 $0x1665, v9;
	v34 =	vld.idx.msk [tilespmem:v42+s2+$0x0], $0xffff;
	v20 =	vadd.f32 v20, v31;
	v31 =	vmul.f32 v33, v6;
	[tilespmem:s28+$0x1B980] =	vst v18  }
0xf1: {  	v46 =	vadd.s32 $0x1665, v11;
	v22 =	vld.idx.msk [tilespmem:v22+s2+$0x0], $0xffff  }
0xf2: {  	v18 =	vadd.s32 $0x1665, v10;
	v20 =	vadd.f32 v31, v20;
	v31 =	vld.idx.msk [tilespmem:v44+s2+$0x0], $0xffff  }
0xf3: {  	v30 =	vld.idx.msk [tilespmem:v30+s2+$0x0], $0xffff  }
0xf4: {  	v19 =	vmul.f32 v19, v0;
	v32 =	vmul.f32 v43, v1;
	[tilespmem:s24+$0xB600] =	vst v20;
	v20 =	vld.idx.msk [tilespmem:v23+s2+$0x0], $0xffff  }
0xf5: {  	s29 =	simm.s32 $0x100;
	s31 =	simm.s32 $0x40;
	v23 =	vld.idx.msk [tilespmem:v45+s2+$0x0], $0xffff  }
0xf6: {  	s30 =	sand.u32 $0x1E00, s29;
	s26 =	sand.u32 $0x70, s31;
	v47 =	vadd.s32 $0x2997, v4;
	v19 =	vadd.f32 v32, v19;
	v21 =	vmul.f32 v21, v2;
	v35 =	vld.idx.msk [tilespmem:v46+s2+$0x0], $0xffff  }
0xf7: {  	s26 =	sor.u32 s26, s30;
	v49 =	vadd.s32 $0x2997, v5;
	v38 =	vadd.s32 $0x2997, v3;
	v48 =	vld.idx.msk [tilespmem:v18+s2+$0x0], $0xffff  }
0xf8: {  	v18 =	vld [tilespmem:s26+$0x8200];
	v21 =	vadd.f32 v21, v19;
	v22 =	vmul.f32 v22, v25;
	v31 =	vmul.f32 v31, v26  }
0xf9: {  	v39 =	vadd.s32 $0x3CC9, v29;
	v34 =	vmul.f32 v34, v13;
	v19 =	vld [tilespmem:s26+$0x8100]  }
0xfa: {  	v30 =	vmul.f32 v30, v15;
	[tilespmem:s23+$0xE900] =	vst v21;
	v21 =	vld [tilespmem:s26+$0x8180];
	v22 =	vadd.f32 v31, v22;
	v20 =	vmul.f32 v20, v24  }
0xfb: {  	v51 =	vadd.s32 $0x999, v16;
	v32 =	vld.idx.msk [tilespmem:v47+s2+$0x0], $0xffff;
	v31 =	vadd.s32 $0x3CC9, v28  }
0xfc: {  	v50 =	vmul.f32 v36, v12;
	v30 =	vadd.f32 v30, v34;
	v37 =	vld.idx.msk [tilespmem:v49+s2+$0x0], $0xffff;
	v22 =	vadd.f32 v20, v22  }
0xfd: {  	v57 =	vadd.s32 $0x999, v14;
	v38 =	vld.idx.msk [tilespmem:v38+s2+$0x0], $0xffff;
	v23 =	vmul.f32 v23, v7;
	v33 =	vmul.f32 v48, v8  }
0xfe: {  	v41 =	vadd.s32 $0x3CC9, v27;
	v20 =	vld [tilespmem:s26+$0x4E00];
	v30 =	vadd.f32 v50, v30;
	[tilespmem:s28+$0xEA00] =	vst v22  }
0xff: {  	v40 =	vadd.s32 $0x1998, v9;
	v52 =	vmul.f32 v35, v6;
	v23 =	vadd.f32 v33, v23;
	v53 =	vld.idx.msk [tilespmem:v39+s2+$0x0], $0xffff  }
0x100: {  	v22 =	vadd.s32 $0x1998, v10;
	[tilespmem:s25+$0x18500] =	vst v30;
	v30 =	vadd.s32 $0x999, v17;
	v31 =	vld.idx.msk [tilespmem:v31+s2+$0x0], $0xffff  }
0x101: {  	v54 =	vld.idx.msk [tilespmem:v51+s2+$0x0], $0xffff;
	v32 =	vmul.f32 v32, v0;
	v56 =	vmul.f32 v37, v1;
	v23 =	vadd.f32 v52, v23  }
0x102: {  	v55 =	vadd.s32 $0x1998, v11;
	v37 =	vld.idx.msk [tilespmem:v57+s2+$0x0], $0xffff  }
0x103: {  	v60 =	vadd.s32 $0x2CCA, v4;
	v59 =	vmul.f32 v38, v2;
	v32 =	vadd.f32 v56, v32;
	[tilespmem:s24+$0x11E00] =	vst v23;
	v23 =	vld.idx.msk [tilespmem:v41+s2+$0x0], $0xffff  }
0x104: {  	v62 =	vadd.s32 $0x2CCA, v3;
	v58 =	vld.idx.msk [tilespmem:v40+s2+$0x0], $0xffff  }
0x105: {  	v61 =	vld.idx.msk [tilespmem:v22+s2+$0x0], $0xffff;
	v22 =	vadd.s32 $0x2CCA, v5;
	v32 =	vadd.f32 v59, v32  }
0x106: {  	v30 =	vld.idx.msk [tilespmem:v30+s2+$0x0], $0xffff;
	v34 =	vmul.f32 v53, v25;
	v31 =	vmul.f32 v31, v26  }
0x107: {  	v35 =	vld.idx.msk [tilespmem:v55+s2+$0x0], $0xffff;
	[tilespmem:s23+$0x15100] =	vst v32  }
0x108: {  	v63 =	vadd.s32 $0x3FFC, v29;
	v32 =	vld.idx.msk [tilespmem:v60+s2+$0x0], $0xffff;
	v31 =	vadd.f32 v31, v34;
	v23 =	vmul.f32 v23, v24  }
0x109: {  	v46 =	vadd.s32 $0x3FFC, v28;
	v36 =	vld.idx.msk [tilespmem:v62+s2+$0x0], $0xffff  }
0x10a: {  	v45 =	vld.idx.msk [tilespmem:v22+s2+$0x0], $0xffff;
	v39 =	vmul.f32 v58, v7;
	v40 =	vmul.f32 v61, v8;
	v31 =	vadd.f32 v23, v31  }
0x10b: {  	v42 =	vadd.s32 $0x1CCB, v9;
	v43 =	vadd.s32 $0x3FFC, v27;
	v33 =	vmul.f32 v54, v13;
	v22 =	vld [tilespmem:s26+$0x4D00]  }
0x10c: {  	v30 =	vmul.f32 v30, v15;
	v35 =	vmul.f32 v35, v6;
	v23 =	vld [tilespmem:s26+$0x4D80];
	v39 =	vadd.f32 v40, v39;
	[tilespmem:s28+$0x15200] =	vst v31  }
0x10d: {  	v47 =	vadd.s32 $0x1CCB, v10;
	v50 =	vadd.s32 $0x1CCB, v11;
	v34 =	vld.idx.msk [tilespmem:v63+s2+$0x0], $0xffff  }
0x10e: {  	v48 =	vmul.f32 v37, v12;
	v30 =	vadd.f32 v30, v33;
	v35 =	vadd.f32 v35, v39;
	v49 =	vld.idx.msk [tilespmem:v46+s2+$0x0], $0xffff  }
0x10f: {  	v51 =	vadd.s32 $0xCCC, v17;
	v39 =	vld.idx.msk [tilespmem:v20+s2+$0x0], $0xffff  }
0x110: {  	v55 =	vadd.s32 $0xCCC, v14;
	v30 =	vadd.f32 v48, v30;
	v52 =	vld.idx.msk [tilespmem:v43+s2+$0x0], $0xffff;
	[tilespmem:s24+$0x18600] =	vst v35  }
0x111: {  	v31 =	vadd.s32 $0xCCC, v16;
	v32 =	vmul.f32 v32, v0;
	v38 =	vmul.f32 v45, v1;
	v42 =	vld.idx.msk [tilespmem:v42+s2+$0x0], $0xffff  }
0x112: {  	[tilespmem:s25+$0xB580] =	vst v30;
	v30 =	vld.idx.msk [tilespmem:v47+s2+$0x0], $0xffff  }
0x113: {  	v53 =	vadd.s32 $0x2FFD, v4;
	v36 =	vmul.f32 v36, v2;
	v32 =	vadd.f32 v38, v32;
	v56 =	vld.idx.msk [tilespmem:v50+s2+$0x0], $0xffff  }
0x114: {  	v54 =	vadd.s32 $0x2FFD, v5;
	v33 =	vld.idx.msk [tilespmem:v51+s2+$0x0], $0xffff  }
0x115: {  	v43 =	vld.idx.msk [tilespmem:v55+s2+$0x0], $0xffff;
	v32 =	vadd.f32 v36, v32;
	v34 =	vmul.f32 v34, v25;
	v37 =	vmul.f32 v49, v26  }
0x116: {  	v57 =	vadd.s32 $0x2FFD, v3;
	v31 =	vld.idx.msk [tilespmem:v31+s2+$0x0], $0xffff  }
0x117: {  	v58 =	vadd.s32 $0x432F, v29;
	v63 =	vld.idx.msk [tilespmem:v22+s2+$0x0], $0xffff;
	v35 =	vmul.f32 v52, v24;
	[tilespmem:s23+$0x1B900] =	vst v32;
	v34 =	vadd.f32 v37, v34  }
0x118: {  	v60 =	vadd.s32 $0x432F, v28;
	v32 =	vld.idx.msk [tilespmem:v53+s2+$0x0], $0xffff;
	v42 =	vmul.f32 v42, v7;
	v30 =	vmul.f32 v30, v8  }
0x119: {  	v62 =	vadd.s32 $0x432F, v27;
	v59 =	vld.idx.msk [tilespmem:v54+s2+$0x0], $0xffff;
	v34 =	vadd.f32 v35, v34  }
0x11a: {  	v44 =	vadd.s32 $0x1FFE, v9;
	v45 =	vld.idx.msk [tilespmem:v23+s2+$0x0], $0xffff;
	v36 =	vmul.f32 v56, v6;
	v30 =	vadd.f32 v30, v42  }
0x11b: {  	v48 =	vadd.s32 $0x1FFE, v10;
	v61 =	vld.idx.msk [tilespmem:v57+s2+$0x0], $0xffff;
	v33 =	vmul.f32 v33, v15;
	v31 =	vmul.f32 v31, v13;
	[tilespmem:s28+$0x1BA00] =	vst v34  }
0x11c: {  	v46 =	vadd.s32 $0xFFF, v14;
	v50 =	vadd.s32 $0x1FFE, v11;
	v37 =	vld.idx.msk [tilespmem:v58+s2+$0x0], $0xffff;
	v30 =	vadd.f32 v36, v30  }
0x11d: {  	v52 =	vadd.s32 $0xFFF, v16;
	v51 =	vmul.f32 v43, v12;
	v31 =	vadd.f32 v33, v31;
	v49 =	vld.idx.msk [tilespmem:v60+s2+$0x0], $0xffff  }
0x11e: {  	v56 =	vadd.s32 $0xFFF, v17;
	v32 =	vmul.f32 v32, v0;
	v38 =	vmul.f32 v59, v1;
	[tilespmem:s24+$0xB680] =	vst v30;
	v30 =	vld.idx.msk [tilespmem:v62+s2+$0x0], $0xffff  }
0x11f: {  	v53 =	vadd.s32 $0x3330, v4;
	v42 =	vmul.f32 v63, v19;
	v31 =	vadd.f32 v51, v31;
	v54 =	vld.idx.msk [tilespmem:v44+s2+$0x0], $0xffff  }
0x120: {  	v45 =	vmul.f32 v45, v21;
	v35 =	vmul.f32 v61, v2;
	v32 =	vadd.f32 v38, v32;
	v34 =	vld.idx.msk [tilespmem:v48+s2+$0x0], $0xffff  }
0x121: {  	v55 =	vadd.s32 $0x3330, v5;
	v39 =	vmul.f32 v39, v18;
	[tilespmem:s25+$0x11D80] =	vst v31;
	v31 =	vld.idx.msk [tilespmem:v50+s2+$0x0], $0xffff  }
0x122: {  	v58 =	vadd.s32 $0x3330, v3;
	v60 =	vadd.f32 v45, v42;
	v43 =	vld.idx.msk [tilespmem:v52+s2+$0x0], $0xffff;
	v32 =	vadd.f32 v35, v32  }
0x123: {  	v61 =	vadd.s32 $0x333, v22;
	v44 =	vld.idx.msk [tilespmem:v56+s2+$0x0], $0xffff;
	v37 =	vmul.f32 v37, v25;
	v36 =	vmul.f32 v49, v26  }
0x124: {  	v57 =	vadd.s32 $0x4662, v29;
	v51 =	vadd.s32 $0x333, v23;
	v49 =	vld.idx.msk [tilespmem:v46+s2+$0x0], $0xffff;
	[tilespmem:s23+$0xE980] =	vst v32  }
0x125: {  	v62 =	vadd.f32 v39, v60;
	v36 =	vadd.f32 v36, v37;
	v30 =	vmul.f32 v30, v24;
	v32 =	vld.idx.msk [tilespmem:v53+s2+$0x0], $0xffff  }
0x126: {  	v59 =	vadd.s32 $0x4662, v28;
	v33 =	vld.idx.msk [tilespmem:v55+s2+$0x0], $0xffff;
	v41 =	vmul.f32 v54, v7;
	v34 =	vmul.f32 v34, v8  }
0x127: {  	v48 =	vadd.s32 $0x4662, v27;
	[tilespmem:s26+$0xB500] =	vst v62;
	v63 =	vld.idx.msk [tilespmem:v58+s2+$0x0], $0xffff;
	v30 =	vadd.f32 v30, v36  }
0x128: {  	v50 =	vadd.s32 $0x2331, v9;
	v31 =	vmul.f32 v31, v6;
	v53 =	vld.idx.msk [tilespmem:v61+s2+$0x0], $0xffff;
	v34 =	vadd.f32 v34, v41  }
0x129: {  	v55 =	vadd.s32 $0x333, v20;
	v36 =	vld.idx.msk [tilespmem:v51+s2+$0x0], $0xffff;
	[tilespmem:s28+$0xEA80] =	vst v30;
	v30 =	vadd.s32 $0x2331, v10  }
0x12a: {  	v43 =	vmul.f32 v43, v13;
	v44 =	vmul.f32 v44, v15;
	v35 =	vld.idx.msk [tilespmem:v57+s2+$0x0], $0xffff;
	v31 =	vadd.f32 v31, v34  }
0x12b: {  	v54 =	vadd.s32 $0x2331, v11;
	v52 =	vld.idx.msk [tilespmem:v59+s2+$0x0], $0xffff;
	v32 =	vmul.f32 v32, v0;
	v33 =	vmul.f32 v33, v1  }
0x12c: {  	v40 =	vmul.f32 v49, v12;
	v43 =	vadd.f32 v44, v43;
	v39 =	vld.idx.msk [tilespmem:v48+s2+$0x0], $0xffff;
	v57 =	vadd.s32 $0x1332, v16;
	[tilespmem:s24+$0x11E80] =	vst v31  }
0x12d: {  	v56 =	vmul.f32 v63, v2;
	v31 =	vadd.s32 $0x3663, v4;
	v41 =	vld.idx.msk [tilespmem:v50+s2+$0x0], $0xffff;
	v32 =	vadd.f32 v33, v32  }
0x12e: {  	v58 =	vadd.s32 $0x3663, v5;
	v40 =	vadd.f32 v40, v43;
	v30 =	vld.idx.msk [tilespmem:v30+s2+$0x0], $0xffff  }
0x12f: {  	v62 =	vadd.s32 $0x1332, v17;
	v61 =	vld.idx.msk [tilespmem:v55+s2+$0x0], $0xffff;
	v32 =	vadd.f32 v56, v32  }
0x130: {  	v60 =	vadd.s32 $0x3663, v3;
	v59 =	vld.idx.msk [tilespmem:v54+s2+$0x0], $0xffff;
	[tilespmem:s25+$0x18580] =	vst v40;
	v35 =	vmul.f32 v35, v25;
	v34 =	vmul.f32 v52, v26  }
0x131: {  	v47 =	vadd.s32 $0x1332, v14;
	v29 =	vadd.s32 $0x4995, v29;
	v38 =	vld.idx.msk [tilespmem:v57+s2+$0x0], $0xffff;
	[tilespmem:s23+$0x15180] =	vst v32  }
0x132: {  	v28 =	vadd.s32 $0x4995, v28;
	v45 =	vmul.f32 v39, v24;
	v63 =	vadd.f32 v34, v35;
	v31 =	vld.idx.msk [tilespmem:v31+s2+$0x0], $0xffff  }
0x133: {  	v27 =	vadd.s32 $0x4995, v27;
	v48 =	vld.idx.msk [tilespmem:v58+s2+$0x0], $0xffff;
	v49 =	vmul.f32 v41, v7;
	v30 =	vmul.f32 v30, v8  }
0x134: {  	v36 =	vmul.f32 v36, v21;
	v50 =	vmul.f32 v53, v19;
	v52 =	vld.idx.msk [tilespmem:v62+s2+$0x0], $0xffff;
	v32 =	vadd.f32 v45, v63  }
0x135: {  	v53 =	vadd.s32 $0x2664, v9;
	v51 =	vld.idx.msk [tilespmem:v60+s2+$0x0], $0xffff;
	v33 =	vmul.f32 v59, v6;
	v30 =	vadd.f32 v30, v49  }
0x136: {  	v55 =	vadd.s32 $0x2664, v10;
	v54 =	vadd.s32 $0x666, v20;
	v58 =	vld.idx.msk [tilespmem:v47+s2+$0x0], $0xffff;
	[tilespmem:s28+$0x15280] =	vst v32  }
0x137: {  	v57 =	vmul.f32 v61, v18;
	v56 =	vld.idx.msk [tilespmem:v29+s2+$0x0], $0xffff;
	v29 =	vadd.f32 v36, v50;
	v30 =	vadd.f32 v33, v30  }
0x138: {  	v59 =	vadd.s32 $0x2664, v11;
	v28 =	vld.idx.msk [tilespmem:v28+s2+$0x0], $0xffff;
	v31 =	vmul.f32 v31, v0;
	v60 =	vmul.f32 v48, v1  }
0x139: {  	v61 =	vadd.s32 $0x666, v22;
	v34 =	vadd.f32 v57, v29;
	[tilespmem:s24+$0x18680] =	vst v30;
	v30 =	vld.idx.msk [tilespmem:v27+s2+$0x0], $0xffff  }
0x13a: {  	v36 =	vadd.s32 $0x3996, v4;
	v62 =	vmul.f32 v51, v2;
	v31 =	vadd.f32 v60, v31;
	v29 =	vld.idx.msk [tilespmem:v53+s2+$0x0], $0xffff  }
0x13b: {  	v37 =	vadd.s32 $0x3996, v5;
	v63 =	vmul.f32 v38, v13;
	[tilespmem:s26+$0x11D00] =	vst v34;
	v32 =	vld.idx.msk [tilespmem:v55+s2+$0x0], $0xffff  }
0x13c: {  	v41 =	vmul.f32 v52, v15;
	v33 =	vadd.s32 $0x666, v23;
	v27 =	vld.idx.msk [tilespmem:v54+s2+$0x0], $0xffff;
	v40 =	vadd.f32 v62, v31  }
0x13d: {  	v35 =	vadd.s32 $0x3996, v3;
	v31 =	vld.idx.msk [tilespmem:v59+s2+$0x0], $0xffff;
	v38 =	vmul.f32 v56, v25;
	v26 =	vmul.f32 v28, v26  }
0x13e: {  	s30 =	simm.s32 $0x50;
	v39 =	vmul.f32 v58, v12;
	v34 =	vadd.s32 $0x1665, v16;
	v28 =	vld.idx.msk [tilespmem:v61+s2+$0x0], $0xffff;
	v25 =	vadd.f32 v41, v63;
	[tilespmem:s23+$0x1B980] =	vst v40  }
.LBB2_2:
0x13f: {  	p0 =	sne.s32 s30, $0x670;
	v40 =	vadd.s32 $0x1665, v17;
	v36 =	vld.idx.msk [tilespmem:v36+s2+$0x0], $0xffff;
	v41 =	vadd.f32 v26, v38;
	v30 =	vmul.f32 v30, v24;
	v24 =	vmovc v2  }
0x140: {  	v38 =	vadd.s32 $0x1665, v14;
	v2 =	vmovc v6;
	v6 =	vmovc v12;
	v12 =	vmov v18;
	v39 =	vadd.f32 v39, v25;
	v37 =	vld.idx.msk [tilespmem:v37+s2+$0x0], $0xffff  }
0x141: {  	v18 =	vmul.f32 v29, v7;
	v29 =	vmul.f32 v32, v8;
	v33 =	vld.idx.msk [tilespmem:v33+s2+$0x0], $0xffff;
	v30 =	vadd.f32 v30, v41  }
0x142: {  	s29 =	sadd.s32 $0x40, s29;
	v26 =	vmovc v1;
	v1 =	vmovc v8;
	v25 =	vmov v7;
	v7 =	vmov v13;
	v13 =	vmov v19;
	[tilespmem:s25+$0xB600] =	vst v39;
	v32 =	vld.idx.msk [tilespmem:v35+s2+$0x0], $0xffff  }
0x143: {  	s31 =	sand.u32 $0x70, s30;
	s1 =	sand.u32 $0x1E00, s29;
	v19 =	vadd.f32 v29, v18;
	v29 =	vmul.f32 v31, v2;
	v31 =	vadd.s32 $0x2997, v9;
	v34 =	vld.idx.msk [tilespmem:v34+s2+$0x0], $0xffff;
	[tilespmem:s28+$0x1BA80] =	vst v30;
	s28 =	smov.u32 s23  }
0x144: {  	v8 =	vmov v15;
	v15 =	vmov v21;
	s1 =	sor.u32 s31, s1;
	v35 =	vadd.s32 $0x2997, v10;
	s23 =	smov.u32 s24;
	s24 =	smov.u32 s25;
	v30 =	vld.idx.msk [tilespmem:v40+s2+$0x0], $0xffff  }
0x145: {  	s25 =	smov.u32 s26;
	s26 =	smov.u32 s1;
	v21 =	vadd.f32 v29, v19;
	v18 =	vld [tilespmem:s1+$0x8200]  }
0x146: {  	v36 =	vmul.f32 v36, v0;
	v37 =	vmul.f32 v37, v26;
	v29 =	vld.idx.msk [tilespmem:v38+s2+$0x0], $0xffff;
	v38 =	vadd.s32 $0x2997, v11  }
0x147: {  	v39 =	vadd.s32 $0x3CC9, v4;
	v28 =	vmul.f32 v28, v13;
	v33 =	vmul.f32 v33, v15;
	v19 =	vld [tilespmem:s26+$0x8100];
	[tilespmem:s23+$0xE900] =	vst v21  }
0x148: {  	v36 =	vadd.f32 v37, v36;
	v32 =	vmul.f32 v32, v24;
	v37 =	vadd.s32 $0x3CC9, v5;
	v31 =	vld.idx.msk [tilespmem:v31+s2+$0x0], $0xffff  }
0x149: {  	v40 =	vadd.s32 $0x999, v22;
	v28 =	vadd.f32 v33, v28;
	v33 =	vmul.f32 v27, v12;
	v35 =	vld.idx.msk [tilespmem:v35+s2+$0x0], $0xffff  }
0x14a: {  	v34 =	vmul.f32 v34, v7;
	v30 =	vmul.f32 v30, v8;
	v32 =	vadd.f32 v32, v36;
	v21 =	vld [tilespmem:s26+$0x8180]  }
0x14b: {  	v41 =	vadd.s32 $0x3CC9, v3;
	v36 =	vadd.s32 $0x1998, v16;
	v38 =	vld.idx.msk [tilespmem:v38+s2+$0x0], $0xffff  }
0x14c: {  	v28 =	vadd.f32 v33, v28;
	v30 =	vadd.f32 v30, v34;
	v29 =	vmul.f32 v29, v6;
	v27 =	vld [tilespmem:s26+$0x4E00];
	[tilespmem:s28+$0xEA00] =	vst v32  }
0x14d: {  	v32 =	vadd.s32 $0x1998, v17;
	v33 =	vld.idx.msk [tilespmem:v39+s2+$0x0], $0xffff  }
0x14e: {  	v29 =	vadd.f32 v29, v30;
	[tilespmem:s25+$0x18500] =	vst v28;
	v28 =	vadd.s32 $0x999, v23;
	v30 =	vld.idx.msk [tilespmem:v37+s2+$0x0], $0xffff  }
0x14f: {  	v31 =	vmul.f32 v31, v25;
	v37 =	vadd.s32 $0x1998, v14;
	v35 =	vmul.f32 v35, v1;
	v34 =	vld.idx.msk [tilespmem:v40+s2+$0x0], $0xffff  }
0x150: {  	v39 =	vadd.s32 $0x999, v20;
	[tilespmem:s24+$0x11E00] =	vst v29;
	v29 =	vld.idx.msk [tilespmem:v41+s2+$0x0], $0xffff  }
0x151: {  	v31 =	vadd.f32 v35, v31;
	v35 =	vmul.f32 v38, v2;
	v38 =	vadd.s32 $0x2CCA, v9;
	v36 =	vld.idx.msk [tilespmem:v36+s2+$0x0], $0xffff  }
0x152: {  	v40 =	vadd.s32 $0x2CCA, v10;
	v32 =	vld.idx.msk [tilespmem:v32+s2+$0x0], $0xffff  }
0x153: {  	v41 =	vld.idx.msk [tilespmem:v28+s2+$0x0], $0xffff;
	v28 =	vadd.f32 v35, v31  }
0x154: {  	v33 =	vmul.f32 v33, v0;
	v35 =	vadd.s32 $0x2CCA, v11;
	v30 =	vmul.f32 v30, v26;
	v31 =	vld.idx.msk [tilespmem:v37+s2+$0x0], $0xffff  }
0x155: {  	v37 =	vld.idx.msk [tilespmem:v39+s2+$0x0], $0xffff;
	[tilespmem:s23+$0x15100] =	vst v28  }
0x156: {  	v28 =	vadd.f32 v30, v33;
	v30 =	vmul.f32 v29, v24;
	v33 =	vadd.s32 $0x3FFC, v4;
	v38 =	vld.idx.msk [tilespmem:v38+s2+$0x0], $0xffff  }
0x157: {  	v39 =	vld.idx.msk [tilespmem:v40+s2+$0x0], $0xffff;
	v40 =	vadd.s32 $0x3FFC, v5  }
0x158: {  	v36 =	vmul.f32 v36, v7;
	v32 =	vmul.f32 v32, v8;
	v30 =	vadd.f32 v30, v28;
	v29 =	vld [tilespmem:s26+$0x4D00]  }
0x159: {  	v42 =	vadd.s32 $0x1CCB, v16;
	v43 =	vadd.s32 $0x3FFC, v3;
	v34 =	vmul.f32 v34, v13;
	v35 =	vld.idx.msk [tilespmem:v35+s2+$0x0], $0xffff  }
0x15a: {  	v41 =	vmul.f32 v41, v15;
	v32 =	vadd.f32 v32, v36;
	v31 =	vmul.f32 v31, v6;
	v28 =	vld [tilespmem:s26+$0x4D80];
	[tilespmem:s28+$0x15200] =	vst v30  }
0x15b: {  	v36 =	vadd.s32 $0x1CCB, v17;
	v30 =	vadd.s32 $0xCCC, v22;
	v33 =	vld.idx.msk [tilespmem:v33+s2+$0x0], $0xffff  }
0x15c: {  	v34 =	vadd.f32 v41, v34;
	v37 =	vmul.f32 v37, v12;
	v31 =	vadd.f32 v31, v32;
	v32 =	vld.idx.msk [tilespmem:v40+s2+$0x0], $0xffff  }
0x15d: {  	v41 =	vadd.s32 $0x1CCB, v14;
	v38 =	vmul.f32 v38, v25;
	v39 =	vmul.f32 v39, v1;
	v40 =	vld.idx.msk [tilespmem:v27+s2+$0x0], $0xffff  }
0x15e: {  	v34 =	vadd.f32 v37, v34;
	v37 =	vadd.s32 $0xCCC, v23;
	[tilespmem:s24+$0x18600] =	vst v31;
	v31 =	vld.idx.msk [tilespmem:v43+s2+$0x0], $0xffff  }
0x15f: {  	v38 =	vadd.f32 v39, v38;
	v35 =	vmul.f32 v35, v2;
	v39 =	vadd.s32 $0x2FFD, v9;
	v42 =	vld.idx.msk [tilespmem:v42+s2+$0x0], $0xffff  }
0x160: {  	[tilespmem:s25+$0xB580] =	vst v34;
	v34 =	vld.idx.msk [tilespmem:v36+s2+$0x0], $0xffff;
	v36 =	vadd.s32 $0x2FFD, v10  }
0x161: {  	v43 =	vadd.s32 $0xCCC, v20;
	v35 =	vadd.f32 v35, v38;
	v30 =	vld.idx.msk [tilespmem:v30+s2+$0x0], $0xffff  }
0x162: {  	v33 =	vmul.f32 v33, v0;
	v32 =	vmul.f32 v32, v26;
	v38 =	vld.idx.msk [tilespmem:v41+s2+$0x0], $0xffff;
	v41 =	vadd.s32 $0x2FFD, v11  }
0x163: {  	v37 =	vld.idx.msk [tilespmem:v37+s2+$0x0], $0xffff;
	[tilespmem:s23+$0x1B900] =	vst v35  }
0x164: {  	v32 =	vadd.f32 v32, v33;
	v31 =	vmul.f32 v31, v24;
	v33 =	vadd.s32 $0x432F, v4;
	v35 =	vld.idx.msk [tilespmem:v39+s2+$0x0], $0xffff  }
0x165: {  	v39 =	vadd.s32 $0x432F, v5;
	v36 =	vld.idx.msk [tilespmem:v36+s2+$0x0], $0xffff  }
0x166: {  	v42 =	vmul.f32 v42, v7;
	v34 =	vmul.f32 v34, v8;
	v31 =	vadd.f32 v31, v32;
	v43 =	vld.idx.msk [tilespmem:v43+s2+$0x0], $0xffff  }
0x167: {  	v32 =	vld.idx.msk [tilespmem:v41+s2+$0x0], $0xffff;
	v41 =	vadd.s32 $0x432F, v3  }
0x168: {  	v34 =	vadd.f32 v34, v42;
	v38 =	vmul.f32 v38, v6;
	v42 =	vadd.s32 $0x1FFE, v16;
	v44 =	vld.idx.msk [tilespmem:v29+s2+$0x0], $0xffff;
	[tilespmem:s28+$0x1BA00] =	vst v31  }
0x169: {  	v31 =	vadd.s32 $0x1FFE, v17;
	v33 =	vld.idx.msk [tilespmem:v33+s2+$0x0], $0xffff  }
0x16a: {  	v30 =	vmul.f32 v30, v13;
	v37 =	vmul.f32 v37, v15;
	v34 =	vadd.f32 v38, v34;
	v38 =	vld.idx.msk [tilespmem:v39+s2+$0x0], $0xffff  }
0x16b: {  	v45 =	vadd.s32 $0x1FFE, v14;
	v35 =	vmul.f32 v35, v25;
	v36 =	vmul.f32 v36, v1;
	v39 =	vld.idx.msk [tilespmem:v28+s2+$0x0], $0xffff  }
0x16c: {  	v30 =	vadd.f32 v37, v30;
	v37 =	vmul.f32 v43, v12;
	v43 =	vadd.s32 $0xFFF, v22;
	[tilespmem:s24+$0xB680] =	vst v34;
	v34 =	vld.idx.msk [tilespmem:v41+s2+$0x0], $0xffff  }
0x16d: {  	v35 =	vadd.f32 v36, v35;
	v32 =	vmul.f32 v32, v2;
	v36 =	vadd.s32 $0x3330, v9;
	v41 =	vld.idx.msk [tilespmem:v42+s2+$0x0], $0xffff  }
0x16e: {  	v30 =	vadd.f32 v37, v30;
	v37 =	vadd.s32 $0x3330, v10;
	v31 =	vld.idx.msk [tilespmem:v31+s2+$0x0], $0xffff  }
0x16f: {  	v42 =	vadd.s32 $0xFFF, v23;
	v32 =	vadd.f32 v32, v35;
	v35 =	vadd.s32 $0x4662, v4  }
0x170: {  	v33 =	vmul.f32 v33, v0;
	v38 =	vmul.f32 v38, v26;
	[tilespmem:s25+$0x11D80] =	vst v30;
	v30 =	vld.idx.msk [tilespmem:v45+s2+$0x0], $0xffff;
	v45 =	vadd.s32 $0x3330, v11  }
0x171: {  	v46 =	vadd.s32 $0xFFF, v20;
	v44 =	vmul.f32 v44, v19;
	v39 =	vmul.f32 v39, v21;
	v43 =	vld.idx.msk [tilespmem:v43+s2+$0x0], $0xffff;
	[tilespmem:s23+$0xE980] =	vst v32  }
0x172: {  	v33 =	vadd.f32 v38, v33;
	v34 =	vmul.f32 v34, v24;
	v32 =	vld.idx.msk [tilespmem:v36+s2+$0x0], $0xffff;
	v36 =	vadd.s32 $0x4662, v5  }
0x173: {  	v38 =	vadd.f32 v39, v44;
	v39 =	vmul.f32 v40, v18;
	v40 =	vadd.s32 $0x333, v29;
	v37 =	vld.idx.msk [tilespmem:v37+s2+$0x0], $0xffff  }
0x174: {  	v41 =	vmul.f32 v41, v7;
	v31 =	vmul.f32 v31, v8;
	v33 =	vadd.f32 v34, v33;
	v42 =	vld.idx.msk [tilespmem:v42+s2+$0x0], $0xffff  }
0x175: {  	v34 =	vadd.f32 v39, v38;
	v39 =	vadd.s32 $0x4662, v3;
	v38 =	vld.idx.msk [tilespmem:v45+s2+$0x0], $0xffff  }
0x176: {  	v31 =	vadd.f32 v31, v41;
	v30 =	vmul.f32 v30, v6;
	v41 =	vadd.s32 $0x2331, v16;
	v44 =	vld.idx.msk [tilespmem:v46+s2+$0x0], $0xffff;
	[tilespmem:s28+$0xEA80] =	vst v33  }
0x177: {  	v33 =	vadd.s32 $0x2331, v17;
	v35 =	vld.idx.msk [tilespmem:v35+s2+$0x0], $0xffff  }
0x178: {  	v30 =	vadd.f32 v30, v31;
	[tilespmem:s26+$0xB500] =	vst v34;
	v34 =	vadd.s32 $0x333, v28;
	v31 =	vld.idx.msk [tilespmem:v36+s2+$0x0], $0xffff  }
0x179: {  	v32 =	vmul.f32 v32, v25;
	v37 =	vmul.f32 v37, v1;
	v36 =	vld.idx.msk [tilespmem:v40+s2+$0x0], $0xffff;
	v40 =	vadd.s32 $0x2331, v14  }
0x17a: {  	v45 =	vadd.s32 $0x333, v27;
	v43 =	vmul.f32 v43, v13;
	[tilespmem:s24+$0x11E80] =	vst v30;
	v30 =	vadd.s32 $0x3663, v9;
	v39 =	vld.idx.msk [tilespmem:v39+s2+$0x0], $0xffff  }
0x17b: {  	v42 =	vmul.f32 v42, v15;
	v32 =	vadd.f32 v37, v32;
	v37 =	vmul.f32 v38, v2;
	v41 =	vld.idx.msk [tilespmem:v41+s2+$0x0], $0xffff  }
0x17c: {  	v46 =	vadd.s32 $0x3663, v10;
	v38 =	vadd.s32 $0x1332, v22;
	v33 =	vld.idx.msk [tilespmem:v33+s2+$0x0], $0xffff  }
0x17d: {  	v42 =	vadd.f32 v42, v43;
	v43 =	vmul.f32 v44, v12;
	v32 =	vadd.f32 v37, v32;
	v34 =	vld.idx.msk [tilespmem:v34+s2+$0x0], $0xffff  }
0x17e: {  	v35 =	vmul.f32 v35, v0;
	v31 =	vmul.f32 v31, v26;
	v37 =	vld.idx.msk [tilespmem:v40+s2+$0x0], $0xffff;
	v40 =	vadd.s32 $0x3663, v11  }
0x17f: {  	v42 =	vadd.f32 v43, v42;
	v43 =	vadd.s32 $0x1332, v23;
	v44 =	vld.idx.msk [tilespmem:v45+s2+$0x0], $0xffff;
	[tilespmem:s23+$0x15180] =	vst v32  }
0x180: {  	v31 =	vadd.f32 v31, v35;
	v32 =	vmul.f32 v39, v24;
	v35 =	vadd.s32 $0x4995, v4;
	v4 =	vmovc v9;
	v30 =	vld.idx.msk [tilespmem:v30+s2+$0x0], $0xffff  }
0x181: {  	v5 =	vadd.s32 $0x4995, v5;
	v39 =	vadd.s32 $0x1332, v20;
	v9 =	vmovc v16;
	v16 =	vmovc v22;
	v22 =	vmov v29;
	[tilespmem:s25+$0x18580] =	vst v42;
	v42 =	vld.idx.msk [tilespmem:v46+s2+$0x0], $0xffff  }
0x182: {  	v29 =	vmul.f32 v41, v7;
	v33 =	vmul.f32 v33, v8;
	v31 =	vadd.f32 v32, v31;
	v38 =	vld.idx.msk [tilespmem:v38+s2+$0x0], $0xffff  }
0x183: {  	v32 =	vmul.f32 v36, v19;
	v34 =	vmul.f32 v34, v21;
	v36 =	vld.idx.msk [tilespmem:v40+s2+$0x0], $0xffff;
	v40 =	vadd.s32 $0x4995, v3;
	v3 =	vmovc v11  }
0x184: {  	v29 =	vadd.f32 v33, v29;
	v33 =	vmul.f32 v37, v6;
	v37 =	vadd.s32 $0x2664, v9;
	v41 =	vld.idx.msk [tilespmem:v43+s2+$0x0], $0xffff;
	[tilespmem:s28+$0x15280] =	vst v31  }
0x185: {  	v11 =	vmovc v14;
	v14 =	vmovc v20;
	v20 =	vmov v27;
	v31 =	vadd.s32 $0x666, v27;
	v43 =	vadd.s32 $0x2664, v17;
	v45 =	vld.idx.msk [tilespmem:v35+s2+$0x0], $0xffff  }
0x186: {  	v27 =	vadd.f32 v34, v32;
	v32 =	vmul.f32 v44, v18;
	v29 =	vadd.f32 v33, v29;
	v34 =	vld.idx.msk [tilespmem:v5+s2+$0x0], $0xffff  }
0x187: {  	v35 =	vadd.s32 $0x2664, v11;
	v33 =	vmul.f32 v30, v25;
	v42 =	vmul.f32 v42, v1;
	v5 =	vmovc v10;
	v39 =	vld.idx.msk [tilespmem:v39+s2+$0x0], $0xffff  }
0x188: {  	v44 =	vadd.s32 $0x666, v22;
	v27 =	vadd.f32 v32, v27;
	v10 =	vmovc v17;
	v17 =	vmov v23;
	[tilespmem:s24+$0x18680] =	vst v29;
	v30 =	vld.idx.msk [tilespmem:v40+s2+$0x0], $0xffff  }
.Ltmp0:
0x189: {  	v23 =	vmovc v28;
	v40 =	vadd.f32 v42, v33;
	v42 =	vmul.f32 v36, v2;
	v36 =	vadd.s32 $0x3996, v4;
	v29 =	vld.idx.msk [tilespmem:v37+s2+$0x0], $0xffff;
	(pc) =	sbr.rel @p0 .LBB2_2-.Ltmp0, $4  }
0x18a: {  	v33 =	vadd.s32 $0x666, v23;
	v37 =	vadd.s32 $0x3996, v5;
	[tilespmem:s26+$0x11D00] =	vst v27;
	v32 =	vld.idx.msk [tilespmem:v43+s2+$0x0], $0xffff  }
0x18b: {  	v41 =	vmul.f32 v41, v15;
	v43 =	vmul.f32 v38, v13;
	v40 =	vadd.f32 v42, v40;
	v27 =	vld.idx.msk [tilespmem:v31+s2+$0x0], $0xffff  }
0x18c: {  	v38 =	vmul.f32 v45, v0;
	v0 =	vmovc v25;
	v26 =	vmul.f32 v34, v26;
	v31 =	vld.idx.msk [tilespmem:v35+s2+$0x0], $0xffff;
	v35 =	vadd.s32 $0x3996, v3  }
0x18d: {  	s30 =	sadd.s32 $0x10, s30;
	v34 =	vadd.s32 $0x1665, v16;
	v25 =	vadd.f32 v41, v43;
	v39 =	vmul.f32 v39, v12;
	v28 =	vld.idx.msk [tilespmem:v44+s2+$0x0], $0xffff;
	[tilespmem:s23+$0x1B980] =	vst v40  }
0x18e: {  	_ =	sdelay $0x3  }
0x18f: {  	v36 =	vld.idx.msk [tilespmem:v36+s2+$0x0], $0xffff  }
0x190: {  	v37 =	vld.idx.msk [tilespmem:v37+s2+$0x0], $0xffff  }
0x191: {  	v40 =	vadd.s32 $0x1665, v17;
	v33 =	vld.idx.msk [tilespmem:v33+s2+$0x0], $0xffff;
	v29 =	vmul.f32 v29, v7;
	v32 =	vmul.f32 v32, v8  }
0x192: {  	v26 =	vadd.f32 v26, v38;
	v24 =	vmul.f32 v30, v24;
	v30 =	vld.idx.msk [tilespmem:v35+s2+$0x0], $0xffff;
	v57 =	vadd.s32 $0x1665, v14  }
0x193: {  	v25 =	vadd.f32 v39, v25;
	v29 =	vadd.f32 v32, v29;
	v31 =	vmul.f32 v31, v6  }
0x194: {  	v58 =	vadd.s32 $0x2997, v10;
	v24 =	vadd.f32 v24, v26;
	v26 =	vadd.s32 $0x2997, v9  }
0x195: {  	[tilespmem:s25+$0xB600] =	vst v25;
	v25 =	vadd.f32 v31, v29;
	v29 =	vmul.f32 v36, v0;
	v31 =	vmul.f32 v37, v1  }
0x196: {  	v59 =	vadd.s32 $0x2997, v11;
	v34 =	vld.idx.msk [tilespmem:v34+s2+$0x0], $0xffff;
	v28 =	vmul.f32 v28, v19;
	v33 =	vmul.f32 v33, v21  }
0x197: {  	v61 =	vadd.s32 $0x3CC9, v4;
	v60 =	vld.idx.msk [tilespmem:v40+s2+$0x0], $0xffff;
	v30 =	vmul.f32 v30, v2;
	v29 =	vadd.f32 v31, v29  }
0x198: {  	v27 =	vmul.f32 v27, v18;
	v31 =	vld.idx.msk [tilespmem:v57+s2+$0x0], $0xffff;
	[tilespmem:s24+$0xE900] =	vst v25;
	v25 =	vadd.s32 $0x3CC9, v5;
	v33 =	vadd.f32 v33, v28  }
0x199: {  	v62 =	vadd.s32 $0x999, v22;
	v26 =	vld.idx.msk [tilespmem:v26+s2+$0x0], $0xffff;
	v29 =	vadd.f32 v30, v29  }
0x19a: {  	v63 =	vadd.s32 $0x999, v23;
	[tilespmem:s28+$0x1BA80] =	vst v24;
	v28 =	vld.idx.msk [tilespmem:v58+s2+$0x0], $0xffff;
	v30 =	vadd.f32 v27, v33  }
0x19b: {  	v27 =	vld.idx.msk [tilespmem:v59+s2+$0x0], $0xffff;
	[tilespmem:s23+$0xEA00] =	vst v29  }
0x19c: {  	[tilespmem:s26+$0x18500] =	vst v30;
	v29 =	vadd.s32 $0x999, v20;
	v24 =	vld.idx.msk [tilespmem:v61+s2+$0x0], $0xffff  }
0x19d: {  	v25 =	vld.idx.msk [tilespmem:v25+s2+$0x0], $0xffff  }
0x19e: {  	v30 =	vld.idx.msk [tilespmem:v62+s2+$0x0], $0xffff  }
0x19f: {  	v32 =	vld.idx.msk [tilespmem:v63+s2+$0x0], $0xffff;
	_ =	sdelay $0x1  }
0x1a0: {  	v29 =	vld.idx.msk [tilespmem:v29+s2+$0x0], $0xffff;
	_ =	sdelay $0x2  }
0x1a1: {  	v30 =	vmul.f32 v30, v19;
	v32 =	vmul.f32 v32, v21;
	_ =	sdelay $0x1  }
0x1a2: {  	v39 =	vadd.s32 $0xCCC, v22;
	v30 =	vadd.f32 v32, v30;
	v29 =	vmul.f32 v29, v18  }
0x1a3: {  	v40 =	vadd.s32 $0xCCC, v23  }
0x1a4: {  	v29 =	vadd.f32 v29, v30  }
0x1a5: {  	v30 =	vadd.s32 $0xCCC, v20  }
0x1a6: {  	[tilespmem:s26+$0xB580] =	vst v29  }
0x1a7: {  	v29 =	vld.idx.msk [tilespmem:v39+s2+$0x0], $0xffff  }
0x1a8: {  	v32 =	vld.idx.msk [tilespmem:v40+s2+$0x0], $0xffff;
	_ =	sdelay $0x1  }
0x1a9: {  	v30 =	vld.idx.msk [tilespmem:v30+s2+$0x0], $0xffff;
	_ =	sdelay $0x2  }
0x1aa: {  	v29 =	vmul.f32 v29, v19;
	v32 =	vmul.f32 v32, v21;
	_ =	sdelay $0x1  }
0x1ab: {  	v41 =	vadd.s32 $0xFFF, v22;
	v29 =	vadd.f32 v32, v29;
	v30 =	vmul.f32 v30, v18  }
0x1ac: {  	v42 =	vadd.s32 $0xFFF, v23  }
0x1ad: {  	v29 =	vadd.f32 v30, v29  }
0x1ae: {  	v30 =	vadd.s32 $0xFFF, v20  }
0x1af: {  	[tilespmem:s26+$0x11D80] =	vst v29  }
0x1b0: {  	v29 =	vld.idx.msk [tilespmem:v41+s2+$0x0], $0xffff  }
0x1b1: {  	v43 =	vld.idx.msk [tilespmem:v42+s2+$0x0], $0xffff;
	_ =	sdelay $0x1  }
0x1b2: {  	v30 =	vld.idx.msk [tilespmem:v30+s2+$0x0], $0xffff;
	_ =	sdelay $0x2  }
0x1b3: {  	v29 =	vmul.f32 v29, v19;
	v32 =	vmul.f32 v43, v21;
	_ =	sdelay $0x1  }
0x1b4: {  	v44 =	vadd.s32 $0x1332, v22;
	v29 =	vadd.f32 v32, v29;
	v30 =	vmul.f32 v30, v18  }
0x1b5: {  	v45 =	vadd.s32 $0x1332, v23  }
0x1b6: {  	v29 =	vadd.f32 v30, v29  }
0x1b7: {  	v30 =	vadd.s32 $0x1332, v20  }
0x1b8: {  	[tilespmem:s26+$0x18580] =	vst v29  }
0x1b9: {  	v29 =	vld.idx.msk [tilespmem:v44+s2+$0x0], $0xffff  }
0x1ba: {  	v32 =	vld.idx.msk [tilespmem:v45+s2+$0x0], $0xffff;
	_ =	sdelay $0x1  }
0x1bb: {  	v30 =	vld.idx.msk [tilespmem:v30+s2+$0x0], $0xffff;
	_ =	sdelay $0x2  }
0x1bc: {  	v29 =	vmul.f32 v29, v19;
	v32 =	vmul.f32 v32, v21;
	_ =	sdelay $0x1  }
0x1bd: {  	v46 =	vadd.s32 $0x1665, v22;
	v29 =	vadd.f32 v32, v29;
	v30 =	vmul.f32 v30, v18  }
0x1be: {  	v47 =	vadd.s32 $0x1665, v23  }
0x1bf: {  	v29 =	vadd.f32 v30, v29  }
0x1c0: {  	v30 =	vadd.s32 $0x1665, v20  }
0x1c1: {  	[tilespmem:s26+$0xB600] =	vst v29  }
0x1c2: {  	v29 =	vld.idx.msk [tilespmem:v46+s2+$0x0], $0xffff  }
0x1c3: {  	v48 =	vld.idx.msk [tilespmem:v47+s2+$0x0], $0xffff;
	_ =	sdelay $0x1  }
0x1c4: {  	v49 =	vmul.f32 v34, v13;
	v50 =	vmul.f32 v60, v15;
	v30 =	vld.idx.msk [tilespmem:v30+s2+$0x0], $0xffff;
	_ =	sdelay $0x1  }
0x1c5: {  	v51 =	vadd.s32 $0x1998, v16;
	v33 =	vadd.f32 v50, v49;
	v31 =	vmul.f32 v31, v12  }
0x1c6: {  	v52 =	vadd.s32 $0x1998, v17;
	v29 =	vmul.f32 v29, v19;
	v32 =	vmul.f32 v48, v21  }
0x1c7: {  	v53 =	vadd.s32 $0x1998, v14;
	v31 =	vadd.f32 v31, v33  }
0x1c8: {  	v54 =	vadd.s32 $0x1998, v22;
	v29 =	vadd.f32 v32, v29;
	v30 =	vmul.f32 v30, v18  }
0x1c9: {  	[tilespmem:s25+$0x11E00] =	vst v31;
	v31 =	vadd.s32 $0x1998, v23  }
0x1ca: {  	v55 =	vld.idx.msk [tilespmem:v51+s2+$0x0], $0xffff;
	v29 =	vadd.f32 v30, v29  }
0x1cb: {  	v56 =	vadd.s32 $0x1998, v20;
	v30 =	vld.idx.msk [tilespmem:v52+s2+$0x0], $0xffff  }
0x1cc: {  	v33 =	vld.idx.msk [tilespmem:v53+s2+$0x0], $0xffff;
	[tilespmem:s26+$0x11E00] =	vst v29  }
0x1cd: {  	v29 =	vld.idx.msk [tilespmem:v54+s2+$0x0], $0xffff  }
0x1ce: {  	v31 =	vld.idx.msk [tilespmem:v31+s2+$0x0], $0xffff;
	_ =	sdelay $0x1  }
0x1cf: {  	v32 =	vmul.f32 v55, v13;
	v34 =	vld.idx.msk [tilespmem:v56+s2+$0x0], $0xffff;
	v30 =	vmul.f32 v30, v15;
	_ =	sdelay $0x1  }
0x1d0: {  	v57 =	vadd.s32 $0x1CCB, v16;
	v58 =	vmul.f32 v33, v12;
	v30 =	vadd.f32 v30, v32  }
0x1d1: {  	v59 =	vadd.s32 $0x1CCB, v17;
	v29 =	vmul.f32 v29, v19;
	v31 =	vmul.f32 v31, v21  }
0x1d2: {  	v60 =	vadd.s32 $0x1CCB, v14;
	v30 =	vadd.f32 v58, v30  }
0x1d3: {  	v61 =	vadd.s32 $0x1CCB, v22;
	v29 =	vadd.f32 v31, v29;
	v31 =	vmul.f32 v34, v18  }
0x1d4: {  	[tilespmem:s25+$0x18600] =	vst v30;
	v30 =	vadd.s32 $0x1CCB, v23  }
0x1d5: {  	v62 =	vld.idx.msk [tilespmem:v57+s2+$0x0], $0xffff;
	v29 =	vadd.f32 v31, v29  }
0x1d6: {  	v63 =	vadd.s32 $0x1CCB, v20;
	v31 =	vld.idx.msk [tilespmem:v59+s2+$0x0], $0xffff  }
0x1d7: {  	v32 =	vld.idx.msk [tilespmem:v60+s2+$0x0], $0xffff;
	[tilespmem:s26+$0x18600] =	vst v29  }
0x1d8: {  	v29 =	vld.idx.msk [tilespmem:v61+s2+$0x0], $0xffff  }
0x1d9: {  	v30 =	vld.idx.msk [tilespmem:v30+s2+$0x0], $0xffff;
	_ =	sdelay $0x1  }
0x1da: {  	v33 =	vld.idx.msk [tilespmem:v63+s2+$0x0], $0xffff;
	v34 =	vmul.f32 v62, v13;
	v31 =	vmul.f32 v31, v15;
	_ =	sdelay $0x1  }
0x1db: {  	v36 =	vadd.s32 $0x1FFE, v16;
	v32 =	vmul.f32 v32, v12;
	v31 =	vadd.f32 v31, v34  }
0x1dc: {  	v37 =	vadd.s32 $0x1FFE, v17;
	v29 =	vmul.f32 v29, v19;
	v30 =	vmul.f32 v30, v21  }
0x1dd: {  	v38 =	vadd.s32 $0x1FFE, v14;
	v31 =	vadd.f32 v32, v31  }
0x1de: {  	v39 =	vadd.s32 $0x1FFE, v22;
	v29 =	vadd.f32 v30, v29;
	v30 =	vmul.f32 v33, v18  }
0x1df: {  	[tilespmem:s25+$0xB680] =	vst v31;
	v31 =	vadd.s32 $0x1FFE, v23  }
0x1e0: {  	v34 =	vld.idx.msk [tilespmem:v36+s2+$0x0], $0xffff;
	v29 =	vadd.f32 v30, v29  }
0x1e1: {  	v40 =	vadd.s32 $0x1FFE, v20;
	v30 =	vld.idx.msk [tilespmem:v37+s2+$0x0], $0xffff  }
0x1e2: {  	v32 =	vld.idx.msk [tilespmem:v38+s2+$0x0], $0xffff;
	[tilespmem:s26+$0xB680] =	vst v29  }
0x1e3: {  	v29 =	vld.idx.msk [tilespmem:v39+s2+$0x0], $0xffff  }
0x1e4: {  	v31 =	vld.idx.msk [tilespmem:v31+s2+$0x0], $0xffff;
	_ =	sdelay $0x1  }
0x1e5: {  	v42 =	vld.idx.msk [tilespmem:v40+s2+$0x0], $0xffff;
	v41 =	vmul.f32 v34, v13;
	v30 =	vmul.f32 v30, v15;
	_ =	sdelay $0x1  }
0x1e6: {  	v43 =	vadd.s32 $0x2331, v16;
	v32 =	vmul.f32 v32, v12;
	v30 =	vadd.f32 v30, v41  }
0x1e7: {  	v44 =	vadd.s32 $0x2331, v17;
	v29 =	vmul.f32 v29, v19;
	v31 =	vmul.f32 v31, v21  }
0x1e8: {  	v45 =	vadd.s32 $0x2331, v14;
	v30 =	vadd.f32 v32, v30  }
0x1e9: {  	v46 =	vadd.s32 $0x2331, v22;
	v29 =	vadd.f32 v31, v29;
	v31 =	vmul.f32 v42, v18  }
0x1ea: {  	[tilespmem:s25+$0x11E80] =	vst v30;
	v30 =	vadd.s32 $0x2331, v23  }
0x1eb: {  	v33 =	vld.idx.msk [tilespmem:v43+s2+$0x0], $0xffff;
	v29 =	vadd.f32 v31, v29  }
0x1ec: {  	v47 =	vadd.s32 $0x2331, v20;
	v31 =	vld.idx.msk [tilespmem:v44+s2+$0x0], $0xffff  }
0x1ed: {  	v32 =	vld.idx.msk [tilespmem:v45+s2+$0x0], $0xffff;
	[tilespmem:s26+$0x11E80] =	vst v29  }
0x1ee: {  	v29 =	vld.idx.msk [tilespmem:v46+s2+$0x0], $0xffff  }
0x1ef: {  	v30 =	vld.idx.msk [tilespmem:v30+s2+$0x0], $0xffff;
	_ =	sdelay $0x1  }
0x1f0: {  	v48 =	vld.idx.msk [tilespmem:v47+s2+$0x0], $0xffff;
	v33 =	vmul.f32 v33, v13;
	v31 =	vmul.f32 v31, v15;
	_ =	sdelay $0x1  }
0x1f1: {  	v49 =	vadd.s32 $0x2664, v16;
	v32 =	vmul.f32 v32, v12;
	v31 =	vadd.f32 v31, v33  }
0x1f2: {  	v50 =	vadd.s32 $0x2664, v17;
	v29 =	vmul.f32 v29, v19;
	v30 =	vmul.f32 v30, v21  }
0x1f3: {  	v51 =	vadd.s32 $0x2664, v14;
	v31 =	vadd.f32 v32, v31  }
0x1f4: {  	v52 =	vadd.s32 $0x2664, v22;
	v29 =	vadd.f32 v30, v29;
	v30 =	vmul.f32 v48, v18  }
0x1f5: {  	[tilespmem:s25+$0x18680] =	vst v31;
	v31 =	vadd.s32 $0x2664, v23  }
0x1f6: {  	v33 =	vld.idx.msk [tilespmem:v49+s2+$0x0], $0xffff;
	v29 =	vadd.f32 v30, v29  }
0x1f7: {  	v53 =	vadd.s32 $0x2664, v20;
	v30 =	vld.idx.msk [tilespmem:v50+s2+$0x0], $0xffff  }
0x1f8: {  	v32 =	vld.idx.msk [tilespmem:v51+s2+$0x0], $0xffff;
	[tilespmem:s26+$0x18680] =	vst v29  }
0x1f9: {  	v29 =	vld.idx.msk [tilespmem:v52+s2+$0x0], $0xffff  }
0x1fa: {  	v31 =	vld.idx.msk [tilespmem:v31+s2+$0x0], $0xffff;
	_ =	sdelay $0x1  }
0x1fb: {  	v54 =	vld.idx.msk [tilespmem:v53+s2+$0x0], $0xffff;
	v33 =	vmul.f32 v33, v13;
	v30 =	vmul.f32 v30, v15;
	_ =	sdelay $0x1  }
0x1fc: {  	v55 =	vadd.s32 $0x2997, v16;
	v32 =	vmul.f32 v32, v12;
	v30 =	vadd.f32 v30, v33  }
0x1fd: {  	v56 =	vadd.s32 $0x2997, v17;
	v29 =	vmul.f32 v29, v19;
	v31 =	vmul.f32 v31, v21  }
0x1fe: {  	v57 =	vadd.s32 $0x2997, v14;
	v30 =	vadd.f32 v32, v30  }
0x1ff: {  	v58 =	vadd.s32 $0x2997, v22;
	v29 =	vadd.f32 v31, v29;
	v31 =	vmul.f32 v54, v18  }
0x200: {  	[tilespmem:s25+$0xE900] =	vst v30;
	v30 =	vadd.s32 $0x2997, v23  }
0x201: {  	v33 =	vld.idx.msk [tilespmem:v55+s2+$0x0], $0xffff;
	v29 =	vadd.f32 v31, v29  }
0x202: {  	v59 =	vadd.s32 $0x2997, v20;
	v31 =	vld.idx.msk [tilespmem:v56+s2+$0x0], $0xffff  }
0x203: {  	v32 =	vld.idx.msk [tilespmem:v57+s2+$0x0], $0xffff;
	[tilespmem:s26+$0xE900] =	vst v29  }
0x204: {  	v26 =	vmul.f32 v26, v7;
	v28 =	vmul.f32 v28, v8;
	v29 =	vld.idx.msk [tilespmem:v58+s2+$0x0], $0xffff  }
0x205: {  	v30 =	vld.idx.msk [tilespmem:v30+s2+$0x0], $0xffff  }
0x206: {  	v27 =	vmul.f32 v27, v6;
	v26 =	vadd.f32 v28, v26;
	v28 =	vadd.s32 $0x2CCA, v9  }
0x207: {  	v60 =	vadd.s32 $0x2CCA, v10;
	v35 =	vld.idx.msk [tilespmem:v59+s2+$0x0], $0xffff;
	v33 =	vmul.f32 v33, v13;
	v31 =	vmul.f32 v31, v15  }
0x208: {  	v26 =	vadd.f32 v27, v26;
	v27 =	vadd.s32 $0x2CCA, v11  }
0x209: {  	v61 =	vadd.s32 $0x2CCA, v16;
	v32 =	vmul.f32 v32, v12;
	v31 =	vadd.f32 v31, v33  }
0x20a: {  	[tilespmem:s24+$0x15100] =	vst v26;
	v26 =	vadd.s32 $0x2CCA, v17;
	v29 =	vmul.f32 v29, v19;
	v30 =	vmul.f32 v30, v21  }
0x20b: {  	v28 =	vld.idx.msk [tilespmem:v28+s2+$0x0], $0xffff;
	v62 =	vadd.s32 $0x2CCA, v14;
	v31 =	vadd.f32 v32, v31  }
0x20c: {  	v63 =	vadd.s32 $0x2CCA, v22;
	v34 =	vld.idx.msk [tilespmem:v60+s2+$0x0], $0xffff;
	v29 =	vadd.f32 v30, v29;
	v30 =	vmul.f32 v35, v18  }
0x20d: {  	v27 =	vld.idx.msk [tilespmem:v27+s2+$0x0], $0xffff;
	[tilespmem:s25+$0x15100] =	vst v31;
	v31 =	vadd.s32 $0x2CCA, v23  }
0x20e: {  	v33 =	vld.idx.msk [tilespmem:v61+s2+$0x0], $0xffff;
	v29 =	vadd.f32 v30, v29  }
0x20f: {  	v26 =	vld.idx.msk [tilespmem:v26+s2+$0x0], $0xffff;
	v30 =	vadd.s32 $0x2CCA, v20  }
0x210: {  	v32 =	vld.idx.msk [tilespmem:v62+s2+$0x0], $0xffff;
	[tilespmem:s26+$0x15100] =	vst v29  }
0x211: {  	v28 =	vmul.f32 v28, v7;
	v29 =	vmul.f32 v34, v8;
	v36 =	vld.idx.msk [tilespmem:v63+s2+$0x0], $0xffff  }
0x212: {  	v31 =	vld.idx.msk [tilespmem:v31+s2+$0x0], $0xffff  }
0x213: {  	v27 =	vmul.f32 v27, v6;
	v28 =	vadd.f32 v29, v28;
	v29 =	vadd.s32 $0x2FFD, v9  }
0x214: {  	v37 =	vadd.s32 $0x2FFD, v10;
	v33 =	vmul.f32 v33, v13;
	v26 =	vmul.f32 v26, v15;
	v30 =	vld.idx.msk [tilespmem:v30+s2+$0x0], $0xffff  }
0x215: {  	v27 =	vadd.f32 v27, v28;
	v28 =	vadd.s32 $0x2FFD, v11  }
0x216: {  	v38 =	vadd.s32 $0x2FFD, v16;
	v32 =	vmul.f32 v32, v12;
	v26 =	vadd.f32 v26, v33  }
0x217: {  	[tilespmem:s24+$0x1B900] =	vst v27;
	v27 =	vadd.s32 $0x2FFD, v17;
	v34 =	vmul.f32 v36, v19;
	v31 =	vmul.f32 v31, v21  }
0x218: {  	v39 =	vadd.s32 $0x2FFD, v14;
	v26 =	vadd.f32 v32, v26;
	v29 =	vld.idx.msk [tilespmem:v29+s2+$0x0], $0xffff  }
0x219: {  	v40 =	vadd.s32 $0x2FFD, v22;
	v35 =	vld.idx.msk [tilespmem:v37+s2+$0x0], $0xffff;
	v31 =	vadd.f32 v31, v34;
	v30 =	vmul.f32 v30, v18  }
0x21a: {  	[tilespmem:s25+$0x1B900] =	vst v26;
	v26 =	vadd.s32 $0x2FFD, v23;
	v28 =	vld.idx.msk [tilespmem:v28+s2+$0x0], $0xffff  }
0x21b: {  	v33 =	vld.idx.msk [tilespmem:v38+s2+$0x0], $0xffff;
	v30 =	vadd.f32 v30, v31  }
0x21c: {  	v31 =	vadd.s32 $0x2FFD, v20;
	v27 =	vld.idx.msk [tilespmem:v27+s2+$0x0], $0xffff  }
0x21d: {  	v32 =	vld.idx.msk [tilespmem:v39+s2+$0x0], $0xffff;
	[tilespmem:s26+$0x1B900] =	vst v30  }
0x21e: {  	v29 =	vmul.f32 v29, v7;
	v30 =	vmul.f32 v35, v8;
	v34 =	vld.idx.msk [tilespmem:v40+s2+$0x0], $0xffff  }
0x21f: {  	v26 =	vld.idx.msk [tilespmem:v26+s2+$0x0], $0xffff  }
0x220: {  	v29 =	vadd.f32 v30, v29;
	v28 =	vmul.f32 v28, v6;
	v30 =	vadd.s32 $0x3330, v9  }
0x221: {  	v41 =	vadd.s32 $0x3330, v10;
	v33 =	vmul.f32 v33, v13;
	v31 =	vld.idx.msk [tilespmem:v31+s2+$0x0], $0xffff;
	v27 =	vmul.f32 v27, v15  }
0x222: {  	v28 =	vadd.f32 v28, v29;
	v29 =	vadd.s32 $0x3330, v11  }
0x223: {  	v42 =	vadd.s32 $0x3330, v16;
	v32 =	vmul.f32 v32, v12;
	v27 =	vadd.f32 v27, v33  }
0x224: {  	[tilespmem:s24+$0xE980] =	vst v28;
	v28 =	vadd.s32 $0x3330, v17;
	v34 =	vmul.f32 v34, v19;
	v26 =	vmul.f32 v26, v21  }
0x225: {  	v43 =	vadd.s32 $0x3330, v14;
	v30 =	vld.idx.msk [tilespmem:v30+s2+$0x0], $0xffff;
	v27 =	vadd.f32 v32, v27  }
0x226: {  	v44 =	vadd.s32 $0x3330, v22;
	v35 =	vld.idx.msk [tilespmem:v41+s2+$0x0], $0xffff;
	v26 =	vadd.f32 v26, v34;
	v31 =	vmul.f32 v31, v18  }
0x227: {  	v29 =	vld.idx.msk [tilespmem:v29+s2+$0x0], $0xffff;
	[tilespmem:s25+$0xE980] =	vst v27;
	v27 =	vadd.s32 $0x3330, v23  }
0x228: {  	v26 =	vadd.f32 v31, v26;
	v33 =	vld.idx.msk [tilespmem:v42+s2+$0x0], $0xffff  }
0x229: {  	v31 =	vadd.s32 $0x3330, v20;
	v28 =	vld.idx.msk [tilespmem:v28+s2+$0x0], $0xffff  }
0x22a: {  	v32 =	vld.idx.msk [tilespmem:v43+s2+$0x0], $0xffff;
	[tilespmem:s26+$0xE980] =	vst v26  }
0x22b: {  	v26 =	vmul.f32 v30, v7;
	v30 =	vmul.f32 v35, v8;
	v34 =	vld.idx.msk [tilespmem:v44+s2+$0x0], $0xffff  }
0x22c: {  	v27 =	vld.idx.msk [tilespmem:v27+s2+$0x0], $0xffff  }
0x22d: {  	v45 =	vadd.s32 $0x3663, v9;
	v26 =	vadd.f32 v30, v26;
	v29 =	vmul.f32 v29, v6  }
0x22e: {  	v30 =	vadd.s32 $0x3663, v10;
	v31 =	vld.idx.msk [tilespmem:v31+s2+$0x0], $0xffff;
	v33 =	vmul.f32 v33, v13;
	v28 =	vmul.f32 v28, v15  }
0x22f: {  	v26 =	vadd.f32 v29, v26;
	v29 =	vadd.s32 $0x3663, v11  }
0x230: {  	v46 =	vadd.s32 $0x3663, v16;
	v32 =	vmul.f32 v32, v12;
	v28 =	vadd.f32 v28, v33  }
0x231: {  	[tilespmem:s24+$0x15180] =	vst v26;
	v26 =	vadd.s32 $0x3663, v17;
	v47 =	vmul.f32 v34, v19;
	v27 =	vmul.f32 v27, v21  }
0x232: {  	v49 =	vadd.s32 $0x3663, v14;
	v48 =	vld.idx.msk [tilespmem:v45+s2+$0x0], $0xffff;
	v28 =	vadd.f32 v32, v28  }
0x233: {  	v50 =	vadd.s32 $0x3663, v22;
	v30 =	vld.idx.msk [tilespmem:v30+s2+$0x0], $0xffff;
	v31 =	vmul.f32 v31, v18;
	v27 =	vadd.f32 v27, v47  }
0x234: {  	v29 =	vld.idx.msk [tilespmem:v29+s2+$0x0], $0xffff;
	[tilespmem:s25+$0x15180] =	vst v28;
	v28 =	vadd.s32 $0x3663, v23  }
0x235: {  	v51 =	vld.idx.msk [tilespmem:v46+s2+$0x0], $0xffff;
	v27 =	vadd.f32 v31, v27  }
0x236: {  	v26 =	vld.idx.msk [tilespmem:v26+s2+$0x0], $0xffff;
	v31 =	vadd.s32 $0x3663, v20  }
0x237: {  	v32 =	vld.idx.msk [tilespmem:v49+s2+$0x0], $0xffff;
	[tilespmem:s26+$0x15180] =	vst v27  }
0x238: {  	v30 =	vmul.f32 v30, v8;
	v27 =	vmul.f32 v48, v7;
	v52 =	vld.idx.msk [tilespmem:v50+s2+$0x0], $0xffff  }
0x239: {  	v28 =	vld.idx.msk [tilespmem:v28+s2+$0x0], $0xffff  }
0x23a: {  	v29 =	vmul.f32 v29, v6;
	v27 =	vadd.f32 v30, v27;
	v30 =	vadd.s32 $0x3996, v9  }
0x23b: {  	v53 =	vadd.s32 $0x3996, v10;
	v33 =	vmul.f32 v51, v13;
	v26 =	vmul.f32 v26, v15;
	v31 =	vld.idx.msk [tilespmem:v31+s2+$0x0], $0xffff  }
0x23c: {  	v27 =	vadd.f32 v29, v27;
	v29 =	vadd.s32 $0x3996, v11  }
0x23d: {  	v54 =	vadd.s32 $0x3996, v16;
	v32 =	vmul.f32 v32, v12;
	v26 =	vadd.f32 v26, v33  }
0x23e: {  	[tilespmem:s24+$0x1B980] =	vst v27;
	v27 =	vadd.s32 $0x3996, v17;
	v34 =	vmul.f32 v52, v19;
	v28 =	vmul.f32 v28, v21  }
0x23f: {  	v55 =	vadd.s32 $0x3996, v14;
	v26 =	vadd.f32 v32, v26;
	v30 =	vld.idx.msk [tilespmem:v30+s2+$0x0], $0xffff  }
0x240: {  	v56 =	vadd.s32 $0x3996, v22;
	v35 =	vld.idx.msk [tilespmem:v53+s2+$0x0], $0xffff;
	v28 =	vadd.f32 v28, v34;
	v31 =	vmul.f32 v31, v18  }
0x241: {  	[tilespmem:s25+$0x1B980] =	vst v26;
	v26 =	vadd.s32 $0x3996, v23;
	v29 =	vld.idx.msk [tilespmem:v29+s2+$0x0], $0xffff  }
0x242: {  	v33 =	vld.idx.msk [tilespmem:v54+s2+$0x0], $0xffff;
	v28 =	vadd.f32 v31, v28  }
0x243: {  	v31 =	vadd.s32 $0x3996, v20;
	v27 =	vld.idx.msk [tilespmem:v27+s2+$0x0], $0xffff  }
0x244: {  	v32 =	vld.idx.msk [tilespmem:v55+s2+$0x0], $0xffff;
	[tilespmem:s26+$0x1B980] =	vst v28  }
0x245: {  	v28 =	vmul.f32 v30, v7;
	v30 =	vmul.f32 v35, v8;
	v34 =	vld.idx.msk [tilespmem:v56+s2+$0x0], $0xffff  }
0x246: {  	v57 =	vadd.s32 $0x3CC9, v3;
	v26 =	vld.idx.msk [tilespmem:v26+s2+$0x0], $0xffff  }
0x247: {  	v58 =	vadd.s32 $0x3CC9, v9;
	v28 =	vadd.f32 v30, v28;
	v29 =	vmul.f32 v29, v6  }
0x248: {  	v30 =	vadd.s32 $0x3CC9, v10;
	v33 =	vmul.f32 v33, v13;
	v31 =	vld.idx.msk [tilespmem:v31+s2+$0x0], $0xffff;
	v27 =	vmul.f32 v27, v15  }
0x249: {  	v28 =	vadd.f32 v29, v28;
	v29 =	vadd.s32 $0x3CC9, v11  }
0x24a: {  	v59 =	vadd.s32 $0x3CC9, v16;
	v32 =	vmul.f32 v32, v12;
	v27 =	vadd.f32 v27, v33  }
0x24b: {  	v60 =	vld.idx.msk [tilespmem:v57+s2+$0x0], $0xffff;
	[tilespmem:s24+$0xEA00] =	vst v28;
	v28 =	vadd.s32 $0x3CC9, v17;
	v34 =	vmul.f32 v34, v19;
	v26 =	vmul.f32 v26, v21  }
0x24c: {  	v62 =	vadd.s32 $0x3CC9, v14;
	v61 =	vld.idx.msk [tilespmem:v58+s2+$0x0], $0xffff;
	v27 =	vadd.f32 v32, v27  }
0x24d: {  	v63 =	vadd.s32 $0x3CC9, v22;
	v30 =	vld.idx.msk [tilespmem:v30+s2+$0x0], $0xffff;
	v26 =	vadd.f32 v26, v34;
	v31 =	vmul.f32 v31, v18  }
0x24e: {  	v29 =	vld.idx.msk [tilespmem:v29+s2+$0x0], $0xffff;
	[tilespmem:s25+$0xEA00] =	vst v27;
	v27 =	vadd.s32 $0x3CC9, v23  }
0x24f: {  	v24 =	vmul.f32 v24, v0;
	v25 =	vmul.f32 v25, v1;
	v26 =	vadd.f32 v31, v26;
	v40 =	vld.idx.msk [tilespmem:v59+s2+$0x0], $0xffff  }
0x250: {  	v31 =	vadd.s32 $0x3CC9, v20;
	v28 =	vld.idx.msk [tilespmem:v28+s2+$0x0], $0xffff  }
0x251: {  	v24 =	vadd.f32 v25, v24;
	v25 =	vmul.f32 v60, v2;
	v41 =	vadd.s32 $0x3FFC, v4;
	v32 =	vld.idx.msk [tilespmem:v62+s2+$0x0], $0xffff;
	[tilespmem:s26+$0xEA00] =	vst v26  }
0x252: {  	v26 =	vadd.s32 $0x3FFC, v5;
	v35 =	vmul.f32 v61, v7;
	v30 =	vmul.f32 v30, v8;
	v36 =	vld.idx.msk [tilespmem:v63+s2+$0x0], $0xffff  }
0x253: {  	v24 =	vadd.f32 v25, v24;
	v25 =	vadd.s32 $0x3FFC, v3;
	v27 =	vld.idx.msk [tilespmem:v27+s2+$0x0], $0xffff  }
0x254: {  	v42 =	vadd.s32 $0x3FFC, v9;
	v30 =	vadd.f32 v30, v35;
	v29 =	vmul.f32 v29, v6  }
0x255: {  	[tilespmem:s23+$0x15200] =	vst v24;
	v24 =	vadd.s32 $0x3FFC, v10;
	v31 =	vld.idx.msk [tilespmem:v31+s2+$0x0], $0xffff;
	v34 =	vmul.f32 v40, v13;
	v28 =	vmul.f32 v28, v15  }
0x256: {  	v33 =	vld.idx.msk [tilespmem:v41+s2+$0x0], $0xffff;
	v29 =	vadd.f32 v29, v30;
	v30 =	vadd.s32 $0x3FFC, v11  }
0x257: {  	v43 =	vadd.s32 $0x3FFC, v16;
	v32 =	vmul.f32 v32, v12;
	v26 =	vld.idx.msk [tilespmem:v26+s2+$0x0], $0xffff;
	v28 =	vadd.f32 v28, v34  }
0x258: {  	v25 =	vld.idx.msk [tilespmem:v25+s2+$0x0], $0xffff;
	[tilespmem:s24+$0x15200] =	vst v29;
	v29 =	vadd.s32 $0x3FFC, v17;
	v36 =	vmul.f32 v36, v19;
	v27 =	vmul.f32 v27, v21  }
0x259: {  	v44 =	vadd.s32 $0x3FFC, v14;
	v35 =	vld.idx.msk [tilespmem:v42+s2+$0x0], $0xffff;
	v28 =	vadd.f32 v32, v28  }
0x25a: {  	v45 =	vadd.s32 $0x3FFC, v22;
	v24 =	vld.idx.msk [tilespmem:v24+s2+$0x0], $0xffff;
	v31 =	vmul.f32 v31, v18;
	v27 =	vadd.f32 v27, v36  }
0x25b: {  	v30 =	vld.idx.msk [tilespmem:v30+s2+$0x0], $0xffff;
	[tilespmem:s25+$0x15200] =	vst v28;
	v28 =	vadd.s32 $0x3FFC, v23  }
0x25c: {  	v33 =	vmul.f32 v33, v0;
	v26 =	vmul.f32 v26, v1;
	v34 =	vld.idx.msk [tilespmem:v43+s2+$0x0], $0xffff;
	v27 =	vadd.f32 v31, v27  }
0x25d: {  	v29 =	vld.idx.msk [tilespmem:v29+s2+$0x0], $0xffff;
	v31 =	vadd.s32 $0x3FFC, v20  }
0x25e: {  	v25 =	vmul.f32 v25, v2;
	v46 =	vadd.s32 $0x432F, v4;
	v32 =	vld.idx.msk [tilespmem:v44+s2+$0x0], $0xffff;
	v26 =	vadd.f32 v26, v33;
	[tilespmem:s26+$0x15200] =	vst v27  }
0x25f: {  	v35 =	vmul.f32 v35, v7;
	v24 =	vmul.f32 v24, v8;
	v27 =	vadd.s32 $0x432F, v5;
	v36 =	vld.idx.msk [tilespmem:v45+s2+$0x0], $0xffff  }
0x260: {  	v25 =	vadd.f32 v25, v26;
	v26 =	vadd.s32 $0x432F, v3;
	v28 =	vld.idx.msk [tilespmem:v28+s2+$0x0], $0xffff  }
0x261: {  	v47 =	vadd.s32 $0x432F, v9;
	v24 =	vadd.f32 v24, v35;
	v30 =	vmul.f32 v30, v6  }
0x262: {  	[tilespmem:s23+$0x1BA00] =	vst v25;
	v25 =	vadd.s32 $0x432F, v10;
	v34 =	vmul.f32 v34, v13;
	v29 =	vmul.f32 v29, v15;
	v31 =	vld.idx.msk [tilespmem:v31+s2+$0x0], $0xffff  }
0x263: {  	v24 =	vadd.f32 v30, v24;
	v30 =	vadd.s32 $0x432F, v11;
	v33 =	vld.idx.msk [tilespmem:v46+s2+$0x0], $0xffff  }
0x264: {  	v48 =	vadd.s32 $0x432F, v16;
	v32 =	vmul.f32 v32, v12;
	v29 =	vadd.f32 v29, v34;
	v27 =	vld.idx.msk [tilespmem:v27+s2+$0x0], $0xffff  }
0x265: {  	[tilespmem:s24+$0x1BA00] =	vst v24;
	v24 =	vadd.s32 $0x432F, v17;
	v26 =	vld.idx.msk [tilespmem:v26+s2+$0x0], $0xffff;
	v36 =	vmul.f32 v36, v19;
	v28 =	vmul.f32 v28, v21  }
0x266: {  	v49 =	vadd.s32 $0x432F, v14;
	v35 =	vld.idx.msk [tilespmem:v47+s2+$0x0], $0xffff;
	v29 =	vadd.f32 v32, v29  }
0x267: {  	v50 =	vadd.s32 $0x432F, v22;
	v25 =	vld.idx.msk [tilespmem:v25+s2+$0x0], $0xffff;
	v28 =	vadd.f32 v28, v36;
	v31 =	vmul.f32 v31, v18  }
0x268: {  	v30 =	vld.idx.msk [tilespmem:v30+s2+$0x0], $0xffff;
	[tilespmem:s25+$0x1BA00] =	vst v29;
	v29 =	vadd.s32 $0x432F, v23  }
0x269: {  	v33 =	vmul.f32 v33, v0;
	v34 =	vld.idx.msk [tilespmem:v48+s2+$0x0], $0xffff;
	v27 =	vmul.f32 v27, v1;
	v28 =	vadd.f32 v31, v28  }
0x26a: {  	v24 =	vld.idx.msk [tilespmem:v24+s2+$0x0], $0xffff;
	v31 =	vadd.s32 $0x432F, v20  }
0x26b: {  	v51 =	vadd.s32 $0x4662, v4;
	v32 =	vld.idx.msk [tilespmem:v49+s2+$0x0], $0xffff;
	v26 =	vmul.f32 v26, v2;
	v27 =	vadd.f32 v27, v33;
	[tilespmem:s26+$0x1BA00] =	vst v28  }
0x26c: {  	v52 =	vmul.f32 v35, v7;
	v28 =	vadd.s32 $0x4662, v5;
	v25 =	vmul.f32 v25, v8;
	v53 =	vld.idx.msk [tilespmem:v50+s2+$0x0], $0xffff  }
0x26d: {  	v29 =	vld.idx.msk [tilespmem:v29+s2+$0x0], $0xffff;
	v26 =	vadd.f32 v26, v27;
	v27 =	vadd.s32 $0x4662, v3  }
0x26e: {  	v54 =	vadd.s32 $0x4662, v9;
	v30 =	vmul.f32 v30, v6;
	v25 =	vadd.f32 v25, v52  }
0x26f: {  	v55 =	vmul.f32 v34, v13;
	v24 =	vmul.f32 v24, v15;
	v31 =	vld.idx.msk [tilespmem:v31+s2+$0x0], $0xffff;
	[tilespmem:s23+$0xEA80] =	vst v26;
	v26 =	vadd.s32 $0x4662, v10  }
0x270: {  	v25 =	vadd.f32 v30, v25;
	v30 =	vadd.s32 $0x4662, v11;
	v56 =	vld.idx.msk [tilespmem:v51+s2+$0x0], $0xffff  }
0x271: {  	v57 =	vadd.s32 $0x4662, v16;
	v32 =	vmul.f32 v32, v12;
	v24 =	vadd.f32 v24, v55;
	v28 =	vld.idx.msk [tilespmem:v28+s2+$0x0], $0xffff  }
0x272: {  	v60 =	vadd.s32 $0x4662, v14;
	[tilespmem:s24+$0xEA80] =	vst v25;
	v58 =	vmul.f32 v53, v19;
	v29 =	vmul.f32 v29, v21;
	v27 =	vld.idx.msk [tilespmem:v27+s2+$0x0], $0xffff  }
0x273: {  	v25 =	vadd.s32 $0x4662, v17;
	v24 =	vadd.f32 v32, v24;
	v59 =	vld.idx.msk [tilespmem:v54+s2+$0x0], $0xffff  }
0x274: {  	v61 =	vadd.s32 $0x4662, v22;
	v29 =	vadd.f32 v29, v58;
	v31 =	vmul.f32 v31, v18;
	v26 =	vld.idx.msk [tilespmem:v26+s2+$0x0], $0xffff  }
0x275: {  	[tilespmem:s25+$0xEA80] =	vst v24;
	v24 =	vadd.s32 $0x4662, v23;
	v30 =	vld.idx.msk [tilespmem:v30+s2+$0x0], $0xffff  }
0x276: {  	v63 =	vld.idx.msk [tilespmem:v57+s2+$0x0], $0xffff;
	v29 =	vadd.f32 v31, v29  }
0x277: {  	v32 =	vld.idx.msk [tilespmem:v60+s2+$0x0], $0xffff;
	v62 =	vmul.f32 v56, v0;
	v28 =	vmul.f32 v28, v1;
	v31 =	vadd.s32 $0x4662, v20  }
0x278: {  	v25 =	vld.idx.msk [tilespmem:v25+s2+$0x0], $0xffff;
	[tilespmem:s26+$0xEA80] =	vst v29  }
0x279: {  	v4 =	vadd.s32 $0x4995, v4;
	v28 =	vadd.f32 v28, v62;
	v27 =	vmul.f32 v27, v2;
	v36 =	vld.idx.msk [tilespmem:v61+s2+$0x0], $0xffff  }
0x27a: {  	v5 =	vadd.s32 $0x4995, v5;
	v29 =	vmul.f32 v59, v7;
	v24 =	vld.idx.msk [tilespmem:v24+s2+$0x0], $0xffff;
	v26 =	vmul.f32 v26, v8  }
0x27b: {  	v16 =	vadd.s32 $0x4995, v16;
	v3 =	vadd.s32 $0x4995, v3;
	v27 =	vadd.f32 v27, v28  }
0x27c: {  	v9 =	vadd.s32 $0x4995, v9;
	v28 =	vmul.f32 v30, v6;
	v30 =	vld.idx.msk [tilespmem:v31+s2+$0x0], $0xffff;
	v26 =	vadd.f32 v26, v29  }
0x27d: {  	v10 =	vadd.s32 $0x4995, v10;
	v29 =	vmul.f32 v63, v13;
	v25 =	vmul.f32 v25, v15;
	[tilespmem:s23+$0x15280] =	vst v27  }
0x27e: {  	v11 =	vadd.s32 $0x4995, v11;
	v27 =	vmul.f32 v32, v12;
	v4 =	vld.idx.msk [tilespmem:v4+s2+$0x0], $0xffff;
	v26 =	vadd.f32 v28, v26  }
0x27f: {  	v5 =	vld.idx.msk [tilespmem:v5+s2+$0x0], $0xffff;
	v25 =	vadd.f32 v25, v29;
	v28 =	vmul.f32 v36, v19;
	v24 =	vmul.f32 v24, v21  }
0x280: {  	v22 =	vadd.s32 $0x4995, v22;
	v17 =	vadd.s32 $0x4995, v17;
	v3 =	vld.idx.msk [tilespmem:v3+s2+$0x0], $0xffff;
	[tilespmem:s24+$0x15280] =	vst v26  }
0x281: {  	v25 =	vadd.f32 v27, v25;
	v24 =	vadd.f32 v24, v28;
	v26 =	vmul.f32 v30, v18;
	v9 =	vld.idx.msk [tilespmem:v9+s2+$0x0], $0xffff  }
0x282: {  	v23 =	vadd.s32 $0x4995, v23;
	v10 =	vld.idx.msk [tilespmem:v10+s2+$0x0], $0xffff  }
0x283: {  	v14 =	vadd.s32 $0x4995, v14;
	v11 =	vld.idx.msk [tilespmem:v11+s2+$0x0], $0xffff;
	[tilespmem:s25+$0x15280] =	vst v25;
	v24 =	vadd.f32 v26, v24  }
0x284: {  	v20 =	vadd.s32 $0x4995, v20;
	v16 =	vld.idx.msk [tilespmem:v16+s2+$0x0], $0xffff  }
0x285: {  	v17 =	vld.idx.msk [tilespmem:v17+s2+$0x0], $0xffff;
	[tilespmem:s26+$0x15280] =	vst v24  }
0x286: {  	v22 =	vld.idx.msk [tilespmem:v22+s2+$0x0], $0xffff  }
0x287: {  	v23 =	vld.idx.msk [tilespmem:v23+s2+$0x0], $0xffff  }
0x288: {  	v0 =	vmul.f32 v4, v0;
	v1 =	vmul.f32 v5, v1;
	v4 =	vld.idx.msk [tilespmem:v14+s2+$0x0], $0xffff  }
0x289: {  	v2 =	vmul.f32 v3, v2;
	v5 =	vld.idx.msk [tilespmem:v20+s2+$0x0], $0xffff;
	v3 =	vmul.f32 v9, v7  }
0x28a: {  	v7 =	vmul.f32 v10, v8;
	v6 =	vmul.f32 v11, v6  }
0x28b: {  	v0 =	vadd.f32 v1, v0;
	v1 =	vmul.f32 v16, v13;
	v8 =	vmul.f32 v17, v15  }
0x28c: {  	v3 =	vadd.f32 v7, v3;
	v7 =	vmul.f32 v22, v19;
	v9 =	vmul.f32 v23, v21  }
0x28d: {  	v0 =	vadd.f32 v2, v0;
	v2 =	vmul.f32 v4, v12;
	v1 =	vadd.f32 v8, v1  }
0x28e: {  	v3 =	vadd.f32 v6, v3;
	v5 =	vmul.f32 v5, v18;
	v4 =	vadd.f32 v9, v7  }
0x28f: {  	[tilespmem:s23+$0x1BA80] =	vst v0;
	v0 =	vadd.f32 v2, v1  }
0x290: {  	[tilespmem:s24+$0x1BA80] =	vst v3;
	v1 =	vadd.f32 v5, v4  }
0x291: {  	[tilespmem:s25+$0x1BA80] =	vst v0  }
0x292: {  	s1 =	simm.s32 $0xB500;
	[tilespmem:s26+$0x1BA80] =	vst v1  }
0x293: {  	[hbm4b:s5+s2] =	stream.linear.scatter [tilespmem:s1], [sflag:$0x1], $0x1A00, $0x38;
	[tilespmem:$0x1ED00] =	vst v63  }
0x294: {  	s26 =	simm.s32 $0xE900  }
0x295: {  	[hbm4b:s7+s2] =	stream.linear.scatter [tilespmem:s26], [sflag:$0x1], $0x1A00, $0x38;
	[tilespmem:$0x1ED00] =	vst v63  }
0x296: {  	s31 =	simm.s32 $0x11D00  }
0x297: {  	[hbm4b:s8+s2] =	stream.linear.scatter [tilespmem:s31], [sflag:$0x1], $0x1A00, $0x38;
	[tilespmem:$0x1ED00] =	vst v63  }
0x298: {  	s23 =	simm.s32 $0x15100;
	s26 =	simm.s32 $0x680;
	s31 =	simm.s32 $0x1A00  }
0x299: {  	[hbm4b:s9+s2] =	stream.linear.scatter [tilespmem:s23], [sflag:$0x1], $0x1A00, $0x38;
	[tilespmem:$0x1ED00] =	vst v63  }
0x29a: {  	s24 =	simm.s32 $0x18500;
	s1 =	sand.u32 $0x70, s26;
	s23 =	sand.u32 $0x3E00, s31  }
0x29b: {  	[hbm4b:s10+s2] =	stream.linear.scatter [tilespmem:s24], [sflag:$0x1], $0x1A00, $0x38;
	[tilespmem:$0x1ED00] =	vst v63  }
0x29c: {  	s25 =	simm.s32 $0x1B900;
	s23 =	sor.u32 s1, s23  }
0x29d: {  	[hbm4b:s11+s2] =	stream.linear.scatter [tilespmem:s25], [sflag:$0x1], $0x1A00, $0x38;
	[tilespmem:$0x1ED00] =	vst v63  }
0x29e: {  	v29 =	vld [tilespmem:s23+$0x4D00]  }
0x29f: {  	v28 =	vld [tilespmem:s23+$0x4D80];
	_ =	sdelay $0x1  }
0x2a0: {  	v27 =	vld [tilespmem:s23+$0x4E00];
	_ =	sdelay $0x2  }
0x2a1: {  	v25 =	vld [tilespmem:s23+$0x8100]  }
0x2a2: {  	v26 =	vld [tilespmem:s23+$0x8180]  }
0x2a3: {  	v1 =	vld.idx.msk [tilespmem:v29+s2+$0x0], $0xffff  }
0x2a4: {  	v2 =	vld.idx.msk [tilespmem:v28+s2+$0x0], $0xffff  }
0x2a5: {  	v0 =	vld [tilespmem:s23+$0x8200]  }
0x2a6: {  	v3 =	vld.idx.msk [tilespmem:v27+s2+$0x0], $0xffff;
	_ =	sdelay $0x2  }
0x2a7: {  	v1 =	vmul.f32 v1, v25;
	v2 =	vmul.f32 v2, v26;
	_ =	sdelay $0x1  }
0x2a8: {  	v1 =	vadd.f32 v2, v1;
	v2 =	vmul.f32 v3, v0;
	v3 =	vadd.s32 $0x333, v29  }
0x2a9: {  	v4 =	vadd.s32 $0x333, v28  }
0x2aa: {  	v1 =	vadd.f32 v2, v1  }
0x2ab: {  	v2 =	vadd.s32 $0x333, v27  }
0x2ac: {  	[tilespmem:s23+$0xB500] =	vst v1  }
0x2ad: {  	v1 =	vld.idx.msk [tilespmem:v3+s2+$0x0], $0xffff  }
0x2ae: {  	v3 =	vld.idx.msk [tilespmem:v4+s2+$0x0], $0xffff;
	_ =	sdelay $0x1  }
0x2af: {  	v2 =	vld.idx.msk [tilespmem:v2+s2+$0x0], $0xffff;
	_ =	sdelay $0x2  }
0x2b0: {  	v1 =	vmul.f32 v1, v25;
	v3 =	vmul.f32 v3, v26;
	_ =	sdelay $0x1  }
0x2b1: {  	v1 =	vadd.f32 v3, v1;
	v2 =	vmul.f32 v2, v0;
	v3 =	vadd.s32 $0x666, v29  }
0x2b2: {  	v4 =	vadd.s32 $0x666, v28  }
0x2b3: {  	v1 =	vadd.f32 v2, v1  }
0x2b4: {  	v2 =	vadd.s32 $0x666, v27  }
0x2b5: {  	[tilespmem:s23+$0x11D00] =	vst v1  }
0x2b6: {  	v1 =	vld.idx.msk [tilespmem:v3+s2+$0x0], $0xffff  }
0x2b7: {  	v3 =	vld.idx.msk [tilespmem:v4+s2+$0x0], $0xffff;
	_ =	sdelay $0x1  }
0x2b8: {  	v2 =	vld.idx.msk [tilespmem:v2+s2+$0x0], $0xffff;
	_ =	sdelay $0x2  }
0x2b9: {  	v1 =	vmul.f32 v1, v25;
	v3 =	vmul.f32 v3, v26;
	_ =	sdelay $0x1  }
0x2ba: {  	v1 =	vadd.f32 v3, v1;
	v2 =	vmul.f32 v2, v0;
	v3 =	vadd.s32 $0x999, v29  }
0x2bb: {  	v4 =	vadd.s32 $0x999, v28  }
0x2bc: {  	v1 =	vadd.f32 v2, v1  }
0x2bd: {  	v2 =	vadd.s32 $0x999, v27  }
0x2be: {  	[tilespmem:s23+$0x18500] =	vst v1  }
0x2bf: {  	v1 =	vld.idx.msk [tilespmem:v3+s2+$0x0], $0xffff  }
0x2c0: {  	v3 =	vld.idx.msk [tilespmem:v4+s2+$0x0], $0xffff;
	_ =	sdelay $0x1  }
0x2c1: {  	v2 =	vld.idx.msk [tilespmem:v2+s2+$0x0], $0xffff;
	_ =	sdelay $0x2  }
0x2c2: {  	v1 =	vmul.f32 v1, v25;
	v3 =	vmul.f32 v3, v26;
	_ =	sdelay $0x1  }
0x2c3: {  	v4 =	vadd.s32 $0xCCC, v29;
	v1 =	vadd.f32 v3, v1;
	v2 =	vmul.f32 v2, v0  }
0x2c4: {  	v3 =	vadd.s32 $0xCCC, v28  }
0x2c5: {  	v1 =	vadd.f32 v2, v1  }
0x2c6: {  	v2 =	vadd.s32 $0xCCC, v27  }
0x2c7: {  	[tilespmem:s23+$0xB580] =	vst v1  }
0x2c8: {  	v1 =	vld.idx.msk [tilespmem:v4+s2+$0x0], $0xffff  }
0x2c9: {  	v3 =	vld.idx.msk [tilespmem:v3+s2+$0x0], $0xffff;
	_ =	sdelay $0x1  }
0x2ca: {  	v2 =	vld.idx.msk [tilespmem:v2+s2+$0x0], $0xffff;
	_ =	sdelay $0x2  }
0x2cb: {  	v1 =	vmul.f32 v1, v25;
	v3 =	vmul.f32 v3, v26;
	_ =	sdelay $0x1  }
0x2cc: {  	s24 =	simm.s32 $0x690;
	s25 =	simm.s32 $0x1A40;
	v1 =	vadd.f32 v3, v1;
	v2 =	vmul.f32 v2, v0;
	v3 =	vadd.s32 $0xFFF, v29  }
0x2cd: {  	s1 =	sand.u32 $0x70, s24;
	s24 =	sand.u32 $0x3E00, s25;
	v4 =	vadd.s32 $0xFFF, v28  }
0x2ce: {  	s24 =	sor.u32 s1, s24;
	v1 =	vadd.f32 v2, v1  }
0x2cf: {  	v5 =	vld [tilespmem:s24+$0x4D00];
	v2 =	vadd.s32 $0xFFF, v27  }
0x2d0: {  	v6 =	vld [tilespmem:s24+$0x4D80];
	[tilespmem:s23+$0x11D80] =	vst v1  }
0x2d1: {  	v3 =	vld.idx.msk [tilespmem:v3+s2+$0x0], $0xffff  }
0x2d2: {  	v7 =	vld.idx.msk [tilespmem:v4+s2+$0x0], $0xffff  }
0x2d3: {  	v4 =	vld [tilespmem:s24+$0x4E00]  }
0x2d4: {  	v8 =	vld.idx.msk [tilespmem:v2+s2+$0x0], $0xffff;
	_ =	sdelay $0x2  }
0x2d5: {  	v9 =	vld.idx.msk [tilespmem:v5+s2+$0x0], $0xffff;
	v3 =	vmul.f32 v3, v25;
	v7 =	vmul.f32 v7, v26  }
0x2d6: {  	v11 =	vld.idx.msk [tilespmem:v6+s2+$0x0], $0xffff  }
0x2d7: {  	v10 =	vadd.s32 $0x1332, v29;
	v1 =	vld [tilespmem:s24+$0x8100];
	v7 =	vadd.f32 v7, v3;
	v8 =	vmul.f32 v8, v0  }
0x2d8: {  	v12 =	vadd.s32 $0x1332, v28;
	v2 =	vld [tilespmem:s24+$0x8180]  }
0x2d9: {  	v3 =	vld [tilespmem:s24+$0x8200];
	v7 =	vadd.f32 v8, v7  }
0x2da: {  	v13 =	vadd.s32 $0x1332, v27;
	v8 =	vld.idx.msk [tilespmem:v4+s2+$0x0], $0xffff  }
0x2db: {  	[tilespmem:s23+$0x18580] =	vst v7  }
0x2dc: {  	v7 =	vld.idx.msk [tilespmem:v10+s2+$0x0], $0xffff  }
0x2dd: {  	v9 =	vmul.f32 v9, v1;
	v10 =	vmul.f32 v11, v2;
	v11 =	vld.idx.msk [tilespmem:v12+s2+$0x0], $0xffff;
	_ =	sdelay $0x1  }
0x2de: {  	v12 =	vld.idx.msk [tilespmem:v13+s2+$0x0], $0xffff;
	v9 =	vadd.f32 v10, v9;
	v8 =	vmul.f32 v8, v3;
	v10 =	vadd.s32 $0x333, v5  }
0x2df: {  	v13 =	vadd.s32 $0x333, v6  }
0x2e0: {  	v8 =	vadd.f32 v8, v9  }
0x2e1: {  	v9 =	vadd.s32 $0x333, v4;
	v7 =	vmul.f32 v7, v25;
	v11 =	vmul.f32 v11, v26  }
0x2e2: {  	[tilespmem:s24+$0xB500] =	vst v8  }
0x2e3: {  	v8 =	vld.idx.msk [tilespmem:v10+s2+$0x0], $0xffff;
	v7 =	vadd.f32 v11, v7;
	v10 =	vmul.f32 v12, v0;
	v11 =	vadd.s32 $0x1665, v29  }
0x2e4: {  	v12 =	vld.idx.msk [tilespmem:v13+s2+$0x0], $0xffff;
	v13 =	vadd.s32 $0x1665, v28  }
0x2e5: {  	v7 =	vadd.f32 v10, v7  }
0x2e6: {  	v9 =	vld.idx.msk [tilespmem:v9+s2+$0x0], $0xffff;
	v10 =	vadd.s32 $0x1665, v27  }
0x2e7: {  	[tilespmem:s23+$0xB600] =	vst v7  }
0x2e8: {  	v7 =	vld.idx.msk [tilespmem:v11+s2+$0x0], $0xffff  }
0x2e9: {  	v8 =	vmul.f32 v8, v1;
	v11 =	vmul.f32 v12, v2;
	v12 =	vld.idx.msk [tilespmem:v13+s2+$0x0], $0xffff;
	_ =	sdelay $0x1  }
0x2ea: {  	v8 =	vadd.f32 v11, v8;
	v9 =	vmul.f32 v9, v3;
	v11 =	vadd.s32 $0x666, v5;
	v10 =	vld.idx.msk [tilespmem:v10+s2+$0x0], $0xffff  }
0x2eb: {  	v13 =	vadd.s32 $0x666, v6  }
0x2ec: {  	v8 =	vadd.f32 v9, v8  }
0x2ed: {  	v9 =	vadd.s32 $0x666, v4;
	v7 =	vmul.f32 v7, v25;
	v12 =	vmul.f32 v12, v26  }
0x2ee: {  	[tilespmem:s24+$0x11D00] =	vst v8  }
0x2ef: {  	v8 =	vld.idx.msk [tilespmem:v11+s2+$0x0], $0xffff;
	v11 =	vadd.s32 $0x1998, v29;
	v7 =	vadd.f32 v12, v7;
	v10 =	vmul.f32 v10, v0  }
0x2f0: {  	v12 =	vld.idx.msk [tilespmem:v13+s2+$0x0], $0xffff;
	v13 =	vadd.s32 $0x1998, v28  }
0x2f1: {  	v7 =	vadd.f32 v10, v7  }
0x2f2: {  	v9 =	vld.idx.msk [tilespmem:v9+s2+$0x0], $0xffff;
	v10 =	vadd.s32 $0x1998, v27  }
0x2f3: {  	[tilespmem:s23+$0x11E00] =	vst v7  }
0x2f4: {  	v7 =	vld.idx.msk [tilespmem:v11+s2+$0x0], $0xffff  }
0x2f5: {  	v8 =	vmul.f32 v8, v1;
	v11 =	vmul.f32 v12, v2;
	v12 =	vld.idx.msk [tilespmem:v13+s2+$0x0], $0xffff;
	_ =	sdelay $0x1  }
0x2f6: {  	v8 =	vadd.f32 v11, v8;
	v9 =	vmul.f32 v9, v3;
	v11 =	vadd.s32 $0x999, v5;
	v10 =	vld.idx.msk [tilespmem:v10+s2+$0x0], $0xffff  }
0x2f7: {  	v13 =	vadd.s32 $0x999, v6  }
0x2f8: {  	v8 =	vadd.f32 v9, v8  }
0x2f9: {  	v9 =	vadd.s32 $0x999, v4;
	v7 =	vmul.f32 v7, v25;
	v12 =	vmul.f32 v12, v26  }
0x2fa: {  	[tilespmem:s24+$0x18500] =	vst v8  }
0x2fb: {  	v8 =	vld.idx.msk [tilespmem:v11+s2+$0x0], $0xffff;
	v11 =	vadd.s32 $0x1CCB, v29;
	v7 =	vadd.f32 v12, v7;
	v10 =	vmul.f32 v10, v0  }
0x2fc: {  	v12 =	vld.idx.msk [tilespmem:v13+s2+$0x0], $0xffff;
	v13 =	vadd.s32 $0x1CCB, v28  }
0x2fd: {  	v7 =	vadd.f32 v10, v7  }
0x2fe: {  	v9 =	vld.idx.msk [tilespmem:v9+s2+$0x0], $0xffff;
	v10 =	vadd.s32 $0x1CCB, v27  }
0x2ff: {  	[tilespmem:s23+$0x18600] =	vst v7  }
0x300: {  	v11 =	vld.idx.msk [tilespmem:v11+s2+$0x0], $0xffff  }
0x301: {  	v7 =	vmul.f32 v8, v1;
	v8 =	vmul.f32 v12, v2;
	v12 =	vld.idx.msk [tilespmem:v13+s2+$0x0], $0xffff;
	_ =	sdelay $0x1  }
0x302: {  	s26 =	simm.s32 $0x6A0;
	s31 =	simm.s32 $0x1A80;
	v13 =	vadd.s32 $0xCCC, v5;
	v7 =	vadd.f32 v8, v7;
	v8 =	vmul.f32 v9, v3;
	v9 =	vld.idx.msk [tilespmem:v10+s2+$0x0], $0xffff  }
0x303: {  	s25 =	sand.u32 $0x3E00, s31;
	s1 =	sand.u32 $0x70, s26;
	v14 =	vadd.s32 $0xCCC, v6  }
0x304: {  	s25 =	sor.u32 s1, s25;
	v8 =	vadd.f32 v8, v7  }
0x305: {  	v15 =	vadd.s32 $0xCCC, v4;
	v10 =	vld [tilespmem:s25+$0x4D00];
	v11 =	vmul.f32 v11, v25;
	v12 =	vmul.f32 v12, v26  }
0x306: {  	v7 =	vld [tilespmem:s25+$0x8200];
	[tilespmem:s24+$0xB580] =	vst v8  }
0x307: {  	v8 =	vld.idx.msk [tilespmem:v13+s2+$0x0], $0xffff;
	v12 =	vadd.f32 v12, v11;
	v9 =	vmul.f32 v9, v0;
	v13 =	vadd.s32 $0x1FFE, v29  }
0x308: {  	v16 =	vadd.s32 $0x1FFE, v28;
	v14 =	vld.idx.msk [tilespmem:v14+s2+$0x0], $0xffff  }
0x309: {  	v11 =	vld [tilespmem:s25+$0x4D80];
	v9 =	vadd.f32 v9, v12  }
0x30a: {  	v17 =	vadd.s32 $0x1FFE, v27;
	v15 =	vld.idx.msk [tilespmem:v15+s2+$0x0], $0xffff  }
0x30b: {  	v12 =	vld [tilespmem:s25+$0x4E00];
	[tilespmem:s23+$0xB680] =	vst v9  }
0x30c: {  	v13 =	vld.idx.msk [tilespmem:v13+s2+$0x0], $0xffff  }
0x30d: {  	v9 =	vmul.f32 v8, v1;
	v14 =	vmul.f32 v14, v2;
	v16 =	vld.idx.msk [tilespmem:v16+s2+$0x0], $0xffff  }
0x30e: {  	v20 =	vld.idx.msk [tilespmem:v10+s2+$0x0], $0xffff  }
0x30f: {  	v18 =	vadd.s32 $0xFFF, v5;
	v15 =	vmul.f32 v15, v3;
	v17 =	vld.idx.msk [tilespmem:v17+s2+$0x0], $0xffff;
	v14 =	vadd.f32 v14, v9  }
0x310: {  	v19 =	vadd.s32 $0xFFF, v6;
	v8 =	vld [tilespmem:s25+$0x8100]  }
0x311: {  	v9 =	vld [tilespmem:s25+$0x8180];
	v14 =	vadd.f32 v15, v14  }
0x312: {  	v21 =	vadd.s32 $0xFFF, v4;
	v15 =	vld.idx.msk [tilespmem:v11+s2+$0x0], $0xffff;
	v13 =	vmul.f32 v13, v25;
	v16 =	vmul.f32 v16, v26  }
0x313: {  	v22 =	vld.idx.msk [tilespmem:v12+s2+$0x0], $0xffff;
	[tilespmem:s24+$0x11D80] =	vst v14  }
0x314: {  	v14 =	vld.idx.msk [tilespmem:v18+s2+$0x0], $0xffff;
	v13 =	vadd.f32 v16, v13;
	v16 =	vmul.f32 v17, v0;
	v17 =	vadd.s32 $0x2331, v29  }
0x315: {  	v18 =	vld.idx.msk [tilespmem:v19+s2+$0x0], $0xffff;
	v19 =	vadd.s32 $0x2331, v28  }
0x316: {  	v13 =	vadd.f32 v16, v13  }
0x317: {  	v16 =	vmul.f32 v20, v8;
	v15 =	vmul.f32 v15, v9;
	v20 =	vld.idx.msk [tilespmem:v21+s2+$0x0], $0xffff;
	v21 =	vadd.s32 $0x2331, v27  }
0x318: {  	[tilespmem:s23+$0x11E80] =	vst v13  }
0x319: {  	v13 =	vadd.f32 v15, v16;
	v15 =	vmul.f32 v22, v7;
	v16 =	vld.idx.msk [tilespmem:v17+s2+$0x0], $0xffff  }
0x31a: {  	v17 =	vadd.s32 $0x333, v10;
	v14 =	vmul.f32 v14, v1;
	v18 =	vmul.f32 v18, v2;
	v19 =	vld.idx.msk [tilespmem:v19+s2+$0x0], $0xffff  }
0x31b: {  	v13 =	vadd.f32 v15, v13;
	v15 =	vadd.s32 $0x333, v11  }
0x31c: {  	v22 =	vadd.s32 $0x1332, v5;
	v14 =	vadd.f32 v18, v14;
	v18 =	vmul.f32 v20, v3;
	v20 =	vld.idx.msk [tilespmem:v21+s2+$0x0], $0xffff  }
0x31d: {  	v21 =	vadd.s32 $0x1332, v6  }
0x31e: {  	[tilespmem:s25+$0xB500] =	vst v13;
	v13 =	vadd.s32 $0x333, v12;
	v14 =	vadd.f32 v18, v14  }
0x31f: {  	v18 =	vadd.s32 $0x1332, v4;
	v17 =	vld.idx.msk [tilespmem:v17+s2+$0x0], $0xffff;
	v16 =	vmul.f32 v16, v25;
	v19 =	vmul.f32 v19, v26  }
0x320: {  	v15 =	vld.idx.msk [tilespmem:v15+s2+$0x0], $0xffff;
	[tilespmem:s24+$0x18580] =	vst v14  }
0x321: {  	v14 =	vld.idx.msk [tilespmem:v22+s2+$0x0], $0xffff;
	v16 =	vadd.f32 v19, v16;
	v19 =	vmul.f32 v20, v0;
	v20 =	vadd.s32 $0x2664, v29  }
0x322: {  	v21 =	vld.idx.msk [tilespmem:v21+s2+$0x0], $0xffff;
	v22 =	vadd.s32 $0x2664, v28  }
0x323: {  	v13 =	vld.idx.msk [tilespmem:v13+s2+$0x0], $0xffff;
	v16 =	vadd.f32 v19, v16  }
0x324: {  	v18 =	vld.idx.msk [tilespmem:v18+s2+$0x0], $0xffff;
	v19 =	vadd.s32 $0x2664, v27  }
0x325: {  	[tilespmem:s23+$0x18680] =	vst v16  }
0x326: {  	v16 =	vmul.f32 v17, v8;
	v15 =	vmul.f32 v15, v9;
	v17 =	vld.idx.msk [tilespmem:v20+s2+$0x0], $0xffff  }
0x327: {  	v20 =	vld.idx.msk [tilespmem:v22+s2+$0x0], $0xffff;
	v14 =	vmul.f32 v14, v1;
	v21 =	vmul.f32 v21, v2  }
0x328: {  	v15 =	vadd.f32 v15, v16;
	v13 =	vmul.f32 v13, v7;
	v16 =	vadd.s32 $0x666, v10  }
0x329: {  	v19 =	vld.idx.msk [tilespmem:v19+s2+$0x0], $0xffff;
	v14 =	vadd.f32 v21, v14;
	v18 =	vmul.f32 v18, v3;
	v21 =	vadd.s32 $0x1665, v5  }
0x32a: {  	v13 =	vadd.f32 v13, v15;
	v15 =	vadd.s32 $0x1665, v6  }
0x32b: {  	v22 =	vadd.s32 $0x666, v11;
	v14 =	vadd.f32 v18, v14  }
0x32c: {  	[tilespmem:s25+$0x11D00] =	vst v13;
	v13 =	vadd.s32 $0x1665, v4;
	v17 =	vmul.f32 v17, v25;
	v18 =	vmul.f32 v20, v26  }
0x32d: {  	v20 =	vadd.s32 $0x666, v12;
	v16 =	vld.idx.msk [tilespmem:v16+s2+$0x0], $0xffff;
	[tilespmem:s24+$0xB600] =	vst v14  }
0x32e: {  	v14 =	vld.idx.msk [tilespmem:v21+s2+$0x0], $0xffff;
	v17 =	vadd.f32 v18, v17;
	v18 =	vmul.f32 v19, v0;
	v19 =	vadd.s32 $0x2997, v29  }
0x32f: {  	v21 =	vadd.s32 $0x2997, v28;
	v15 =	vld.idx.msk [tilespmem:v15+s2+$0x0], $0xffff  }
0x330: {  	v22 =	vld.idx.msk [tilespmem:v22+s2+$0x0], $0xffff;
	v17 =	vadd.f32 v18, v17  }
0x331: {  	v18 =	vadd.s32 $0x2997, v27;
	v13 =	vld.idx.msk [tilespmem:v13+s2+$0x0], $0xffff  }
0x332: {  	v20 =	vld.idx.msk [tilespmem:v20+s2+$0x0], $0xffff;
	[tilespmem:s23+$0xE900] =	vst v17  }
0x333: {  	v17 =	vld.idx.msk [tilespmem:v19+s2+$0x0], $0xffff  }
0x334: {  	v19 =	vld.idx.msk [tilespmem:v21+s2+$0x0], $0xffff;
	v14 =	vmul.f32 v14, v1;
	v15 =	vmul.f32 v15, v2  }
0x335: {  	v16 =	vmul.f32 v16, v8;
	v21 =	vmul.f32 v22, v9  }
0x336: {  	v22 =	vadd.s32 $0x1998, v5;
	v18 =	vld.idx.msk [tilespmem:v18+s2+$0x0], $0xffff;
	v14 =	vadd.f32 v15, v14;
	v13 =	vmul.f32 v13, v3  }
0x337: {  	v15 =	vadd.f32 v21, v16;
	v16 =	vadd.s32 $0x1998, v6  }
0x338: {  	v20 =	vmul.f32 v20, v7;
	v21 =	vadd.s32 $0x999, v10;
	v13 =	vadd.f32 v13, v14  }
0x339: {  	v14 =	vadd.s32 $0x1998, v4;
	v17 =	vmul.f32 v17, v25;
	v19 =	vmul.f32 v19, v26  }
0x33a: {  	v15 =	vadd.f32 v20, v15;
	v20 =	vadd.s32 $0x999, v11;
	[tilespmem:s24+$0x11E00] =	vst v13  }
0x33b: {  	v17 =	vadd.f32 v19, v17;
	v18 =	vmul.f32 v18, v0;
	v19 =	vadd.s32 $0x2CCA, v29;
	v13 =	vld.idx.msk [tilespmem:v22+s2+$0x0], $0xffff  }
0x33c: {  	[tilespmem:s25+$0x18500] =	vst v15;
	v15 =	vld.idx.msk [tilespmem:v16+s2+$0x0], $0xffff;
	v16 =	vadd.s32 $0x2CCA, v28  }
0x33d: {  	v21 =	vld.idx.msk [tilespmem:v21+s2+$0x0], $0xffff;
	v22 =	vadd.s32 $0x999, v12;
	v17 =	vadd.f32 v18, v17  }
0x33e: {  	v18 =	vadd.s32 $0x2CCA, v27;
	v14 =	vld.idx.msk [tilespmem:v14+s2+$0x0], $0xffff  }
0x33f: {  	v20 =	vld.idx.msk [tilespmem:v20+s2+$0x0], $0xffff;
	[tilespmem:s23+$0x15100] =	vst v17  }
0x340: {  	v17 =	vld.idx.msk [tilespmem:v19+s2+$0x0], $0xffff  }
0x341: {  	s31 =	simm.s32 $0x1AC0;
	s26 =	simm.s32 $0x6B0;
	v16 =	vld.idx.msk [tilespmem:v16+s2+$0x0], $0xffff;
	v13 =	vmul.f32 v13, v1;
	v15 =	vmul.f32 v15, v2  }
0x342: {  	s1 =	sand.u32 $0x70, s26;
	s26 =	sand.u32 $0x3E00, s31;
	v19 =	vld.idx.msk [tilespmem:v22+s2+$0x0], $0xffff  }
0x343: {  	s26 =	sor.u32 s1, s26;
	v22 =	vadd.s32 $0x1CCB, v5;
	v18 =	vld.idx.msk [tilespmem:v18+s2+$0x0], $0xffff;
	v15 =	vadd.f32 v15, v13;
	v23 =	vmul.f32 v14, v3  }
0x344: {  	v24 =	vadd.s32 $0x1CCB, v6;
	v13 =	vld [tilespmem:s26+$0x8200]  }
0x345: {  	v21 =	vmul.f32 v21, v8;
	v14 =	vld [tilespmem:s26+$0x8100];
	v20 =	vmul.f32 v20, v9;
	v23 =	vadd.f32 v23, v15  }
0x346: {  	v30 =	vadd.s32 $0x1CCB, v4;
	v37 =	vadd.s32 $0xCCC, v10;
	v15 =	vld [tilespmem:s26+$0x4E00];
	v31 =	vmul.f32 v17, v25  }
0x347: {  	v17 =	vld [tilespmem:s26+$0x4D00];
	v20 =	vadd.f32 v20, v21;
	v16 =	vmul.f32 v16, v26;
	v19 =	vmul.f32 v19, v7;
	[tilespmem:s24+$0x18600] =	vst v23  }
0x348: {  	v38 =	vadd.s32 $0xCCC, v12;
	v23 =	vadd.s32 $0x2FFD, v29;
	v21 =	vld.idx.msk [tilespmem:v22+s2+$0x0], $0xffff  }
0x349: {  	v16 =	vadd.f32 v16, v31;
	v22 =	vmul.f32 v18, v0;
	v19 =	vadd.f32 v19, v20;
	v20 =	vld.idx.msk [tilespmem:v24+s2+$0x0], $0xffff  }
0x34a: {  	v24 =	vadd.s32 $0x2FFD, v28;
	v18 =	vld [tilespmem:s26+$0x4D80]  }
0x34b: {  	v31 =	vadd.s32 $0xCCC, v11;
	v16 =	vadd.f32 v22, v16;
	[tilespmem:s25+$0xB580] =	vst v19;
	v19 =	vld.idx.msk [tilespmem:v30+s2+$0x0], $0xffff  }
0x34c: {  	v22 =	vadd.s32 $0x2FFD, v27;
	v30 =	vld.idx.msk [tilespmem:v37+s2+$0x0], $0xffff  }
0x34d: {  	v32 =	vld.idx.msk [tilespmem:v38+s2+$0x0], $0xffff;
	[tilespmem:s23+$0x1B900] =	vst v16  }
0x34e: {  	v23 =	vld.idx.msk [tilespmem:v23+s2+$0x0], $0xffff  }
0x34f: {  	v24 =	vld.idx.msk [tilespmem:v24+s2+$0x0], $0xffff;
	v16 =	vmul.f32 v21, v1;
	v20 =	vmul.f32 v20, v2  }
0x350: {  	v21 =	vld.idx.msk [tilespmem:v31+s2+$0x0], $0xffff  }
0x351: {  	v31 =	vadd.s32 $0x1FFE, v5;
	v22 =	vld.idx.msk [tilespmem:v22+s2+$0x0], $0xffff;
	v20 =	vadd.f32 v20, v16;
	v19 =	vmul.f32 v19, v3  }
0x352: {  	v39 =	vadd.s32 $0x1FFE, v6;
	v16 =	vld [tilespmem:s26+$0x8180]  }
0x353: {  	v41 =	vld.idx.msk [tilespmem:v18+s2+$0x0], $0xffff;
	v19 =	vadd.f32 v19, v20  }
0x354: {  	v40 =	vadd.s32 $0x1FFE, v4;
	v20 =	vld.idx.msk [tilespmem:v17+s2+$0x0], $0xffff;
	v23 =	vmul.f32 v23, v25;
	v24 =	vmul.f32 v24, v26  }
0x355: {  	v43 =	vld.idx.msk [tilespmem:v15+s2+$0x0], $0xffff;
	v30 =	vmul.f32 v30, v8;
	v21 =	vmul.f32 v21, v9;
	[tilespmem:s24+$0xB680] =	vst v19  }
0x356: {  	v19 =	vld.idx.msk [tilespmem:v31+s2+$0x0], $0xffff;
	v23 =	vadd.f32 v24, v23;
	v22 =	vmul.f32 v22, v0;
	v24 =	vadd.s32 $0x3330, v29  }
0x357: {  	v42 =	vadd.s32 $0x3330, v28;
	v31 =	vld.idx.msk [tilespmem:v39+s2+$0x0], $0xffff;
	v21 =	vadd.f32 v21, v30;
	v30 =	vmul.f32 v32, v7  }
0x358: {  	v44 =	vadd.s32 $0x3330, v27;
	v45 =	vadd.s32 $0xFFF, v10;
	v22 =	vadd.f32 v22, v23  }
0x359: {  	v23 =	vld.idx.msk [tilespmem:v40+s2+$0x0], $0xffff;
	v21 =	vadd.f32 v30, v21;
	v20 =	vmul.f32 v20, v14;
	v30 =	vmul.f32 v41, v16  }
0x35a: {  	[tilespmem:s23+$0xE980] =	vst v22;
	v22 =	vadd.s32 $0xFFF, v11  }
0x35b: {  	v46 =	vadd.s32 $0xFFF, v12;
	v20 =	vadd.f32 v30, v20;
	v30 =	vmul.f32 v43, v13;
	v24 =	vld.idx.msk [tilespmem:v24+s2+$0x0], $0xffff  }
0x35c: {  	v47 =	vadd.s32 $0x333, v17;
	v33 =	vld.idx.msk [tilespmem:v42+s2+$0x0], $0xffff;
	v19 =	vmul.f32 v19, v1;
	v31 =	vmul.f32 v31, v2  }
0x35d: {  	v49 =	vadd.s32 $0x333, v18;
	[tilespmem:s25+$0x11D80] =	vst v21;
	v21 =	vld.idx.msk [tilespmem:v44+s2+$0x0], $0xffff;
	v20 =	vadd.f32 v30, v20  }
0x35e: {  	v48 =	vld.idx.msk [tilespmem:v45+s2+$0x0], $0xffff;
	v19 =	vadd.f32 v31, v19;
	v23 =	vmul.f32 v23, v3;
	v31 =	vadd.s32 $0x2331, v5  }
0x35f: {  	v30 =	vadd.s32 $0x2331, v6;
	v22 =	vld.idx.msk [tilespmem:v22+s2+$0x0], $0xffff  }
0x360: {  	v51 =	vadd.s32 $0x333, v15;
	[tilespmem:s26+$0xB500] =	vst v20;
	v19 =	vadd.f32 v23, v19;
	v23 =	vld.idx.msk [tilespmem:v46+s2+$0x0], $0xffff  }
0x361: {  	v20 =	vadd.s32 $0x2331, v4;
	v50 =	vld.idx.msk [tilespmem:v47+s2+$0x0], $0xffff;
	v24 =	vmul.f32 v24, v25;
	v33 =	vmul.f32 v33, v26  }
0x362: {  	v34 =	vld.idx.msk [tilespmem:v49+s2+$0x0], $0xffff;
	[tilespmem:s24+$0x11E80] =	vst v19  }
0x363: {  	v21 =	vmul.f32 v21, v0;
	v19 =	vadd.s32 $0x3663, v29;
	v31 =	vld.idx.msk [tilespmem:v31+s2+$0x0], $0xffff;
	v24 =	vadd.f32 v33, v24  }
0x364: {  	v52 =	vadd.s32 $0x3663, v28;
	v30 =	vld.idx.msk [tilespmem:v30+s2+$0x0], $0xffff  }
0x365: {  	v54 =	vld.idx.msk [tilespmem:v51+s2+$0x0], $0xffff;
	v32 =	vmul.f32 v48, v8;
	v22 =	vmul.f32 v22, v9;
	v21 =	vadd.f32 v21, v24  }
0x366: {  	v20 =	vld.idx.msk [tilespmem:v20+s2+$0x0], $0xffff;
	v24 =	vadd.s32 $0x3663, v27  }
0x367: {  	v53 =	vadd.s32 $0x1332, v10;
	v23 =	vmul.f32 v23, v7;
	v22 =	vadd.f32 v22, v32;
	[tilespmem:s23+$0x15180] =	vst v21  }
0x368: {  	v35 =	vmul.f32 v50, v14;
	v34 =	vmul.f32 v34, v16;
	v21 =	vadd.s32 $0x1332, v11;
	v19 =	vld.idx.msk [tilespmem:v19+s2+$0x0], $0xffff  }
0x369: {  	v31 =	vmul.f32 v31, v1;
	v30 =	vmul.f32 v30, v2;
	v22 =	vadd.f32 v23, v22;
	v23 =	vld.idx.msk [tilespmem:v52+s2+$0x0], $0xffff  }
0x36a: {  	v55 =	vadd.s32 $0x1332, v12;
	v34 =	vadd.f32 v34, v35;
	v32 =	vmul.f32 v54, v13  }
0x36b: {  	v56 =	vadd.s32 $0x666, v15;
	v20 =	vmul.f32 v20, v3;
	[tilespmem:s25+$0x18580] =	vst v22;
	v22 =	vld.idx.msk [tilespmem:v24+s2+$0x0], $0xffff;
	v24 =	vadd.f32 v30, v31  }
0x36c: {  	v30 =	vadd.s32 $0x2664, v5;
	v31 =	vld.idx.msk [tilespmem:v53+s2+$0x0], $0xffff  }
0x36d: {  	v57 =	vadd.s32 $0x2664, v6;
	v32 =	vadd.f32 v32, v34;
	v21 =	vld.idx.msk [tilespmem:v21+s2+$0x0], $0xffff;
	v20 =	vadd.f32 v20, v24  }
0x36e: {  	v24 =	vadd.s32 $0x2664, v4;
	v19 =	vmul.f32 v19, v25;
	v23 =	vmul.f32 v23, v26  }
0x36f: {  	v58 =	vadd.s32 $0x666, v17;
	[tilespmem:s26+$0x11D00] =	vst v32;
	v33 =	vld.idx.msk [tilespmem:v55+s2+$0x0], $0xffff  }
0x370: {  	v36 =	vld.idx.msk [tilespmem:v56+s2+$0x0], $0xffff;
	[tilespmem:s24+$0x18680] =	vst v20;
	v19 =	vadd.f32 v23, v19;
	v22 =	vmul.f32 v22, v0;
	v23 =	vadd.s32 $0x3996, v29  }
0x371: {  	v60 =	vadd.s32 $0x3996, v28;
	v20 =	vld.idx.msk [tilespmem:v30+s2+$0x0], $0xffff;
	v30 =	vadd.s32 $0x666, v18  }
0x372: {  	v59 =	vld.idx.msk [tilespmem:v57+s2+$0x0], $0xffff;
	v31 =	vmul.f32 v31, v8;
	v21 =	vmul.f32 v21, v9;
	v19 =	vadd.f32 v22, v19  }
0x373: {  	v22 =	vld.idx.msk [tilespmem:v24+s2+$0x0], $0xffff;
	v24 =	vadd.s32 $0x3996, v27  }
0x374: {  	v61 =	vadd.s32 $0x1665, v10;
	v34 =	vld.idx.msk [tilespmem:v58+s2+$0x0], $0xffff;
	v21 =	vadd.f32 v21, v31;
	v31 =	vmul.f32 v33, v7;
	[tilespmem:s23+$0x1B980] =	vst v19  }
0x375: {  	v62 =	vadd.s32 $0x1665, v12;
	v23 =	vld.idx.msk [tilespmem:v23+s2+$0x0], $0xffff  }
0x376: {  	v19 =	vadd.s32 $0x1665, v11;
	v21 =	vadd.f32 v31, v21;
	v31 =	vld.idx.msk [tilespmem:v60+s2+$0x0], $0xffff  }
0x377: {  	v30 =	vld.idx.msk [tilespmem:v30+s2+$0x0], $0xffff  }
0x378: {  	v20 =	vmul.f32 v20, v1;
	v32 =	vmul.f32 v59, v2;
	[tilespmem:s25+$0xB600] =	vst v21;
	v21 =	vld.idx.msk [tilespmem:v24+s2+$0x0], $0xffff  }
0x379: {  	s29 =	simm.s32 $0x1B00;
	s31 =	simm.s32 $0x6C0;
	v24 =	vld.idx.msk [tilespmem:v61+s2+$0x0], $0xffff  }
0x37a: {  	s28 =	sand.u32 $0x3E00, s29;
	s1 =	sand.u32 $0x70, s31;
	v63 =	vadd.s32 $0x2997, v5;
	v20 =	vadd.f32 v32, v20;
	v22 =	vmul.f32 v22, v3;
	v35 =	vld.idx.msk [tilespmem:v62+s2+$0x0], $0xffff  }
0x37b: {  	s28 =	sor.u32 s1, s28;
	v43 =	vadd.s32 $0x2997, v6;
	v44 =	vadd.s32 $0x2997, v4;
	v42 =	vld.idx.msk [tilespmem:v19+s2+$0x0], $0xffff  }
0x37c: {  	v19 =	vld [tilespmem:s28+$0x8200];
	v22 =	vadd.f32 v22, v20;
	v23 =	vmul.f32 v23, v25;
	v31 =	vmul.f32 v31, v26  }
0x37d: {  	v45 =	vadd.s32 $0x3CC9, v29;
	v34 =	vmul.f32 v34, v14;
	v20 =	vld [tilespmem:s28+$0x8100]  }
0x37e: {  	v30 =	vmul.f32 v30, v16;
	[tilespmem:s24+$0xE900] =	vst v22;
	v22 =	vld [tilespmem:s28+$0x8180];
	v23 =	vadd.f32 v31, v23;
	v21 =	vmul.f32 v21, v0  }
0x37f: {  	v47 =	vadd.s32 $0x999, v17;
	v32 =	vld.idx.msk [tilespmem:v63+s2+$0x0], $0xffff;
	v31 =	vadd.s32 $0x3CC9, v28  }
0x380: {  	v46 =	vmul.f32 v36, v13;
	v30 =	vadd.f32 v30, v34;
	v37 =	vld.idx.msk [tilespmem:v43+s2+$0x0], $0xffff;
	v23 =	vadd.f32 v21, v23  }
0x381: {  	v54 =	vadd.s32 $0x999, v15;
	v38 =	vld.idx.msk [tilespmem:v44+s2+$0x0], $0xffff;
	v24 =	vmul.f32 v24, v8;
	v33 =	vmul.f32 v42, v9  }
0x382: {  	v41 =	vadd.s32 $0x3CC9, v27;
	v21 =	vld [tilespmem:s28+$0x4E00];
	v30 =	vadd.f32 v46, v30;
	[tilespmem:s23+$0xEA00] =	vst v23  }
0x383: {  	v48 =	vadd.s32 $0x1998, v10;
	v49 =	vmul.f32 v35, v7;
	v24 =	vadd.f32 v33, v24;
	v50 =	vld.idx.msk [tilespmem:v45+s2+$0x0], $0xffff  }
0x384: {  	v23 =	vadd.s32 $0x1998, v11;
	[tilespmem:s26+$0x18500] =	vst v30;
	v30 =	vadd.s32 $0x999, v18;
	v31 =	vld.idx.msk [tilespmem:v31+s2+$0x0], $0xffff  }
0x385: {  	v51 =	vld.idx.msk [tilespmem:v47+s2+$0x0], $0xffff;
	v32 =	vmul.f32 v32, v1;
	v53 =	vmul.f32 v37, v2;
	v24 =	vadd.f32 v49, v24  }
0x386: {  	v52 =	vadd.s32 $0x1998, v12;
	v37 =	vld.idx.msk [tilespmem:v54+s2+$0x0], $0xffff  }
0x387: {  	v57 =	vadd.s32 $0x2CCA, v5;
	v56 =	vmul.f32 v38, v3;
	v32 =	vadd.f32 v53, v32;
	[tilespmem:s25+$0x11E00] =	vst v24;
	v24 =	vld.idx.msk [tilespmem:v41+s2+$0x0], $0xffff  }
0x388: {  	v59 =	vadd.s32 $0x2CCA, v4;
	v55 =	vld.idx.msk [tilespmem:v48+s2+$0x0], $0xffff  }
0x389: {  	v58 =	vld.idx.msk [tilespmem:v23+s2+$0x0], $0xffff;
	v23 =	vadd.s32 $0x2CCA, v6;
	v32 =	vadd.f32 v56, v32  }
0x38a: {  	v30 =	vld.idx.msk [tilespmem:v30+s2+$0x0], $0xffff;
	v34 =	vmul.f32 v50, v25;
	v31 =	vmul.f32 v31, v26  }
0x38b: {  	v35 =	vld.idx.msk [tilespmem:v52+s2+$0x0], $0xffff;
	[tilespmem:s24+$0x15100] =	vst v32  }
0x38c: {  	v60 =	vadd.s32 $0x3FFC, v29;
	v32 =	vld.idx.msk [tilespmem:v57+s2+$0x0], $0xffff;
	v31 =	vadd.f32 v31, v34;
	v24 =	vmul.f32 v24, v0  }
0x38d: {  	v62 =	vadd.s32 $0x3FFC, v28;
	v36 =	vld.idx.msk [tilespmem:v59+s2+$0x0], $0xffff  }
0x38e: {  	v61 =	vld.idx.msk [tilespmem:v23+s2+$0x0], $0xffff;
	v39 =	vmul.f32 v55, v8;
	v40 =	vmul.f32 v58, v9;
	v31 =	vadd.f32 v24, v31  }
0x38f: {  	v43 =	vadd.s32 $0x3FFC, v27;
	v42 =	vadd.s32 $0x1CCB, v10;
	v33 =	vmul.f32 v51, v14;
	v23 =	vld [tilespmem:s28+$0x4D00]  }
0x390: {  	v30 =	vmul.f32 v30, v16;
	v35 =	vmul.f32 v35, v7;
	v24 =	vld [tilespmem:s28+$0x4D80];
	v39 =	vadd.f32 v40, v39;
	[tilespmem:s23+$0x15200] =	vst v31  }
0x391: {  	v63 =	vadd.s32 $0x1CCB, v11;
	v47 =	vadd.s32 $0x1CCB, v12;
	v34 =	vld.idx.msk [tilespmem:v60+s2+$0x0], $0xffff  }
0x392: {  	v45 =	vmul.f32 v37, v13;
	v30 =	vadd.f32 v30, v33;
	v35 =	vadd.f32 v35, v39;
	v46 =	vld.idx.msk [tilespmem:v62+s2+$0x0], $0xffff  }
0x393: {  	v48 =	vadd.s32 $0xCCC, v18;
	v39 =	vld.idx.msk [tilespmem:v21+s2+$0x0], $0xffff  }
0x394: {  	v52 =	vadd.s32 $0xCCC, v15;
	v30 =	vadd.f32 v45, v30;
	v49 =	vld.idx.msk [tilespmem:v43+s2+$0x0], $0xffff;
	[tilespmem:s25+$0x18600] =	vst v35  }
0x395: {  	v31 =	vadd.s32 $0xCCC, v17;
	v32 =	vmul.f32 v32, v1;
	v38 =	vmul.f32 v61, v2;
	v42 =	vld.idx.msk [tilespmem:v42+s2+$0x0], $0xffff  }
0x396: {  	[tilespmem:s26+$0xB580] =	vst v30;
	v30 =	vld.idx.msk [tilespmem:v63+s2+$0x0], $0xffff  }
0x397: {  	v50 =	vadd.s32 $0x2FFD, v5;
	v36 =	vmul.f32 v36, v3;
	v32 =	vadd.f32 v38, v32;
	v53 =	vld.idx.msk [tilespmem:v47+s2+$0x0], $0xffff  }
0x398: {  	v51 =	vadd.s32 $0x2FFD, v6;
	v33 =	vld.idx.msk [tilespmem:v48+s2+$0x0], $0xffff  }
0x399: {  	v43 =	vld.idx.msk [tilespmem:v52+s2+$0x0], $0xffff;
	v32 =	vadd.f32 v36, v32;
	v34 =	vmul.f32 v34, v25;
	v37 =	vmul.f32 v46, v26  }
0x39a: {  	v54 =	vadd.s32 $0x2FFD, v4;
	v31 =	vld.idx.msk [tilespmem:v31+s2+$0x0], $0xffff  }
0x39b: {  	v55 =	vadd.s32 $0x432F, v29;
	v60 =	vld.idx.msk [tilespmem:v23+s2+$0x0], $0xffff;
	v35 =	vmul.f32 v49, v0;
	[tilespmem:s24+$0x1B900] =	vst v32;
	v34 =	vadd.f32 v37, v34  }
0x39c: {  	v57 =	vadd.s32 $0x432F, v28;
	v32 =	vld.idx.msk [tilespmem:v50+s2+$0x0], $0xffff;
	v42 =	vmul.f32 v42, v8;
	v30 =	vmul.f32 v30, v9  }
0x39d: {  	v59 =	vadd.s32 $0x432F, v27;
	v56 =	vld.idx.msk [tilespmem:v51+s2+$0x0], $0xffff;
	v34 =	vadd.f32 v35, v34  }
0x39e: {  	v44 =	vadd.s32 $0x1FFE, v10;
	v45 =	vld.idx.msk [tilespmem:v24+s2+$0x0], $0xffff;
	v36 =	vmul.f32 v53, v7;
	v30 =	vadd.f32 v30, v42  }
0x39f: {  	v61 =	vadd.s32 $0x1FFE, v11;
	v58 =	vld.idx.msk [tilespmem:v54+s2+$0x0], $0xffff;
	v33 =	vmul.f32 v33, v16;
	v31 =	vmul.f32 v31, v14;
	[tilespmem:s23+$0x1BA00] =	vst v34  }
0x3a0: {  	v63 =	vadd.s32 $0x1FFE, v12;
	v49 =	vadd.s32 $0xFFF, v17;
	v37 =	vld.idx.msk [tilespmem:v55+s2+$0x0], $0xffff;
	v30 =	vadd.f32 v36, v30  }
0x3a1: {  	v46 =	vadd.s32 $0xFFF, v15;
	v48 =	vmul.f32 v43, v13;
	v31 =	vadd.f32 v33, v31;
	v62 =	vld.idx.msk [tilespmem:v57+s2+$0x0], $0xffff  }
0x3a2: {  	v53 =	vadd.s32 $0xFFF, v18;
	v32 =	vmul.f32 v32, v1;
	v38 =	vmul.f32 v56, v2;
	[tilespmem:s25+$0xB680] =	vst v30;
	v30 =	vld.idx.msk [tilespmem:v59+s2+$0x0], $0xffff  }
0x3a3: {  	v50 =	vadd.s32 $0x3330, v5;
	v42 =	vmul.f32 v60, v20;
	v31 =	vadd.f32 v48, v31;
	v51 =	vld.idx.msk [tilespmem:v44+s2+$0x0], $0xffff  }
0x3a4: {  	v45 =	vmul.f32 v45, v22;
	v35 =	vmul.f32 v58, v3;
	v32 =	vadd.f32 v38, v32;
	v34 =	vld.idx.msk [tilespmem:v61+s2+$0x0], $0xffff  }
0x3a5: {  	v52 =	vadd.s32 $0x3330, v6;
	v39 =	vmul.f32 v39, v19;
	[tilespmem:s26+$0x11D80] =	vst v31;
	v31 =	vld.idx.msk [tilespmem:v63+s2+$0x0], $0xffff  }
0x3a6: {  	v55 =	vadd.s32 $0x3330, v4;
	v57 =	vadd.f32 v45, v42;
	v43 =	vld.idx.msk [tilespmem:v49+s2+$0x0], $0xffff;
	v32 =	vadd.f32 v35, v32  }
0x3a7: {  	v58 =	vadd.s32 $0x333, v23;
	v44 =	vld.idx.msk [tilespmem:v53+s2+$0x0], $0xffff;
	v37 =	vmul.f32 v37, v25;
	v36 =	vmul.f32 v62, v26  }
0x3a8: {  	v54 =	vadd.s32 $0x4662, v29;
	v48 =	vadd.s32 $0x333, v24;
	v62 =	vld.idx.msk [tilespmem:v46+s2+$0x0], $0xffff;
	[tilespmem:s24+$0xE980] =	vst v32  }
0x3a9: {  	v59 =	vadd.f32 v39, v57;
	v36 =	vadd.f32 v36, v37;
	v30 =	vmul.f32 v30, v0;
	v32 =	vld.idx.msk [tilespmem:v50+s2+$0x0], $0xffff  }
0x3aa: {  	v56 =	vadd.s32 $0x4662, v28;
	v33 =	vld.idx.msk [tilespmem:v52+s2+$0x0], $0xffff;
	v41 =	vmul.f32 v51, v8;
	v34 =	vmul.f32 v34, v9  }
0x3ab: {  	v61 =	vadd.s32 $0x4662, v27;
	[tilespmem:s28+$0xB500] =	vst v59;
	v60 =	vld.idx.msk [tilespmem:v55+s2+$0x0], $0xffff;
	v30 =	vadd.f32 v30, v36  }
0x3ac: {  	v63 =	vadd.s32 $0x2331, v10;
	v31 =	vmul.f32 v31, v7;
	v50 =	vld.idx.msk [tilespmem:v58+s2+$0x0], $0xffff;
	v34 =	vadd.f32 v34, v41  }
0x3ad: {  	v52 =	vadd.s32 $0x333, v21;
	v36 =	vld.idx.msk [tilespmem:v48+s2+$0x0], $0xffff;
	[tilespmem:s23+$0xEA80] =	vst v30;
	v30 =	vadd.s32 $0x2331, v11  }
0x3ae: {  	v43 =	vmul.f32 v43, v14;
	v44 =	vmul.f32 v44, v16;
	v35 =	vld.idx.msk [tilespmem:v54+s2+$0x0], $0xffff;
	v31 =	vadd.f32 v31, v34  }
0x3af: {  	v51 =	vadd.s32 $0x2331, v12;
	v49 =	vld.idx.msk [tilespmem:v56+s2+$0x0], $0xffff;
	v32 =	vmul.f32 v32, v1;
	v33 =	vmul.f32 v33, v2  }
0x3b0: {  	v59 =	vadd.s32 $0x1332, v18;
	v40 =	vmul.f32 v62, v13;
	v43 =	vadd.f32 v44, v43;
	v39 =	vld.idx.msk [tilespmem:v61+s2+$0x0], $0xffff;
	[tilespmem:s25+$0x11E80] =	vst v31  }
0x3b1: {  	v53 =	vmul.f32 v60, v3;
	v31 =	vadd.s32 $0x3663, v5;
	v41 =	vld.idx.msk [tilespmem:v63+s2+$0x0], $0xffff;
	v32 =	vadd.f32 v33, v32  }
0x3b2: {  	v55 =	vadd.s32 $0x3663, v6;
	v40 =	vadd.f32 v40, v43;
	v30 =	vld.idx.msk [tilespmem:v30+s2+$0x0], $0xffff  }
0x3b3: {  	v54 =	vadd.s32 $0x1332, v17;
	v58 =	vld.idx.msk [tilespmem:v52+s2+$0x0], $0xffff;
	v32 =	vadd.f32 v53, v32  }
0x3b4: {  	v57 =	vadd.s32 $0x3663, v4;
	v56 =	vld.idx.msk [tilespmem:v51+s2+$0x0], $0xffff;
	[tilespmem:s26+$0x18580] =	vst v40;
	v35 =	vmul.f32 v35, v25;
	v34 =	vmul.f32 v49, v26  }
0x3b5: {  	v29 =	vadd.s32 $0x4995, v29;
	v62 =	vadd.s32 $0x1332, v15;
	v51 =	vld.idx.msk [tilespmem:v59+s2+$0x0], $0xffff;
	[tilespmem:s24+$0x15180] =	vst v32  }
0x3b6: {  	v28 =	vadd.s32 $0x4995, v28;
	v61 =	vmul.f32 v39, v0;
	v60 =	vadd.f32 v34, v35;
	v31 =	vld.idx.msk [tilespmem:v31+s2+$0x0], $0xffff  }
0x3b7: {  	v27 =	vadd.s32 $0x4995, v27;
	v63 =	vld.idx.msk [tilespmem:v55+s2+$0x0], $0xffff;
	v48 =	vmul.f32 v41, v8;
	v30 =	vmul.f32 v30, v9  }
0x3b8: {  	v52 =	vadd.s32 $0x2664, v10;
	v36 =	vmul.f32 v36, v22;
	v38 =	vld.idx.msk [tilespmem:v54+s2+$0x0], $0xffff;
	v32 =	vadd.f32 v61, v60  }
0x3b9: {  	v49 =	vmul.f32 v50, v20;
	v50 =	vld.idx.msk [tilespmem:v57+s2+$0x0], $0xffff;
	v33 =	vmul.f32 v56, v7;
	v30 =	vadd.f32 v30, v48  }
0x3ba: {  	v54 =	vadd.s32 $0x2664, v11;
	v56 =	vmul.f32 v58, v19;
	v58 =	vld.idx.msk [tilespmem:v62+s2+$0x0], $0xffff;
	[tilespmem:s23+$0x15280] =	vst v32  }
0x3bb: {  	v53 =	vadd.s32 $0x666, v21;
	v55 =	vld.idx.msk [tilespmem:v29+s2+$0x0], $0xffff;
	v29 =	vadd.f32 v36, v49;
	v30 =	vadd.f32 v33, v30  }
0x3bc: {  	v57 =	vld.idx.msk [tilespmem:v28+s2+$0x0], $0xffff;
	v28 =	vadd.s32 $0x2664, v12;
	v31 =	vmul.f32 v31, v1;
	v59 =	vmul.f32 v63, v2  }
0x3bd: {  	v60 =	vadd.s32 $0x666, v23;
	v27 =	vld.idx.msk [tilespmem:v27+s2+$0x0], $0xffff;
	v34 =	vadd.f32 v56, v29;
	[tilespmem:s25+$0x18680] =	vst v30  }
0x3be: {  	v61 =	vmul.f32 v50, v3;
	v29 =	vadd.s32 $0x3996, v5;
	v31 =	vadd.f32 v59, v31;
	v32 =	vld.idx.msk [tilespmem:v52+s2+$0x0], $0xffff  }
0x3bf: {  	v39 =	vadd.s32 $0x666, v24;
	v30 =	vadd.s32 $0x3996, v6;
	[tilespmem:s28+$0x11D00] =	vst v34;
	v34 =	vld.idx.msk [tilespmem:v54+s2+$0x0], $0xffff  }
0x3c0: {  	v62 =	vmul.f32 v51, v16;
	v38 =	vmul.f32 v38, v14;
	v35 =	vld.idx.msk [tilespmem:v53+s2+$0x0], $0xffff;
	v63 =	vadd.f32 v61, v31  }
0x3c1: {  	v33 =	vld.idx.msk [tilespmem:v28+s2+$0x0], $0xffff;
	v28 =	vadd.s32 $0x3996, v4;
	v25 =	vmul.f32 v55, v25;
	v26 =	vmul.f32 v57, v26  }
0x3c2: {  	s30 =	simm.s32 $0x6D0;
	v36 =	vadd.s32 $0x1665, v17;
	v37 =	vld.idx.msk [tilespmem:v60+s2+$0x0], $0xffff;
	v31 =	vadd.f32 v62, v38;
	v38 =	vmul.f32 v58, v13;
	[tilespmem:s24+$0x1B980] =	vst v63  }
.LBB2_4:
0x3c3: {  	p0 =	sne.s32 s30, $0xCF0;
	v40 =	vadd.s32 $0x1665, v18;
	v29 =	vld.idx.msk [tilespmem:v29+s2+$0x0], $0xffff;
	v25 =	vadd.f32 v26, v25;
	v41 =	vmul.f32 v27, v0;
	v0 =	vmovc v3  }
0x3c4: {  	v3 =	vmovc v7;
	v7 =	vmovc v13;
	v13 =	vmov v19;
	v27 =	vadd.f32 v38, v31;
	v38 =	vadd.s32 $0x1665, v15;
	v30 =	vld.idx.msk [tilespmem:v30+s2+$0x0], $0xffff  }
0x3c5: {  	v19 =	vmul.f32 v32, v8;
	v32 =	vmul.f32 v34, v9;
	v39 =	vld.idx.msk [tilespmem:v39+s2+$0x0], $0xffff;
	v25 =	vadd.f32 v41, v25  }
0x3c6: {  	s29 =	sadd.s32 $0x40, s29;
	v26 =	vmovc v2;
	v2 =	vmovc v9;
	v31 =	vmov v8;
	v8 =	vmov v14;
	v14 =	vmov v20;
	[tilespmem:s26+$0xB600] =	vst v27;
	v27 =	vld.idx.msk [tilespmem:v28+s2+$0x0], $0xffff  }
0x3c7: {  	s1 =	sand.u32 $0x70, s30;
	s31 =	sand.u32 $0x3E00, s29;
	v20 =	vadd.f32 v32, v19;
	v32 =	vmul.f32 v33, v3;
	v33 =	vadd.s32 $0x2997, v10;
	v28 =	vld.idx.msk [tilespmem:v36+s2+$0x0], $0xffff;
	[tilespmem:s23+$0x1BA80] =	vst v25;
	s23 =	smov.u32 s24  }
0x3c8: {  	v34 =	vadd.s32 $0x2997, v11;
	v9 =	vmov v16;
	v16 =	vmov v22;
	s1 =	sor.u32 s1, s31;
	s24 =	smov.u32 s25;
	s25 =	smov.u32 s26;
	v25 =	vld.idx.msk [tilespmem:v40+s2+$0x0], $0xffff  }
0x3c9: {  	s26 =	smov.u32 s28;
	s28 =	smov.u32 s1;
	v22 =	vadd.f32 v32, v20;
	v19 =	vld [tilespmem:s1+$0x8200]  }
0x3ca: {  	v36 =	vadd.s32 $0x2997, v12;
	v29 =	vmul.f32 v29, v1;
	v30 =	vmul.f32 v30, v26;
	v32 =	vld.idx.msk [tilespmem:v38+s2+$0x0], $0xffff  }
0x3cb: {  	v37 =	vmul.f32 v37, v14;
	v38 =	vmul.f32 v39, v16;
	v39 =	vadd.s32 $0x3CC9, v5;
	v20 =	vld [tilespmem:s28+$0x8100];
	[tilespmem:s24+$0xE900] =	vst v22  }
0x3cc: {  	v29 =	vadd.f32 v30, v29;
	v27 =	vmul.f32 v27, v0;
	v30 =	vadd.s32 $0x3CC9, v6;
	v33 =	vld.idx.msk [tilespmem:v33+s2+$0x0], $0xffff  }
0x3cd: {  	v35 =	vmul.f32 v35, v13;
	v37 =	vadd.f32 v38, v37;
	v38 =	vadd.s32 $0x999, v23;
	v34 =	vld.idx.msk [tilespmem:v34+s2+$0x0], $0xffff  }
0x3ce: {  	v28 =	vmul.f32 v28, v8;
	v40 =	vmul.f32 v25, v9;
	v27 =	vadd.f32 v27, v29;
	v22 =	vld [tilespmem:s28+$0x8180]  }
0x3cf: {  	v41 =	vadd.s32 $0x3CC9, v4;
	v29 =	vadd.s32 $0x1998, v17;
	v36 =	vld.idx.msk [tilespmem:v36+s2+$0x0], $0xffff  }
0x3d0: {  	v35 =	vadd.f32 v35, v37;
	v28 =	vadd.f32 v40, v28;
	v32 =	vmul.f32 v32, v7;
	v25 =	vld [tilespmem:s28+$0x4E00];
	[tilespmem:s23+$0xEA00] =	vst v27  }
0x3d1: {  	v27 =	vadd.s32 $0x1998, v18;
	v37 =	vld.idx.msk [tilespmem:v39+s2+$0x0], $0xffff  }
0x3d2: {  	v28 =	vadd.f32 v32, v28;
	[tilespmem:s26+$0x18500] =	vst v35;
	v35 =	vadd.s32 $0x999, v24;
	v30 =	vld.idx.msk [tilespmem:v30+s2+$0x0], $0xffff  }
0x3d3: {  	v33 =	vmul.f32 v33, v31;
	v34 =	vmul.f32 v34, v2;
	v32 =	vld.idx.msk [tilespmem:v38+s2+$0x0], $0xffff;
	v38 =	vadd.s32 $0x1998, v15  }
0x3d4: {  	v39 =	vadd.s32 $0x999, v21;
	[tilespmem:s25+$0x11E00] =	vst v28;
	v28 =	vld.idx.msk [tilespmem:v41+s2+$0x0], $0xffff  }
0x3d5: {  	v33 =	vadd.f32 v34, v33;
	v34 =	vmul.f32 v36, v3;
	v36 =	vadd.s32 $0x2CCA, v10;
	v29 =	vld.idx.msk [tilespmem:v29+s2+$0x0], $0xffff  }
0x3d6: {  	v40 =	vld.idx.msk [tilespmem:v27+s2+$0x0], $0xffff;
	v27 =	vadd.s32 $0x2CCA, v11  }
0x3d7: {  	v33 =	vadd.f32 v34, v33;
	v35 =	vld.idx.msk [tilespmem:v35+s2+$0x0], $0xffff  }
0x3d8: {  	v37 =	vmul.f32 v37, v1;
	v30 =	vmul.f32 v30, v26;
	v34 =	vld.idx.msk [tilespmem:v38+s2+$0x0], $0xffff;
	v38 =	vadd.s32 $0x2CCA, v12  }
0x3d9: {  	v39 =	vld.idx.msk [tilespmem:v39+s2+$0x0], $0xffff;
	[tilespmem:s24+$0x15100] =	vst v33  }
0x3da: {  	v30 =	vadd.f32 v30, v37;
	v28 =	vmul.f32 v28, v0;
	v33 =	vld.idx.msk [tilespmem:v36+s2+$0x0], $0xffff;
	v36 =	vadd.s32 $0x3FFC, v5  }
0x3db: {  	v41 =	vadd.s32 $0x3FFC, v6;
	v37 =	vld.idx.msk [tilespmem:v27+s2+$0x0], $0xffff  }
0x3dc: {  	v29 =	vmul.f32 v29, v8;
	v40 =	vmul.f32 v40, v9;
	v30 =	vadd.f32 v28, v30;
	v27 =	vld [tilespmem:s28+$0x4D00]  }
0x3dd: {  	v42 =	vadd.s32 $0x1CCB, v17;
	v43 =	vadd.s32 $0x3FFC, v4;
	v32 =	vmul.f32 v32, v14;
	v38 =	vld.idx.msk [tilespmem:v38+s2+$0x0], $0xffff  }
0x3de: {  	v35 =	vmul.f32 v35, v16;
	v29 =	vadd.f32 v40, v29;
	v34 =	vmul.f32 v34, v7;
	v28 =	vld [tilespmem:s28+$0x4D80];
	[tilespmem:s23+$0x15200] =	vst v30  }
0x3df: {  	v40 =	vadd.s32 $0x1CCB, v18;
	v30 =	vadd.s32 $0xCCC, v23;
	v36 =	vld.idx.msk [tilespmem:v36+s2+$0x0], $0xffff  }
0x3e0: {  	v32 =	vadd.f32 v35, v32;
	v35 =	vmul.f32 v39, v13;
	v29 =	vadd.f32 v34, v29;
	v34 =	vld.idx.msk [tilespmem:v41+s2+$0x0], $0xffff  }
0x3e1: {  	v33 =	vmul.f32 v33, v31;
	v41 =	vadd.s32 $0x1CCB, v15;
	v37 =	vmul.f32 v37, v2;
	v39 =	vld.idx.msk [tilespmem:v25+s2+$0x0], $0xffff  }
0x3e2: {  	v32 =	vadd.f32 v35, v32;
	v35 =	vadd.s32 $0xCCC, v24;
	[tilespmem:s25+$0x18600] =	vst v29;
	v29 =	vld.idx.msk [tilespmem:v43+s2+$0x0], $0xffff  }
0x3e3: {  	v33 =	vadd.f32 v37, v33;
	v37 =	vmul.f32 v38, v3;
	v38 =	vadd.s32 $0x2FFD, v10;
	v42 =	vld.idx.msk [tilespmem:v42+s2+$0x0], $0xffff  }
0x3e4: {  	[tilespmem:s26+$0xB580] =	vst v32;
	v32 =	vld.idx.msk [tilespmem:v40+s2+$0x0], $0xffff;
	v40 =	vadd.s32 $0x2FFD, v11  }
0x3e5: {  	v43 =	vadd.s32 $0xCCC, v21;
	v33 =	vadd.f32 v37, v33;
	v30 =	vld.idx.msk [tilespmem:v30+s2+$0x0], $0xffff  }
0x3e6: {  	v36 =	vmul.f32 v36, v1;
	v34 =	vmul.f32 v34, v26;
	v37 =	vld.idx.msk [tilespmem:v41+s2+$0x0], $0xffff;
	v41 =	vadd.s32 $0x2FFD, v12  }
0x3e7: {  	v35 =	vld.idx.msk [tilespmem:v35+s2+$0x0], $0xffff;
	[tilespmem:s24+$0x1B900] =	vst v33  }
0x3e8: {  	v34 =	vadd.f32 v34, v36;
	v29 =	vmul.f32 v29, v0;
	v36 =	vadd.s32 $0x432F, v5;
	v33 =	vld.idx.msk [tilespmem:v38+s2+$0x0], $0xffff  }
0x3e9: {  	v38 =	vld.idx.msk [tilespmem:v40+s2+$0x0], $0xffff;
	v40 =	vadd.s32 $0x432F, v6  }
0x3ea: {  	v42 =	vmul.f32 v42, v8;
	v32 =	vmul.f32 v32, v9;
	v29 =	vadd.f32 v29, v34;
	v43 =	vld.idx.msk [tilespmem:v43+s2+$0x0], $0xffff  }
0x3eb: {  	v34 =	vld.idx.msk [tilespmem:v41+s2+$0x0], $0xffff;
	v41 =	vadd.s32 $0x432F, v4  }
0x3ec: {  	v32 =	vadd.f32 v32, v42;
	v37 =	vmul.f32 v37, v7;
	v42 =	vadd.s32 $0x1FFE, v17;
	v44 =	vld.idx.msk [tilespmem:v27+s2+$0x0], $0xffff;
	[tilespmem:s23+$0x1BA00] =	vst v29  }
0x3ed: {  	v29 =	vadd.s32 $0x1FFE, v18;
	v36 =	vld.idx.msk [tilespmem:v36+s2+$0x0], $0xffff  }
0x3ee: {  	v30 =	vmul.f32 v30, v14;
	v35 =	vmul.f32 v35, v16;
	v32 =	vadd.f32 v37, v32;
	v37 =	vld.idx.msk [tilespmem:v40+s2+$0x0], $0xffff  }
0x3ef: {  	v45 =	vadd.s32 $0x1FFE, v15;
	v33 =	vmul.f32 v33, v31;
	v38 =	vmul.f32 v38, v2;
	v40 =	vld.idx.msk [tilespmem:v28+s2+$0x0], $0xffff  }
0x3f0: {  	v30 =	vadd.f32 v35, v30;
	v35 =	vmul.f32 v43, v13;
	v43 =	vadd.s32 $0xFFF, v23;
	[tilespmem:s25+$0xB680] =	vst v32;
	v32 =	vld.idx.msk [tilespmem:v41+s2+$0x0], $0xffff  }
0x3f1: {  	v33 =	vadd.f32 v38, v33;
	v34 =	vmul.f32 v34, v3;
	v38 =	vadd.s32 $0x3330, v10;
	v41 =	vld.idx.msk [tilespmem:v42+s2+$0x0], $0xffff  }
0x3f2: {  	v30 =	vadd.f32 v35, v30;
	v35 =	vadd.s32 $0x3330, v11;
	v29 =	vld.idx.msk [tilespmem:v29+s2+$0x0], $0xffff  }
0x3f3: {  	v42 =	vadd.s32 $0xFFF, v24;
	v33 =	vadd.f32 v34, v33;
	v34 =	vadd.s32 $0x4662, v5  }
0x3f4: {  	v36 =	vmul.f32 v36, v1;
	v37 =	vmul.f32 v37, v26;
	[tilespmem:s26+$0x11D80] =	vst v30;
	v30 =	vld.idx.msk [tilespmem:v45+s2+$0x0], $0xffff;
	v45 =	vadd.s32 $0x3330, v12  }
0x3f5: {  	v46 =	vadd.s32 $0xFFF, v21;
	v44 =	vmul.f32 v44, v20;
	v40 =	vmul.f32 v40, v22;
	v43 =	vld.idx.msk [tilespmem:v43+s2+$0x0], $0xffff;
	[tilespmem:s24+$0xE980] =	vst v33  }
0x3f6: {  	v36 =	vadd.f32 v37, v36;
	v32 =	vmul.f32 v32, v0;
	v37 =	vadd.s32 $0x4662, v6;
	v33 =	vld.idx.msk [tilespmem:v38+s2+$0x0], $0xffff  }
0x3f7: {  	v39 =	vmul.f32 v39, v19;
	v38 =	vadd.f32 v40, v44;
	v40 =	vadd.s32 $0x333, v27;
	v35 =	vld.idx.msk [tilespmem:v35+s2+$0x0], $0xffff  }
0x3f8: {  	v41 =	vmul.f32 v41, v8;
	v29 =	vmul.f32 v29, v9;
	v32 =	vadd.f32 v32, v36;
	v42 =	vld.idx.msk [tilespmem:v42+s2+$0x0], $0xffff  }
0x3f9: {  	v36 =	vadd.f32 v39, v38;
	v39 =	vadd.s32 $0x4662, v4;
	v38 =	vld.idx.msk [tilespmem:v45+s2+$0x0], $0xffff  }
0x3fa: {  	v29 =	vadd.f32 v29, v41;
	v30 =	vmul.f32 v30, v7;
	v41 =	vadd.s32 $0x2331, v17;
	v44 =	vld.idx.msk [tilespmem:v46+s2+$0x0], $0xffff;
	[tilespmem:s23+$0xEA80] =	vst v32  }
0x3fb: {  	v32 =	vadd.s32 $0x2331, v18;
	v34 =	vld.idx.msk [tilespmem:v34+s2+$0x0], $0xffff  }
0x3fc: {  	v29 =	vadd.f32 v30, v29;
	[tilespmem:s28+$0xB500] =	vst v36;
	v36 =	vadd.s32 $0x333, v28;
	v30 =	vld.idx.msk [tilespmem:v37+s2+$0x0], $0xffff  }
0x3fd: {  	v33 =	vmul.f32 v33, v31;
	v35 =	vmul.f32 v35, v2;
	v37 =	vld.idx.msk [tilespmem:v40+s2+$0x0], $0xffff;
	v40 =	vadd.s32 $0x2331, v15  }
0x3fe: {  	v45 =	vadd.s32 $0x333, v25;
	v43 =	vmul.f32 v43, v14;
	[tilespmem:s25+$0x11E80] =	vst v29;
	v29 =	vadd.s32 $0x3663, v10;
	v39 =	vld.idx.msk [tilespmem:v39+s2+$0x0], $0xffff  }
0x3ff: {  	v42 =	vmul.f32 v42, v16;
	v33 =	vadd.f32 v35, v33;
	v35 =	vmul.f32 v38, v3;
	v41 =	vld.idx.msk [tilespmem:v41+s2+$0x0], $0xffff  }
0x400: {  	v46 =	vadd.s32 $0x3663, v11;
	v38 =	vadd.s32 $0x1332, v23;
	v32 =	vld.idx.msk [tilespmem:v32+s2+$0x0], $0xffff  }
0x401: {  	v42 =	vadd.f32 v42, v43;
	v43 =	vmul.f32 v44, v13;
	v33 =	vadd.f32 v35, v33;
	v36 =	vld.idx.msk [tilespmem:v36+s2+$0x0], $0xffff  }
0x402: {  	v34 =	vmul.f32 v34, v1;
	v30 =	vmul.f32 v30, v26;
	v35 =	vld.idx.msk [tilespmem:v40+s2+$0x0], $0xffff;
	v40 =	vadd.s32 $0x3663, v12  }
0x403: {  	v42 =	vadd.f32 v43, v42;
	v43 =	vadd.s32 $0x1332, v24;
	v44 =	vld.idx.msk [tilespmem:v45+s2+$0x0], $0xffff;
	[tilespmem:s24+$0x15180] =	vst v33  }
0x404: {  	v30 =	vadd.f32 v30, v34;
	v33 =	vmul.f32 v39, v0;
	v34 =	vadd.s32 $0x4995, v5;
	v5 =	vmovc v10;
	v29 =	vld.idx.msk [tilespmem:v29+s2+$0x0], $0xffff  }
0x405: {  	v6 =	vadd.s32 $0x4995, v6;
	v39 =	vadd.s32 $0x1332, v21;
	v10 =	vmovc v17;
	v17 =	vmovc v23;
	v23 =	vmov v27;
	[tilespmem:s26+$0x18580] =	vst v42;
	v42 =	vld.idx.msk [tilespmem:v46+s2+$0x0], $0xffff  }
0x406: {  	v27 =	vmul.f32 v41, v8;
	v32 =	vmul.f32 v32, v9;
	v30 =	vadd.f32 v33, v30;
	v38 =	vld.idx.msk [tilespmem:v38+s2+$0x0], $0xffff  }
0x407: {  	v33 =	vmul.f32 v37, v20;
	v36 =	vmul.f32 v36, v22;
	v37 =	vld.idx.msk [tilespmem:v40+s2+$0x0], $0xffff;
	v40 =	vadd.s32 $0x4995, v4;
	v4 =	vmovc v12  }
0x408: {  	v27 =	vadd.f32 v32, v27;
	v32 =	vmul.f32 v35, v7;
	v35 =	vadd.s32 $0x2664, v10;
	v41 =	vld.idx.msk [tilespmem:v43+s2+$0x0], $0xffff;
	[tilespmem:s23+$0x15280] =	vst v30  }
0x409: {  	v12 =	vmovc v15;
	v15 =	vmovc v21;
	v21 =	vmov v25;
	v43 =	vadd.s32 $0x666, v25;
	v30 =	vadd.s32 $0x2664, v18;
	v45 =	vld.idx.msk [tilespmem:v34+s2+$0x0], $0xffff  }
0x40a: {  	v25 =	vadd.f32 v36, v33;
	v33 =	vmul.f32 v44, v19;
	v27 =	vadd.f32 v32, v27;
	v36 =	vld.idx.msk [tilespmem:v6+s2+$0x0], $0xffff  }
0x40b: {  	v46 =	vadd.s32 $0x2664, v12;
	v29 =	vmul.f32 v29, v31;
	v34 =	vmul.f32 v42, v2;
	v6 =	vmovc v11;
	v44 =	vld.idx.msk [tilespmem:v39+s2+$0x0], $0xffff  }
0x40c: {  	v25 =	vadd.f32 v33, v25;
	v42 =	vadd.s32 $0x666, v23;
	v11 =	vmovc v18;
	v18 =	vmov v24;
	[tilespmem:s25+$0x18680] =	vst v27;
	v27 =	vld.idx.msk [tilespmem:v40+s2+$0x0], $0xffff  }
.Ltmp1:
0x40d: {  	v24 =	vmovc v28;
	v33 =	vadd.f32 v34, v29;
	v37 =	vmul.f32 v37, v3;
	v29 =	vadd.s32 $0x3996, v5;
	v32 =	vld.idx.msk [tilespmem:v35+s2+$0x0], $0xffff;
	(pc) =	sbr.rel @p0 .LBB2_4-.Ltmp1, $4  }
0x40e: {  	v39 =	vadd.s32 $0x666, v24;
	[tilespmem:s28+$0x11D00] =	vst v25;
	v34 =	vld.idx.msk [tilespmem:v30+s2+$0x0], $0xffff;
	v30 =	vadd.s32 $0x3996, v6  }
0x40f: {  	v38 =	vmul.f32 v38, v14;
	v40 =	vmul.f32 v41, v16;
	v41 =	vadd.f32 v37, v33;
	v35 =	vld.idx.msk [tilespmem:v43+s2+$0x0], $0xffff  }
0x410: {  	v28 =	vadd.s32 $0x3996, v4;
	v25 =	vmul.f32 v45, v1;
	v1 =	vmovc v31;
	v26 =	vmul.f32 v36, v26;
	v33 =	vld.idx.msk [tilespmem:v46+s2+$0x0], $0xffff  }
0x411: {  	s30 =	sadd.s32 $0x10, s30;
	v31 =	vadd.f32 v40, v38;
	v36 =	vadd.s32 $0x1665, v17;
	v38 =	vmul.f32 v44, v13;
	v37 =	vld.idx.msk [tilespmem:v42+s2+$0x0], $0xffff;
	[tilespmem:s24+$0x1B980] =	vst v41  }
0x412: {  	_ =	sdelay $0x3  }
0x413: {  	v39 =	vld.idx.msk [tilespmem:v39+s2+$0x0], $0xffff;
	_ =	sdelay $0x4  }
0x414: {  	v37 =	vmul.f32 v37, v20;
	v39 =	vmul.f32 v39, v22;
	_ =	sdelay $0x1  }
0x415: {  	v56 =	vadd.s32 $0x999, v23;
	v35 =	vmul.f32 v35, v19;
	v37 =	vadd.f32 v39, v37  }
0x416: {  	v40 =	vadd.s32 $0x999, v24  }
0x417: {  	v35 =	vadd.f32 v35, v37  }
0x418: {  	v57 =	vadd.s32 $0x999, v21  }
0x419: {  	[tilespmem:s28+$0x18500] =	vst v35  }
0x41a: {  	v35 =	vld.idx.msk [tilespmem:v56+s2+$0x0], $0xffff  }
0x41b: {  	v58 =	vld.idx.msk [tilespmem:v40+s2+$0x0], $0xffff;
	_ =	sdelay $0x1  }
0x41c: {  	v37 =	vld.idx.msk [tilespmem:v57+s2+$0x0], $0xffff;
	_ =	sdelay $0x2  }
0x41d: {  	v35 =	vmul.f32 v35, v20;
	v39 =	vmul.f32 v58, v22;
	_ =	sdelay $0x1  }
0x41e: {  	v59 =	vadd.s32 $0xCCC, v23;
	v37 =	vmul.f32 v37, v19;
	v35 =	vadd.f32 v39, v35  }
0x41f: {  	v60 =	vadd.s32 $0xCCC, v24  }
0x420: {  	v35 =	vadd.f32 v37, v35  }
0x421: {  	v61 =	vadd.s32 $0xCCC, v21  }
0x422: {  	[tilespmem:s28+$0xB580] =	vst v35  }
0x423: {  	v35 =	vld.idx.msk [tilespmem:v59+s2+$0x0], $0xffff  }
0x424: {  	v39 =	vld.idx.msk [tilespmem:v60+s2+$0x0], $0xffff;
	_ =	sdelay $0x1  }
0x425: {  	v37 =	vld.idx.msk [tilespmem:v61+s2+$0x0], $0xffff;
	_ =	sdelay $0x2  }
0x426: {  	v35 =	vmul.f32 v35, v20;
	v39 =	vmul.f32 v39, v22;
	_ =	sdelay $0x1  }
0x427: {  	v62 =	vadd.s32 $0xFFF, v23;
	v37 =	vmul.f32 v37, v19;
	v35 =	vadd.f32 v39, v35  }
0x428: {  	v63 =	vadd.s32 $0xFFF, v24  }
0x429: {  	v35 =	vadd.f32 v37, v35  }
0x42a: {  	v43 =	vadd.s32 $0xFFF, v21  }
0x42b: {  	[tilespmem:s28+$0x11D80] =	vst v35  }
0x42c: {  	v35 =	vld.idx.msk [tilespmem:v62+s2+$0x0], $0xffff  }
0x42d: {  	v44 =	vld.idx.msk [tilespmem:v63+s2+$0x0], $0xffff;
	_ =	sdelay $0x1  }
0x42e: {  	v37 =	vld.idx.msk [tilespmem:v43+s2+$0x0], $0xffff;
	_ =	sdelay $0x2  }
0x42f: {  	v35 =	vmul.f32 v35, v20;
	v39 =	vmul.f32 v44, v22;
	_ =	sdelay $0x1  }
0x430: {  	v45 =	vadd.s32 $0x1332, v23;
	v37 =	vmul.f32 v37, v19;
	v35 =	vadd.f32 v39, v35  }
0x431: {  	v46 =	vadd.s32 $0x1332, v24  }
0x432: {  	v35 =	vadd.f32 v37, v35  }
0x433: {  	v47 =	vadd.s32 $0x1332, v21  }
0x434: {  	[tilespmem:s28+$0x18580] =	vst v35  }
0x435: {  	v35 =	vld.idx.msk [tilespmem:v45+s2+$0x0], $0xffff  }
0x436: {  	v39 =	vld.idx.msk [tilespmem:v46+s2+$0x0], $0xffff;
	_ =	sdelay $0x1  }
0x437: {  	v37 =	vld.idx.msk [tilespmem:v47+s2+$0x0], $0xffff;
	_ =	sdelay $0x2  }
0x438: {  	v48 =	vadd.s32 $0x1665, v18;
	v35 =	vmul.f32 v35, v20;
	v39 =	vmul.f32 v39, v22  }
0x439: {  	v49 =	vadd.s32 $0x1665, v15;
	v31 =	vadd.f32 v38, v31  }
0x43a: {  	v50 =	vadd.s32 $0x1665, v23;
	v37 =	vmul.f32 v37, v19;
	v35 =	vadd.f32 v39, v35  }
0x43b: {  	v51 =	vadd.s32 $0x1665, v24;
	[tilespmem:s26+$0xB600] =	vst v31  }
0x43c: {  	v36 =	vld.idx.msk [tilespmem:v36+s2+$0x0], $0xffff;
	v35 =	vadd.f32 v37, v35  }
0x43d: {  	v53 =	vadd.s32 $0x1665, v21;
	v52 =	vld.idx.msk [tilespmem:v48+s2+$0x0], $0xffff  }
0x43e: {  	v38 =	vld.idx.msk [tilespmem:v49+s2+$0x0], $0xffff;
	[tilespmem:s28+$0xB600] =	vst v35  }
0x43f: {  	v35 =	vld.idx.msk [tilespmem:v50+s2+$0x0], $0xffff  }
0x440: {  	v31 =	vld.idx.msk [tilespmem:v51+s2+$0x0], $0xffff;
	_ =	sdelay $0x1  }
0x441: {  	v36 =	vmul.f32 v36, v14;
	v37 =	vmul.f32 v52, v16;
	v54 =	vld.idx.msk [tilespmem:v53+s2+$0x0], $0xffff;
	_ =	sdelay $0x1  }
0x442: {  	v55 =	vadd.s32 $0x1998, v17;
	v56 =	vmul.f32 v38, v13;
	v36 =	vadd.f32 v37, v36  }
0x443: {  	v57 =	vadd.s32 $0x1998, v18;
	v35 =	vmul.f32 v35, v20;
	v31 =	vmul.f32 v31, v22  }
0x444: {  	v58 =	vadd.s32 $0x1998, v15;
	v36 =	vadd.f32 v56, v36  }
0x445: {  	v59 =	vadd.s32 $0x1998, v23;
	v39 =	vmul.f32 v54, v19;
	v31 =	vadd.f32 v31, v35  }
0x446: {  	v60 =	vadd.s32 $0x1998, v24;
	[tilespmem:s26+$0x11E00] =	vst v36  }
0x447: {  	v40 =	vld.idx.msk [tilespmem:v55+s2+$0x0], $0xffff;
	v31 =	vadd.f32 v39, v31  }
0x448: {  	v61 =	vadd.s32 $0x1998, v21;
	v38 =	vld.idx.msk [tilespmem:v57+s2+$0x0], $0xffff  }
0x449: {  	v37 =	vld.idx.msk [tilespmem:v58+s2+$0x0], $0xffff;
	[tilespmem:s28+$0x11E00] =	vst v31  }
0x44a: {  	v31 =	vld.idx.msk [tilespmem:v59+s2+$0x0], $0xffff  }
0x44b: {  	v62 =	vld.idx.msk [tilespmem:v60+s2+$0x0], $0xffff;
	_ =	sdelay $0x1  }
0x44c: {  	v63 =	vmul.f32 v40, v14;
	v38 =	vmul.f32 v38, v16;
	v39 =	vld.idx.msk [tilespmem:v61+s2+$0x0], $0xffff;
	_ =	sdelay $0x1  }
0x44d: {  	v44 =	vadd.s32 $0x1CCB, v17;
	v37 =	vmul.f32 v37, v13;
	v36 =	vadd.f32 v38, v63  }
0x44e: {  	v45 =	vadd.s32 $0x1CCB, v18;
	v31 =	vmul.f32 v31, v20;
	v35 =	vmul.f32 v62, v22  }
0x44f: {  	v46 =	vadd.s32 $0x1CCB, v15;
	v36 =	vadd.f32 v37, v36  }
0x450: {  	v47 =	vadd.s32 $0x1CCB, v23;
	v39 =	vmul.f32 v39, v19;
	v31 =	vadd.f32 v35, v31  }
0x451: {  	v48 =	vadd.s32 $0x1CCB, v24;
	[tilespmem:s26+$0x18600] =	vst v36  }
0x452: {  	v40 =	vld.idx.msk [tilespmem:v44+s2+$0x0], $0xffff;
	v31 =	vadd.f32 v39, v31  }
0x453: {  	v49 =	vadd.s32 $0x1CCB, v21;
	v38 =	vld.idx.msk [tilespmem:v45+s2+$0x0], $0xffff  }
0x454: {  	v37 =	vld.idx.msk [tilespmem:v46+s2+$0x0], $0xffff;
	[tilespmem:s28+$0x18600] =	vst v31  }
0x455: {  	v31 =	vld.idx.msk [tilespmem:v47+s2+$0x0], $0xffff  }
0x456: {  	v50 =	vld.idx.msk [tilespmem:v48+s2+$0x0], $0xffff;
	_ =	sdelay $0x1  }
0x457: {  	v51 =	vmul.f32 v40, v14;
	v38 =	vmul.f32 v38, v16;
	v39 =	vld.idx.msk [tilespmem:v49+s2+$0x0], $0xffff;
	_ =	sdelay $0x1  }
0x458: {  	v52 =	vadd.s32 $0x1FFE, v17;
	v37 =	vmul.f32 v37, v13;
	v36 =	vadd.f32 v38, v51  }
0x459: {  	v53 =	vadd.s32 $0x1FFE, v18;
	v31 =	vmul.f32 v31, v20;
	v35 =	vmul.f32 v50, v22  }
0x45a: {  	v54 =	vadd.s32 $0x1FFE, v15;
	v36 =	vadd.f32 v37, v36  }
0x45b: {  	v56 =	vadd.s32 $0x1FFE, v23;
	v55 =	vmul.f32 v39, v19;
	v31 =	vadd.f32 v35, v31  }
0x45c: {  	v57 =	vadd.s32 $0x1FFE, v24;
	[tilespmem:s26+$0xB680] =	vst v36  }
0x45d: {  	v38 =	vld.idx.msk [tilespmem:v52+s2+$0x0], $0xffff;
	v31 =	vadd.f32 v55, v31  }
0x45e: {  	v59 =	vadd.s32 $0x1FFE, v21;
	v58 =	vld.idx.msk [tilespmem:v53+s2+$0x0], $0xffff  }
0x45f: {  	v37 =	vld.idx.msk [tilespmem:v54+s2+$0x0], $0xffff;
	[tilespmem:s28+$0xB680] =	vst v31  }
0x460: {  	v31 =	vld.idx.msk [tilespmem:v56+s2+$0x0], $0xffff  }
0x461: {  	v36 =	vld.idx.msk [tilespmem:v57+s2+$0x0], $0xffff;
	_ =	sdelay $0x1  }
0x462: {  	v38 =	vmul.f32 v38, v14;
	v35 =	vmul.f32 v58, v16;
	v60 =	vld.idx.msk [tilespmem:v59+s2+$0x0], $0xffff;
	_ =	sdelay $0x1  }
0x463: {  	v61 =	vadd.s32 $0x2331, v17;
	v37 =	vmul.f32 v37, v13;
	v35 =	vadd.f32 v35, v38  }
0x464: {  	v62 =	vadd.s32 $0x2331, v18;
	v31 =	vmul.f32 v31, v20;
	v36 =	vmul.f32 v36, v22  }
0x465: {  	v63 =	vadd.s32 $0x2331, v15;
	v35 =	vadd.f32 v37, v35  }
0x466: {  	v44 =	vadd.s32 $0x2331, v23;
	v43 =	vmul.f32 v60, v19;
	v31 =	vadd.f32 v36, v31  }
0x467: {  	v45 =	vadd.s32 $0x2331, v24;
	[tilespmem:s26+$0x11E80] =	vst v35  }
0x468: {  	v38 =	vld.idx.msk [tilespmem:v61+s2+$0x0], $0xffff;
	v31 =	vadd.f32 v43, v31  }
0x469: {  	v47 =	vadd.s32 $0x2331, v21;
	v46 =	vld.idx.msk [tilespmem:v62+s2+$0x0], $0xffff  }
0x46a: {  	v37 =	vld.idx.msk [tilespmem:v63+s2+$0x0], $0xffff;
	[tilespmem:s28+$0x11E80] =	vst v31  }
0x46b: {  	v31 =	vld.idx.msk [tilespmem:v44+s2+$0x0], $0xffff  }
0x46c: {  	v35 =	vld.idx.msk [tilespmem:v45+s2+$0x0], $0xffff;
	_ =	sdelay $0x1  }
0x46d: {  	v38 =	vmul.f32 v38, v14;
	v36 =	vmul.f32 v46, v16;
	v48 =	vld.idx.msk [tilespmem:v47+s2+$0x0], $0xffff;
	_ =	sdelay $0x1  }
0x46e: {  	v49 =	vadd.s32 $0x2664, v17;
	v37 =	vmul.f32 v37, v13;
	v36 =	vadd.f32 v36, v38  }
0x46f: {  	v50 =	vadd.s32 $0x2664, v18;
	v31 =	vmul.f32 v31, v20;
	v35 =	vmul.f32 v35, v22  }
0x470: {  	v51 =	vadd.s32 $0x2664, v15;
	v36 =	vadd.f32 v37, v36  }
0x471: {  	v53 =	vadd.s32 $0x2664, v23;
	v52 =	vmul.f32 v48, v19;
	v31 =	vadd.f32 v35, v31  }
0x472: {  	v54 =	vadd.s32 $0x2664, v24;
	[tilespmem:s26+$0x18680] =	vst v36  }
0x473: {  	v38 =	vld.idx.msk [tilespmem:v49+s2+$0x0], $0xffff;
	v31 =	vadd.f32 v52, v31  }
0x474: {  	v56 =	vadd.s32 $0x2664, v21;
	v55 =	vld.idx.msk [tilespmem:v50+s2+$0x0], $0xffff  }
0x475: {  	v37 =	vld.idx.msk [tilespmem:v51+s2+$0x0], $0xffff;
	[tilespmem:s28+$0x18680] =	vst v31  }
0x476: {  	v58 =	vmul.f32 v34, v9;
	v57 =	vmul.f32 v32, v8;
	v59 =	vld.idx.msk [tilespmem:v53+s2+$0x0], $0xffff  }
0x477: {  	v36 =	vld.idx.msk [tilespmem:v54+s2+$0x0], $0xffff  }
0x478: {  	v61 =	vadd.s32 $0x2997, v10;
	v60 =	vmul.f32 v33, v7;
	v31 =	vadd.f32 v58, v57  }
0x479: {  	v62 =	vadd.s32 $0x2997, v11;
	v38 =	vmul.f32 v38, v14;
	v35 =	vmul.f32 v55, v16;
	v40 =	vld.idx.msk [tilespmem:v56+s2+$0x0], $0xffff  }
0x47a: {  	v63 =	vadd.s32 $0x2997, v12;
	v31 =	vadd.f32 v60, v31  }
0x47b: {  	v44 =	vadd.s32 $0x2997, v17;
	v37 =	vmul.f32 v37, v13;
	v35 =	vadd.f32 v35, v38  }
0x47c: {  	v45 =	vadd.s32 $0x2997, v18;
	[tilespmem:s25+$0xE900] =	vst v31;
	v34 =	vmul.f32 v59, v20;
	v36 =	vmul.f32 v36, v22  }
0x47d: {  	v46 =	vadd.s32 $0x2997, v15;
	v35 =	vadd.f32 v37, v35;
	v33 =	vld.idx.msk [tilespmem:v61+s2+$0x0], $0xffff  }
0x47e: {  	v48 =	vadd.s32 $0x2997, v23;
	v39 =	vld.idx.msk [tilespmem:v62+s2+$0x0], $0xffff;
	v47 =	vmul.f32 v40, v19;
	v34 =	vadd.f32 v36, v34  }
0x47f: {  	v49 =	vadd.s32 $0x2997, v24;
	[tilespmem:s26+$0xE900] =	vst v35;
	v32 =	vld.idx.msk [tilespmem:v63+s2+$0x0], $0xffff  }
0x480: {  	v38 =	vld.idx.msk [tilespmem:v44+s2+$0x0], $0xffff;
	v34 =	vadd.f32 v47, v34  }
0x481: {  	v50 =	vadd.s32 $0x2997, v21;
	v31 =	vld.idx.msk [tilespmem:v45+s2+$0x0], $0xffff  }
0x482: {  	v37 =	vld.idx.msk [tilespmem:v46+s2+$0x0], $0xffff;
	[tilespmem:s28+$0xE900] =	vst v34  }
0x483: {  	v33 =	vmul.f32 v33, v8;
	v51 =	vmul.f32 v39, v9;
	v52 =	vld.idx.msk [tilespmem:v48+s2+$0x0], $0xffff  }
0x484: {  	v35 =	vld.idx.msk [tilespmem:v49+s2+$0x0], $0xffff  }
0x485: {  	v53 =	vadd.s32 $0x2CCA, v10;
	v32 =	vmul.f32 v32, v7;
	v33 =	vadd.f32 v51, v33  }
0x486: {  	v54 =	vadd.s32 $0x2CCA, v11;
	v38 =	vmul.f32 v38, v14;
	v31 =	vmul.f32 v31, v16;
	v36 =	vld.idx.msk [tilespmem:v50+s2+$0x0], $0xffff  }
0x487: {  	v55 =	vadd.s32 $0x2CCA, v12;
	v32 =	vadd.f32 v32, v33  }
0x488: {  	v56 =	vadd.s32 $0x2CCA, v17;
	v37 =	vmul.f32 v37, v13;
	v31 =	vadd.f32 v31, v38  }
0x489: {  	v57 =	vadd.s32 $0x2CCA, v18;
	[tilespmem:s25+$0x15100] =	vst v32;
	v39 =	vmul.f32 v52, v20;
	v35 =	vmul.f32 v35, v22  }
0x48a: {  	v58 =	vadd.s32 $0x2CCA, v15;
	v31 =	vadd.f32 v37, v31;
	v34 =	vld.idx.msk [tilespmem:v53+s2+$0x0], $0xffff  }
0x48b: {  	v59 =	vadd.s32 $0x2CCA, v23;
	v40 =	vld.idx.msk [tilespmem:v54+s2+$0x0], $0xffff;
	v36 =	vmul.f32 v36, v19;
	v35 =	vadd.f32 v35, v39  }
0x48c: {  	v60 =	vadd.s32 $0x2CCA, v24;
	[tilespmem:s26+$0x15100] =	vst v31;
	v33 =	vld.idx.msk [tilespmem:v55+s2+$0x0], $0xffff  }
0x48d: {  	v38 =	vld.idx.msk [tilespmem:v56+s2+$0x0], $0xffff;
	v35 =	vadd.f32 v36, v35  }
0x48e: {  	v61 =	vadd.s32 $0x2CCA, v21;
	v32 =	vld.idx.msk [tilespmem:v57+s2+$0x0], $0xffff  }
0x48f: {  	v37 =	vld.idx.msk [tilespmem:v58+s2+$0x0], $0xffff;
	[tilespmem:s28+$0x15100] =	vst v35  }
0x490: {  	v34 =	vmul.f32 v34, v8;
	v62 =	vmul.f32 v40, v9;
	v39 =	vld.idx.msk [tilespmem:v59+s2+$0x0], $0xffff  }
0x491: {  	v31 =	vld.idx.msk [tilespmem:v60+s2+$0x0], $0xffff  }
0x492: {  	v63 =	vadd.s32 $0x2FFD, v10;
	v33 =	vmul.f32 v33, v7;
	v34 =	vadd.f32 v62, v34  }
0x493: {  	v44 =	vadd.s32 $0x2FFD, v11;
	v38 =	vmul.f32 v38, v14;
	v32 =	vmul.f32 v32, v16;
	v36 =	vld.idx.msk [tilespmem:v61+s2+$0x0], $0xffff  }
0x494: {  	v45 =	vadd.s32 $0x2FFD, v12;
	v33 =	vadd.f32 v33, v34  }
0x495: {  	v46 =	vadd.s32 $0x2FFD, v17;
	v37 =	vmul.f32 v37, v13;
	v32 =	vadd.f32 v32, v38  }
0x496: {  	v47 =	vadd.s32 $0x2FFD, v18;
	[tilespmem:s25+$0x1B900] =	vst v33;
	v39 =	vmul.f32 v39, v20;
	v31 =	vmul.f32 v31, v22  }
0x497: {  	v48 =	vadd.s32 $0x2FFD, v15;
	v32 =	vadd.f32 v37, v32;
	v35 =	vld.idx.msk [tilespmem:v63+s2+$0x0], $0xffff  }
0x498: {  	v49 =	vadd.s32 $0x2FFD, v23;
	v40 =	vld.idx.msk [tilespmem:v44+s2+$0x0], $0xffff;
	v36 =	vmul.f32 v36, v19;
	v31 =	vadd.f32 v31, v39  }
0x499: {  	v50 =	vadd.s32 $0x2FFD, v24;
	[tilespmem:s26+$0x1B900] =	vst v32;
	v34 =	vld.idx.msk [tilespmem:v45+s2+$0x0], $0xffff  }
0x49a: {  	v38 =	vld.idx.msk [tilespmem:v46+s2+$0x0], $0xffff;
	v31 =	vadd.f32 v36, v31  }
0x49b: {  	v51 =	vadd.s32 $0x2FFD, v21;
	v33 =	vld.idx.msk [tilespmem:v47+s2+$0x0], $0xffff  }
0x49c: {  	v37 =	vld.idx.msk [tilespmem:v48+s2+$0x0], $0xffff;
	[tilespmem:s28+$0x1B900] =	vst v31  }
0x49d: {  	v52 =	vmul.f32 v35, v8;
	v53 =	vmul.f32 v40, v9;
	v39 =	vld.idx.msk [tilespmem:v49+s2+$0x0], $0xffff  }
0x49e: {  	v32 =	vld.idx.msk [tilespmem:v50+s2+$0x0], $0xffff  }
0x49f: {  	v54 =	vadd.s32 $0x3330, v10;
	v34 =	vmul.f32 v34, v7;
	v31 =	vadd.f32 v53, v52  }
0x4a0: {  	v55 =	vadd.s32 $0x3330, v11;
	v38 =	vmul.f32 v38, v14;
	v33 =	vmul.f32 v33, v16;
	v36 =	vld.idx.msk [tilespmem:v51+s2+$0x0], $0xffff  }
0x4a1: {  	v56 =	vadd.s32 $0x3330, v12;
	v31 =	vadd.f32 v34, v31  }
0x4a2: {  	v57 =	vadd.s32 $0x3330, v17;
	v37 =	vmul.f32 v37, v13;
	v33 =	vadd.f32 v33, v38  }
0x4a3: {  	v58 =	vadd.s32 $0x3330, v18;
	[tilespmem:s25+$0xE980] =	vst v31;
	v39 =	vmul.f32 v39, v20;
	v32 =	vmul.f32 v32, v22  }
0x4a4: {  	v59 =	vadd.s32 $0x3330, v15;
	v33 =	vadd.f32 v37, v33;
	v35 =	vld.idx.msk [tilespmem:v54+s2+$0x0], $0xffff  }
0x4a5: {  	v60 =	vadd.s32 $0x3330, v23;
	v40 =	vld.idx.msk [tilespmem:v55+s2+$0x0], $0xffff;
	v36 =	vmul.f32 v36, v19;
	v32 =	vadd.f32 v32, v39  }
0x4a6: {  	v61 =	vadd.s32 $0x3330, v24;
	[tilespmem:s26+$0xE980] =	vst v33;
	v34 =	vld.idx.msk [tilespmem:v56+s2+$0x0], $0xffff  }
0x4a7: {  	v38 =	vld.idx.msk [tilespmem:v57+s2+$0x0], $0xffff;
	v32 =	vadd.f32 v36, v32  }
0x4a8: {  	v62 =	vadd.s32 $0x3330, v21;
	v31 =	vld.idx.msk [tilespmem:v58+s2+$0x0], $0xffff  }
0x4a9: {  	v37 =	vld.idx.msk [tilespmem:v59+s2+$0x0], $0xffff;
	[tilespmem:s28+$0xE980] =	vst v32  }
0x4aa: {  	v63 =	vmul.f32 v35, v8;
	v44 =	vmul.f32 v40, v9;
	v39 =	vld.idx.msk [tilespmem:v60+s2+$0x0], $0xffff  }
0x4ab: {  	v33 =	vld.idx.msk [tilespmem:v61+s2+$0x0], $0xffff  }
0x4ac: {  	v45 =	vadd.s32 $0x3663, v10;
	v34 =	vmul.f32 v34, v7;
	v32 =	vadd.f32 v44, v63  }
0x4ad: {  	v46 =	vadd.s32 $0x3663, v11;
	v38 =	vmul.f32 v38, v14;
	v31 =	vmul.f32 v31, v16;
	v36 =	vld.idx.msk [tilespmem:v62+s2+$0x0], $0xffff  }
0x4ae: {  	v47 =	vadd.s32 $0x3663, v12;
	v32 =	vadd.f32 v34, v32  }
0x4af: {  	v48 =	vadd.s32 $0x3663, v17;
	v37 =	vmul.f32 v37, v13;
	v31 =	vadd.f32 v31, v38  }
0x4b0: {  	v49 =	vadd.s32 $0x3663, v18;
	[tilespmem:s25+$0x15180] =	vst v32;
	v39 =	vmul.f32 v39, v20;
	v33 =	vmul.f32 v33, v22  }
0x4b1: {  	v50 =	vadd.s32 $0x3663, v15;
	v31 =	vadd.f32 v37, v31;
	v40 =	vld.idx.msk [tilespmem:v45+s2+$0x0], $0xffff  }
0x4b2: {  	v51 =	vadd.s32 $0x3663, v23;
	v35 =	vld.idx.msk [tilespmem:v46+s2+$0x0], $0xffff;
	v36 =	vmul.f32 v36, v19;
	v33 =	vadd.f32 v33, v39  }
0x4b3: {  	v52 =	vadd.s32 $0x3663, v24;
	[tilespmem:s26+$0x15180] =	vst v31;
	v34 =	vld.idx.msk [tilespmem:v47+s2+$0x0], $0xffff  }
0x4b4: {  	v38 =	vld.idx.msk [tilespmem:v48+s2+$0x0], $0xffff;
	v33 =	vadd.f32 v36, v33  }
0x4b5: {  	v53 =	vadd.s32 $0x3663, v21;
	v32 =	vld.idx.msk [tilespmem:v49+s2+$0x0], $0xffff  }
0x4b6: {  	v37 =	vld.idx.msk [tilespmem:v50+s2+$0x0], $0xffff;
	[tilespmem:s28+$0x15180] =	vst v33  }
0x4b7: {  	v54 =	vmul.f32 v40, v8;
	v35 =	vmul.f32 v35, v9;
	v39 =	vld.idx.msk [tilespmem:v51+s2+$0x0], $0xffff  }
0x4b8: {  	v31 =	vld.idx.msk [tilespmem:v52+s2+$0x0], $0xffff  }
0x4b9: {  	v55 =	vadd.s32 $0x3996, v10;
	v34 =	vmul.f32 v34, v7;
	v33 =	vadd.f32 v35, v54  }
0x4ba: {  	v56 =	vadd.s32 $0x3996, v11;
	v38 =	vmul.f32 v38, v14;
	v32 =	vmul.f32 v32, v16;
	v36 =	vld.idx.msk [tilespmem:v53+s2+$0x0], $0xffff  }
0x4bb: {  	v29 =	vld.idx.msk [tilespmem:v29+s2+$0x0], $0xffff;
	v57 =	vadd.s32 $0x3996, v12;
	v33 =	vadd.f32 v34, v33  }
0x4bc: {  	v30 =	vld.idx.msk [tilespmem:v30+s2+$0x0], $0xffff;
	v58 =	vadd.s32 $0x3996, v17;
	v37 =	vmul.f32 v37, v13;
	v32 =	vadd.f32 v32, v38  }
0x4bd: {  	v28 =	vld.idx.msk [tilespmem:v28+s2+$0x0], $0xffff;
	v59 =	vadd.s32 $0x3996, v18;
	[tilespmem:s25+$0x1B980] =	vst v33;
	v39 =	vmul.f32 v39, v20;
	v31 =	vmul.f32 v31, v22  }
0x4be: {  	v60 =	vadd.s32 $0x3996, v15;
	v32 =	vadd.f32 v37, v32;
	v35 =	vld.idx.msk [tilespmem:v55+s2+$0x0], $0xffff  }
0x4bf: {  	v61 =	vadd.s32 $0x3996, v23;
	v40 =	vld.idx.msk [tilespmem:v56+s2+$0x0], $0xffff;
	v36 =	vmul.f32 v36, v19;
	v31 =	vadd.f32 v31, v39  }
0x4c0: {  	v62 =	vadd.s32 $0x3996, v24;
	[tilespmem:s26+$0x1B980] =	vst v32;
	v34 =	vld.idx.msk [tilespmem:v57+s2+$0x0], $0xffff  }
0x4c1: {  	v29 =	vmul.f32 v29, v1;
	v30 =	vmul.f32 v30, v2;
	v38 =	vld.idx.msk [tilespmem:v58+s2+$0x0], $0xffff;
	v31 =	vadd.f32 v36, v31  }
0x4c2: {  	v63 =	vadd.s32 $0x3996, v21;
	v33 =	vld.idx.msk [tilespmem:v59+s2+$0x0], $0xffff  }
0x4c3: {  	v28 =	vmul.f32 v28, v3;
	v29 =	vadd.f32 v30, v29;
	v44 =	vadd.s32 $0x3CC9, v5;
	v37 =	vld.idx.msk [tilespmem:v60+s2+$0x0], $0xffff;
	[tilespmem:s28+$0x1B980] =	vst v31  }
0x4c4: {  	v45 =	vadd.s32 $0x3CC9, v6;
	v35 =	vmul.f32 v35, v8;
	v40 =	vmul.f32 v40, v9;
	v39 =	vld.idx.msk [tilespmem:v61+s2+$0x0], $0xffff  }
0x4c5: {  	v28 =	vadd.f32 v28, v29;
	v46 =	vadd.s32 $0x3CC9, v4;
	v32 =	vld.idx.msk [tilespmem:v62+s2+$0x0], $0xffff  }
0x4c6: {  	v47 =	vadd.s32 $0x3CC9, v10;
	v34 =	vmul.f32 v34, v7;
	v35 =	vadd.f32 v40, v35  }
0x4c7: {  	[tilespmem:s24+$0xEA00] =	vst v28;
	v48 =	vadd.s32 $0x3CC9, v11;
	v38 =	vmul.f32 v38, v14;
	v33 =	vmul.f32 v33, v16;
	v36 =	vld.idx.msk [tilespmem:v63+s2+$0x0], $0xffff  }
0x4c8: {  	v30 =	vld.idx.msk [tilespmem:v44+s2+$0x0], $0xffff;
	v49 =	vadd.s32 $0x3CC9, v12;
	v34 =	vadd.f32 v34, v35  }
0x4c9: {  	v50 =	vadd.s32 $0x3CC9, v17;
	v37 =	vmul.f32 v37, v13;
	v31 =	vld.idx.msk [tilespmem:v45+s2+$0x0], $0xffff;
	v33 =	vadd.f32 v33, v38  }
0x4ca: {  	v29 =	vld.idx.msk [tilespmem:v46+s2+$0x0], $0xffff;
	v51 =	vadd.s32 $0x3CC9, v18;
	[tilespmem:s25+$0xEA00] =	vst v34;
	v39 =	vmul.f32 v39, v20;
	v32 =	vmul.f32 v32, v22  }
0x4cb: {  	v52 =	vadd.s32 $0x3CC9, v15;
	v33 =	vadd.f32 v37, v33;
	v40 =	vld.idx.msk [tilespmem:v47+s2+$0x0], $0xffff  }
0x4cc: {  	v53 =	vadd.s32 $0x3CC9, v23;
	v28 =	vld.idx.msk [tilespmem:v48+s2+$0x0], $0xffff;
	v36 =	vmul.f32 v36, v19;
	v32 =	vadd.f32 v32, v39  }
0x4cd: {  	v54 =	vadd.s32 $0x3CC9, v24;
	[tilespmem:s26+$0xEA00] =	vst v33;
	v35 =	vld.idx.msk [tilespmem:v49+s2+$0x0], $0xffff  }
0x4ce: {  	v30 =	vmul.f32 v30, v1;
	v31 =	vmul.f32 v31, v2;
	v38 =	vld.idx.msk [tilespmem:v50+s2+$0x0], $0xffff;
	v32 =	vadd.f32 v36, v32  }
0x4cf: {  	v55 =	vadd.s32 $0x3CC9, v21;
	v34 =	vld.idx.msk [tilespmem:v51+s2+$0x0], $0xffff  }
0x4d0: {  	v29 =	vmul.f32 v29, v3;
	v56 =	vadd.s32 $0x3FFC, v5;
	v37 =	vld.idx.msk [tilespmem:v52+s2+$0x0], $0xffff;
	v30 =	vadd.f32 v31, v30;
	[tilespmem:s28+$0xEA00] =	vst v32  }
0x4d1: {  	v57 =	vadd.s32 $0x3FFC, v6;
	v40 =	vmul.f32 v40, v8;
	v28 =	vmul.f32 v28, v9;
	v39 =	vld.idx.msk [tilespmem:v53+s2+$0x0], $0xffff  }
0x4d2: {  	v58 =	vadd.s32 $0x3FFC, v4;
	v29 =	vadd.f32 v29, v30;
	v33 =	vld.idx.msk [tilespmem:v54+s2+$0x0], $0xffff  }
0x4d3: {  	v59 =	vadd.s32 $0x3FFC, v10;
	v35 =	vmul.f32 v35, v7;
	v28 =	vadd.f32 v28, v40  }
0x4d4: {  	v60 =	vadd.s32 $0x3FFC, v11;
	v38 =	vmul.f32 v38, v14;
	v34 =	vmul.f32 v34, v16;
	[tilespmem:s24+$0x15200] =	vst v29;
	v36 =	vld.idx.msk [tilespmem:v55+s2+$0x0], $0xffff  }
0x4d5: {  	v61 =	vadd.s32 $0x3FFC, v12;
	v31 =	vld.idx.msk [tilespmem:v56+s2+$0x0], $0xffff;
	v28 =	vadd.f32 v35, v28  }
0x4d6: {  	v62 =	vadd.s32 $0x3FFC, v17;
	v37 =	vmul.f32 v37, v13;
	v32 =	vld.idx.msk [tilespmem:v57+s2+$0x0], $0xffff;
	v34 =	vadd.f32 v34, v38  }
0x4d7: {  	v63 =	vadd.s32 $0x3FFC, v18;
	v30 =	vld.idx.msk [tilespmem:v58+s2+$0x0], $0xffff;
	[tilespmem:s25+$0x15200] =	vst v28;
	v39 =	vmul.f32 v39, v20;
	v33 =	vmul.f32 v33, v22  }
0x4d8: {  	v43 =	vadd.s32 $0x3FFC, v15;
	v34 =	vadd.f32 v37, v34;
	v40 =	vld.idx.msk [tilespmem:v59+s2+$0x0], $0xffff  }
0x4d9: {  	v44 =	vadd.s32 $0x3FFC, v23;
	v29 =	vld.idx.msk [tilespmem:v60+s2+$0x0], $0xffff;
	v36 =	vmul.f32 v36, v19;
	v33 =	vadd.f32 v33, v39  }
0x4da: {  	v45 =	vadd.s32 $0x3FFC, v24;
	[tilespmem:s26+$0x15200] =	vst v34;
	v35 =	vld.idx.msk [tilespmem:v61+s2+$0x0], $0xffff  }
0x4db: {  	v31 =	vmul.f32 v31, v1;
	v32 =	vmul.f32 v32, v2;
	v38 =	vld.idx.msk [tilespmem:v62+s2+$0x0], $0xffff;
	v33 =	vadd.f32 v36, v33  }
0x4dc: {  	v46 =	vadd.s32 $0x3FFC, v21;
	v28 =	vld.idx.msk [tilespmem:v63+s2+$0x0], $0xffff  }
0x4dd: {  	v47 =	vadd.s32 $0x432F, v5;
	v30 =	vmul.f32 v30, v3;
	v37 =	vld.idx.msk [tilespmem:v43+s2+$0x0], $0xffff;
	v31 =	vadd.f32 v32, v31;
	[tilespmem:s28+$0x15200] =	vst v33  }
0x4de: {  	v48 =	vadd.s32 $0x432F, v6;
	v40 =	vmul.f32 v40, v8;
	v29 =	vmul.f32 v29, v9;
	v39 =	vld.idx.msk [tilespmem:v44+s2+$0x0], $0xffff  }
0x4df: {  	v49 =	vadd.s32 $0x432F, v4;
	v30 =	vadd.f32 v30, v31;
	v34 =	vld.idx.msk [tilespmem:v45+s2+$0x0], $0xffff  }
0x4e0: {  	v50 =	vadd.s32 $0x432F, v10;
	v35 =	vmul.f32 v35, v7;
	v29 =	vadd.f32 v29, v40  }
0x4e1: {  	v51 =	vadd.s32 $0x432F, v11;
	v38 =	vmul.f32 v38, v14;
	v28 =	vmul.f32 v28, v16;
	[tilespmem:s24+$0x1BA00] =	vst v30;
	v36 =	vld.idx.msk [tilespmem:v46+s2+$0x0], $0xffff  }
0x4e2: {  	v52 =	vadd.s32 $0x432F, v12;
	v32 =	vld.idx.msk [tilespmem:v47+s2+$0x0], $0xffff;
	v29 =	vadd.f32 v35, v29  }
0x4e3: {  	v53 =	vadd.s32 $0x432F, v17;
	v37 =	vmul.f32 v37, v13;
	v33 =	vld.idx.msk [tilespmem:v48+s2+$0x0], $0xffff;
	v28 =	vadd.f32 v28, v38  }
0x4e4: {  	v54 =	vadd.s32 $0x432F, v18;
	v31 =	vld.idx.msk [tilespmem:v49+s2+$0x0], $0xffff;
	[tilespmem:s25+$0x1BA00] =	vst v29;
	v39 =	vmul.f32 v39, v20;
	v34 =	vmul.f32 v34, v22  }
0x4e5: {  	v55 =	vadd.s32 $0x432F, v15;
	v28 =	vadd.f32 v37, v28;
	v40 =	vld.idx.msk [tilespmem:v50+s2+$0x0], $0xffff  }
0x4e6: {  	v56 =	vadd.s32 $0x432F, v23;
	v30 =	vld.idx.msk [tilespmem:v51+s2+$0x0], $0xffff;
	v36 =	vmul.f32 v36, v19;
	v34 =	vadd.f32 v34, v39  }
0x4e7: {  	v57 =	vadd.s32 $0x432F, v24;
	[tilespmem:s26+$0x1BA00] =	vst v28;
	v35 =	vld.idx.msk [tilespmem:v52+s2+$0x0], $0xffff  }
0x4e8: {  	v32 =	vmul.f32 v32, v1;
	v33 =	vmul.f32 v33, v2;
	v38 =	vld.idx.msk [tilespmem:v53+s2+$0x0], $0xffff;
	v34 =	vadd.f32 v36, v34  }
0x4e9: {  	v58 =	vadd.s32 $0x432F, v21;
	v29 =	vld.idx.msk [tilespmem:v54+s2+$0x0], $0xffff  }
0x4ea: {  	v59 =	vadd.s32 $0x4662, v5;
	v31 =	vmul.f32 v31, v3;
	v37 =	vld.idx.msk [tilespmem:v55+s2+$0x0], $0xffff;
	v32 =	vadd.f32 v33, v32;
	[tilespmem:s28+$0x1BA00] =	vst v34  }
0x4eb: {  	v60 =	vadd.s32 $0x4662, v6;
	v40 =	vmul.f32 v40, v8;
	v30 =	vmul.f32 v30, v9;
	v39 =	vld.idx.msk [tilespmem:v56+s2+$0x0], $0xffff  }
0x4ec: {  	v61 =	vadd.s32 $0x4662, v4;
	v31 =	vadd.f32 v31, v32;
	v28 =	vld.idx.msk [tilespmem:v57+s2+$0x0], $0xffff  }
0x4ed: {  	v62 =	vadd.s32 $0x4662, v10;
	v35 =	vmul.f32 v35, v7;
	v30 =	vadd.f32 v30, v40  }
0x4ee: {  	v63 =	vadd.s32 $0x4662, v11;
	v38 =	vmul.f32 v38, v14;
	v29 =	vmul.f32 v29, v16;
	[tilespmem:s24+$0xEA80] =	vst v31;
	v36 =	vld.idx.msk [tilespmem:v58+s2+$0x0], $0xffff  }
0x4ef: {  	v44 =	vadd.s32 $0x4662, v12;
	v33 =	vld.idx.msk [tilespmem:v59+s2+$0x0], $0xffff;
	v30 =	vadd.f32 v35, v30  }
0x4f0: {  	v45 =	vadd.s32 $0x4662, v17;
	v37 =	vmul.f32 v37, v13;
	v34 =	vld.idx.msk [tilespmem:v60+s2+$0x0], $0xffff;
	v29 =	vadd.f32 v29, v38  }
0x4f1: {  	v46 =	vadd.s32 $0x4662, v18;
	v32 =	vld.idx.msk [tilespmem:v61+s2+$0x0], $0xffff;
	[tilespmem:s25+$0xEA80] =	vst v30;
	v39 =	vmul.f32 v39, v20;
	v28 =	vmul.f32 v28, v22  }
0x4f2: {  	v47 =	vadd.s32 $0x4662, v15;
	v29 =	vadd.f32 v37, v29;
	v40 =	vld.idx.msk [tilespmem:v62+s2+$0x0], $0xffff  }
0x4f3: {  	v48 =	vadd.s32 $0x4662, v23;
	v31 =	vld.idx.msk [tilespmem:v63+s2+$0x0], $0xffff;
	v36 =	vmul.f32 v36, v19;
	v28 =	vadd.f32 v28, v39  }
0x4f4: {  	v49 =	vadd.s32 $0x4662, v24;
	[tilespmem:s26+$0xEA80] =	vst v29;
	v35 =	vld.idx.msk [tilespmem:v44+s2+$0x0], $0xffff  }
0x4f5: {  	v38 =	vld.idx.msk [tilespmem:v45+s2+$0x0], $0xffff;
	v28 =	vadd.f32 v36, v28  }
0x4f6: {  	v50 =	vadd.s32 $0x4662, v21;
	v33 =	vmul.f32 v33, v1;
	v34 =	vmul.f32 v34, v2;
	v30 =	vld.idx.msk [tilespmem:v46+s2+$0x0], $0xffff  }
0x4f7: {  	v51 =	vld.idx.msk [tilespmem:v47+s2+$0x0], $0xffff;
	[tilespmem:s28+$0xEA80] =	vst v28  }
0x4f8: {  	v52 =	vadd.s32 $0x4995, v5;
	v32 =	vmul.f32 v32, v3;
	v33 =	vadd.f32 v34, v33;
	v54 =	vld.idx.msk [tilespmem:v48+s2+$0x0], $0xffff  }
0x4f9: {  	v55 =	vadd.s32 $0x4995, v6;
	v53 =	vmul.f32 v40, v8;
	v31 =	vmul.f32 v31, v9;
	v29 =	vld.idx.msk [tilespmem:v49+s2+$0x0], $0xffff  }
0x4fa: {  	v61 =	vadd.s32 $0x4995, v11;
	v56 =	vadd.s32 $0x4995, v4;
	v32 =	vadd.f32 v32, v33  }
0x4fb: {  	v58 =	vadd.s32 $0x4995, v10;
	v57 =	vmul.f32 v35, v7;
	v28 =	vadd.f32 v31, v53;
	v60 =	vld.idx.msk [tilespmem:v50+s2+$0x0], $0xffff  }
0x4fc: {  	v62 =	vadd.s32 $0x4995, v12;
	v59 =	vmul.f32 v38, v14;
	v30 =	vmul.f32 v30, v16;
	[tilespmem:s24+$0x15280] =	vst v32  }
0x4fd: {  	v63 =	vmul.f32 v51, v13;
	v36 =	vadd.s32 $0x4995, v17;
	v5 =	vld.idx.msk [tilespmem:v52+s2+$0x0], $0xffff;
	v28 =	vadd.f32 v57, v28  }
0x4fe: {  	v30 =	vadd.f32 v30, v59;
	v6 =	vld.idx.msk [tilespmem:v55+s2+$0x0], $0xffff;
	v37 =	vmul.f32 v54, v20;
	v29 =	vmul.f32 v29, v22  }
0x4ff: {  	v41 =	vadd.s32 $0x4995, v23;
	v38 =	vadd.s32 $0x4995, v18;
	v4 =	vld.idx.msk [tilespmem:v56+s2+$0x0], $0xffff;
	[tilespmem:s25+$0x15280] =	vst v28  }
0x500: {  	v39 =	vadd.f32 v63, v30;
	v10 =	vld.idx.msk [tilespmem:v58+s2+$0x0], $0xffff;
	v40 =	vmul.f32 v60, v19;
	v29 =	vadd.f32 v29, v37  }
0x501: {  	v42 =	vadd.s32 $0x4995, v24;
	v11 =	vld.idx.msk [tilespmem:v61+s2+$0x0], $0xffff  }
0x502: {  	v43 =	vadd.s32 $0x4995, v15;
	[tilespmem:s26+$0x15280] =	vst v39;
	v12 =	vld.idx.msk [tilespmem:v62+s2+$0x0], $0xffff;
	v44 =	vadd.f32 v40, v29  }
0x503: {  	v45 =	vadd.s32 $0x4995, v21;
	v17 =	vld.idx.msk [tilespmem:v36+s2+$0x0], $0xffff  }
0x504: {  	v18 =	vld.idx.msk [tilespmem:v38+s2+$0x0], $0xffff;
	[tilespmem:s28+$0x15280] =	vst v44  }
0x505: {  	v23 =	vld.idx.msk [tilespmem:v41+s2+$0x0], $0xffff  }
0x506: {  	v0 =	vmul.f32 v27, v0;
	v24 =	vld.idx.msk [tilespmem:v42+s2+$0x0], $0xffff  }
0x507: {  	v25 =	vadd.f32 v26, v25;
	v46 =	vmul.f32 v5, v1;
	v47 =	vmul.f32 v6, v2;
	v48 =	vld.idx.msk [tilespmem:v43+s2+$0x0], $0xffff  }
0x508: {  	v49 =	vmul.f32 v4, v3;
	v50 =	vmul.f32 v10, v8;
	v51 =	vld.idx.msk [tilespmem:v45+s2+$0x0], $0xffff  }
0x509: {  	v0 =	vadd.f32 v0, v25;
	v52 =	vmul.f32 v11, v9;
	v53 =	vmul.f32 v12, v7  }
0x50a: {  	v1 =	vadd.f32 v47, v46;
	v54 =	vmul.f32 v17, v14;
	v55 =	vmul.f32 v18, v16  }
0x50b: {  	v4 =	vadd.f32 v52, v50;
	v56 =	vmul.f32 v23, v20;
	v57 =	vmul.f32 v24, v22  }
0x50c: {  	v1 =	vadd.f32 v49, v1;
	v58 =	vmul.f32 v48, v13;
	v2 =	vadd.f32 v55, v54  }
0x50d: {  	[tilespmem:s23+$0x1BA80] =	vst v0;
	v59 =	vadd.f32 v53, v4;
	v61 =	vmul.f32 v51, v19;
	v60 =	vadd.f32 v57, v56  }
0x50e: {  	[tilespmem:s24+$0x1BA80] =	vst v1;
	v62 =	vadd.f32 v58, v2  }
0x50f: {  	[tilespmem:s25+$0x1BA80] =	vst v59;
	v63 =	vadd.f32 v61, v60  }
0x510: {  	[tilespmem:s26+$0x1BA80] =	vst v62  }
0x511: {  	s1 =	simm.s32 $0xCF00;
	[tilespmem:s28+$0x1BA80] =	vst v63  }
0x512: {  	[hbm4b:s12+s2] =	stream.linear.scatter [tilespmem:s1], [sflag:$0x1], $0x1A00, $0x38;
	[tilespmem:$0x1ED00] =	vst v63  }
0x513: {  	s29 =	simm.s32 $0x10300  }
0x514: {  	[hbm4b:s13+s2] =	stream.linear.scatter [tilespmem:s29], [sflag:$0x1], $0x1A00, $0x38;
	[tilespmem:$0x1ED00] =	vst v63  }
0x515: {  	s30 =	simm.s32 $0x13700  }
0x516: {  	[hbm4b:s14+s2] =	stream.linear.scatter [tilespmem:s30], [sflag:$0x1], $0x1A00, $0x38;
	[tilespmem:$0x1ED00] =	vst v63  }
0x517: {  	s31 =	simm.s32 $0x16B00  }
0x518: {  	[hbm4b:s15+s2] =	stream.linear.scatter [tilespmem:s31], [sflag:$0x1], $0x1A00, $0x38;
	[tilespmem:$0x1ED00] =	vst v63  }
0x519: {  	_ = 	snop  }
0x51a: {  	[hbm4b:s16+s2] =	stream.linear.scatter [tilespmem:s0], [sflag:$0x1], $0x1A00, $0x38;
	[tilespmem:$0x1ED00] =	vst v63  }
0x51b: {  	_ = 	snop  }
0x51c: {  	[hbm4b:s17+s2] =	stream.linear.scatter [tilespmem:s20], [sflag:$0x1], $0x1A00, $0x38;
	[tilespmem:$0x1ED00] =	vst v63  }
0x51d: {  	_ =	swait.ge [sflag:s21], $0x1A00  }
0x51e: {  	[sflag:s21] =	ssyncset.done $0x0  }
0x51f: {  	[sflag:s21] =	ssyncadd.s32 $0xFFFFE600  }
0x520: {  	_ =	swait.ge [sflag:s21], $0x1A00  }
0x521: {  	[sflag:s21] =	ssyncset.done $0x0  }
0x522: {  	[sflag:s21] =	ssyncadd.s32 $0xFFFFE600  }
0x523: {  	_ =	swait.ge [sflag:s21], $0x1A00  }
0x524: {  	[sflag:s21] =	ssyncset.done $0x0  }
0x525: {  	[sflag:s21] =	ssyncadd.s32 $0xFFFFE600  }
0x526: {  	_ =	swait.ge [sflag:s21], $0x1A00  }
0x527: {  	[sflag:s21] =	ssyncset.done $0x0  }
0x528: {  	[sflag:s21] =	ssyncadd.s32 $0xFFFFE600  }
0x529: {  	_ =	swait.ge [sflag:s21], $0x1A00  }
0x52a: {  	[sflag:s21] =	ssyncset.done $0x0  }
0x52b: {  	[sflag:s21] =	ssyncadd.s32 $0xFFFFE600  }
0x52c: {  	_ =	swait.ge [sflag:s21], $0x1A00  }
0x52d: {  	[sflag:s21] =	ssyncset.done $0x0  }
0x52e: {  	[sflag:s21] =	ssyncadd.s32 $0xFFFFE600  }
0x52f: {  	_ =	swait.ge [sflag:s21], $0x1A00  }
0x530: {  	[sflag:s21] =	ssyncset.done $0x0  }
0x531: {  	[sflag:s21] =	ssyncadd.s32 $0xFFFFE600  }
0x532: {  	_ =	swait.ge [sflag:s21], $0x1A00  }
0x533: {  	[sflag:s21] =	ssyncset.done $0x0  }
0x534: {  	[sflag:s21] =	ssyncadd.s32 $0xFFFFE600  }
0x535: {  	_ =	swait.ge [sflag:s21], $0x1A00  }
0x536: {  	[sflag:s21] =	ssyncset.done $0x0  }
0x537: {  	[sflag:s21] =	ssyncadd.s32 $0xFFFFE600  }
0x538: {  	_ =	swait.ge [sflag:s21], $0x1A00  }
0x539: {  	[sflag:s21] =	ssyncset.done $0x0  }
0x53a: {  	s22 =	sadd.s32 $0x1, s22;
	[sflag:s21] =	ssyncadd.s32 $0xFFFFE600  }
0x53b: {  	p0 =	sne.s32 s22, s18;
	_ =	swait.ge [sflag:s21], $0x1A00  }
.Ltmp2:
0x53c: {  	[sflag:s21] =	ssyncset.done $0x0;
	(pc) =	sbr.rel @p0 .LBB2_1-.Ltmp2, $4  }
0x53d: {  	[sflag:s21] =	ssyncadd.s32 $0xFFFFE600  }
0x53e: {  	_ =	swait.ge [sflag:s21], $0x1A00  }
0x53f: {  	[sflag:s21] =	ssyncset.done $0x0  }
0x540: {  	[sflag:s21] =	ssyncadd.s32 $0xFFFFE600  }
0x541: {  	_ =	sfence.sel $0x180000  }
0x542: {  	[bflag:$0x0] =	sbarrier.arrive $0xFFFF  }
0x543: {  	_ =	strace $0x90000047  }
0x544: {  	s0 =	stileid.u32;
	[bflag:$0x2] =	sbarrier.arrive $0xFFFF  }
0x545: {  	p0 =	sne.s32 s0, $0x0;
	s0 =	rddreg [dreg:$0x2]  }
0x546: {  	s0 =	sadd.s32 @!p0 $0x100000, s0  }
0x547: {  	[sflag:s0] =	ssyncadd.tile.s32 @!p0 $0x1;
	_ =	shalt  }
.Lfunc_end2:
_tile_overlayer_lowered:
.L_overlay_start_2:
0x548: {  	(tag) =	ssettag $0x2  }
0x549: {  	s0 =	rddreg [dreg:$0x0];
	s2 =	stileid.u32  }
0x54a: {  	s1 =	rddreg [dreg:$0x1];
	p0 =	sne.s32 s2, $0x0  }
0x54b: {  	s3 =	rddreg [dreg:$0x2];
	[bflag:$0x3] =	sbarrier.arrive $0xFFFF;
	s2 =	simm.s32 @!p0 $0x1C02  }
0x54c: {  	[timem:s3], [sflag:s2] =	dma.local @!p0 [hbm:s0], s1  }
0x54d: {  	s0 =	simm.s32 @!p0 $0x2  }
0x54e: {  	_ =	swait.ge @!p0 [sflag:s0], s1  }
0x54f: {  	s1 =	ssub.s32 @!p0 $0x0, s1;
	[sflag:s0] =	ssyncset.done @!p0 $0x0  }
0x550: {  	[sflag:s0] =	ssyncadd.s32 @!p0 s1  }
0x551: {  	[bflag:$0x3] =	sbarrier.arrive $0xFFFF  }
0x552: {  	_ =	shalt  }

</sc_bundles>
